<compile_context>
chip_gen: v7x
topology: tpu7x:2x2x1
jax: 0.10.2.dev20260603
libtpu: 0.0.44.dev20260713+nightly
codegen_flags: <defaults>
</compile_context>

<pallas_src>
import functools

import jax
import jax.numpy as jnp
from jax import lax
from jax.experimental import pallas as pl
from jax.experimental.pallas import tpu as pltpu
from jax.experimental.pallas import tpu_sc as plsc

_DENSITY = 0.05
_TOP_IGNORE = 7
_B, _N = 128, 32768
_NC, _NS, _L = 2, 16, 16
_NW = _NC * _NS
_ROWS_PER_W = _B // _NW
_NCHUNK = _N // _L
_HSIZE = 1 << 15
_KLO = int(_N * _DENSITY) + _TOP_IGNORE
_KHI = _TOP_IGNORE
_MANT = 0x7FFFFFFF


def _keymap(v):
    u = lax.bitcast_convert_type(v, jnp.int32)
    return jnp.where(u >= 0, u, u ^ _MANT)


_UNROLL = 8


def _sc_body(x_hbm, out_hbm, xrow_a, xrow_b, hist, outs, sem_a, sem_b):
    wid = lax.axis_index("s") * _NC + lax.axis_index("c")
    base = wid * _ROWS_PER_W
    ones = jnp.ones((_L,), jnp.int32)
    zeros = jnp.zeros((_L,), jnp.int32)
    lanes = lax.iota(jnp.int32, _L)

    bufs = [(xrow_a, sem_a), (xrow_b, sem_b)]
    cps = [None, None]
    cps[0] = pltpu.async_copy(x_hbm.at[base], xrow_a, sem_a)

    for ri in range(_ROWS_PER_W):
        xrow, _ = bufs[ri % 2]
        cps[ri % 2].wait()
        if ri + 1 < _ROWS_PER_W:
            nbuf, nsem = bufs[(ri + 1) % 2]
            cps[(ri + 1) % 2] = pltpu.async_copy(
                x_hbm.at[base + ri + 1], nbuf, nsem)

        @plsc.parallel_loop(0, _HSIZE // _L, unroll=_UNROLL)
        def _clr(i):
            hist[pl.ds(i * _L, _L)] = zeros

        @plsc.parallel_loop(0, _NCHUNK, unroll=_UNROLL)
        def _pa(i):
            d = (_keymap(xrow[pl.ds(i * _L, _L)]) >> 17) + 16384
            plsc.addupdate_scatter(hist, [d], ones)

        def blk_scan(i, carry):
            r_cum, blk_a, above_a, blk_b, above_b = carry
            blk = 127 - i

            vs = [hist[pl.ds(blk * 256 + j * _L, _L)] for j in range(16)]
            while len(vs) > 1:
                vs = [a + b for a, b in zip(vs[::2], vs[1::2])]
            s = jnp.sum(vs[0])
            r_new = r_cum + s
            hit_a = (r_cum < _KLO) & (r_new >= _KLO)
            hit_b = (r_cum < _KHI) & (r_new >= _KHI)
            blk_a = jnp.where(hit_a, blk, blk_a)
            above_a = jnp.where(hit_a, r_cum, above_a)
            blk_b = jnp.where(hit_b, blk, blk_b)
            above_b = jnp.where(hit_b, r_cum, above_b)
            return r_new, blk_a, above_a, blk_b, above_b

        z = jnp.int32(0)
        _, blk_a, above_a, blk_b, above_b = lax.fori_loop(
            0, 128, blk_scan, (z, z, z, z, z))

        def locate(blk, above, r):
            def gscan(j, carry):
                r_cum, selg, sel_above = carry
                g = 15 - j
                v = hist[pl.ds(blk * 256 + g * _L, _L)]
                r_new = r_cum + jnp.sum(v)
                hit = (r_cum < r) & (r_new >= r)
                selg = jnp.where(hit, g, selg)
                sel_above = jnp.where(hit, r_cum, sel_above)
                return r_new, selg, sel_above

            _, selg, sel_above = lax.fori_loop(0, 16, gscan, (above, z, z))
            v = hist[pl.ds(blk * 256 + selg * _L, _L)]
            suffix = lax.rev(plsc.cumsum(lax.rev(v, (0,))), (0,))
            m = (sel_above + suffix) >= r
            lstar = plsc.all_reduce_population_count(m) - 1
            sel_suf = jnp.sum(jnp.where(lanes == lstar, suffix, 0))
            sel_h = jnp.sum(jnp.where(lanes == lstar, v, 0))
            rprime = r - (sel_above + sel_suf - sel_h)
            p = blk * 256 + selg * _L + lstar
            return p, jnp.broadcast_to(rprime, (_L,))

        p_a, rp_a = locate(blk_a, above_a, _KLO)
        p_b, rp_b = locate(blk_b, above_b, _KHI)

        cnt_b = plsc.load_gather(hist, [p_b])
        cnt_above = jnp.where(p_a == p_b, 0, cnt_b)
        cnt = plsc.load_gather(hist, [p_a]) + cnt_above

        @plsc.parallel_loop(0, _NCHUNK, unroll=_UNROLL, carry=zeros)
        def _pc(i, off):
            ks = _keymap(xrow[pl.ds(i * _L, _L)])
            d = (ks >> 17) + 16384
            m = (d == p_a) | (d == p_b)
            pos = jnp.where(
                m, plsc.cumsum(m.astype(jnp.int32)) - 1 + off, 0)
            plsc.store_scatter(hist, [pos], ks, mask=m)
            return off + plsc.all_reduce_population_count(m)

        del _pc

        def bisect(cnt_total, rp_splat, p_splat):
            nc = (lax.reduce_max(cnt_total, (0,)) + _L - 1) // _L
            kbase = (p_splat - 16384) * (1 << 17)

            def bitloop(bi, acc):
                bit = lax.shift_left(ones, jnp.broadcast_to(16 - bi, (_L,)))
                tv = kbase + (acc | bit)

                def cl(j, cv):
                    w = hist[pl.ds(j * _L, _L)]
                    mm = (w >= tv) & ((j * _L + lanes) < cnt_total)
                    return cv + plsc.all_reduce_population_count(mm)

                cv = lax.fori_loop(0, nc, cl, zeros)
                return jnp.where(cv >= rp_splat, acc | bit, acc)

            acc = lax.fori_loop(0, 17, bitloop, zeros)
            ksstar = kbase + acc
            bits = jnp.where(ksstar >= 0, ksstar, ksstar ^ _MANT)
            return lax.bitcast_convert_type(bits, jnp.float32)

        t_lo = bisect(cnt, rp_a + cnt_above, p_a)
        t_hi = bisect(cnt, rp_b, p_b)
        outs[pl.ds(ri * _L, _L)] = jnp.where(
            lanes == 0, t_lo, jnp.where(lanes == 1, t_hi, 0.0))

    pltpu.sync_copy(outs, out_hbm.at[wid])


def _sc_select(x):
    mesh = plsc.VectorSubcoreMesh(core_axis_name="c", subcore_axis_name="s")
    f = functools.partial(
        pl.kernel,
        mesh=mesh,
        out_type=jax.ShapeDtypeStruct((_NW, _ROWS_PER_W * _L), jnp.float32),
        scratch_types=[
            pltpu.VMEM((_N,), jnp.float32),
            pltpu.VMEM((_N,), jnp.float32),
            pltpu.VMEM((_HSIZE,), jnp.int32),
            pltpu.VMEM((_ROWS_PER_W * _L,), jnp.float32),
            pltpu.SemaphoreType.DMA,
            pltpu.SemaphoreType.DMA,
        ],
        compiler_params=pltpu.CompilerParams(needs_layout_passes=False),
    )(_sc_body)
    return f(x).reshape(_B, _L)


def _combine_body(x_ref, thr_ref, o_ref):
    x = x_ref[...]
    t_lo = thr_ref[:, 0:1]
    t_hi = thr_ref[:, 1:2]
    below = x <= t_hi
    inband = below & (x >= t_lo)
    cmean = jnp.mean(x, axis=0, keepdims=True)
    o_ref[...] = jnp.where(inband, x, 0.0) - cmean * below.astype(jnp.float32)


def kernel(x):
    n_rows, n = x.shape
    thr = _sc_select(x)
    nt = 8
    ct = n // nt
    return pl.pallas_call(
        _combine_body,
        grid=(nt,),
        in_specs=[
            pl.BlockSpec((n_rows, ct), lambda t: (0, t)),
            pl.BlockSpec((n_rows, _L), lambda t: (0, 0)),
        ],
        out_specs=pl.BlockSpec((n_rows, ct), lambda t: (0, t)),
        out_shape=jax.ShapeDtypeStruct((n_rows, n), jnp.float32),
    )(x, thr)

# --- scband reference (transcript-rebuilt; emitter-appended) ---
"""Pipeline reference for scband-kwinner-layer-57088705298665 (READ-ONLY COPY).

The authoritative reference and input builder live on the scoring server;
editing this copy changes nothing except your own understanding.
"""

import jax, jax.numpy as jnp
import numpy as np

DENSITY = 0.05
TOP_IGNORE = 7


def setup_inputs(seed: int = 0) -> dict:
    key = jax.random.key(seed)
    x = jax.random.normal(key, (128, 32768), dtype=jnp.float32)
    return {"x": x}


def reference(x):
    # KWinnerLayer with boost_factor=0 -> kwinner(x, density, training, None)
    batch_size = x.shape[0]
    k = int(x.shape[1] * DENSITY) + TOP_IGNORE
    xp = x  # factor is None
    v, _ = jax.lax.top_k(xp, k)  # sorted descending, like torch.topk(sorted=True)
    mask = xp >= v[:, k - 1].reshape(batch_size, 1)
    mask2 = xp <= v[:, TOP_IGNORE - 1].reshape(batch_size, 1)
    maskf = (mask & mask2).astype(jnp.float32)
    mask2f = mask2.astype(jnp.float32)
    res = x * maskf + (-x.mean(axis=0)) * mask2f
    # layer returns only res (mask is discarded by KWinnerLayer.forward)
    return res

if __name__ == "__main__":
    import jax
    _d = setup_inputs()
    print(jax.jit(kernel)(*tuple(_d.values())))

</pallas_src>

<mosaic_0001>
#map = affine_map<(d0, d1) -> (0, 0)>
module attributes {stable_mosaic.version = 14 : i64} {
  func.func @_sc_body(%arg0: i32, %arg1: i32, %arg2: memref<128x32768xf32, #tpu.memory_space<hbm>>, %arg3: memref<32x64xf32, #tpu.memory_space<hbm>>, %arg4: memref<32768xf32, #tpu.memory_space<vmem>>, %arg5: memref<32768xf32, #tpu.memory_space<vmem>>, %arg6: memref<32768xi32, #tpu.memory_space<vmem>>, %arg7: memref<64xf32, #tpu.memory_space<vmem>>, %arg8: memref<!tpu.dma_semaphore, #tpu.memory_space<semaphore_mem>>, %arg9: memref<!tpu.dma_semaphore, #tpu.memory_space<semaphore_mem>>) attributes {dimension_semantics = [#tpu.dimension_semantics<core_parallel>, #tpu.dimension_semantics<subcore_parallel>], iteration_bounds = array<i64: 2, 16>, scalar_prefetch = 0 : i64, scratch_operands = 6 : i64, tpu.core_type = #tpu.core_type<sc_vector_subcore>, window_params = [{transform_indices = #map}, {transform_indices = #map}]} {
    %mul3A = arith.constant 2 : i32
    %mul3A_0 = arith.muli %arg1, %mul3A : i32
    %add3A = arith.addi %mul3A_0, %arg0 : i32
    %mul3A_1 = arith.constant 4 : i32
    %mul3A_2 = arith.muli %add3A, %mul3A_1 : i32
    %broadcast_in_dim3A = arith.constant 1 : i32
    %broadcast_in_dim3A_3 = vector.broadcast %broadcast_in_dim3A : i32 to vector<16xi32>
    %broadcast_in_dim3A_4 = arith.constant 0 : i32
    %broadcast_in_dim3A_5 = vector.broadcast %broadcast_in_dim3A_4 : i32 to vector<16xi32>
    %iota3A = tpu.iota {dimensions = array<i32: 0>} : vector<16xi32>
    %dma_start3A = arith.constant 0 : i32
    %dma_start3A_6 = tpu.memref_slice %arg2[%mul3A_2, %dma_start3A] : memref<128x32768xf32, #tpu.memory_space<hbm>> -> memref<1x32768xf32, #tpu.memory_space<hbm>>
    %dma_start3A_7 = tpu.memref_squeeze %dma_start3A_6 : memref<1x32768xf32, #tpu.memory_space<hbm>> -> memref<32768xf32, #tpu.memory_space<hbm>>
    %dma_start3A_8 = arith.constant 0 : i32
    %dma_start3A_9 = tpu.memref_slice %arg2[%mul3A_2, %dma_start3A_8] : memref<128x32768xf32, #tpu.memory_space<hbm>> -> memref<1x32768xf32, #tpu.memory_space<hbm>>
    %dma_start3A_10 = tpu.memref_squeeze %dma_start3A_9 : memref<1x32768xf32, #tpu.memory_space<hbm>> -> memref<32768xf32, #tpu.memory_space<hbm>>
    tpu.enqueue_dma source(%dma_start3A_10 : memref<32768xf32, #tpu.memory_space<hbm>>) target(%arg4 : memref<32768xf32, #tpu.memory_space<vmem>>) target_semaphore(%arg8 : memref<!tpu.dma_semaphore, #tpu.memory_space<semaphore_mem>>)
    %dma_wait3A = arith.constant 0 : i32
    %dma_wait3A_11 = tpu.memref_slice %arg2[%mul3A_2, %dma_wait3A] : memref<128x32768xf32, #tpu.memory_space<hbm>> -> memref<1x32768xf32, #tpu.memory_space<hbm>>
    %dma_wait3A_12 = tpu.memref_squeeze %dma_wait3A_11 : memref<1x32768xf32, #tpu.memory_space<hbm>> -> memref<32768xf32, #tpu.memory_space<hbm>>
    %dma_wait3A_13 = arith.constant 0 : i32
    %dma_wait3A_14 = tpu.memref_slice %arg2[%mul3A_2, %dma_wait3A_13] : memref<128x32768xf32, #tpu.memory_space<hbm>> -> memref<1x32768xf32, #tpu.memory_space<hbm>>
    %dma_wait3A_15 = tpu.memref_squeeze %dma_wait3A_14 : memref<1x32768xf32, #tpu.memory_space<hbm>> -> memref<32768xf32, #tpu.memory_space<hbm>>
    tpu.wait_dma2 semaphore(%arg8 : memref<!tpu.dma_semaphore, #tpu.memory_space<semaphore_mem>>) src(%dma_wait3A_15 : memref<32768xf32, #tpu.memory_space<hbm>>) dst(%arg4 : memref<32768xf32, #tpu.memory_space<vmem>>)
    %add3A_16 = arith.constant 0 : i32
    %add3A_17 = arith.addi %mul3A_2, %add3A_16 : i32
    %add3A_18 = arith.constant 1 : i32
    %add3A_19 = arith.addi %add3A_17, %add3A_18 : i32
    %dma_start3A_20 = arith.constant 0 : i32
    %dma_start3A_21 = tpu.memref_slice %arg2[%add3A_19, %dma_start3A_20] : memref<128x32768xf32, #tpu.memory_space<hbm>> -> memref<1x32768xf32, #tpu.memory_space<hbm>>
    %dma_start3A_22 = tpu.memref_squeeze %dma_start3A_21 : memref<1x32768xf32, #tpu.memory_space<hbm>> -> memref<32768xf32, #tpu.memory_space<hbm>>
    %dma_start3A_23 = arith.constant 0 : i32
    %dma_start3A_24 = tpu.memref_slice %arg2[%add3A_19, %dma_start3A_23] : memref<128x32768xf32, #tpu.memory_space<hbm>> -> memref<1x32768xf32, #tpu.memory_space<hbm>>
    %dma_start3A_25 = tpu.memref_squeeze %dma_start3A_24 : memref<1x32768xf32, #tpu.memory_space<hbm>> -> memref<32768xf32, #tpu.memory_space<hbm>>
    tpu.enqueue_dma source(%dma_start3A_25 : memref<32768xf32, #tpu.memory_space<hbm>>) target(%arg5 : memref<32768xf32, #tpu.memory_space<vmem>>) target_semaphore(%arg9 : memref<!tpu.dma_semaphore, #tpu.memory_space<semaphore_mem>>)
    %parallel_loop3A = arith.constant 0 : i32
    %parallel_loop3A_26 = arith.constant 2048 : i32
    %parallel_loop3A_27 = arith.constant 1 : i32
    scf.for %parallel_loop3A_1182 = %parallel_loop3A to %parallel_loop3A_26 step %parallel_loop3A_27  : i32 {
      %parallel_loop3A_1183 = arith.constant 16 : i32
      %parallel_loop3A_1184 = arith.muli %parallel_loop3A_1182, %parallel_loop3A_1183 : i32
      %parallel_loop3A_1185 = arith.index_cast %parallel_loop3A_1184 : i32 to index
      %parallel_loop3A_1186 = tpu.vector_load %arg6[%parallel_loop3A_1185] {strides = array<i32>} : memref<32768xi32, #tpu.memory_space<vmem>>, vector<16xi32>,
      tpu.vector_store %arg6[%parallel_loop3A_1185], %broadcast_in_dim3A_5 {strides = array<i32>} : memref<32768xi32, #tpu.memory_space<vmem>>, vector<16xi32>,
    } {sc.loop_unroll_factor = 8 : i64, sc.parallel_access}
    %parallel_loop3A_28 = arith.constant 0 : i32
    %parallel_loop3A_29 = arith.constant 2048 : i32
    %parallel_loop3A_30 = arith.constant 1 : i32
    scf.for %parallel_loop3A_1182 = %parallel_loop3A_28 to %parallel_loop3A_29 step %parallel_loop3A_30  : i32 {
      %parallel_loop3A_1183 = arith.constant 16 : i32
      %parallel_loop3A_1184 = arith.muli %parallel_loop3A_1182, %parallel_loop3A_1183 : i32
      %parallel_loop3A_1185 = arith.index_cast %parallel_loop3A_1184 : i32 to index
      %parallel_loop3A_1186 = tpu.vector_load %arg4[%parallel_loop3A_1185] {strides = array<i32>} : memref<32768xf32, #tpu.memory_space<vmem>>, vector<16xf32>,
      %parallel_loop3A_1187 = tpu.bitcast %parallel_loop3A_1186 : vector<16xf32> -> vector<16xi32>
      %parallel_loop3A_1188 = arith.constant 0 : i32
      %parallel_loop3A_1189 = vector.broadcast %parallel_loop3A_1188 : i32 to vector<16xi32>
      %parallel_loop3A_1190 = arith.cmpi sge, %parallel_loop3A_1187, %parallel_loop3A_1189 : vector<16xi32>
      %parallel_loop3A_1191 = arith.constant 2147483647 : i32
      %parallel_loop3A_1192 = vector.broadcast %parallel_loop3A_1191 : i32 to vector<16xi32>
      %parallel_loop3A_1193 = arith.xori %parallel_loop3A_1187, %parallel_loop3A_1192 : vector<16xi32>
      %parallel_loop3A_1194 = arith.select %parallel_loop3A_1190, %parallel_loop3A_1187, %parallel_loop3A_1193 : vector<16xi1>, vector<16xi32>
      %parallel_loop3A_1195 = arith.constant 17 : i32
      %parallel_loop3A_1196 = vector.broadcast %parallel_loop3A_1195 : i32 to vector<16xi32>
      %parallel_loop3A_1197 = arith.shrsi %parallel_loop3A_1194, %parallel_loop3A_1196 : vector<16xi32>
      %parallel_loop3A_1198 = arith.constant 16384 : i32
      %parallel_loop3A_1199 = vector.broadcast %parallel_loop3A_1198 : i32 to vector<16xi32>
      %parallel_loop3A_1200 = arith.addi %parallel_loop3A_1197, %parallel_loop3A_1199 : vector<16xi32>
      tpu.vector_store_idx %arg6[%parallel_loop3A_1200], %broadcast_in_dim3A_3 {add = true} : memref<32768xi32, #tpu.memory_space<vmem>>[vector<16xi32>], vector<16xi32>,
    } {sc.loop_unroll_factor = 8 : i64, sc.parallel_access}
    %scan3A = arith.constant 0 : i32
    %scan3A_31 = arith.constant 0 : i32
    %scan3A_32 = arith.constant 0 : i32
    %scan3A_33 = arith.constant 0 : i32
    %scan3A_34 = arith.constant 0 : i32
    %scan3A_35 = arith.constant 0 : i32
    %scan3A_36 = arith.constant 128 : i32
    %scan3A_37 = arith.addi %scan3A_35, %scan3A_36 : i32
    %scan3A_38 = arith.constant 1 : i32
    %scan3A_39:5 = scf.for %scan3A_1182 = %scan3A_35 to %scan3A_37 step %scan3A_38 iter_args(%scan3A_1183 = %scan3A, %scan3A_1184 = %scan3A_31, %scan3A_1185 = %scan3A_32, %scan3A_1186 = %scan3A_33, %scan3A_1187 = %scan3A_34) -> (i32, i32, i32, i32, i32)  : i32 {
      %sub3A_1188 = arith.constant 127 : i32
      %sub3A_1189 = arith.subi %sub3A_1188, %scan3A_1182 : i32
      %mul3A_1190 = arith.constant 256 : i32
      %mul3A_1191 = arith.muli %sub3A_1189, %mul3A_1190 : i32
      %add3A_1192 = arith.constant 0 : i32
      %add3A_1193 = arith.addi %mul3A_1191, %add3A_1192 : i32
      %get3A_1194 = arith.index_cast %add3A_1193 : i32 to index
      %get3A_1195 = tpu.vector_load %arg6[%get3A_1194] {strides = array<i32>} : memref<32768xi32, #tpu.memory_space<vmem>>, vector<16xi32>,
      %mul3A_1196 = arith.constant 256 : i32
      %mul3A_1197 = arith.muli %sub3A_1189, %mul3A_1196 : i32
      %add3A_1198 = arith.constant 16 : i32
      %add3A_1199 = arith.addi %mul3A_1197, %add3A_1198 : i32
      %get3A_1200 = arith.index_cast %add3A_1199 : i32 to index
      %get3A_1201 = tpu.vector_load %arg6[%get3A_1200] {strides = array<i32>} : memref<32768xi32, #tpu.memory_space<vmem>>, vector<16xi32>,
      %mul3A_1202 = arith.constant 256 : i32
      %mul3A_1203 = arith.muli %sub3A_1189, %mul3A_1202 : i32
      %add3A_1204 = arith.constant 32 : i32
      %add3A_1205 = arith.addi %mul3A_1203, %add3A_1204 : i32
      %get3A_1206 = arith.index_cast %add3A_1205 : i32 to index
      %get3A_1207 = tpu.vector_load %arg6[%get3A_1206] {strides = array<i32>} : memref<32768xi32, #tpu.memory_space<vmem>>, vector<16xi32>,
      %mul3A_1208 = arith.constant 256 : i32
      %mul3A_1209 = arith.muli %sub3A_1189, %mul3A_1208 : i32
      %add3A_1210 = arith.constant 48 : i32
      %add3A_1211 = arith.addi %mul3A_1209, %add3A_1210 : i32
      %get3A_1212 = arith.index_cast %add3A_1211 : i32 to index
      %get3A_1213 = tpu.vector_load %arg6[%get3A_1212] {strides = array<i32>} : memref<32768xi32, #tpu.memory_space<vmem>>, vector<16xi32>,
      %mul3A_1214 = arith.constant 256 : i32
      %mul3A_1215 = arith.muli %sub3A_1189, %mul3A_1214 : i32
      %add3A_1216 = arith.constant 64 : i32
      %add3A_1217 = arith.addi %mul3A_1215, %add3A_1216 : i32
      %get3A_1218 = arith.index_cast %add3A_1217 : i32 to index
      %get3A_1219 = tpu.vector_load %arg6[%get3A_1218] {strides = array<i32>} : memref<32768xi32, #tpu.memory_space<vmem>>, vector<16xi32>,
      %mul3A_1220 = arith.constant 256 : i32
      %mul3A_1221 = arith.muli %sub3A_1189, %mul3A_1220 : i32
      %add3A_1222 = arith.constant 80 : i32
      %add3A_1223 = arith.addi %mul3A_1221, %add3A_1222 : i32
      %get3A_1224 = arith.index_cast %add3A_1223 : i32 to index
      %get3A_1225 = tpu.vector_load %arg6[%get3A_1224] {strides = array<i32>} : memref<32768xi32, #tpu.memory_space<vmem>>, vector<16xi32>,
      %mul3A_1226 = arith.constant 256 : i32
      %mul3A_1227 = arith.muli %sub3A_1189, %mul3A_1226 : i32
      %add3A_1228 = arith.constant 96 : i32
      %add3A_1229 = arith.addi %mul3A_1227, %add3A_1228 : i32
      %get3A_1230 = arith.index_cast %add3A_1229 : i32 to index
      %get3A_1231 = tpu.vector_load %arg6[%get3A_1230] {strides = array<i32>} : memref<32768xi32, #tpu.memory_space<vmem>>, vector<16xi32>,
      %mul3A_1232 = arith.constant 256 : i32
      %mul3A_1233 = arith.muli %sub3A_1189, %mul3A_1232 : i32
      %add3A_1234 = arith.constant 112 : i32
      %add3A_1235 = arith.addi %mul3A_1233, %add3A_1234 : i32
      %get3A_1236 = arith.index_cast %add3A_1235 : i32 to index
      %get3A_1237 = tpu.vector_load %arg6[%get3A_1236] {strides = array<i32>} : memref<32768xi32, #tpu.memory_space<vmem>>, vector<16xi32>,
      %mul3A_1238 = arith.constant 256 : i32
      %mul3A_1239 = arith.muli %sub3A_1189, %mul3A_1238 : i32
      %add3A_1240 = arith.constant 128 : i32
      %add3A_1241 = arith.addi %mul3A_1239, %add3A_1240 : i32
      %get3A_1242 = arith.index_cast %add3A_1241 : i32 to index
      %get3A_1243 = tpu.vector_load %arg6[%get3A_1242] {strides = array<i32>} : memref<32768xi32, #tpu.memory_space<vmem>>, vector<16xi32>,
      %mul3A_1244 = arith.constant 256 : i32
      %mul3A_1245 = arith.muli %sub3A_1189, %mul3A_1244 : i32
      %add3A_1246 = arith.constant 144 : i32
      %add3A_1247 = arith.addi %mul3A_1245, %add3A_1246 : i32
      %get3A_1248 = arith.index_cast %add3A_1247 : i32 to index
      %get3A_1249 = tpu.vector_load %arg6[%get3A_1248] {strides = array<i32>} : memref<32768xi32, #tpu.memory_space<vmem>>, vector<16xi32>,
      %mul3A_1250 = arith.constant 256 : i32
      %mul3A_1251 = arith.muli %sub3A_1189, %mul3A_1250 : i32
      %add3A_1252 = arith.constant 160 : i32
      %add3A_1253 = arith.addi %mul3A_1251, %add3A_1252 : i32
      %get3A_1254 = arith.index_cast %add3A_1253 : i32 to index
      %get3A_1255 = tpu.vector_load %arg6[%get3A_1254] {strides = array<i32>} : memref<32768xi32, #tpu.memory_space<vmem>>, vector<16xi32>,
      %mul3A_1256 = arith.constant 256 : i32
      %mul3A_1257 = arith.muli %sub3A_1189, %mul3A_1256 : i32
      %add3A_1258 = arith.constant 176 : i32
      %add3A_1259 = arith.addi %mul3A_1257, %add3A_1258 : i32
      %get3A_1260 = arith.index_cast %add3A_1259 : i32 to index
      %get3A_1261 = tpu.vector_load %arg6[%get3A_1260] {strides = array<i32>} : memref<32768xi32, #tpu.memory_space<vmem>>, vector<16xi32>,
      %mul3A_1262 = arith.constant 256 : i32
      %mul3A_1263 = arith.muli %sub3A_1189, %mul3A_1262 : i32
      %add3A_1264 = arith.constant 192 : i32
      %add3A_1265 = arith.addi %mul3A_1263, %add3A_1264 : i32
      %get3A_1266 = arith.index_cast %add3A_1265 : i32 to index
      %get3A_1267 = tpu.vector_load %arg6[%get3A_1266] {strides = array<i32>} : memref<32768xi32, #tpu.memory_space<vmem>>, vector<16xi32>,
      %mul3A_1268 = arith.constant 256 : i32
      %mul3A_1269 = arith.muli %sub3A_1189, %mul3A_1268 : i32
      %add3A_1270 = arith.constant 208 : i32
      %add3A_1271 = arith.addi %mul3A_1269, %add3A_1270 : i32
      %get3A_1272 = arith.index_cast %add3A_1271 : i32 to index
      %get3A_1273 = tpu.vector_load %arg6[%get3A_1272] {strides = array<i32>} : memref<32768xi32, #tpu.memory_space<vmem>>, vector<16xi32>,
      %mul3A_1274 = arith.constant 256 : i32
      %mul3A_1275 = arith.muli %sub3A_1189, %mul3A_1274 : i32
      %add3A_1276 = arith.constant 224 : i32
      %add3A_1277 = arith.addi %mul3A_1275, %add3A_1276 : i32
      %get3A_1278 = arith.index_cast %add3A_1277 : i32 to index
      %get3A_1279 = tpu.vector_load %arg6[%get3A_1278] {strides = array<i32>} : memref<32768xi32, #tpu.memory_space<vmem>>, vector<16xi32>,
      %mul3A_1280 = arith.constant 256 : i32
      %mul3A_1281 = arith.muli %sub3A_1189, %mul3A_1280 : i32
      %add3A_1282 = arith.constant 240 : i32
      %add3A_1283 = arith.addi %mul3A_1281, %add3A_1282 : i32
      %get3A_1284 = arith.index_cast %add3A_1283 : i32 to index
      %get3A_1285 = tpu.vector_load %arg6[%get3A_1284] {strides = array<i32>} : memref<32768xi32, #tpu.memory_space<vmem>>, vector<16xi32>,
      %add3A_1286 = arith.addi %get3A_1195, %get3A_1201 : vector<16xi32>
      %add3A_1287 = arith.addi %get3A_1207, %get3A_1213 : vector<16xi32>
      %add3A_1288 = arith.addi %get3A_1219, %get3A_1225 : vector<16xi32>
      %add3A_1289 = arith.addi %get3A_1231, %get3A_1237 : vector<16xi32>
      %add3A_1290 = arith.addi %get3A_1243, %get3A_1249 : vector<16xi32>
      %add3A_1291 = arith.addi %get3A_1255, %get3A_1261 : vector<16xi32>
      %add3A_1292 = arith.addi %get3A_1267, %get3A_1273 : vector<16xi32>
      %add3A_1293 = arith.addi %get3A_1279, %get3A_1285 : vector<16xi32>
      %add3A_1294 = arith.addi %add3A_1286, %add3A_1287 : vector<16xi32>
      %add3A_1295 = arith.addi %add3A_1288, %add3A_1289 : vector<16xi32>
      %add3A_1296 = arith.addi %add3A_1290, %add3A_1291 : vector<16xi32>
      %add3A_1297 = arith.addi %add3A_1292, %add3A_1293 : vector<16xi32>
      %add3A_1298 = arith.addi %add3A_1294, %add3A_1295 : vector<16xi32>
      %add3A_1299 = arith.addi %add3A_1296, %add3A_1297 : vector<16xi32>
      %add3A_1300 = arith.addi %add3A_1298, %add3A_1299 : vector<16xi32>
      %reduce_sum3A_1301 = arith.constant true
      %reduce_sum3A_1302 = vector.broadcast %reduce_sum3A_1301 : i1 to vector<16xi1>
      %reduce_sum3A_1303 = tpu.scan <sum>, %add3A_1300 masked %reduce_sum3A_1302 : vector<16xi32>, vector<16xi1> -> vector<16xi32>
      %reduce_sum3A_1304 = vector.extract %reduce_sum3A_1303[15] : i32 from vector<16xi32>
      %add3A_1305 = arith.addi %scan3A_1183, %reduce_sum3A_1304 : i32
      %lt3A = arith.constant 1645 : i32
      %lt3A_1306 = arith.cmpi slt, %scan3A_1183, %lt3A : i32
      %ge3A_1307 = arith.constant 1645 : i32
      %ge3A_1308 = arith.cmpi sge, %add3A_1305, %ge3A_1307 : i32
      %and3A_1309 = arith.andi %lt3A_1306, %ge3A_1308 : i1
      %lt3A_1310 = arith.constant 7 : i32
      %lt3A_1311 = arith.cmpi slt, %scan3A_1183, %lt3A_1310 : i32
      %ge3A_1312 = arith.constant 7 : i32
      %ge3A_1313 = arith.cmpi sge, %add3A_1305, %ge3A_1312 : i32
      %and3A_1314 = arith.andi %lt3A_1311, %ge3A_1313 : i1
      %select_n3A_1315 = arith.select %and3A_1309, %sub3A_1189, %scan3A_1184 : i32
      %select_n3A_1316 = arith.select %and3A_1309, %scan3A_1183, %scan3A_1185 : i32
      %select_n3A_1317 = arith.select %and3A_1314, %sub3A_1189, %scan3A_1186 : i32
      %select_n3A_1318 = arith.select %and3A_1314, %scan3A_1183, %scan3A_1187 : i32
      scf.yield %add3A_1305, %select_n3A_1315, %select_n3A_1316, %select_n3A_1317, %select_n3A_1318 : i32, i32, i32, i32, i32
    }
    %scan3A_40 = arith.constant 128 : i32
    %scan3A_41 = arith.constant 0 : i32
    %scan3A_42 = arith.constant 0 : i32
    %scan3A_43 = arith.constant 0 : i32
    %scan3A_44 = arith.constant 16 : i32
    %scan3A_45 = arith.addi %scan3A_43, %scan3A_44 : i32
    %scan3A_46 = arith.constant 1 : i32
    %scan3A_47:3 = scf.for %scan3A_1182 = %scan3A_43 to %scan3A_45 step %scan3A_46 iter_args(%scan3A_1183 = %scan3A_39#2, %scan3A_1184 = %scan3A_41, %scan3A_1185 = %scan3A_42) -> (i32, i32, i32)  : i32 {
      %sub3A_1186 = arith.constant 15 : i32
      %sub3A_1187 = arith.subi %sub3A_1186, %scan3A_1182 : i32
      %mul3A_1188 = arith.constant 256 : i32
      %mul3A_1189 = arith.muli %scan3A_39#1, %mul3A_1188 : i32
      %mul3A_1190 = arith.constant 16 : i32
      %mul3A_1191 = arith.muli %sub3A_1187, %mul3A_1190 : i32
      %add3A_1192 = arith.addi %mul3A_1189, %mul3A_1191 : i32
      %get3A_1193 = arith.index_cast %add3A_1192 : i32 to index
      %get3A_1194 = tpu.vector_load %arg6[%get3A_1193] {strides = array<i32>} : memref<32768xi32, #tpu.memory_space<vmem>>, vector<16xi32>,
      %reduce_sum3A_1195 = arith.constant true
      %reduce_sum3A_1196 = vector.broadcast %reduce_sum3A_1195 : i1 to vector<16xi1>
      %reduce_sum3A_1197 = tpu.scan <sum>, %get3A_1194 masked %reduce_sum3A_1196 : vector<16xi32>, vector<16xi1> -> vector<16xi32>
      %reduce_sum3A_1198 = vector.extract %reduce_sum3A_1197[15] : i32 from vector<16xi32>
      %add3A_1199 = arith.addi %scan3A_1183, %reduce_sum3A_1198 : i32
      %lt3A = arith.constant 1645 : i32
      %lt3A_1200 = arith.cmpi slt, %scan3A_1183, %lt3A : i32
      %ge3A_1201 = arith.constant 1645 : i32
      %ge3A_1202 = arith.cmpi sge, %add3A_1199, %ge3A_1201 : i32
      %and3A_1203 = arith.andi %lt3A_1200, %ge3A_1202 : i1
      %select_n3A_1204 = arith.select %and3A_1203, %sub3A_1187, %scan3A_1184 : i32
      %select_n3A_1205 = arith.select %and3A_1203, %scan3A_1183, %scan3A_1185 : i32
      scf.yield %add3A_1199, %select_n3A_1204, %select_n3A_1205 : i32, i32, i32
    }
    %scan3A_48 = arith.constant 16 : i32
    %mul3A_49 = arith.constant 256 : i32
    %mul3A_50 = arith.muli %scan3A_39#1, %mul3A_49 : i32
    %mul3A_51 = arith.constant 16 : i32
    %mul3A_52 = arith.muli %scan3A_47#1, %mul3A_51 : i32
    %add3A_53 = arith.addi %mul3A_50, %mul3A_52 : i32
    %get3A = arith.index_cast %add3A_53 : i32 to index
    %get3A_54 = tpu.vector_load %arg6[%get3A] {strides = array<i32>} : memref<32768xi32, #tpu.memory_space<vmem>>, vector<16xi32>,
    %rev3A = arith.constant 15 : i32
    %rev3A_55 = vector.broadcast %rev3A : i32 to vector<16xi32>
    %rev3A_56 = tpu.iota {dimensions = array<i32: 0>} : vector<16xi32>
    %rev3A_57 = arith.subi %rev3A_55, %rev3A_56 : vector<16xi32>
    %rev3A_58 = tpu.dynamic_gather %get3A_54[%rev3A_57] in [0] : vector<16xi32>, vector<16xi32> -> vector<16xi32>
    %broadcast_in_dim3A_59 = arith.constant true
    %broadcast_in_dim3A_60 = vector.broadcast %broadcast_in_dim3A_59 : i1 to vector<16xi1>
    %masked_cumsum3A = tpu.scan <sum>, %rev3A_58 masked %broadcast_in_dim3A_60 : vector<16xi32>, vector<16xi1> -> vector<16xi32>
    %rev3A_61 = arith.constant 15 : i32
    %rev3A_62 = vector.broadcast %rev3A_61 : i32 to vector<16xi32>
    %rev3A_63 = tpu.iota {dimensions = array<i32: 0>} : vector<16xi32>
    %rev3A_64 = arith.subi %rev3A_62, %rev3A_63 : vector<16xi32>
    %rev3A_65 = tpu.dynamic_gather %masked_cumsum3A[%rev3A_64] in [0] : vector<16xi32>, vector<16xi32> -> vector<16xi32>
    %add3A_66 = vector.broadcast %scan3A_47#2 : i32 to vector<16xi32>
    %add3A_67 = arith.addi %add3A_66, %rev3A_65 : vector<16xi32>
    %ge3A = arith.constant 1645 : i32
    %ge3A_68 = vector.broadcast %ge3A : i32 to vector<16xi32>
    %ge3A_69 = arith.cmpi sge, %add3A_67, %ge3A_68 : vector<16xi32>
    %all_reduce_population_count3A = tpu.all_reduce %ge3A_69 {dim = 0 : i64, kind = #tpu.reduction_kind<sum>} : vector<16xi1> -> vector<16xi32>
    %sub3A = arith.constant 1 : i32
    %sub3A_70 = vector.broadcast %sub3A : i32 to vector<16xi32>
    %sub3A_71 = arith.subi %all_reduce_population_count3A, %sub3A_70 : vector<16xi32>
    %eq3A = arith.cmpi eq, %iota3A, %sub3A_71 : vector<16xi32>
    %jit3A = arith.constant 0 : i32
    %broadcast_in_dim3A_72 = vector.broadcast %jit3A : i32 to vector<16xi32>
    %select_n3A = arith.select %eq3A, %rev3A_65, %broadcast_in_dim3A_72 : vector<16xi1>, vector<16xi32>
    %reduce_sum3A = arith.constant true
    %reduce_sum3A_73 = vector.broadcast %reduce_sum3A : i1 to vector<16xi1>
    %reduce_sum3A_74 = tpu.scan <sum>, %select_n3A masked %reduce_sum3A_73 : vector<16xi32>, vector<16xi1> -> vector<16xi32>
    %reduce_sum3A_75 = vector.extract %reduce_sum3A_74[15] : i32 from vector<16xi32>
    %eq3A_76 = arith.cmpi eq, %iota3A, %sub3A_71 : vector<16xi32>
    %jit3A_77 = arith.constant 0 : i32
    %broadcast_in_dim3A_78 = vector.broadcast %jit3A_77 : i32 to vector<16xi32>
    %select_n3A_79 = arith.select %eq3A_76, %get3A_54, %broadcast_in_dim3A_78 : vector<16xi1>, vector<16xi32>
    %reduce_sum3A_80 = arith.constant true
    %reduce_sum3A_81 = vector.broadcast %reduce_sum3A_80 : i1 to vector<16xi1>
    %reduce_sum3A_82 = tpu.scan <sum>, %select_n3A_79 masked %reduce_sum3A_81 : vector<16xi32>, vector<16xi1> -> vector<16xi32>
    %reduce_sum3A_83 = vector.extract %reduce_sum3A_82[15] : i32 from vector<16xi32>
    %add3A_84 = arith.addi %scan3A_47#2, %reduce_sum3A_75 : i32
    %sub3A_85 = arith.subi %add3A_84, %reduce_sum3A_83 : i32
    %sub3A_86 = arith.constant 1645 : i32
    %sub3A_87 = arith.subi %sub3A_86, %sub3A_85 : i32
    %mul3A_88 = arith.constant 256 : i32
    %mul3A_89 = arith.muli %scan3A_39#1, %mul3A_88 : i32
    %mul3A_90 = arith.constant 16 : i32
    %mul3A_91 = arith.muli %scan3A_47#1, %mul3A_90 : i32
    %add3A_92 = arith.addi %mul3A_89, %mul3A_91 : i32
    %add3A_93 = vector.broadcast %add3A_92 : i32 to vector<16xi32>
    %add3A_94 = arith.addi %add3A_93, %sub3A_71 : vector<16xi32>
    %broadcast_in_dim3A_95 = vector.broadcast %sub3A_87 : i32 to vector<16xi32>
    %scan3A_96 = arith.constant 0 : i32
    %scan3A_97 = arith.constant 0 : i32
    %scan3A_98 = arith.constant 0 : i32
    %scan3A_99 = arith.constant 16 : i32
    %scan3A_100 = arith.addi %scan3A_98, %scan3A_99 : i32
    %scan3A_101 = arith.constant 1 : i32
    %scan3A_102:3 = scf.for %scan3A_1182 = %scan3A_98 to %scan3A_100 step %scan3A_101 iter_args(%scan3A_1183 = %scan3A_39#4, %scan3A_1184 = %scan3A_96, %scan3A_1185 = %scan3A_97) -> (i32, i32, i32)  : i32 {
      %sub3A_1186 = arith.constant 15 : i32
      %sub3A_1187 = arith.subi %sub3A_1186, %scan3A_1182 : i32
      %mul3A_1188 = arith.constant 256 : i32
      %mul3A_1189 = arith.muli %scan3A_39#3, %mul3A_1188 : i32
      %mul3A_1190 = arith.constant 16 : i32
      %mul3A_1191 = arith.muli %sub3A_1187, %mul3A_1190 : i32
      %add3A_1192 = arith.addi %mul3A_1189, %mul3A_1191 : i32
      %get3A_1193 = arith.index_cast %add3A_1192 : i32 to index
      %get3A_1194 = tpu.vector_load %arg6[%get3A_1193] {strides = array<i32>} : memref<32768xi32, #tpu.memory_space<vmem>>, vector<16xi32>,
      %reduce_sum3A_1195 = arith.constant true
      %reduce_sum3A_1196 = vector.broadcast %reduce_sum3A_1195 : i1 to vector<16xi1>
      %reduce_sum3A_1197 = tpu.scan <sum>, %get3A_1194 masked %reduce_sum3A_1196 : vector<16xi32>, vector<16xi1> -> vector<16xi32>
      %reduce_sum3A_1198 = vector.extract %reduce_sum3A_1197[15] : i32 from vector<16xi32>
      %add3A_1199 = arith.addi %scan3A_1183, %reduce_sum3A_1198 : i32
      %lt3A = arith.constant 7 : i32
      %lt3A_1200 = arith.cmpi slt, %scan3A_1183, %lt3A : i32
      %ge3A_1201 = arith.constant 7 : i32
      %ge3A_1202 = arith.cmpi sge, %add3A_1199, %ge3A_1201 : i32
      %and3A_1203 = arith.andi %lt3A_1200, %ge3A_1202 : i1
      %select_n3A_1204 = arith.select %and3A_1203, %sub3A_1187, %scan3A_1184 : i32
      %select_n3A_1205 = arith.select %and3A_1203, %scan3A_1183, %scan3A_1185 : i32
      scf.yield %add3A_1199, %select_n3A_1204, %select_n3A_1205 : i32, i32, i32
    }
    %scan3A_103 = arith.constant 16 : i32
    %mul3A_104 = arith.constant 256 : i32
    %mul3A_105 = arith.muli %scan3A_39#3, %mul3A_104 : i32
    %mul3A_106 = arith.constant 16 : i32
    %mul3A_107 = arith.muli %scan3A_102#1, %mul3A_106 : i32
    %add3A_108 = arith.addi %mul3A_105, %mul3A_107 : i32
    %get3A_109 = arith.index_cast %add3A_108 : i32 to index
    %get3A_110 = tpu.vector_load %arg6[%get3A_109] {strides = array<i32>} : memref<32768xi32, #tpu.memory_space<vmem>>, vector<16xi32>,
    %rev3A_111 = arith.constant 15 : i32
    %rev3A_112 = vector.broadcast %rev3A_111 : i32 to vector<16xi32>
    %rev3A_113 = tpu.iota {dimensions = array<i32: 0>} : vector<16xi32>
    %rev3A_114 = arith.subi %rev3A_112, %rev3A_113 : vector<16xi32>
    %rev3A_115 = tpu.dynamic_gather %get3A_110[%rev3A_114] in [0] : vector<16xi32>, vector<16xi32> -> vector<16xi32>
    %broadcast_in_dim3A_116 = arith.constant true
    %broadcast_in_dim3A_117 = vector.broadcast %broadcast_in_dim3A_116 : i1 to vector<16xi1>
    %masked_cumsum3A_118 = tpu.scan <sum>, %rev3A_115 masked %broadcast_in_dim3A_117 : vector<16xi32>, vector<16xi1> -> vector<16xi32>
    %rev3A_119 = arith.constant 15 : i32
    %rev3A_120 = vector.broadcast %rev3A_119 : i32 to vector<16xi32>
    %rev3A_121 = tpu.iota {dimensions = array<i32: 0>} : vector<16xi32>
    %rev3A_122 = arith.subi %rev3A_120, %rev3A_121 : vector<16xi32>
    %rev3A_123 = tpu.dynamic_gather %masked_cumsum3A_118[%rev3A_122] in [0] : vector<16xi32>, vector<16xi32> -> vector<16xi32>
    %add3A_124 = vector.broadcast %scan3A_102#2 : i32 to vector<16xi32>
    %add3A_125 = arith.addi %add3A_124, %rev3A_123 : vector<16xi32>
    %ge3A_126 = arith.constant 7 : i32
    %ge3A_127 = vector.broadcast %ge3A_126 : i32 to vector<16xi32>
    %ge3A_128 = arith.cmpi sge, %add3A_125, %ge3A_127 : vector<16xi32>
    %all_reduce_population_count3A_129 = tpu.all_reduce %ge3A_128 {dim = 0 : i64, kind = #tpu.reduction_kind<sum>} : vector<16xi1> -> vector<16xi32>
    %sub3A_130 = arith.constant 1 : i32
    %sub3A_131 = vector.broadcast %sub3A_130 : i32 to vector<16xi32>
    %sub3A_132 = arith.subi %all_reduce_population_count3A_129, %sub3A_131 : vector<16xi32>
    %eq3A_133 = arith.cmpi eq, %iota3A, %sub3A_132 : vector<16xi32>
    %jit3A_134 = arith.constant 0 : i32
    %broadcast_in_dim3A_135 = vector.broadcast %jit3A_134 : i32 to vector<16xi32>
    %select_n3A_136 = arith.select %eq3A_133, %rev3A_123, %broadcast_in_dim3A_135 : vector<16xi1>, vector<16xi32>
    %reduce_sum3A_137 = arith.constant true
    %reduce_sum3A_138 = vector.broadcast %reduce_sum3A_137 : i1 to vector<16xi1>
    %reduce_sum3A_139 = tpu.scan <sum>, %select_n3A_136 masked %reduce_sum3A_138 : vector<16xi32>, vector<16xi1> -> vector<16xi32>
    %reduce_sum3A_140 = vector.extract %reduce_sum3A_139[15] : i32 from vector<16xi32>
    %eq3A_141 = arith.cmpi eq, %iota3A, %sub3A_132 : vector<16xi32>
    %jit3A_142 = arith.constant 0 : i32
    %broadcast_in_dim3A_143 = vector.broadcast %jit3A_142 : i32 to vector<16xi32>
    %select_n3A_144 = arith.select %eq3A_141, %get3A_110, %broadcast_in_dim3A_143 : vector<16xi1>, vector<16xi32>
    %reduce_sum3A_145 = arith.constant true
    %reduce_sum3A_146 = vector.broadcast %reduce_sum3A_145 : i1 to vector<16xi1>
    %reduce_sum3A_147 = tpu.scan <sum>, %select_n3A_144 masked %reduce_sum3A_146 : vector<16xi32>, vector<16xi1> -> vector<16xi32>
    %reduce_sum3A_148 = vector.extract %reduce_sum3A_147[15] : i32 from vector<16xi32>
    %add3A_149 = arith.addi %scan3A_102#2, %reduce_sum3A_140 : i32
    %sub3A_150 = arith.subi %add3A_149, %reduce_sum3A_148 : i32
    %sub3A_151 = arith.constant 7 : i32
    %sub3A_152 = arith.subi %sub3A_151, %sub3A_150 : i32
    %mul3A_153 = arith.constant 256 : i32
    %mul3A_154 = arith.muli %scan3A_39#3, %mul3A_153 : i32
    %mul3A_155 = arith.constant 16 : i32
    %mul3A_156 = arith.muli %scan3A_102#1, %mul3A_155 : i32
    %add3A_157 = arith.addi %mul3A_154, %mul3A_156 : i32
    %add3A_158 = vector.broadcast %add3A_157 : i32 to vector<16xi32>
    %add3A_159 = arith.addi %add3A_158, %sub3A_132 : vector<16xi32>
    %broadcast_in_dim3A_160 = vector.broadcast %sub3A_152 : i32 to vector<16xi32>
    %gather3A = tpu.vector_load_idx %arg6[%add3A_159] : memref<32768xi32, #tpu.memory_space<vmem>>[vector<16xi32>], vector<16xi32>,
    %eq3A_161 = arith.cmpi eq, %add3A_94, %add3A_159 : vector<16xi32>
    %jit3A_162 = arith.constant 0 : i32
    %broadcast_in_dim3A_163 = vector.broadcast %jit3A_162 : i32 to vector<16xi32>
    %select_n3A_164 = arith.select %eq3A_161, %broadcast_in_dim3A_163, %gather3A : vector<16xi1>, vector<16xi32>
    %gather3A_165 = tpu.vector_load_idx %arg6[%add3A_94] : memref<32768xi32, #tpu.memory_space<vmem>>[vector<16xi32>], vector<16xi32>,
    %add3A_166 = arith.addi %gather3A_165, %select_n3A_164 : vector<16xi32>
    %parallel_loop3A_167 = arith.constant 0 : i32
    %parallel_loop3A_168 = arith.constant 2048 : i32
    %parallel_loop3A_169 = arith.constant 1 : i32
    %parallel_loop3A_170 = scf.for %parallel_loop3A_1182 = %parallel_loop3A_167 to %parallel_loop3A_168 step %parallel_loop3A_169 iter_args(%parallel_loop3A_1183 = %broadcast_in_dim3A_5) -> (vector<16xi32>)  : i32 {
      %parallel_loop3A_1184 = arith.constant 16 : i32
      %parallel_loop3A_1185 = arith.muli %parallel_loop3A_1182, %parallel_loop3A_1184 : i32
      %parallel_loop3A_1186 = arith.index_cast %parallel_loop3A_1185 : i32 to index
      %parallel_loop3A_1187 = tpu.vector_load %arg4[%parallel_loop3A_1186] {strides = array<i32>} : memref<32768xf32, #tpu.memory_space<vmem>>, vector<16xf32>,
      %parallel_loop3A_1188 = tpu.bitcast %parallel_loop3A_1187 : vector<16xf32> -> vector<16xi32>
      %parallel_loop3A_1189 = arith.constant 0 : i32
      %parallel_loop3A_1190 = vector.broadcast %parallel_loop3A_1189 : i32 to vector<16xi32>
      %parallel_loop3A_1191 = arith.cmpi sge, %parallel_loop3A_1188, %parallel_loop3A_1190 : vector<16xi32>
      %parallel_loop3A_1192 = arith.constant 2147483647 : i32
      %parallel_loop3A_1193 = vector.broadcast %parallel_loop3A_1192 : i32 to vector<16xi32>
      %parallel_loop3A_1194 = arith.xori %parallel_loop3A_1188, %parallel_loop3A_1193 : vector<16xi32>
      %parallel_loop3A_1195 = arith.select %parallel_loop3A_1191, %parallel_loop3A_1188, %parallel_loop3A_1194 : vector<16xi1>, vector<16xi32>
      %parallel_loop3A_1196 = arith.constant 17 : i32
      %parallel_loop3A_1197 = vector.broadcast %parallel_loop3A_1196 : i32 to vector<16xi32>
      %parallel_loop3A_1198 = arith.shrsi %parallel_loop3A_1195, %parallel_loop3A_1197 : vector<16xi32>
      %parallel_loop3A_1199 = arith.constant 16384 : i32
      %parallel_loop3A_1200 = vector.broadcast %parallel_loop3A_1199 : i32 to vector<16xi32>
      %parallel_loop3A_1201 = arith.addi %parallel_loop3A_1198, %parallel_loop3A_1200 : vector<16xi32>
      %parallel_loop3A_1202 = arith.cmpi eq, %parallel_loop3A_1201, %add3A_94 : vector<16xi32>
      %parallel_loop3A_1203 = arith.cmpi eq, %parallel_loop3A_1201, %add3A_159 : vector<16xi32>
      %parallel_loop3A_1204 = arith.ori %parallel_loop3A_1202, %parallel_loop3A_1203 : vector<16xi1>
      %parallel_loop3A_1205 = arith.extui %parallel_loop3A_1204 : vector<16xi1> to vector<16xi32>
      %parallel_loop3A_1206 = arith.constant true
      %parallel_loop3A_1207 = vector.broadcast %parallel_loop3A_1206 : i1 to vector<16xi1>
      %parallel_loop3A_1208 = tpu.scan <sum>, %parallel_loop3A_1205 masked %parallel_loop3A_1207 : vector<16xi32>, vector<16xi1> -> vector<16xi32>
      %parallel_loop3A_1209 = arith.constant 1 : i32
      %parallel_loop3A_1210 = vector.broadcast %parallel_loop3A_1209 : i32 to vector<16xi32>
      %parallel_loop3A_1211 = arith.subi %parallel_loop3A_1208, %parallel_loop3A_1210 : vector<16xi32>
      %parallel_loop3A_1212 = arith.addi %parallel_loop3A_1211, %parallel_loop3A_1183 : vector<16xi32>
      %parallel_loop3A_1213 = arith.constant 0 : i32
      %parallel_loop3A_1214 = vector.broadcast %parallel_loop3A_1213 : i32 to vector<16xi32>
      %parallel_loop3A_1215 = arith.select %parallel_loop3A_1204, %parallel_loop3A_1212, %parallel_loop3A_1214 : vector<16xi1>, vector<16xi32>
      tpu.vector_store_idx %arg6[%parallel_loop3A_1215], %parallel_loop3A_1195 masked %parallel_loop3A_1204 : memref<32768xi32, #tpu.memory_space<vmem>>[vector<16xi32>], vector<16xi32>, vector<16xi1>
      %parallel_loop3A_1216 = tpu.all_reduce %parallel_loop3A_1204 {dim = 0 : i64, kind = #tpu.reduction_kind<sum>} : vector<16xi1> -> vector<16xi32>
      %parallel_loop3A_1217 = arith.addi %parallel_loop3A_1183, %parallel_loop3A_1216 : vector<16xi32>
      scf.yield %parallel_loop3A_1217 : vector<16xi32>
    } {sc.loop_unroll_factor = 8 : i64, sc.parallel_access}
    %add3A_171 = arith.addi %broadcast_in_dim3A_95, %select_n3A_164 : vector<16xi32>
    %reduce_max3A = arith.constant true
    %reduce_max3A_172 = vector.broadcast %reduce_max3A : i1 to vector<16xi1>
    %reduce_max3A_173 = arith.constant -2147483648 : i32
    %reduce_max3A_174 = vector.broadcast %reduce_max3A_173 : i32 to vector<16xi32>
    %reduce_max3A_175 = arith.xori %add3A_166, %reduce_max3A_174 : vector<16xi32>
    %reduce_max3A_176 = tpu.scan <max>, %reduce_max3A_175 masked %reduce_max3A_172 : vector<16xi32>, vector<16xi1> -> vector<16xi32>
    %reduce_max3A_177 = arith.xori %reduce_max3A_176, %reduce_max3A_174 : vector<16xi32>
    %reduce_max3A_178 = vector.extract %reduce_max3A_177[15] : i32 from vector<16xi32>
    %add3A_179 = arith.constant 16 : i32
    %add3A_180 = arith.addi %reduce_max3A_178, %add3A_179 : i32
    %sub3A_181 = arith.constant 1 : i32
    %sub3A_182 = arith.subi %add3A_180, %sub3A_181 : i32
    %jit3A_183 = arith.constant 16 : i32
    %div3A = arith.divsi %sub3A_182, %jit3A_183 : i32
    %sign3A = arith.constant 0 : i32
    %sign3A_184 = arith.cmpi sgt, %sub3A_182, %sign3A : i32
    %sign3A_185 = arith.extui %sign3A_184 : i1 to i32
    %sign3A_186 = arith.constant 0 : i32
    %sign3A_187 = arith.cmpi slt, %sub3A_182, %sign3A_186 : i32
    %sign3A_188 = arith.extui %sign3A_187 : i1 to i32
    %sign3A_189 = arith.subi %sign3A_185, %sign3A_188 : i32
    %sign3A_190 = arith.constant 0 : i32
    %sign3A_191 = arith.cmpi sgt, %jit3A_183, %sign3A_190 : i32
    %sign3A_192 = arith.extui %sign3A_191 : i1 to i32
    %sign3A_193 = arith.constant 0 : i32
    %sign3A_194 = arith.cmpi slt, %jit3A_183, %sign3A_193 : i32
    %sign3A_195 = arith.extui %sign3A_194 : i1 to i32
    %sign3A_196 = arith.subi %sign3A_192, %sign3A_195 : i32
    %ne3A = arith.cmpi ne, %sign3A_189, %sign3A_196 : i32
    %rem3A = arith.remsi %sub3A_182, %jit3A_183 : i32
    %ne3A_197 = arith.constant 0 : i32
    %ne3A_198 = arith.cmpi ne, %rem3A, %ne3A_197 : i32
    %and3A = arith.andi %ne3A, %ne3A_198 : i1
    %sub3A_199 = arith.constant 1 : i32
    %sub3A_200 = arith.subi %div3A, %sub3A_199 : i32
    %select_n3A_201 = arith.select %and3A, %sub3A_200, %div3A : i32
    %sub3A_202 = arith.constant 16384 : i32
    %sub3A_203 = vector.broadcast %sub3A_202 : i32 to vector<16xi32>
    %sub3A_204 = arith.subi %add3A_94, %sub3A_203 : vector<16xi32>
    %mul3A_205 = arith.constant 131072 : i32
    %mul3A_206 = vector.broadcast %mul3A_205 : i32 to vector<16xi32>
    %mul3A_207 = arith.muli %sub3A_204, %mul3A_206 : vector<16xi32>
    %scan3A_208 = arith.constant 0 : i32
    %scan3A_209 = arith.constant 17 : i32
    %scan3A_210 = arith.addi %scan3A_208, %scan3A_209 : i32
    %scan3A_211 = arith.constant 1 : i32
    %scan3A_212 = scf.for %scan3A_1182 = %scan3A_208 to %scan3A_210 step %scan3A_211 iter_args(%scan3A_1183 = %broadcast_in_dim3A_5) -> (vector<16xi32>)  : i32 {
      %sub3A_1184 = arith.constant 16 : i32
      %sub3A_1185 = arith.subi %sub3A_1184, %scan3A_1182 : i32
      %broadcast_in_dim3A_1186 = vector.broadcast %sub3A_1185 : i32 to vector<16xi32>
      %shift_left3A = arith.shli %broadcast_in_dim3A_3, %broadcast_in_dim3A_1186 : vector<16xi32>
      %or3A = arith.ori %scan3A_1183, %shift_left3A : vector<16xi32>
      %add3A_1187 = arith.addi %mul3A_207, %or3A : vector<16xi32>
      %while3A = arith.constant 0 : i32
      %while3A_1188 = arith.subi %select_n3A_201, %while3A : i32
      %while3A_1189 = arith.addi %while3A, %while3A_1188 : i32
      %while3A_1190 = arith.constant 1 : i32
      %while3A_1191 = arith.divsi %while3A_1188, %while3A_1190 : i32
      %while3A_1192 = arith.muli %while3A_1191, %while3A_1190 : i32
      %while3A_1193 = arith.addi %while3A, %while3A_1192 : i32
      %while3A_1194 = arith.constant 1 : i32
      %while3A_1195 = scf.for %while3A_1201 = %while3A to %while3A_1193 step %while3A_1194 iter_args(%while3A_1202 = %broadcast_in_dim3A_5) -> (vector<16xi32>)  : i32 {
        %mul3A_1203 = arith.constant 16 : i32
        %mul3A_1204 = arith.muli %while3A_1201, %mul3A_1203 : i32
        %get3A_1205 = arith.index_cast %mul3A_1204 : i32 to index
        %get3A_1206 = tpu.vector_load %arg6[%get3A_1205] {strides = array<i32>} : memref<32768xi32, #tpu.memory_space<vmem>>, vector<16xi32>,
        %ge3A_1207 = arith.cmpi sge, %get3A_1206, %add3A_1187 : vector<16xi32>
        %mul3A_1208 = arith.constant 16 : i32
        %mul3A_1209 = arith.muli %while3A_1201, %mul3A_1208 : i32
        %add3A_1210 = vector.broadcast %mul3A_1209 : i32 to vector<16xi32>
        %add3A_1211 = arith.addi %add3A_1210, %iota3A : vector<16xi32>
        %lt3A = arith.cmpi slt, %add3A_1211, %add3A_166 : vector<16xi32>
        %and3A_1212 = arith.andi %ge3A_1207, %lt3A : vector<16xi1>
        %all_reduce_population_count3A_1213 = tpu.all_reduce %and3A_1212 {dim = 0 : i64, kind = #tpu.reduction_kind<sum>} : vector<16xi1> -> vector<16xi32>
        %add3A_1214 = arith.addi %while3A_1202, %all_reduce_population_count3A_1213 : vector<16xi32>
        scf.yield %add3A_1214 : vector<16xi32>
      }
      %while3A_1196 = arith.constant 1 : i32
      %while3A_1197 = scf.for %while3A_1201 = %while3A_1193 to %while3A_1189 step %while3A_1196 iter_args(%while3A_1202 = %while3A_1195) -> (vector<16xi32>)  : i32 {
        %mul3A_1203 = arith.constant 16 : i32
        %mul3A_1204 = arith.muli %while3A_1201, %mul3A_1203 : i32
        %get3A_1205 = arith.index_cast %mul3A_1204 : i32 to index
        %get3A_1206 = tpu.vector_load %arg6[%get3A_1205] {strides = array<i32>} : memref<32768xi32, #tpu.memory_space<vmem>>, vector<16xi32>,
        %ge3A_1207 = arith.cmpi sge, %get3A_1206, %add3A_1187 : vector<16xi32>
        %mul3A_1208 = arith.constant 16 : i32
        %mul3A_1209 = arith.muli %while3A_1201, %mul3A_1208 : i32
        %add3A_1210 = vector.broadcast %mul3A_1209 : i32 to vector<16xi32>
        %add3A_1211 = arith.addi %add3A_1210, %iota3A : vector<16xi32>
        %lt3A = arith.cmpi slt, %add3A_1211, %add3A_166 : vector<16xi32>
        %and3A_1212 = arith.andi %ge3A_1207, %lt3A : vector<16xi1>
        %all_reduce_population_count3A_1213 = tpu.all_reduce %and3A_1212 {dim = 0 : i64, kind = #tpu.reduction_kind<sum>} : vector<16xi1> -> vector<16xi32>
        %add3A_1214 = arith.addi %while3A_1202, %all_reduce_population_count3A_1213 : vector<16xi32>
        scf.yield %add3A_1214 : vector<16xi32>
      }
      %ge3A_1198 = arith.cmpi sge, %while3A_1197, %add3A_171 : vector<16xi32>
      %or3A_1199 = arith.ori %scan3A_1183, %shift_left3A : vector<16xi32>
      %select_n3A_1200 = arith.select %ge3A_1198, %or3A_1199, %scan3A_1183 : vector<16xi1>, vector<16xi32>
      scf.yield %select_n3A_1200 : vector<16xi32>
    }
    %scan3A_213 = arith.constant 17 : i32
    %add3A_214 = arith.addi %mul3A_207, %scan3A_212 : vector<16xi32>
    %ge3A_215 = arith.constant 0 : i32
    %ge3A_216 = vector.broadcast %ge3A_215 : i32 to vector<16xi32>
    %ge3A_217 = arith.cmpi sge, %add3A_214, %ge3A_216 : vector<16xi32>
    %xor3A = arith.constant 2147483647 : i32
    %xor3A_218 = vector.broadcast %xor3A : i32 to vector<16xi32>
    %xor3A_219 = arith.xori %add3A_214, %xor3A_218 : vector<16xi32>
    %select_n3A_220 = arith.select %ge3A_217, %add3A_214, %xor3A_219 : vector<16xi1>, vector<16xi32>
    %bitcast_convert_type3A = tpu.bitcast %select_n3A_220 : vector<16xi32> -> vector<16xf32>
    %reduce_max3A_221 = arith.constant true
    %reduce_max3A_222 = vector.broadcast %reduce_max3A_221 : i1 to vector<16xi1>
    %reduce_max3A_223 = arith.constant -2147483648 : i32
    %reduce_max3A_224 = vector.broadcast %reduce_max3A_223 : i32 to vector<16xi32>
    %reduce_max3A_225 = arith.xori %add3A_166, %reduce_max3A_224 : vector<16xi32>
    %reduce_max3A_226 = tpu.scan <max>, %reduce_max3A_225 masked %reduce_max3A_222 : vector<16xi32>, vector<16xi1> -> vector<16xi32>
    %reduce_max3A_227 = arith.xori %reduce_max3A_226, %reduce_max3A_224 : vector<16xi32>
    %reduce_max3A_228 = vector.extract %reduce_max3A_227[15] : i32 from vector<16xi32>
    %add3A_229 = arith.constant 16 : i32
    %add3A_230 = arith.addi %reduce_max3A_228, %add3A_229 : i32
    %sub3A_231 = arith.constant 1 : i32
    %sub3A_232 = arith.subi %add3A_230, %sub3A_231 : i32
    %jit3A_233 = arith.constant 16 : i32
    %div3A_234 = arith.divsi %sub3A_232, %jit3A_233 : i32
    %sign3A_235 = arith.constant 0 : i32
    %sign3A_236 = arith.cmpi sgt, %sub3A_232, %sign3A_235 : i32
    %sign3A_237 = arith.extui %sign3A_236 : i1 to i32
    %sign3A_238 = arith.constant 0 : i32
    %sign3A_239 = arith.cmpi slt, %sub3A_232, %sign3A_238 : i32
    %sign3A_240 = arith.extui %sign3A_239 : i1 to i32
    %sign3A_241 = arith.subi %sign3A_237, %sign3A_240 : i32
    %sign3A_242 = arith.constant 0 : i32
    %sign3A_243 = arith.cmpi sgt, %jit3A_233, %sign3A_242 : i32
    %sign3A_244 = arith.extui %sign3A_243 : i1 to i32
    %sign3A_245 = arith.constant 0 : i32
    %sign3A_246 = arith.cmpi slt, %jit3A_233, %sign3A_245 : i32
    %sign3A_247 = arith.extui %sign3A_246 : i1 to i32
    %sign3A_248 = arith.subi %sign3A_244, %sign3A_247 : i32
    %ne3A_249 = arith.cmpi ne, %sign3A_241, %sign3A_248 : i32
    %rem3A_250 = arith.remsi %sub3A_232, %jit3A_233 : i32
    %ne3A_251 = arith.constant 0 : i32
    %ne3A_252 = arith.cmpi ne, %rem3A_250, %ne3A_251 : i32
    %and3A_253 = arith.andi %ne3A_249, %ne3A_252 : i1
    %sub3A_254 = arith.constant 1 : i32
    %sub3A_255 = arith.subi %div3A_234, %sub3A_254 : i32
    %select_n3A_256 = arith.select %and3A_253, %sub3A_255, %div3A_234 : i32
    %sub3A_257 = arith.constant 16384 : i32
    %sub3A_258 = vector.broadcast %sub3A_257 : i32 to vector<16xi32>
    %sub3A_259 = arith.subi %add3A_159, %sub3A_258 : vector<16xi32>
    %mul3A_260 = arith.constant 131072 : i32
    %mul3A_261 = vector.broadcast %mul3A_260 : i32 to vector<16xi32>
    %mul3A_262 = arith.muli %sub3A_259, %mul3A_261 : vector<16xi32>
    %scan3A_263 = arith.constant 0 : i32
    %scan3A_264 = arith.constant 17 : i32
    %scan3A_265 = arith.addi %scan3A_263, %scan3A_264 : i32
    %scan3A_266 = arith.constant 1 : i32
    %scan3A_267 = scf.for %scan3A_1182 = %scan3A_263 to %scan3A_265 step %scan3A_266 iter_args(%scan3A_1183 = %broadcast_in_dim3A_5) -> (vector<16xi32>)  : i32 {
      %sub3A_1184 = arith.constant 16 : i32
      %sub3A_1185 = arith.subi %sub3A_1184, %scan3A_1182 : i32
      %broadcast_in_dim3A_1186 = vector.broadcast %sub3A_1185 : i32 to vector<16xi32>
      %shift_left3A = arith.shli %broadcast_in_dim3A_3, %broadcast_in_dim3A_1186 : vector<16xi32>
      %or3A = arith.ori %scan3A_1183, %shift_left3A : vector<16xi32>
      %add3A_1187 = arith.addi %mul3A_262, %or3A : vector<16xi32>
      %while3A = arith.constant 0 : i32
      %while3A_1188 = arith.subi %select_n3A_256, %while3A : i32
      %while3A_1189 = arith.addi %while3A, %while3A_1188 : i32
      %while3A_1190 = arith.constant 1 : i32
      %while3A_1191 = arith.divsi %while3A_1188, %while3A_1190 : i32
      %while3A_1192 = arith.muli %while3A_1191, %while3A_1190 : i32
      %while3A_1193 = arith.addi %while3A, %while3A_1192 : i32
      %while3A_1194 = arith.constant 1 : i32
      %while3A_1195 = scf.for %while3A_1201 = %while3A to %while3A_1193 step %while3A_1194 iter_args(%while3A_1202 = %broadcast_in_dim3A_5) -> (vector<16xi32>)  : i32 {
        %mul3A_1203 = arith.constant 16 : i32
        %mul3A_1204 = arith.muli %while3A_1201, %mul3A_1203 : i32
        %get3A_1205 = arith.index_cast %mul3A_1204 : i32 to index
        %get3A_1206 = tpu.vector_load %arg6[%get3A_1205] {strides = array<i32>} : memref<32768xi32, #tpu.memory_space<vmem>>, vector<16xi32>,
        %ge3A_1207 = arith.cmpi sge, %get3A_1206, %add3A_1187 : vector<16xi32>
        %mul3A_1208 = arith.constant 16 : i32
        %mul3A_1209 = arith.muli %while3A_1201, %mul3A_1208 : i32
        %add3A_1210 = vector.broadcast %mul3A_1209 : i32 to vector<16xi32>
        %add3A_1211 = arith.addi %add3A_1210, %iota3A : vector<16xi32>
        %lt3A = arith.cmpi slt, %add3A_1211, %add3A_166 : vector<16xi32>
        %and3A_1212 = arith.andi %ge3A_1207, %lt3A : vector<16xi1>
        %all_reduce_population_count3A_1213 = tpu.all_reduce %and3A_1212 {dim = 0 : i64, kind = #tpu.reduction_kind<sum>} : vector<16xi1> -> vector<16xi32>
        %add3A_1214 = arith.addi %while3A_1202, %all_reduce_population_count3A_1213 : vector<16xi32>
        scf.yield %add3A_1214 : vector<16xi32>
      }
      %while3A_1196 = arith.constant 1 : i32
      %while3A_1197 = scf.for %while3A_1201 = %while3A_1193 to %while3A_1189 step %while3A_1196 iter_args(%while3A_1202 = %while3A_1195) -> (vector<16xi32>)  : i32 {
        %mul3A_1203 = arith.constant 16 : i32
        %mul3A_1204 = arith.muli %while3A_1201, %mul3A_1203 : i32
        %get3A_1205 = arith.index_cast %mul3A_1204 : i32 to index
        %get3A_1206 = tpu.vector_load %arg6[%get3A_1205] {strides = array<i32>} : memref<32768xi32, #tpu.memory_space<vmem>>, vector<16xi32>,
        %ge3A_1207 = arith.cmpi sge, %get3A_1206, %add3A_1187 : vector<16xi32>
        %mul3A_1208 = arith.constant 16 : i32
        %mul3A_1209 = arith.muli %while3A_1201, %mul3A_1208 : i32
        %add3A_1210 = vector.broadcast %mul3A_1209 : i32 to vector<16xi32>
        %add3A_1211 = arith.addi %add3A_1210, %iota3A : vector<16xi32>
        %lt3A = arith.cmpi slt, %add3A_1211, %add3A_166 : vector<16xi32>
        %and3A_1212 = arith.andi %ge3A_1207, %lt3A : vector<16xi1>
        %all_reduce_population_count3A_1213 = tpu.all_reduce %and3A_1212 {dim = 0 : i64, kind = #tpu.reduction_kind<sum>} : vector<16xi1> -> vector<16xi32>
        %add3A_1214 = arith.addi %while3A_1202, %all_reduce_population_count3A_1213 : vector<16xi32>
        scf.yield %add3A_1214 : vector<16xi32>
      }
      %ge3A_1198 = arith.cmpi sge, %while3A_1197, %broadcast_in_dim3A_160 : vector<16xi32>
      %or3A_1199 = arith.ori %scan3A_1183, %shift_left3A : vector<16xi32>
      %select_n3A_1200 = arith.select %ge3A_1198, %or3A_1199, %scan3A_1183 : vector<16xi1>, vector<16xi32>
      scf.yield %select_n3A_1200 : vector<16xi32>
    }
    %scan3A_268 = arith.constant 17 : i32
    %add3A_269 = arith.addi %mul3A_262, %scan3A_267 : vector<16xi32>
    %ge3A_270 = arith.constant 0 : i32
    %ge3A_271 = vector.broadcast %ge3A_270 : i32 to vector<16xi32>
    %ge3A_272 = arith.cmpi sge, %add3A_269, %ge3A_271 : vector<16xi32>
    %xor3A_273 = arith.constant 2147483647 : i32
    %xor3A_274 = vector.broadcast %xor3A_273 : i32 to vector<16xi32>
    %xor3A_275 = arith.xori %add3A_269, %xor3A_274 : vector<16xi32>
    %select_n3A_276 = arith.select %ge3A_272, %add3A_269, %xor3A_275 : vector<16xi1>, vector<16xi32>
    %bitcast_convert_type3A_277 = tpu.bitcast %select_n3A_276 : vector<16xi32> -> vector<16xf32>
    %eq3A_278 = arith.constant 0 : i32
    %eq3A_279 = vector.broadcast %eq3A_278 : i32 to vector<16xi32>
    %eq3A_280 = arith.cmpi eq, %iota3A, %eq3A_279 : vector<16xi32>
    %eq3A_281 = arith.constant 1 : i32
    %eq3A_282 = vector.broadcast %eq3A_281 : i32 to vector<16xi32>
    %eq3A_283 = arith.cmpi eq, %iota3A, %eq3A_282 : vector<16xi32>
    %jit3A_284 = arith.constant 0.000000e+00 : f32
    %broadcast_in_dim3A_285 = vector.broadcast %jit3A_284 : f32 to vector<16xf32>
    %select_n3A_286 = arith.select %eq3A_283, %bitcast_convert_type3A_277, %broadcast_in_dim3A_285 : vector<16xi1>, vector<16xf32>
    %select_n3A_287 = arith.select %eq3A_280, %bitcast_convert_type3A, %select_n3A_286 : vector<16xi1>, vector<16xf32>
    %swap3A = arith.constant 0 : index
    %swap3A_288 = tpu.vector_load %arg7[%swap3A] {strides = array<i32>} : memref<64xf32, #tpu.memory_space<vmem>>, vector<16xf32>,
    tpu.vector_store %arg7[%swap3A], %select_n3A_287 {strides = array<i32>} : memref<64xf32, #tpu.memory_space<vmem>>, vector<16xf32>,
    %dma_wait3A_289 = arith.constant 0 : i32
    %dma_wait3A_290 = tpu.memref_slice %arg2[%add3A_19, %dma_wait3A_289] : memref<128x32768xf32, #tpu.memory_space<hbm>> -> memref<1x32768xf32, #tpu.memory_space<hbm>>
    %dma_wait3A_291 = tpu.memref_squeeze %dma_wait3A_290 : memref<1x32768xf32, #tpu.memory_space<hbm>> -> memref<32768xf32, #tpu.memory_space<hbm>>
    %dma_wait3A_292 = arith.constant 0 : i32
    %dma_wait3A_293 = tpu.memref_slice %arg2[%add3A_19, %dma_wait3A_292] : memref<128x32768xf32, #tpu.memory_space<hbm>> -> memref<1x32768xf32, #tpu.memory_space<hbm>>
    %dma_wait3A_294 = tpu.memref_squeeze %dma_wait3A_293 : memref<1x32768xf32, #tpu.memory_space<hbm>> -> memref<32768xf32, #tpu.memory_space<hbm>>
    tpu.wait_dma2 semaphore(%arg9 : memref<!tpu.dma_semaphore, #tpu.memory_space<semaphore_mem>>) src(%dma_wait3A_294 : memref<32768xf32, #tpu.memory_space<hbm>>) dst(%arg5 : memref<32768xf32, #tpu.memory_space<vmem>>)
    %add3A_295 = arith.constant 1 : i32
    %add3A_296 = arith.addi %mul3A_2, %add3A_295 : i32
    %add3A_297 = arith.constant 1 : i32
    %add3A_298 = arith.addi %add3A_296, %add3A_297 : i32
    %dma_start3A_299 = arith.constant 0 : i32
    %dma_start3A_300 = tpu.memref_slice %arg2[%add3A_298, %dma_start3A_299] : memref<128x32768xf32, #tpu.memory_space<hbm>> -> memref<1x32768xf32, #tpu.memory_space<hbm>>
    %dma_start3A_301 = tpu.memref_squeeze %dma_start3A_300 : memref<1x32768xf32, #tpu.memory_space<hbm>> -> memref<32768xf32, #tpu.memory_space<hbm>>
    %dma_start3A_302 = arith.constant 0 : i32
    %dma_start3A_303 = tpu.memref_slice %arg2[%add3A_298, %dma_start3A_302] : memref<128x32768xf32, #tpu.memory_space<hbm>> -> memref<1x32768xf32, #tpu.memory_space<hbm>>
    %dma_start3A_304 = tpu.memref_squeeze %dma_start3A_303 : memref<1x32768xf32, #tpu.memory_space<hbm>> -> memref<32768xf32, #tpu.memory_space<hbm>>
    tpu.enqueue_dma source(%dma_start3A_304 : memref<32768xf32, #tpu.memory_space<hbm>>) target(%arg4 : memref<32768xf32, #tpu.memory_space<vmem>>) target_semaphore(%arg8 : memref<!tpu.dma_semaphore, #tpu.memory_space<semaphore_mem>>)
    %parallel_loop3A_305 = arith.constant 0 : i32
    %parallel_loop3A_306 = arith.constant 2048 : i32
    %parallel_loop3A_307 = arith.constant 1 : i32
    scf.for %parallel_loop3A_1182 = %parallel_loop3A_305 to %parallel_loop3A_306 step %parallel_loop3A_307  : i32 {
      %parallel_loop3A_1183 = arith.constant 16 : i32
      %parallel_loop3A_1184 = arith.muli %parallel_loop3A_1182, %parallel_loop3A_1183 : i32
      %parallel_loop3A_1185 = arith.index_cast %parallel_loop3A_1184 : i32 to index
      %parallel_loop3A_1186 = tpu.vector_load %arg6[%parallel_loop3A_1185] {strides = array<i32>} : memref<32768xi32, #tpu.memory_space<vmem>>, vector<16xi32>,
      tpu.vector_store %arg6[%parallel_loop3A_1185], %broadcast_in_dim3A_5 {strides = array<i32>} : memref<32768xi32, #tpu.memory_space<vmem>>, vector<16xi32>,
    } {sc.loop_unroll_factor = 8 : i64, sc.parallel_access}
    %parallel_loop3A_308 = arith.constant 0 : i32
    %parallel_loop3A_309 = arith.constant 2048 : i32
    %parallel_loop3A_310 = arith.constant 1 : i32
    scf.for %parallel_loop3A_1182 = %parallel_loop3A_308 to %parallel_loop3A_309 step %parallel_loop3A_310  : i32 {
      %parallel_loop3A_1183 = arith.constant 16 : i32
      %parallel_loop3A_1184 = arith.muli %parallel_loop3A_1182, %parallel_loop3A_1183 : i32
      %parallel_loop3A_1185 = arith.index_cast %parallel_loop3A_1184 : i32 to index
      %parallel_loop3A_1186 = tpu.vector_load %arg5[%parallel_loop3A_1185] {strides = array<i32>} : memref<32768xf32, #tpu.memory_space<vmem>>, vector<16xf32>,
      %parallel_loop3A_1187 = tpu.bitcast %parallel_loop3A_1186 : vector<16xf32> -> vector<16xi32>
      %parallel_loop3A_1188 = arith.constant 0 : i32
      %parallel_loop3A_1189 = vector.broadcast %parallel_loop3A_1188 : i32 to vector<16xi32>
      %parallel_loop3A_1190 = arith.cmpi sge, %parallel_loop3A_1187, %parallel_loop3A_1189 : vector<16xi32>
      %parallel_loop3A_1191 = arith.constant 2147483647 : i32
      %parallel_loop3A_1192 = vector.broadcast %parallel_loop3A_1191 : i32 to vector<16xi32>
      %parallel_loop3A_1193 = arith.xori %parallel_loop3A_1187, %parallel_loop3A_1192 : vector<16xi32>
      %parallel_loop3A_1194 = arith.select %parallel_loop3A_1190, %parallel_loop3A_1187, %parallel_loop3A_1193 : vector<16xi1>, vector<16xi32>
      %parallel_loop3A_1195 = arith.constant 17 : i32
      %parallel_loop3A_1196 = vector.broadcast %parallel_loop3A_1195 : i32 to vector<16xi32>
      %parallel_loop3A_1197 = arith.shrsi %parallel_loop3A_1194, %parallel_loop3A_1196 : vector<16xi32>
      %parallel_loop3A_1198 = arith.constant 16384 : i32
      %parallel_loop3A_1199 = vector.broadcast %parallel_loop3A_1198 : i32 to vector<16xi32>
      %parallel_loop3A_1200 = arith.addi %parallel_loop3A_1197, %parallel_loop3A_1199 : vector<16xi32>
      tpu.vector_store_idx %arg6[%parallel_loop3A_1200], %broadcast_in_dim3A_3 {add = true} : memref<32768xi32, #tpu.memory_space<vmem>>[vector<16xi32>], vector<16xi32>,
    } {sc.loop_unroll_factor = 8 : i64, sc.parallel_access}
    %scan3A_311 = arith.constant 0 : i32
    %scan3A_312 = arith.constant 0 : i32
    %scan3A_313 = arith.constant 0 : i32
    %scan3A_314 = arith.constant 0 : i32
    %scan3A_315 = arith.constant 0 : i32
    %scan3A_316 = arith.constant 0 : i32
    %scan3A_317 = arith.constant 128 : i32
    %scan3A_318 = arith.addi %scan3A_316, %scan3A_317 : i32
    %scan3A_319 = arith.constant 1 : i32
    %scan3A_320:5 = scf.for %scan3A_1182 = %scan3A_316 to %scan3A_318 step %scan3A_319 iter_args(%scan3A_1183 = %scan3A_311, %scan3A_1184 = %scan3A_312, %scan3A_1185 = %scan3A_313, %scan3A_1186 = %scan3A_314, %scan3A_1187 = %scan3A_315) -> (i32, i32, i32, i32, i32)  : i32 {
      %sub3A_1188 = arith.constant 127 : i32
      %sub3A_1189 = arith.subi %sub3A_1188, %scan3A_1182 : i32
      %mul3A_1190 = arith.constant 256 : i32
      %mul3A_1191 = arith.muli %sub3A_1189, %mul3A_1190 : i32
      %add3A_1192 = arith.constant 0 : i32
      %add3A_1193 = arith.addi %mul3A_1191, %add3A_1192 : i32
      %get3A_1194 = arith.index_cast %add3A_1193 : i32 to index
      %get3A_1195 = tpu.vector_load %arg6[%get3A_1194] {strides = array<i32>} : memref<32768xi32, #tpu.memory_space<vmem>>, vector<16xi32>,
      %mul3A_1196 = arith.constant 256 : i32
      %mul3A_1197 = arith.muli %sub3A_1189, %mul3A_1196 : i32
      %add3A_1198 = arith.constant 16 : i32
      %add3A_1199 = arith.addi %mul3A_1197, %add3A_1198 : i32
      %get3A_1200 = arith.index_cast %add3A_1199 : i32 to index
      %get3A_1201 = tpu.vector_load %arg6[%get3A_1200] {strides = array<i32>} : memref<32768xi32, #tpu.memory_space<vmem>>, vector<16xi32>,
      %mul3A_1202 = arith.constant 256 : i32
      %mul3A_1203 = arith.muli %sub3A_1189, %mul3A_1202 : i32
      %add3A_1204 = arith.constant 32 : i32
      %add3A_1205 = arith.addi %mul3A_1203, %add3A_1204 : i32
      %get3A_1206 = arith.index_cast %add3A_1205 : i32 to index
      %get3A_1207 = tpu.vector_load %arg6[%get3A_1206] {strides = array<i32>} : memref<32768xi32, #tpu.memory_space<vmem>>, vector<16xi32>,
      %mul3A_1208 = arith.constant 256 : i32
      %mul3A_1209 = arith.muli %sub3A_1189, %mul3A_1208 : i32
      %add3A_1210 = arith.constant 48 : i32
      %add3A_1211 = arith.addi %mul3A_1209, %add3A_1210 : i32
      %get3A_1212 = arith.index_cast %add3A_1211 : i32 to index
      %get3A_1213 = tpu.vector_load %arg6[%get3A_1212] {strides = array<i32>} : memref<32768xi32, #tpu.memory_space<vmem>>, vector<16xi32>,
      %mul3A_1214 = arith.constant 256 : i32
      %mul3A_1215 = arith.muli %sub3A_1189, %mul3A_1214 : i32
      %add3A_1216 = arith.constant 64 : i32
      %add3A_1217 = arith.addi %mul3A_1215, %add3A_1216 : i32
      %get3A_1218 = arith.index_cast %add3A_1217 : i32 to index
      %get3A_1219 = tpu.vector_load %arg6[%get3A_1218] {strides = array<i32>} : memref<32768xi32, #tpu.memory_space<vmem>>, vector<16xi32>,
      %mul3A_1220 = arith.constant 256 : i32
      %mul3A_1221 = arith.muli %sub3A_1189, %mul3A_1220 : i32
      %add3A_1222 = arith.constant 80 : i32
      %add3A_1223 = arith.addi %mul3A_1221, %add3A_1222 : i32
      %get3A_1224 = arith.index_cast %add3A_1223 : i32 to index
      %get3A_1225 = tpu.vector_load %arg6[%get3A_1224] {strides = array<i32>} : memref<32768xi32, #tpu.memory_space<vmem>>, vector<16xi32>,
      %mul3A_1226 = arith.constant 256 : i32
      %mul3A_1227 = arith.muli %sub3A_1189, %mul3A_1226 : i32
      %add3A_1228 = arith.constant 96 : i32
      %add3A_1229 = arith.addi %mul3A_1227, %add3A_1228 : i32
      %get3A_1230 = arith.index_cast %add3A_1229 : i32 to index
      %get3A_1231 = tpu.vector_load %arg6[%get3A_1230] {strides = array<i32>} : memref<32768xi32, #tpu.memory_space<vmem>>, vector<16xi32>,
      %mul3A_1232 = arith.constant 256 : i32
      %mul3A_1233 = arith.muli %sub3A_1189, %mul3A_1232 : i32
      %add3A_1234 = arith.constant 112 : i32
      %add3A_1235 = arith.addi %mul3A_1233, %add3A_1234 : i32
      %get3A_1236 = arith.index_cast %add3A_1235 : i32 to index
      %get3A_1237 = tpu.vector_load %arg6[%get3A_1236] {strides = array<i32>} : memref<32768xi32, #tpu.memory_space<vmem>>, vector<16xi32>,
      %mul3A_1238 = arith.constant 256 : i32
      %mul3A_1239 = arith.muli %sub3A_1189, %mul3A_1238 : i32
      %add3A_1240 = arith.constant 128 : i32
      %add3A_1241 = arith.addi %mul3A_1239, %add3A_1240 : i32
      %get3A_1242 = arith.index_cast %add3A_1241 : i32 to index
      %get3A_1243 = tpu.vector_load %arg6[%get3A_1242] {strides = array<i32>} : memref<32768xi32, #tpu.memory_space<vmem>>, vector<16xi32>,
      %mul3A_1244 = arith.constant 256 : i32
      %mul3A_1245 = arith.muli %sub3A_1189, %mul3A_1244 : i32
      %add3A_1246 = arith.constant 144 : i32
      %add3A_1247 = arith.addi %mul3A_1245, %add3A_1246 : i32
      %get3A_1248 = arith.index_cast %add3A_1247 : i32 to index
      %get3A_1249 = tpu.vector_load %arg6[%get3A_1248] {strides = array<i32>} : memref<32768xi32, #tpu.memory_space<vmem>>, vector<16xi32>,
      %mul3A_1250 = arith.constant 256 : i32
      %mul3A_1251 = arith.muli %sub3A_1189, %mul3A_1250 : i32
      %add3A_1252 = arith.constant 160 : i32
      %add3A_1253 = arith.addi %mul3A_1251, %add3A_1252 : i32
      %get3A_1254 = arith.index_cast %add3A_1253 : i32 to index
      %get3A_1255 = tpu.vector_load %arg6[%get3A_1254] {strides = array<i32>} : memref<32768xi32, #tpu.memory_space<vmem>>, vector<16xi32>,
      %mul3A_1256 = arith.constant 256 : i32
      %mul3A_1257 = arith.muli %sub3A_1189, %mul3A_1256 : i32
      %add3A_1258 = arith.constant 176 : i32
      %add3A_1259 = arith.addi %mul3A_1257, %add3A_1258 : i32
      %get3A_1260 = arith.index_cast %add3A_1259 : i32 to index
      %get3A_1261 = tpu.vector_load %arg6[%get3A_1260] {strides = array<i32>} : memref<32768xi32, #tpu.memory_space<vmem>>, vector<16xi32>,
      %mul3A_1262 = arith.constant 256 : i32
      %mul3A_1263 = arith.muli %sub3A_1189, %mul3A_1262 : i32
      %add3A_1264 = arith.constant 192 : i32
      %add3A_1265 = arith.addi %mul3A_1263, %add3A_1264 : i32
      %get3A_1266 = arith.index_cast %add3A_1265 : i32 to index
      %get3A_1267 = tpu.vector_load %arg6[%get3A_1266] {strides = array<i32>} : memref<32768xi32, #tpu.memory_space<vmem>>, vector<16xi32>,
      %mul3A_1268 = arith.constant 256 : i32
      %mul3A_1269 = arith.muli %sub3A_1189, %mul3A_1268 : i32
      %add3A_1270 = arith.constant 208 : i32
      %add3A_1271 = arith.addi %mul3A_1269, %add3A_1270 : i32
      %get3A_1272 = arith.index_cast %add3A_1271 : i32 to index
      %get3A_1273 = tpu.vector_load %arg6[%get3A_1272] {strides = array<i32>} : memref<32768xi32, #tpu.memory_space<vmem>>, vector<16xi32>,
      %mul3A_1274 = arith.constant 256 : i32
      %mul3A_1275 = arith.muli %sub3A_1189, %mul3A_1274 : i32
      %add3A_1276 = arith.constant 224 : i32
      %add3A_1277 = arith.addi %mul3A_1275, %add3A_1276 : i32
      %get3A_1278 = arith.index_cast %add3A_1277 : i32 to index
      %get3A_1279 = tpu.vector_load %arg6[%get3A_1278] {strides = array<i32>} : memref<32768xi32, #tpu.memory_space<vmem>>, vector<16xi32>,
      %mul3A_1280 = arith.constant 256 : i32
      %mul3A_1281 = arith.muli %sub3A_1189, %mul3A_1280 : i32
      %add3A_1282 = arith.constant 240 : i32
      %add3A_1283 = arith.addi %mul3A_1281, %add3A_1282 : i32
      %get3A_1284 = arith.index_cast %add3A_1283 : i32 to index
      %get3A_1285 = tpu.vector_load %arg6[%get3A_1284] {strides = array<i32>} : memref<32768xi32, #tpu.memory_space<vmem>>, vector<16xi32>,
      %add3A_1286 = arith.addi %get3A_1195, %get3A_1201 : vector<16xi32>
      %add3A_1287 = arith.addi %get3A_1207, %get3A_1213 : vector<16xi32>
      %add3A_1288 = arith.addi %get3A_1219, %get3A_1225 : vector<16xi32>
      %add3A_1289 = arith.addi %get3A_1231, %get3A_1237 : vector<16xi32>
      %add3A_1290 = arith.addi %get3A_1243, %get3A_1249 : vector<16xi32>
      %add3A_1291 = arith.addi %get3A_1255, %get3A_1261 : vector<16xi32>
      %add3A_1292 = arith.addi %get3A_1267, %get3A_1273 : vector<16xi32>
      %add3A_1293 = arith.addi %get3A_1279, %get3A_1285 : vector<16xi32>
      %add3A_1294 = arith.addi %add3A_1286, %add3A_1287 : vector<16xi32>
      %add3A_1295 = arith.addi %add3A_1288, %add3A_1289 : vector<16xi32>
      %add3A_1296 = arith.addi %add3A_1290, %add3A_1291 : vector<16xi32>
      %add3A_1297 = arith.addi %add3A_1292, %add3A_1293 : vector<16xi32>
      %add3A_1298 = arith.addi %add3A_1294, %add3A_1295 : vector<16xi32>
      %add3A_1299 = arith.addi %add3A_1296, %add3A_1297 : vector<16xi32>
      %add3A_1300 = arith.addi %add3A_1298, %add3A_1299 : vector<16xi32>
      %reduce_sum3A_1301 = arith.constant true
      %reduce_sum3A_1302 = vector.broadcast %reduce_sum3A_1301 : i1 to vector<16xi1>
      %reduce_sum3A_1303 = tpu.scan <sum>, %add3A_1300 masked %reduce_sum3A_1302 : vector<16xi32>, vector<16xi1> -> vector<16xi32>
      %reduce_sum3A_1304 = vector.extract %reduce_sum3A_1303[15] : i32 from vector<16xi32>
      %add3A_1305 = arith.addi %scan3A_1183, %reduce_sum3A_1304 : i32
      %lt3A = arith.constant 1645 : i32
      %lt3A_1306 = arith.cmpi slt, %scan3A_1183, %lt3A : i32
      %ge3A_1307 = arith.constant 1645 : i32
      %ge3A_1308 = arith.cmpi sge, %add3A_1305, %ge3A_1307 : i32
      %and3A_1309 = arith.andi %lt3A_1306, %ge3A_1308 : i1
      %lt3A_1310 = arith.constant 7 : i32
      %lt3A_1311 = arith.cmpi slt, %scan3A_1183, %lt3A_1310 : i32
      %ge3A_1312 = arith.constant 7 : i32
      %ge3A_1313 = arith.cmpi sge, %add3A_1305, %ge3A_1312 : i32
      %and3A_1314 = arith.andi %lt3A_1311, %ge3A_1313 : i1
      %select_n3A_1315 = arith.select %and3A_1309, %sub3A_1189, %scan3A_1184 : i32
      %select_n3A_1316 = arith.select %and3A_1309, %scan3A_1183, %scan3A_1185 : i32
      %select_n3A_1317 = arith.select %and3A_1314, %sub3A_1189, %scan3A_1186 : i32
      %select_n3A_1318 = arith.select %and3A_1314, %scan3A_1183, %scan3A_1187 : i32
      scf.yield %add3A_1305, %select_n3A_1315, %select_n3A_1316, %select_n3A_1317, %select_n3A_1318 : i32, i32, i32, i32, i32
    }
    %scan3A_321 = arith.constant 128 : i32
    %scan3A_322 = arith.constant 0 : i32
    %scan3A_323 = arith.constant 0 : i32
    %scan3A_324 = arith.constant 0 : i32
    %scan3A_325 = arith.constant 16 : i32
    %scan3A_326 = arith.addi %scan3A_324, %scan3A_325 : i32
    %scan3A_327 = arith.constant 1 : i32
    %scan3A_328:3 = scf.for %scan3A_1182 = %scan3A_324 to %scan3A_326 step %scan3A_327 iter_args(%scan3A_1183 = %scan3A_320#2, %scan3A_1184 = %scan3A_322, %scan3A_1185 = %scan3A_323) -> (i32, i32, i32)  : i32 {
      %sub3A_1186 = arith.constant 15 : i32
      %sub3A_1187 = arith.subi %sub3A_1186, %scan3A_1182 : i32
      %mul3A_1188 = arith.constant 256 : i32
      %mul3A_1189 = arith.muli %scan3A_320#1, %mul3A_1188 : i32
      %mul3A_1190 = arith.constant 16 : i32
      %mul3A_1191 = arith.muli %sub3A_1187, %mul3A_1190 : i32
      %add3A_1192 = arith.addi %mul3A_1189, %mul3A_1191 : i32
      %get3A_1193 = arith.index_cast %add3A_1192 : i32 to index
      %get3A_1194 = tpu.vector_load %arg6[%get3A_1193] {strides = array<i32>} : memref<32768xi32, #tpu.memory_space<vmem>>, vector<16xi32>,
      %reduce_sum3A_1195 = arith.constant true
      %reduce_sum3A_1196 = vector.broadcast %reduce_sum3A_1195 : i1 to vector<16xi1>
      %reduce_sum3A_1197 = tpu.scan <sum>, %get3A_1194 masked %reduce_sum3A_1196 : vector<16xi32>, vector<16xi1> -> vector<16xi32>
      %reduce_sum3A_1198 = vector.extract %reduce_sum3A_1197[15] : i32 from vector<16xi32>
      %add3A_1199 = arith.addi %scan3A_1183, %reduce_sum3A_1198 : i32
      %lt3A = arith.constant 1645 : i32
      %lt3A_1200 = arith.cmpi slt, %scan3A_1183, %lt3A : i32
      %ge3A_1201 = arith.constant 1645 : i32
      %ge3A_1202 = arith.cmpi sge, %add3A_1199, %ge3A_1201 : i32
      %and3A_1203 = arith.andi %lt3A_1200, %ge3A_1202 : i1
      %select_n3A_1204 = arith.select %and3A_1203, %sub3A_1187, %scan3A_1184 : i32
      %select_n3A_1205 = arith.select %and3A_1203, %scan3A_1183, %scan3A_1185 : i32
      scf.yield %add3A_1199, %select_n3A_1204, %select_n3A_1205 : i32, i32, i32
    }
    %scan3A_329 = arith.constant 16 : i32
    %mul3A_330 = arith.constant 256 : i32
    %mul3A_331 = arith.muli %scan3A_320#1, %mul3A_330 : i32
    %mul3A_332 = arith.constant 16 : i32
    %mul3A_333 = arith.muli %scan3A_328#1, %mul3A_332 : i32
    %add3A_334 = arith.addi %mul3A_331, %mul3A_333 : i32
    %get3A_335 = arith.index_cast %add3A_334 : i32 to index
    %get3A_336 = tpu.vector_load %arg6[%get3A_335] {strides = array<i32>} : memref<32768xi32, #tpu.memory_space<vmem>>, vector<16xi32>,
    %rev3A_337 = arith.constant 15 : i32
    %rev3A_338 = vector.broadcast %rev3A_337 : i32 to vector<16xi32>
    %rev3A_339 = tpu.iota {dimensions = array<i32: 0>} : vector<16xi32>
    %rev3A_340 = arith.subi %rev3A_338, %rev3A_339 : vector<16xi32>
    %rev3A_341 = tpu.dynamic_gather %get3A_336[%rev3A_340] in [0] : vector<16xi32>, vector<16xi32> -> vector<16xi32>
    %broadcast_in_dim3A_342 = arith.constant true
    %broadcast_in_dim3A_343 = vector.broadcast %broadcast_in_dim3A_342 : i1 to vector<16xi1>
    %masked_cumsum3A_344 = tpu.scan <sum>, %rev3A_341 masked %broadcast_in_dim3A_343 : vector<16xi32>, vector<16xi1> -> vector<16xi32>
    %rev3A_345 = arith.constant 15 : i32
    %rev3A_346 = vector.broadcast %rev3A_345 : i32 to vector<16xi32>
    %rev3A_347 = tpu.iota {dimensions = array<i32: 0>} : vector<16xi32>
    %rev3A_348 = arith.subi %rev3A_346, %rev3A_347 : vector<16xi32>
    %rev3A_349 = tpu.dynamic_gather %masked_cumsum3A_344[%rev3A_348] in [0] : vector<16xi32>, vector<16xi32> -> vector<16xi32>
    %add3A_350 = vector.broadcast %scan3A_328#2 : i32 to vector<16xi32>
    %add3A_351 = arith.addi %add3A_350, %rev3A_349 : vector<16xi32>
    %ge3A_352 = arith.constant 1645 : i32
    %ge3A_353 = vector.broadcast %ge3A_352 : i32 to vector<16xi32>
    %ge3A_354 = arith.cmpi sge, %add3A_351, %ge3A_353 : vector<16xi32>
    %all_reduce_population_count3A_355 = tpu.all_reduce %ge3A_354 {dim = 0 : i64, kind = #tpu.reduction_kind<sum>} : vector<16xi1> -> vector<16xi32>
    %sub3A_356 = arith.constant 1 : i32
    %sub3A_357 = vector.broadcast %sub3A_356 : i32 to vector<16xi32>
    %sub3A_358 = arith.subi %all_reduce_population_count3A_355, %sub3A_357 : vector<16xi32>
    %eq3A_359 = arith.cmpi eq, %iota3A, %sub3A_358 : vector<16xi32>
    %jit3A_360 = arith.constant 0 : i32
    %broadcast_in_dim3A_361 = vector.broadcast %jit3A_360 : i32 to vector<16xi32>
    %select_n3A_362 = arith.select %eq3A_359, %rev3A_349, %broadcast_in_dim3A_361 : vector<16xi1>, vector<16xi32>
    %reduce_sum3A_363 = arith.constant true
    %reduce_sum3A_364 = vector.broadcast %reduce_sum3A_363 : i1 to vector<16xi1>
    %reduce_sum3A_365 = tpu.scan <sum>, %select_n3A_362 masked %reduce_sum3A_364 : vector<16xi32>, vector<16xi1> -> vector<16xi32>
    %reduce_sum3A_366 = vector.extract %reduce_sum3A_365[15] : i32 from vector<16xi32>
    %eq3A_367 = arith.cmpi eq, %iota3A, %sub3A_358 : vector<16xi32>
    %jit3A_368 = arith.constant 0 : i32
    %broadcast_in_dim3A_369 = vector.broadcast %jit3A_368 : i32 to vector<16xi32>
    %select_n3A_370 = arith.select %eq3A_367, %get3A_336, %broadcast_in_dim3A_369 : vector<16xi1>, vector<16xi32>
    %reduce_sum3A_371 = arith.constant true
    %reduce_sum3A_372 = vector.broadcast %reduce_sum3A_371 : i1 to vector<16xi1>
    %reduce_sum3A_373 = tpu.scan <sum>, %select_n3A_370 masked %reduce_sum3A_372 : vector<16xi32>, vector<16xi1> -> vector<16xi32>
    %reduce_sum3A_374 = vector.extract %reduce_sum3A_373[15] : i32 from vector<16xi32>
    %add3A_375 = arith.addi %scan3A_328#2, %reduce_sum3A_366 : i32
    %sub3A_376 = arith.subi %add3A_375, %reduce_sum3A_374 : i32
    %sub3A_377 = arith.constant 1645 : i32
    %sub3A_378 = arith.subi %sub3A_377, %sub3A_376 : i32
    %mul3A_379 = arith.constant 256 : i32
    %mul3A_380 = arith.muli %scan3A_320#1, %mul3A_379 : i32
    %mul3A_381 = arith.constant 16 : i32
    %mul3A_382 = arith.muli %scan3A_328#1, %mul3A_381 : i32
    %add3A_383 = arith.addi %mul3A_380, %mul3A_382 : i32
    %add3A_384 = vector.broadcast %add3A_383 : i32 to vector<16xi32>
    %add3A_385 = arith.addi %add3A_384, %sub3A_358 : vector<16xi32>
    %broadcast_in_dim3A_386 = vector.broadcast %sub3A_378 : i32 to vector<16xi32>
    %scan3A_387 = arith.constant 0 : i32
    %scan3A_388 = arith.constant 0 : i32
    %scan3A_389 = arith.constant 0 : i32
    %scan3A_390 = arith.constant 16 : i32
    %scan3A_391 = arith.addi %scan3A_389, %scan3A_390 : i32
    %scan3A_392 = arith.constant 1 : i32
    %scan3A_393:3 = scf.for %scan3A_1182 = %scan3A_389 to %scan3A_391 step %scan3A_392 iter_args(%scan3A_1183 = %scan3A_320#4, %scan3A_1184 = %scan3A_387, %scan3A_1185 = %scan3A_388) -> (i32, i32, i32)  : i32 {
      %sub3A_1186 = arith.constant 15 : i32
      %sub3A_1187 = arith.subi %sub3A_1186, %scan3A_1182 : i32
      %mul3A_1188 = arith.constant 256 : i32
      %mul3A_1189 = arith.muli %scan3A_320#3, %mul3A_1188 : i32
      %mul3A_1190 = arith.constant 16 : i32
      %mul3A_1191 = arith.muli %sub3A_1187, %mul3A_1190 : i32
      %add3A_1192 = arith.addi %mul3A_1189, %mul3A_1191 : i32
      %get3A_1193 = arith.index_cast %add3A_1192 : i32 to index
      %get3A_1194 = tpu.vector_load %arg6[%get3A_1193] {strides = array<i32>} : memref<32768xi32, #tpu.memory_space<vmem>>, vector<16xi32>,
      %reduce_sum3A_1195 = arith.constant true
      %reduce_sum3A_1196 = vector.broadcast %reduce_sum3A_1195 : i1 to vector<16xi1>
      %reduce_sum3A_1197 = tpu.scan <sum>, %get3A_1194 masked %reduce_sum3A_1196 : vector<16xi32>, vector<16xi1> -> vector<16xi32>
      %reduce_sum3A_1198 = vector.extract %reduce_sum3A_1197[15] : i32 from vector<16xi32>
      %add3A_1199 = arith.addi %scan3A_1183, %reduce_sum3A_1198 : i32
      %lt3A = arith.constant 7 : i32
      %lt3A_1200 = arith.cmpi slt, %scan3A_1183, %lt3A : i32
      %ge3A_1201 = arith.constant 7 : i32
      %ge3A_1202 = arith.cmpi sge, %add3A_1199, %ge3A_1201 : i32
      %and3A_1203 = arith.andi %lt3A_1200, %ge3A_1202 : i1
      %select_n3A_1204 = arith.select %and3A_1203, %sub3A_1187, %scan3A_1184 : i32
      %select_n3A_1205 = arith.select %and3A_1203, %scan3A_1183, %scan3A_1185 : i32
      scf.yield %add3A_1199, %select_n3A_1204, %select_n3A_1205 : i32, i32, i32
    }
    %scan3A_394 = arith.constant 16 : i32
    %mul3A_395 = arith.constant 256 : i32
    %mul3A_396 = arith.muli %scan3A_320#3, %mul3A_395 : i32
    %mul3A_397 = arith.constant 16 : i32
    %mul3A_398 = arith.muli %scan3A_393#1, %mul3A_397 : i32
    %add3A_399 = arith.addi %mul3A_396, %mul3A_398 : i32
    %get3A_400 = arith.index_cast %add3A_399 : i32 to index
    %get3A_401 = tpu.vector_load %arg6[%get3A_400] {strides = array<i32>} : memref<32768xi32, #tpu.memory_space<vmem>>, vector<16xi32>,
    %rev3A_402 = arith.constant 15 : i32
    %rev3A_403 = vector.broadcast %rev3A_402 : i32 to vector<16xi32>
    %rev3A_404 = tpu.iota {dimensions = array<i32: 0>} : vector<16xi32>
    %rev3A_405 = arith.subi %rev3A_403, %rev3A_404 : vector<16xi32>
    %rev3A_406 = tpu.dynamic_gather %get3A_401[%rev3A_405] in [0] : vector<16xi32>, vector<16xi32> -> vector<16xi32>
    %broadcast_in_dim3A_407 = arith.constant true
    %broadcast_in_dim3A_408 = vector.broadcast %broadcast_in_dim3A_407 : i1 to vector<16xi1>
    %masked_cumsum3A_409 = tpu.scan <sum>, %rev3A_406 masked %broadcast_in_dim3A_408 : vector<16xi32>, vector<16xi1> -> vector<16xi32>
    %rev3A_410 = arith.constant 15 : i32
    %rev3A_411 = vector.broadcast %rev3A_410 : i32 to vector<16xi32>
    %rev3A_412 = tpu.iota {dimensions = array<i32: 0>} : vector<16xi32>
    %rev3A_413 = arith.subi %rev3A_411, %rev3A_412 : vector<16xi32>
    %rev3A_414 = tpu.dynamic_gather %masked_cumsum3A_409[%rev3A_413] in [0] : vector<16xi32>, vector<16xi32> -> vector<16xi32>
    %add3A_415 = vector.broadcast %scan3A_393#2 : i32 to vector<16xi32>
    %add3A_416 = arith.addi %add3A_415, %rev3A_414 : vector<16xi32>
    %ge3A_417 = arith.constant 7 : i32
    %ge3A_418 = vector.broadcast %ge3A_417 : i32 to vector<16xi32>
    %ge3A_419 = arith.cmpi sge, %add3A_416, %ge3A_418 : vector<16xi32>
    %all_reduce_population_count3A_420 = tpu.all_reduce %ge3A_419 {dim = 0 : i64, kind = #tpu.reduction_kind<sum>} : vector<16xi1> -> vector<16xi32>
    %sub3A_421 = arith.constant 1 : i32
    %sub3A_422 = vector.broadcast %sub3A_421 : i32 to vector<16xi32>
    %sub3A_423 = arith.subi %all_reduce_population_count3A_420, %sub3A_422 : vector<16xi32>
    %eq3A_424 = arith.cmpi eq, %iota3A, %sub3A_423 : vector<16xi32>
    %jit3A_425 = arith.constant 0 : i32
    %broadcast_in_dim3A_426 = vector.broadcast %jit3A_425 : i32 to vector<16xi32>
    %select_n3A_427 = arith.select %eq3A_424, %rev3A_414, %broadcast_in_dim3A_426 : vector<16xi1>, vector<16xi32>
    %reduce_sum3A_428 = arith.constant true
    %reduce_sum3A_429 = vector.broadcast %reduce_sum3A_428 : i1 to vector<16xi1>
    %reduce_sum3A_430 = tpu.scan <sum>, %select_n3A_427 masked %reduce_sum3A_429 : vector<16xi32>, vector<16xi1> -> vector<16xi32>
    %reduce_sum3A_431 = vector.extract %reduce_sum3A_430[15] : i32 from vector<16xi32>
    %eq3A_432 = arith.cmpi eq, %iota3A, %sub3A_423 : vector<16xi32>
    %jit3A_433 = arith.constant 0 : i32
    %broadcast_in_dim3A_434 = vector.broadcast %jit3A_433 : i32 to vector<16xi32>
    %select_n3A_435 = arith.select %eq3A_432, %get3A_401, %broadcast_in_dim3A_434 : vector<16xi1>, vector<16xi32>
    %reduce_sum3A_436 = arith.constant true
    %reduce_sum3A_437 = vector.broadcast %reduce_sum3A_436 : i1 to vector<16xi1>
    %reduce_sum3A_438 = tpu.scan <sum>, %select_n3A_435 masked %reduce_sum3A_437 : vector<16xi32>, vector<16xi1> -> vector<16xi32>
    %reduce_sum3A_439 = vector.extract %reduce_sum3A_438[15] : i32 from vector<16xi32>
    %add3A_440 = arith.addi %scan3A_393#2, %reduce_sum3A_431 : i32
    %sub3A_441 = arith.subi %add3A_440, %reduce_sum3A_439 : i32
    %sub3A_442 = arith.constant 7 : i32
    %sub3A_443 = arith.subi %sub3A_442, %sub3A_441 : i32
    %mul3A_444 = arith.constant 256 : i32
    %mul3A_445 = arith.muli %scan3A_320#3, %mul3A_444 : i32
    %mul3A_446 = arith.constant 16 : i32
    %mul3A_447 = arith.muli %scan3A_393#1, %mul3A_446 : i32
    %add3A_448 = arith.addi %mul3A_445, %mul3A_447 : i32
    %add3A_449 = vector.broadcast %add3A_448 : i32 to vector<16xi32>
    %add3A_450 = arith.addi %add3A_449, %sub3A_423 : vector<16xi32>
    %broadcast_in_dim3A_451 = vector.broadcast %sub3A_443 : i32 to vector<16xi32>
    %gather3A_452 = tpu.vector_load_idx %arg6[%add3A_450] : memref<32768xi32, #tpu.memory_space<vmem>>[vector<16xi32>], vector<16xi32>,
    %eq3A_453 = arith.cmpi eq, %add3A_385, %add3A_450 : vector<16xi32>
    %jit3A_454 = arith.constant 0 : i32
    %broadcast_in_dim3A_455 = vector.broadcast %jit3A_454 : i32 to vector<16xi32>
    %select_n3A_456 = arith.select %eq3A_453, %broadcast_in_dim3A_455, %gather3A_452 : vector<16xi1>, vector<16xi32>
    %gather3A_457 = tpu.vector_load_idx %arg6[%add3A_385] : memref<32768xi32, #tpu.memory_space<vmem>>[vector<16xi32>], vector<16xi32>,
    %add3A_458 = arith.addi %gather3A_457, %select_n3A_456 : vector<16xi32>
    %parallel_loop3A_459 = arith.constant 0 : i32
    %parallel_loop3A_460 = arith.constant 2048 : i32
    %parallel_loop3A_461 = arith.constant 1 : i32
    %parallel_loop3A_462 = scf.for %parallel_loop3A_1182 = %parallel_loop3A_459 to %parallel_loop3A_460 step %parallel_loop3A_461 iter_args(%parallel_loop3A_1183 = %broadcast_in_dim3A_5) -> (vector<16xi32>)  : i32 {
      %parallel_loop3A_1184 = arith.constant 16 : i32
      %parallel_loop3A_1185 = arith.muli %parallel_loop3A_1182, %parallel_loop3A_1184 : i32
      %parallel_loop3A_1186 = arith.index_cast %parallel_loop3A_1185 : i32 to index
      %parallel_loop3A_1187 = tpu.vector_load %arg5[%parallel_loop3A_1186] {strides = array<i32>} : memref<32768xf32, #tpu.memory_space<vmem>>, vector<16xf32>,
      %parallel_loop3A_1188 = tpu.bitcast %parallel_loop3A_1187 : vector<16xf32> -> vector<16xi32>
      %parallel_loop3A_1189 = arith.constant 0 : i32
      %parallel_loop3A_1190 = vector.broadcast %parallel_loop3A_1189 : i32 to vector<16xi32>
      %parallel_loop3A_1191 = arith.cmpi sge, %parallel_loop3A_1188, %parallel_loop3A_1190 : vector<16xi32>
      %parallel_loop3A_1192 = arith.constant 2147483647 : i32
      %parallel_loop3A_1193 = vector.broadcast %parallel_loop3A_1192 : i32 to vector<16xi32>
      %parallel_loop3A_1194 = arith.xori %parallel_loop3A_1188, %parallel_loop3A_1193 : vector<16xi32>
      %parallel_loop3A_1195 = arith.select %parallel_loop3A_1191, %parallel_loop3A_1188, %parallel_loop3A_1194 : vector<16xi1>, vector<16xi32>
      %parallel_loop3A_1196 = arith.constant 17 : i32
      %parallel_loop3A_1197 = vector.broadcast %parallel_loop3A_1196 : i32 to vector<16xi32>
      %parallel_loop3A_1198 = arith.shrsi %parallel_loop3A_1195, %parallel_loop3A_1197 : vector<16xi32>
      %parallel_loop3A_1199 = arith.constant 16384 : i32
      %parallel_loop3A_1200 = vector.broadcast %parallel_loop3A_1199 : i32 to vector<16xi32>
      %parallel_loop3A_1201 = arith.addi %parallel_loop3A_1198, %parallel_loop3A_1200 : vector<16xi32>
      %parallel_loop3A_1202 = arith.cmpi eq, %parallel_loop3A_1201, %add3A_385 : vector<16xi32>
      %parallel_loop3A_1203 = arith.cmpi eq, %parallel_loop3A_1201, %add3A_450 : vector<16xi32>
      %parallel_loop3A_1204 = arith.ori %parallel_loop3A_1202, %parallel_loop3A_1203 : vector<16xi1>
      %parallel_loop3A_1205 = arith.extui %parallel_loop3A_1204 : vector<16xi1> to vector<16xi32>
      %parallel_loop3A_1206 = arith.constant true
      %parallel_loop3A_1207 = vector.broadcast %parallel_loop3A_1206 : i1 to vector<16xi1>
      %parallel_loop3A_1208 = tpu.scan <sum>, %parallel_loop3A_1205 masked %parallel_loop3A_1207 : vector<16xi32>, vector<16xi1> -> vector<16xi32>
      %parallel_loop3A_1209 = arith.constant 1 : i32
      %parallel_loop3A_1210 = vector.broadcast %parallel_loop3A_1209 : i32 to vector<16xi32>
      %parallel_loop3A_1211 = arith.subi %parallel_loop3A_1208, %parallel_loop3A_1210 : vector<16xi32>
      %parallel_loop3A_1212 = arith.addi %parallel_loop3A_1211, %parallel_loop3A_1183 : vector<16xi32>
      %parallel_loop3A_1213 = arith.constant 0 : i32
      %parallel_loop3A_1214 = vector.broadcast %parallel_loop3A_1213 : i32 to vector<16xi32>
      %parallel_loop3A_1215 = arith.select %parallel_loop3A_1204, %parallel_loop3A_1212, %parallel_loop3A_1214 : vector<16xi1>, vector<16xi32>
      tpu.vector_store_idx %arg6[%parallel_loop3A_1215], %parallel_loop3A_1195 masked %parallel_loop3A_1204 : memref<32768xi32, #tpu.memory_space<vmem>>[vector<16xi32>], vector<16xi32>, vector<16xi1>
      %parallel_loop3A_1216 = tpu.all_reduce %parallel_loop3A_1204 {dim = 0 : i64, kind = #tpu.reduction_kind<sum>} : vector<16xi1> -> vector<16xi32>
      %parallel_loop3A_1217 = arith.addi %parallel_loop3A_1183, %parallel_loop3A_1216 : vector<16xi32>
      scf.yield %parallel_loop3A_1217 : vector<16xi32>
    } {sc.loop_unroll_factor = 8 : i64, sc.parallel_access}
    %add3A_463 = arith.addi %broadcast_in_dim3A_386, %select_n3A_456 : vector<16xi32>
    %reduce_max3A_464 = arith.constant true
    %reduce_max3A_465 = vector.broadcast %reduce_max3A_464 : i1 to vector<16xi1>
    %reduce_max3A_466 = arith.constant -2147483648 : i32
    %reduce_max3A_467 = vector.broadcast %reduce_max3A_466 : i32 to vector<16xi32>
    %reduce_max3A_468 = arith.xori %add3A_458, %reduce_max3A_467 : vector<16xi32>
    %reduce_max3A_469 = tpu.scan <max>, %reduce_max3A_468 masked %reduce_max3A_465 : vector<16xi32>, vector<16xi1> -> vector<16xi32>
    %reduce_max3A_470 = arith.xori %reduce_max3A_469, %reduce_max3A_467 : vector<16xi32>
    %reduce_max3A_471 = vector.extract %reduce_max3A_470[15] : i32 from vector<16xi32>
    %add3A_472 = arith.constant 16 : i32
    %add3A_473 = arith.addi %reduce_max3A_471, %add3A_472 : i32
    %sub3A_474 = arith.constant 1 : i32
    %sub3A_475 = arith.subi %add3A_473, %sub3A_474 : i32
    %jit3A_476 = arith.constant 16 : i32
    %div3A_477 = arith.divsi %sub3A_475, %jit3A_476 : i32
    %sign3A_478 = arith.constant 0 : i32
    %sign3A_479 = arith.cmpi sgt, %sub3A_475, %sign3A_478 : i32
    %sign3A_480 = arith.extui %sign3A_479 : i1 to i32
    %sign3A_481 = arith.constant 0 : i32
    %sign3A_482 = arith.cmpi slt, %sub3A_475, %sign3A_481 : i32
    %sign3A_483 = arith.extui %sign3A_482 : i1 to i32
    %sign3A_484 = arith.subi %sign3A_480, %sign3A_483 : i32
    %sign3A_485 = arith.constant 0 : i32
    %sign3A_486 = arith.cmpi sgt, %jit3A_476, %sign3A_485 : i32
    %sign3A_487 = arith.extui %sign3A_486 : i1 to i32
    %sign3A_488 = arith.constant 0 : i32
    %sign3A_489 = arith.cmpi slt, %jit3A_476, %sign3A_488 : i32
    %sign3A_490 = arith.extui %sign3A_489 : i1 to i32
    %sign3A_491 = arith.subi %sign3A_487, %sign3A_490 : i32
    %ne3A_492 = arith.cmpi ne, %sign3A_484, %sign3A_491 : i32
    %rem3A_493 = arith.remsi %sub3A_475, %jit3A_476 : i32
    %ne3A_494 = arith.constant 0 : i32
    %ne3A_495 = arith.cmpi ne, %rem3A_493, %ne3A_494 : i32
    %and3A_496 = arith.andi %ne3A_492, %ne3A_495 : i1
    %sub3A_497 = arith.constant 1 : i32
    %sub3A_498 = arith.subi %div3A_477, %sub3A_497 : i32
    %select_n3A_499 = arith.select %and3A_496, %sub3A_498, %div3A_477 : i32
    %sub3A_500 = arith.constant 16384 : i32
    %sub3A_501 = vector.broadcast %sub3A_500 : i32 to vector<16xi32>
    %sub3A_502 = arith.subi %add3A_385, %sub3A_501 : vector<16xi32>
    %mul3A_503 = arith.constant 131072 : i32
    %mul3A_504 = vector.broadcast %mul3A_503 : i32 to vector<16xi32>
    %mul3A_505 = arith.muli %sub3A_502, %mul3A_504 : vector<16xi32>
    %scan3A_506 = arith.constant 0 : i32
    %scan3A_507 = arith.constant 17 : i32
    %scan3A_508 = arith.addi %scan3A_506, %scan3A_507 : i32
    %scan3A_509 = arith.constant 1 : i32
    %scan3A_510 = scf.for %scan3A_1182 = %scan3A_506 to %scan3A_508 step %scan3A_509 iter_args(%scan3A_1183 = %broadcast_in_dim3A_5) -> (vector<16xi32>)  : i32 {
      %sub3A_1184 = arith.constant 16 : i32
      %sub3A_1185 = arith.subi %sub3A_1184, %scan3A_1182 : i32
      %broadcast_in_dim3A_1186 = vector.broadcast %sub3A_1185 : i32 to vector<16xi32>
      %shift_left3A = arith.shli %broadcast_in_dim3A_3, %broadcast_in_dim3A_1186 : vector<16xi32>
      %or3A = arith.ori %scan3A_1183, %shift_left3A : vector<16xi32>
      %add3A_1187 = arith.addi %mul3A_505, %or3A : vector<16xi32>
      %while3A = arith.constant 0 : i32
      %while3A_1188 = arith.subi %select_n3A_499, %while3A : i32
      %while3A_1189 = arith.addi %while3A, %while3A_1188 : i32
      %while3A_1190 = arith.constant 1 : i32
      %while3A_1191 = arith.divsi %while3A_1188, %while3A_1190 : i32
      %while3A_1192 = arith.muli %while3A_1191, %while3A_1190 : i32
      %while3A_1193 = arith.addi %while3A, %while3A_1192 : i32
      %while3A_1194 = arith.constant 1 : i32
      %while3A_1195 = scf.for %while3A_1201 = %while3A to %while3A_1193 step %while3A_1194 iter_args(%while3A_1202 = %broadcast_in_dim3A_5) -> (vector<16xi32>)  : i32 {
        %mul3A_1203 = arith.constant 16 : i32
        %mul3A_1204 = arith.muli %while3A_1201, %mul3A_1203 : i32
        %get3A_1205 = arith.index_cast %mul3A_1204 : i32 to index
        %get3A_1206 = tpu.vector_load %arg6[%get3A_1205] {strides = array<i32>} : memref<32768xi32, #tpu.memory_space<vmem>>, vector<16xi32>,
        %ge3A_1207 = arith.cmpi sge, %get3A_1206, %add3A_1187 : vector<16xi32>
        %mul3A_1208 = arith.constant 16 : i32
        %mul3A_1209 = arith.muli %while3A_1201, %mul3A_1208 : i32
        %add3A_1210 = vector.broadcast %mul3A_1209 : i32 to vector<16xi32>
        %add3A_1211 = arith.addi %add3A_1210, %iota3A : vector<16xi32>
        %lt3A = arith.cmpi slt, %add3A_1211, %add3A_458 : vector<16xi32>
        %and3A_1212 = arith.andi %ge3A_1207, %lt3A : vector<16xi1>
        %all_reduce_population_count3A_1213 = tpu.all_reduce %and3A_1212 {dim = 0 : i64, kind = #tpu.reduction_kind<sum>} : vector<16xi1> -> vector<16xi32>
        %add3A_1214 = arith.addi %while3A_1202, %all_reduce_population_count3A_1213 : vector<16xi32>
        scf.yield %add3A_1214 : vector<16xi32>
      }
      %while3A_1196 = arith.constant 1 : i32
      %while3A_1197 = scf.for %while3A_1201 = %while3A_1193 to %while3A_1189 step %while3A_1196 iter_args(%while3A_1202 = %while3A_1195) -> (vector<16xi32>)  : i32 {
        %mul3A_1203 = arith.constant 16 : i32
        %mul3A_1204 = arith.muli %while3A_1201, %mul3A_1203 : i32
        %get3A_1205 = arith.index_cast %mul3A_1204 : i32 to index
        %get3A_1206 = tpu.vector_load %arg6[%get3A_1205] {strides = array<i32>} : memref<32768xi32, #tpu.memory_space<vmem>>, vector<16xi32>,
        %ge3A_1207 = arith.cmpi sge, %get3A_1206, %add3A_1187 : vector<16xi32>
        %mul3A_1208 = arith.constant 16 : i32
        %mul3A_1209 = arith.muli %while3A_1201, %mul3A_1208 : i32
        %add3A_1210 = vector.broadcast %mul3A_1209 : i32 to vector<16xi32>
        %add3A_1211 = arith.addi %add3A_1210, %iota3A : vector<16xi32>
        %lt3A = arith.cmpi slt, %add3A_1211, %add3A_458 : vector<16xi32>
        %and3A_1212 = arith.andi %ge3A_1207, %lt3A : vector<16xi1>
        %all_reduce_population_count3A_1213 = tpu.all_reduce %and3A_1212 {dim = 0 : i64, kind = #tpu.reduction_kind<sum>} : vector<16xi1> -> vector<16xi32>
        %add3A_1214 = arith.addi %while3A_1202, %all_reduce_population_count3A_1213 : vector<16xi32>
        scf.yield %add3A_1214 : vector<16xi32>
      }
      %ge3A_1198 = arith.cmpi sge, %while3A_1197, %add3A_463 : vector<16xi32>
      %or3A_1199 = arith.ori %scan3A_1183, %shift_left3A : vector<16xi32>
      %select_n3A_1200 = arith.select %ge3A_1198, %or3A_1199, %scan3A_1183 : vector<16xi1>, vector<16xi32>
      scf.yield %select_n3A_1200 : vector<16xi32>
    }
    %scan3A_511 = arith.constant 17 : i32
    %add3A_512 = arith.addi %mul3A_505, %scan3A_510 : vector<16xi32>
    %ge3A_513 = arith.constant 0 : i32
    %ge3A_514 = vector.broadcast %ge3A_513 : i32 to vector<16xi32>
    %ge3A_515 = arith.cmpi sge, %add3A_512, %ge3A_514 : vector<16xi32>
    %xor3A_516 = arith.constant 2147483647 : i32
    %xor3A_517 = vector.broadcast %xor3A_516 : i32 to vector<16xi32>
    %xor3A_518 = arith.xori %add3A_512, %xor3A_517 : vector<16xi32>
    %select_n3A_519 = arith.select %ge3A_515, %add3A_512, %xor3A_518 : vector<16xi1>, vector<16xi32>
    %bitcast_convert_type3A_520 = tpu.bitcast %select_n3A_519 : vector<16xi32> -> vector<16xf32>
    %reduce_max3A_521 = arith.constant true
    %reduce_max3A_522 = vector.broadcast %reduce_max3A_521 : i1 to vector<16xi1>
    %reduce_max3A_523 = arith.constant -2147483648 : i32
    %reduce_max3A_524 = vector.broadcast %reduce_max3A_523 : i32 to vector<16xi32>
    %reduce_max3A_525 = arith.xori %add3A_458, %reduce_max3A_524 : vector<16xi32>
    %reduce_max3A_526 = tpu.scan <max>, %reduce_max3A_525 masked %reduce_max3A_522 : vector<16xi32>, vector<16xi1> -> vector<16xi32>
    %reduce_max3A_527 = arith.xori %reduce_max3A_526, %reduce_max3A_524 : vector<16xi32>
    %reduce_max3A_528 = vector.extract %reduce_max3A_527[15] : i32 from vector<16xi32>
    %add3A_529 = arith.constant 16 : i32
    %add3A_530 = arith.addi %reduce_max3A_528, %add3A_529 : i32
    %sub3A_531 = arith.constant 1 : i32
    %sub3A_532 = arith.subi %add3A_530, %sub3A_531 : i32
    %jit3A_533 = arith.constant 16 : i32
    %div3A_534 = arith.divsi %sub3A_532, %jit3A_533 : i32
    %sign3A_535 = arith.constant 0 : i32
    %sign3A_536 = arith.cmpi sgt, %sub3A_532, %sign3A_535 : i32
    %sign3A_537 = arith.extui %sign3A_536 : i1 to i32
    %sign3A_538 = arith.constant 0 : i32
    %sign3A_539 = arith.cmpi slt, %sub3A_532, %sign3A_538 : i32
    %sign3A_540 = arith.extui %sign3A_539 : i1 to i32
    %sign3A_541 = arith.subi %sign3A_537, %sign3A_540 : i32
    %sign3A_542 = arith.constant 0 : i32
    %sign3A_543 = arith.cmpi sgt, %jit3A_533, %sign3A_542 : i32
    %sign3A_544 = arith.extui %sign3A_543 : i1 to i32
    %sign3A_545 = arith.constant 0 : i32
    %sign3A_546 = arith.cmpi slt, %jit3A_533, %sign3A_545 : i32
    %sign3A_547 = arith.extui %sign3A_546 : i1 to i32
    %sign3A_548 = arith.subi %sign3A_544, %sign3A_547 : i32
    %ne3A_549 = arith.cmpi ne, %sign3A_541, %sign3A_548 : i32
    %rem3A_550 = arith.remsi %sub3A_532, %jit3A_533 : i32
    %ne3A_551 = arith.constant 0 : i32
    %ne3A_552 = arith.cmpi ne, %rem3A_550, %ne3A_551 : i32
    %and3A_553 = arith.andi %ne3A_549, %ne3A_552 : i1
    %sub3A_554 = arith.constant 1 : i32
    %sub3A_555 = arith.subi %div3A_534, %sub3A_554 : i32
    %select_n3A_556 = arith.select %and3A_553, %sub3A_555, %div3A_534 : i32
    %sub3A_557 = arith.constant 16384 : i32
    %sub3A_558 = vector.broadcast %sub3A_557 : i32 to vector<16xi32>
    %sub3A_559 = arith.subi %add3A_450, %sub3A_558 : vector<16xi32>
    %mul3A_560 = arith.constant 131072 : i32
    %mul3A_561 = vector.broadcast %mul3A_560 : i32 to vector<16xi32>
    %mul3A_562 = arith.muli %sub3A_559, %mul3A_561 : vector<16xi32>
    %scan3A_563 = arith.constant 0 : i32
    %scan3A_564 = arith.constant 17 : i32
    %scan3A_565 = arith.addi %scan3A_563, %scan3A_564 : i32
    %scan3A_566 = arith.constant 1 : i32
    %scan3A_567 = scf.for %scan3A_1182 = %scan3A_563 to %scan3A_565 step %scan3A_566 iter_args(%scan3A_1183 = %broadcast_in_dim3A_5) -> (vector<16xi32>)  : i32 {
      %sub3A_1184 = arith.constant 16 : i32
      %sub3A_1185 = arith.subi %sub3A_1184, %scan3A_1182 : i32
      %broadcast_in_dim3A_1186 = vector.broadcast %sub3A_1185 : i32 to vector<16xi32>
      %shift_left3A = arith.shli %broadcast_in_dim3A_3, %broadcast_in_dim3A_1186 : vector<16xi32>
      %or3A = arith.ori %scan3A_1183, %shift_left3A : vector<16xi32>
      %add3A_1187 = arith.addi %mul3A_562, %or3A : vector<16xi32>
      %while3A = arith.constant 0 : i32
      %while3A_1188 = arith.subi %select_n3A_556, %while3A : i32
      %while3A_1189 = arith.addi %while3A, %while3A_1188 : i32
      %while3A_1190 = arith.constant 1 : i32
      %while3A_1191 = arith.divsi %while3A_1188, %while3A_1190 : i32
      %while3A_1192 = arith.muli %while3A_1191, %while3A_1190 : i32
      %while3A_1193 = arith.addi %while3A, %while3A_1192 : i32
      %while3A_1194 = arith.constant 1 : i32
      %while3A_1195 = scf.for %while3A_1201 = %while3A to %while3A_1193 step %while3A_1194 iter_args(%while3A_1202 = %broadcast_in_dim3A_5) -> (vector<16xi32>)  : i32 {
        %mul3A_1203 = arith.constant 16 : i32
        %mul3A_1204 = arith.muli %while3A_1201, %mul3A_1203 : i32
        %get3A_1205 = arith.index_cast %mul3A_1204 : i32 to index
        %get3A_1206 = tpu.vector_load %arg6[%get3A_1205] {strides = array<i32>} : memref<32768xi32, #tpu.memory_space<vmem>>, vector<16xi32>,
        %ge3A_1207 = arith.cmpi sge, %get3A_1206, %add3A_1187 : vector<16xi32>
        %mul3A_1208 = arith.constant 16 : i32
        %mul3A_1209 = arith.muli %while3A_1201, %mul3A_1208 : i32
        %add3A_1210 = vector.broadcast %mul3A_1209 : i32 to vector<16xi32>
        %add3A_1211 = arith.addi %add3A_1210, %iota3A : vector<16xi32>
        %lt3A = arith.cmpi slt, %add3A_1211, %add3A_458 : vector<16xi32>
        %and3A_1212 = arith.andi %ge3A_1207, %lt3A : vector<16xi1>
        %all_reduce_population_count3A_1213 = tpu.all_reduce %and3A_1212 {dim = 0 : i64, kind = #tpu.reduction_kind<sum>} : vector<16xi1> -> vector<16xi32>
        %add3A_1214 = arith.addi %while3A_1202, %all_reduce_population_count3A_1213 : vector<16xi32>
        scf.yield %add3A_1214 : vector<16xi32>
      }
      %while3A_1196 = arith.constant 1 : i32
      %while3A_1197 = scf.for %while3A_1201 = %while3A_1193 to %while3A_1189 step %while3A_1196 iter_args(%while3A_1202 = %while3A_1195) -> (vector<16xi32>)  : i32 {
        %mul3A_1203 = arith.constant 16 : i32
        %mul3A_1204 = arith.muli %while3A_1201, %mul3A_1203 : i32
        %get3A_1205 = arith.index_cast %mul3A_1204 : i32 to index
        %get3A_1206 = tpu.vector_load %arg6[%get3A_1205] {strides = array<i32>} : memref<32768xi32, #tpu.memory_space<vmem>>, vector<16xi32>,
        %ge3A_1207 = arith.cmpi sge, %get3A_1206, %add3A_1187 : vector<16xi32>
        %mul3A_1208 = arith.constant 16 : i32
        %mul3A_1209 = arith.muli %while3A_1201, %mul3A_1208 : i32
        %add3A_1210 = vector.broadcast %mul3A_1209 : i32 to vector<16xi32>
        %add3A_1211 = arith.addi %add3A_1210, %iota3A : vector<16xi32>
        %lt3A = arith.cmpi slt, %add3A_1211, %add3A_458 : vector<16xi32>
        %and3A_1212 = arith.andi %ge3A_1207, %lt3A : vector<16xi1>
        %all_reduce_population_count3A_1213 = tpu.all_reduce %and3A_1212 {dim = 0 : i64, kind = #tpu.reduction_kind<sum>} : vector<16xi1> -> vector<16xi32>
        %add3A_1214 = arith.addi %while3A_1202, %all_reduce_population_count3A_1213 : vector<16xi32>
        scf.yield %add3A_1214 : vector<16xi32>
      }
      %ge3A_1198 = arith.cmpi sge, %while3A_1197, %broadcast_in_dim3A_451 : vector<16xi32>
      %or3A_1199 = arith.ori %scan3A_1183, %shift_left3A : vector<16xi32>
      %select_n3A_1200 = arith.select %ge3A_1198, %or3A_1199, %scan3A_1183 : vector<16xi1>, vector<16xi32>
      scf.yield %select_n3A_1200 : vector<16xi32>
    }
    %scan3A_568 = arith.constant 17 : i32
    %add3A_569 = arith.addi %mul3A_562, %scan3A_567 : vector<16xi32>
    %ge3A_570 = arith.constant 0 : i32
    %ge3A_571 = vector.broadcast %ge3A_570 : i32 to vector<16xi32>
    %ge3A_572 = arith.cmpi sge, %add3A_569, %ge3A_571 : vector<16xi32>
    %xor3A_573 = arith.constant 2147483647 : i32
    %xor3A_574 = vector.broadcast %xor3A_573 : i32 to vector<16xi32>
    %xor3A_575 = arith.xori %add3A_569, %xor3A_574 : vector<16xi32>
    %select_n3A_576 = arith.select %ge3A_572, %add3A_569, %xor3A_575 : vector<16xi1>, vector<16xi32>
    %bitcast_convert_type3A_577 = tpu.bitcast %select_n3A_576 : vector<16xi32> -> vector<16xf32>
    %eq3A_578 = arith.constant 0 : i32
    %eq3A_579 = vector.broadcast %eq3A_578 : i32 to vector<16xi32>
    %eq3A_580 = arith.cmpi eq, %iota3A, %eq3A_579 : vector<16xi32>
    %eq3A_581 = arith.constant 1 : i32
    %eq3A_582 = vector.broadcast %eq3A_581 : i32 to vector<16xi32>
    %eq3A_583 = arith.cmpi eq, %iota3A, %eq3A_582 : vector<16xi32>
    %jit3A_584 = arith.constant 0.000000e+00 : f32
    %broadcast_in_dim3A_585 = vector.broadcast %jit3A_584 : f32 to vector<16xf32>
    %select_n3A_586 = arith.select %eq3A_583, %bitcast_convert_type3A_577, %broadcast_in_dim3A_585 : vector<16xi1>, vector<16xf32>
    %select_n3A_587 = arith.select %eq3A_580, %bitcast_convert_type3A_520, %select_n3A_586 : vector<16xi1>, vector<16xf32>
    %swap3A_588 = arith.constant 16 : index
    %swap3A_589 = tpu.vector_load %arg7[%swap3A_588] {strides = array<i32>} : memref<64xf32, #tpu.memory_space<vmem>>, vector<16xf32>,
    tpu.vector_store %arg7[%swap3A_588], %select_n3A_587 {strides = array<i32>} : memref<64xf32, #tpu.memory_space<vmem>>, vector<16xf32>,
    %dma_wait3A_590 = arith.constant 0 : i32
    %dma_wait3A_591 = tpu.memref_slice %arg2[%add3A_298, %dma_wait3A_590] : memref<128x32768xf32, #tpu.memory_space<hbm>> -> memref<1x32768xf32, #tpu.memory_space<hbm>>
    %dma_wait3A_592 = tpu.memref_squeeze %dma_wait3A_591 : memref<1x32768xf32, #tpu.memory_space<hbm>> -> memref<32768xf32, #tpu.memory_space<hbm>>
    %dma_wait3A_593 = arith.constant 0 : i32
    %dma_wait3A_594 = tpu.memref_slice %arg2[%add3A_298, %dma_wait3A_593] : memref<128x32768xf32, #tpu.memory_space<hbm>> -> memref<1x32768xf32, #tpu.memory_space<hbm>>
    %dma_wait3A_595 = tpu.memref_squeeze %dma_wait3A_594 : memref<1x32768xf32, #tpu.memory_space<hbm>> -> memref<32768xf32, #tpu.memory_space<hbm>>
    tpu.wait_dma2 semaphore(%arg8 : memref<!tpu.dma_semaphore, #tpu.memory_space<semaphore_mem>>) src(%dma_wait3A_595 : memref<32768xf32, #tpu.memory_space<hbm>>) dst(%arg4 : memref<32768xf32, #tpu.memory_space<vmem>>)
    %add3A_596 = arith.constant 2 : i32
    %add3A_597 = arith.addi %mul3A_2, %add3A_596 : i32
    %add3A_598 = arith.constant 1 : i32
    %add3A_599 = arith.addi %add3A_597, %add3A_598 : i32
    %dma_start3A_600 = arith.constant 0 : i32
    %dma_start3A_601 = tpu.memref_slice %arg2[%add3A_599, %dma_start3A_600] : memref<128x32768xf32, #tpu.memory_space<hbm>> -> memref<1x32768xf32, #tpu.memory_space<hbm>>
    %dma_start3A_602 = tpu.memref_squeeze %dma_start3A_601 : memref<1x32768xf32, #tpu.memory_space<hbm>> -> memref<32768xf32, #tpu.memory_space<hbm>>
    %dma_start3A_603 = arith.constant 0 : i32
    %dma_start3A_604 = tpu.memref_slice %arg2[%add3A_599, %dma_start3A_603] : memref<128x32768xf32, #tpu.memory_space<hbm>> -> memref<1x32768xf32, #tpu.memory_space<hbm>>
    %dma_start3A_605 = tpu.memref_squeeze %dma_start3A_604 : memref<1x32768xf32, #tpu.memory_space<hbm>> -> memref<32768xf32, #tpu.memory_space<hbm>>
    tpu.enqueue_dma source(%dma_start3A_605 : memref<32768xf32, #tpu.memory_space<hbm>>) target(%arg5 : memref<32768xf32, #tpu.memory_space<vmem>>) target_semaphore(%arg9 : memref<!tpu.dma_semaphore, #tpu.memory_space<semaphore_mem>>)
    %parallel_loop3A_606 = arith.constant 0 : i32
    %parallel_loop3A_607 = arith.constant 2048 : i32
    %parallel_loop3A_608 = arith.constant 1 : i32
    scf.for %parallel_loop3A_1182 = %parallel_loop3A_606 to %parallel_loop3A_607 step %parallel_loop3A_608  : i32 {
      %parallel_loop3A_1183 = arith.constant 16 : i32
      %parallel_loop3A_1184 = arith.muli %parallel_loop3A_1182, %parallel_loop3A_1183 : i32
      %parallel_loop3A_1185 = arith.index_cast %parallel_loop3A_1184 : i32 to index
      %parallel_loop3A_1186 = tpu.vector_load %arg6[%parallel_loop3A_1185] {strides = array<i32>} : memref<32768xi32, #tpu.memory_space<vmem>>, vector<16xi32>,
      tpu.vector_store %arg6[%parallel_loop3A_1185], %broadcast_in_dim3A_5 {strides = array<i32>} : memref<32768xi32, #tpu.memory_space<vmem>>, vector<16xi32>,
    } {sc.loop_unroll_factor = 8 : i64, sc.parallel_access}
    %parallel_loop3A_609 = arith.constant 0 : i32
    %parallel_loop3A_610 = arith.constant 2048 : i32
    %parallel_loop3A_611 = arith.constant 1 : i32
    scf.for %parallel_loop3A_1182 = %parallel_loop3A_609 to %parallel_loop3A_610 step %parallel_loop3A_611  : i32 {
      %parallel_loop3A_1183 = arith.constant 16 : i32
      %parallel_loop3A_1184 = arith.muli %parallel_loop3A_1182, %parallel_loop3A_1183 : i32
      %parallel_loop3A_1185 = arith.index_cast %parallel_loop3A_1184 : i32 to index
      %parallel_loop3A_1186 = tpu.vector_load %arg4[%parallel_loop3A_1185] {strides = array<i32>} : memref<32768xf32, #tpu.memory_space<vmem>>, vector<16xf32>,
      %parallel_loop3A_1187 = tpu.bitcast %parallel_loop3A_1186 : vector<16xf32> -> vector<16xi32>
      %parallel_loop3A_1188 = arith.constant 0 : i32
      %parallel_loop3A_1189 = vector.broadcast %parallel_loop3A_1188 : i32 to vector<16xi32>
      %parallel_loop3A_1190 = arith.cmpi sge, %parallel_loop3A_1187, %parallel_loop3A_1189 : vector<16xi32>
      %parallel_loop3A_1191 = arith.constant 2147483647 : i32
      %parallel_loop3A_1192 = vector.broadcast %parallel_loop3A_1191 : i32 to vector<16xi32>
      %parallel_loop3A_1193 = arith.xori %parallel_loop3A_1187, %parallel_loop3A_1192 : vector<16xi32>
      %parallel_loop3A_1194 = arith.select %parallel_loop3A_1190, %parallel_loop3A_1187, %parallel_loop3A_1193 : vector<16xi1>, vector<16xi32>
      %parallel_loop3A_1195 = arith.constant 17 : i32
      %parallel_loop3A_1196 = vector.broadcast %parallel_loop3A_1195 : i32 to vector<16xi32>
      %parallel_loop3A_1197 = arith.shrsi %parallel_loop3A_1194, %parallel_loop3A_1196 : vector<16xi32>
      %parallel_loop3A_1198 = arith.constant 16384 : i32
      %parallel_loop3A_1199 = vector.broadcast %parallel_loop3A_1198 : i32 to vector<16xi32>
      %parallel_loop3A_1200 = arith.addi %parallel_loop3A_1197, %parallel_loop3A_1199 : vector<16xi32>
      tpu.vector_store_idx %arg6[%parallel_loop3A_1200], %broadcast_in_dim3A_3 {add = true} : memref<32768xi32, #tpu.memory_space<vmem>>[vector<16xi32>], vector<16xi32>,
    } {sc.loop_unroll_factor = 8 : i64, sc.parallel_access}
    %scan3A_612 = arith.constant 0 : i32
    %scan3A_613 = arith.constant 0 : i32
    %scan3A_614 = arith.constant 0 : i32
    %scan3A_615 = arith.constant 0 : i32
    %scan3A_616 = arith.constant 0 : i32
    %scan3A_617 = arith.constant 0 : i32
    %scan3A_618 = arith.constant 128 : i32
    %scan3A_619 = arith.addi %scan3A_617, %scan3A_618 : i32
    %scan3A_620 = arith.constant 1 : i32
    %scan3A_621:5 = scf.for %scan3A_1182 = %scan3A_617 to %scan3A_619 step %scan3A_620 iter_args(%scan3A_1183 = %scan3A_612, %scan3A_1184 = %scan3A_613, %scan3A_1185 = %scan3A_614, %scan3A_1186 = %scan3A_615, %scan3A_1187 = %scan3A_616) -> (i32, i32, i32, i32, i32)  : i32 {
      %sub3A_1188 = arith.constant 127 : i32
      %sub3A_1189 = arith.subi %sub3A_1188, %scan3A_1182 : i32
      %mul3A_1190 = arith.constant 256 : i32
      %mul3A_1191 = arith.muli %sub3A_1189, %mul3A_1190 : i32
      %add3A_1192 = arith.constant 0 : i32
      %add3A_1193 = arith.addi %mul3A_1191, %add3A_1192 : i32
      %get3A_1194 = arith.index_cast %add3A_1193 : i32 to index
      %get3A_1195 = tpu.vector_load %arg6[%get3A_1194] {strides = array<i32>} : memref<32768xi32, #tpu.memory_space<vmem>>, vector<16xi32>,
      %mul3A_1196 = arith.constant 256 : i32
      %mul3A_1197 = arith.muli %sub3A_1189, %mul3A_1196 : i32
      %add3A_1198 = arith.constant 16 : i32
      %add3A_1199 = arith.addi %mul3A_1197, %add3A_1198 : i32
      %get3A_1200 = arith.index_cast %add3A_1199 : i32 to index
      %get3A_1201 = tpu.vector_load %arg6[%get3A_1200] {strides = array<i32>} : memref<32768xi32, #tpu.memory_space<vmem>>, vector<16xi32>,
      %mul3A_1202 = arith.constant 256 : i32
      %mul3A_1203 = arith.muli %sub3A_1189, %mul3A_1202 : i32
      %add3A_1204 = arith.constant 32 : i32
      %add3A_1205 = arith.addi %mul3A_1203, %add3A_1204 : i32
      %get3A_1206 = arith.index_cast %add3A_1205 : i32 to index
      %get3A_1207 = tpu.vector_load %arg6[%get3A_1206] {strides = array<i32>} : memref<32768xi32, #tpu.memory_space<vmem>>, vector<16xi32>,
      %mul3A_1208 = arith.constant 256 : i32
      %mul3A_1209 = arith.muli %sub3A_1189, %mul3A_1208 : i32
      %add3A_1210 = arith.constant 48 : i32
      %add3A_1211 = arith.addi %mul3A_1209, %add3A_1210 : i32
      %get3A_1212 = arith.index_cast %add3A_1211 : i32 to index
      %get3A_1213 = tpu.vector_load %arg6[%get3A_1212] {strides = array<i32>} : memref<32768xi32, #tpu.memory_space<vmem>>, vector<16xi32>,
      %mul3A_1214 = arith.constant 256 : i32
      %mul3A_1215 = arith.muli %sub3A_1189, %mul3A_1214 : i32
      %add3A_1216 = arith.constant 64 : i32
      %add3A_1217 = arith.addi %mul3A_1215, %add3A_1216 : i32
      %get3A_1218 = arith.index_cast %add3A_1217 : i32 to index
      %get3A_1219 = tpu.vector_load %arg6[%get3A_1218] {strides = array<i32>} : memref<32768xi32, #tpu.memory_space<vmem>>, vector<16xi32>,
      %mul3A_1220 = arith.constant 256 : i32
      %mul3A_1221 = arith.muli %sub3A_1189, %mul3A_1220 : i32
      %add3A_1222 = arith.constant 80 : i32
      %add3A_1223 = arith.addi %mul3A_1221, %add3A_1222 : i32
      %get3A_1224 = arith.index_cast %add3A_1223 : i32 to index
      %get3A_1225 = tpu.vector_load %arg6[%get3A_1224] {strides = array<i32>} : memref<32768xi32, #tpu.memory_space<vmem>>, vector<16xi32>,
      %mul3A_1226 = arith.constant 256 : i32
      %mul3A_1227 = arith.muli %sub3A_1189, %mul3A_1226 : i32
      %add3A_1228 = arith.constant 96 : i32
      %add3A_1229 = arith.addi %mul3A_1227, %add3A_1228 : i32
      %get3A_1230 = arith.index_cast %add3A_1229 : i32 to index
      %get3A_1231 = tpu.vector_load %arg6[%get3A_1230] {strides = array<i32>} : memref<32768xi32, #tpu.memory_space<vmem>>, vector<16xi32>,
      %mul3A_1232 = arith.constant 256 : i32
      %mul3A_1233 = arith.muli %sub3A_1189, %mul3A_1232 : i32
      %add3A_1234 = arith.constant 112 : i32
      %add3A_1235 = arith.addi %mul3A_1233, %add3A_1234 : i32
      %get3A_1236 = arith.index_cast %add3A_1235 : i32 to index
      %get3A_1237 = tpu.vector_load %arg6[%get3A_1236] {strides = array<i32>} : memref<32768xi32, #tpu.memory_space<vmem>>, vector<16xi32>,
      %mul3A_1238 = arith.constant 256 : i32
      %mul3A_1239 = arith.muli %sub3A_1189, %mul3A_1238 : i32
      %add3A_1240 = arith.constant 128 : i32
      %add3A_1241 = arith.addi %mul3A_1239, %add3A_1240 : i32
      %get3A_1242 = arith.index_cast %add3A_1241 : i32 to index
      %get3A_1243 = tpu.vector_load %arg6[%get3A_1242] {strides = array<i32>} : memref<32768xi32, #tpu.memory_space<vmem>>, vector<16xi32>,
      %mul3A_1244 = arith.constant 256 : i32
      %mul3A_1245 = arith.muli %sub3A_1189, %mul3A_1244 : i32
      %add3A_1246 = arith.constant 144 : i32
      %add3A_1247 = arith.addi %mul3A_1245, %add3A_1246 : i32
      %get3A_1248 = arith.index_cast %add3A_1247 : i32 to index
      %get3A_1249 = tpu.vector_load %arg6[%get3A_1248] {strides = array<i32>} : memref<32768xi32, #tpu.memory_space<vmem>>, vector<16xi32>,
      %mul3A_1250 = arith.constant 256 : i32
      %mul3A_1251 = arith.muli %sub3A_1189, %mul3A_1250 : i32
      %add3A_1252 = arith.constant 160 : i32
      %add3A_1253 = arith.addi %mul3A_1251, %add3A_1252 : i32
      %get3A_1254 = arith.index_cast %add3A_1253 : i32 to index
      %get3A_1255 = tpu.vector_load %arg6[%get3A_1254] {strides = array<i32>} : memref<32768xi32, #tpu.memory_space<vmem>>, vector<16xi32>,
      %mul3A_1256 = arith.constant 256 : i32
      %mul3A_1257 = arith.muli %sub3A_1189, %mul3A_1256 : i32
      %add3A_1258 = arith.constant 176 : i32
      %add3A_1259 = arith.addi %mul3A_1257, %add3A_1258 : i32
      %get3A_1260 = arith.index_cast %add3A_1259 : i32 to index
      %get3A_1261 = tpu.vector_load %arg6[%get3A_1260] {strides = array<i32>} : memref<32768xi32, #tpu.memory_space<vmem>>, vector<16xi32>,
      %mul3A_1262 = arith.constant 256 : i32
      %mul3A_1263 = arith.muli %sub3A_1189, %mul3A_1262 : i32
      %add3A_1264 = arith.constant 192 : i32
      %add3A_1265 = arith.addi %mul3A_1263, %add3A_1264 : i32
      %get3A_1266 = arith.index_cast %add3A_1265 : i32 to index
      %get3A_1267 = tpu.vector_load %arg6[%get3A_1266] {strides = array<i32>} : memref<32768xi32, #tpu.memory_space<vmem>>, vector<16xi32>,
      %mul3A_1268 = arith.constant 256 : i32
      %mul3A_1269 = arith.muli %sub3A_1189, %mul3A_1268 : i32
      %add3A_1270 = arith.constant 208 : i32
      %add3A_1271 = arith.addi %mul3A_1269, %add3A_1270 : i32
      %get3A_1272 = arith.index_cast %add3A_1271 : i32 to index
      %get3A_1273 = tpu.vector_load %arg6[%get3A_1272] {strides = array<i32>} : memref<32768xi32, #tpu.memory_space<vmem>>, vector<16xi32>,
      %mul3A_1274 = arith.constant 256 : i32
      %mul3A_1275 = arith.muli %sub3A_1189, %mul3A_1274 : i32
      %add3A_1276 = arith.constant 224 : i32
      %add3A_1277 = arith.addi %mul3A_1275, %add3A_1276 : i32
      %get3A_1278 = arith.index_cast %add3A_1277 : i32 to index
      %get3A_1279 = tpu.vector_load %arg6[%get3A_1278] {strides = array<i32>} : memref<32768xi32, #tpu.memory_space<vmem>>, vector<16xi32>,
      %mul3A_1280 = arith.constant 256 : i32
      %mul3A_1281 = arith.muli %sub3A_1189, %mul3A_1280 : i32
      %add3A_1282 = arith.constant 240 : i32
      %add3A_1283 = arith.addi %mul3A_1281, %add3A_1282 : i32
      %get3A_1284 = arith.index_cast %add3A_1283 : i32 to index
      %get3A_1285 = tpu.vector_load %arg6[%get3A_1284] {strides = array<i32>} : memref<32768xi32, #tpu.memory_space<vmem>>, vector<16xi32>,
      %add3A_1286 = arith.addi %get3A_1195, %get3A_1201 : vector<16xi32>
      %add3A_1287 = arith.addi %get3A_1207, %get3A_1213 : vector<16xi32>
      %add3A_1288 = arith.addi %get3A_1219, %get3A_1225 : vector<16xi32>
      %add3A_1289 = arith.addi %get3A_1231, %get3A_1237 : vector<16xi32>
      %add3A_1290 = arith.addi %get3A_1243, %get3A_1249 : vector<16xi32>
      %add3A_1291 = arith.addi %get3A_1255, %get3A_1261 : vector<16xi32>
      %add3A_1292 = arith.addi %get3A_1267, %get3A_1273 : vector<16xi32>
      %add3A_1293 = arith.addi %get3A_1279, %get3A_1285 : vector<16xi32>
      %add3A_1294 = arith.addi %add3A_1286, %add3A_1287 : vector<16xi32>
      %add3A_1295 = arith.addi %add3A_1288, %add3A_1289 : vector<16xi32>
      %add3A_1296 = arith.addi %add3A_1290, %add3A_1291 : vector<16xi32>
      %add3A_1297 = arith.addi %add3A_1292, %add3A_1293 : vector<16xi32>
      %add3A_1298 = arith.addi %add3A_1294, %add3A_1295 : vector<16xi32>
      %add3A_1299 = arith.addi %add3A_1296, %add3A_1297 : vector<16xi32>
      %add3A_1300 = arith.addi %add3A_1298, %add3A_1299 : vector<16xi32>
      %reduce_sum3A_1301 = arith.constant true
      %reduce_sum3A_1302 = vector.broadcast %reduce_sum3A_1301 : i1 to vector<16xi1>
      %reduce_sum3A_1303 = tpu.scan <sum>, %add3A_1300 masked %reduce_sum3A_1302 : vector<16xi32>, vector<16xi1> -> vector<16xi32>
      %reduce_sum3A_1304 = vector.extract %reduce_sum3A_1303[15] : i32 from vector<16xi32>
      %add3A_1305 = arith.addi %scan3A_1183, %reduce_sum3A_1304 : i32
      %lt3A = arith.constant 1645 : i32
      %lt3A_1306 = arith.cmpi slt, %scan3A_1183, %lt3A : i32
      %ge3A_1307 = arith.constant 1645 : i32
      %ge3A_1308 = arith.cmpi sge, %add3A_1305, %ge3A_1307 : i32
      %and3A_1309 = arith.andi %lt3A_1306, %ge3A_1308 : i1
      %lt3A_1310 = arith.constant 7 : i32
      %lt3A_1311 = arith.cmpi slt, %scan3A_1183, %lt3A_1310 : i32
      %ge3A_1312 = arith.constant 7 : i32
      %ge3A_1313 = arith.cmpi sge, %add3A_1305, %ge3A_1312 : i32
      %and3A_1314 = arith.andi %lt3A_1311, %ge3A_1313 : i1
      %select_n3A_1315 = arith.select %and3A_1309, %sub3A_1189, %scan3A_1184 : i32
      %select_n3A_1316 = arith.select %and3A_1309, %scan3A_1183, %scan3A_1185 : i32
      %select_n3A_1317 = arith.select %and3A_1314, %sub3A_1189, %scan3A_1186 : i32
      %select_n3A_1318 = arith.select %and3A_1314, %scan3A_1183, %scan3A_1187 : i32
      scf.yield %add3A_1305, %select_n3A_1315, %select_n3A_1316, %select_n3A_1317, %select_n3A_1318 : i32, i32, i32, i32, i32
    }
    %scan3A_622 = arith.constant 128 : i32
    %scan3A_623 = arith.constant 0 : i32
    %scan3A_624 = arith.constant 0 : i32
    %scan3A_625 = arith.constant 0 : i32
    %scan3A_626 = arith.constant 16 : i32
    %scan3A_627 = arith.addi %scan3A_625, %scan3A_626 : i32
    %scan3A_628 = arith.constant 1 : i32
    %scan3A_629:3 = scf.for %scan3A_1182 = %scan3A_625 to %scan3A_627 step %scan3A_628 iter_args(%scan3A_1183 = %scan3A_621#2, %scan3A_1184 = %scan3A_623, %scan3A_1185 = %scan3A_624) -> (i32, i32, i32)  : i32 {
      %sub3A_1186 = arith.constant 15 : i32
      %sub3A_1187 = arith.subi %sub3A_1186, %scan3A_1182 : i32
      %mul3A_1188 = arith.constant 256 : i32
      %mul3A_1189 = arith.muli %scan3A_621#1, %mul3A_1188 : i32
      %mul3A_1190 = arith.constant 16 : i32
      %mul3A_1191 = arith.muli %sub3A_1187, %mul3A_1190 : i32
      %add3A_1192 = arith.addi %mul3A_1189, %mul3A_1191 : i32
      %get3A_1193 = arith.index_cast %add3A_1192 : i32 to index
      %get3A_1194 = tpu.vector_load %arg6[%get3A_1193] {strides = array<i32>} : memref<32768xi32, #tpu.memory_space<vmem>>, vector<16xi32>,
      %reduce_sum3A_1195 = arith.constant true
      %reduce_sum3A_1196 = vector.broadcast %reduce_sum3A_1195 : i1 to vector<16xi1>
      %reduce_sum3A_1197 = tpu.scan <sum>, %get3A_1194 masked %reduce_sum3A_1196 : vector<16xi32>, vector<16xi1> -> vector<16xi32>
      %reduce_sum3A_1198 = vector.extract %reduce_sum3A_1197[15] : i32 from vector<16xi32>
      %add3A_1199 = arith.addi %scan3A_1183, %reduce_sum3A_1198 : i32
      %lt3A = arith.constant 1645 : i32
      %lt3A_1200 = arith.cmpi slt, %scan3A_1183, %lt3A : i32
      %ge3A_1201 = arith.constant 1645 : i32
      %ge3A_1202 = arith.cmpi sge, %add3A_1199, %ge3A_1201 : i32
      %and3A_1203 = arith.andi %lt3A_1200, %ge3A_1202 : i1
      %select_n3A_1204 = arith.select %and3A_1203, %sub3A_1187, %scan3A_1184 : i32
      %select_n3A_1205 = arith.select %and3A_1203, %scan3A_1183, %scan3A_1185 : i32
      scf.yield %add3A_1199, %select_n3A_1204, %select_n3A_1205 : i32, i32, i32
    }
    %scan3A_630 = arith.constant 16 : i32
    %mul3A_631 = arith.constant 256 : i32
    %mul3A_632 = arith.muli %scan3A_621#1, %mul3A_631 : i32
    %mul3A_633 = arith.constant 16 : i32
    %mul3A_634 = arith.muli %scan3A_629#1, %mul3A_633 : i32
    %add3A_635 = arith.addi %mul3A_632, %mul3A_634 : i32
    %get3A_636 = arith.index_cast %add3A_635 : i32 to index
    %get3A_637 = tpu.vector_load %arg6[%get3A_636] {strides = array<i32>} : memref<32768xi32, #tpu.memory_space<vmem>>, vector<16xi32>,
    %rev3A_638 = arith.constant 15 : i32
    %rev3A_639 = vector.broadcast %rev3A_638 : i32 to vector<16xi32>
    %rev3A_640 = tpu.iota {dimensions = array<i32: 0>} : vector<16xi32>
    %rev3A_641 = arith.subi %rev3A_639, %rev3A_640 : vector<16xi32>
    %rev3A_642 = tpu.dynamic_gather %get3A_637[%rev3A_641] in [0] : vector<16xi32>, vector<16xi32> -> vector<16xi32>
    %broadcast_in_dim3A_643 = arith.constant true
    %broadcast_in_dim3A_644 = vector.broadcast %broadcast_in_dim3A_643 : i1 to vector<16xi1>
    %masked_cumsum3A_645 = tpu.scan <sum>, %rev3A_642 masked %broadcast_in_dim3A_644 : vector<16xi32>, vector<16xi1> -> vector<16xi32>
    %rev3A_646 = arith.constant 15 : i32
    %rev3A_647 = vector.broadcast %rev3A_646 : i32 to vector<16xi32>
    %rev3A_648 = tpu.iota {dimensions = array<i32: 0>} : vector<16xi32>
    %rev3A_649 = arith.subi %rev3A_647, %rev3A_648 : vector<16xi32>
    %rev3A_650 = tpu.dynamic_gather %masked_cumsum3A_645[%rev3A_649] in [0] : vector<16xi32>, vector<16xi32> -> vector<16xi32>
    %add3A_651 = vector.broadcast %scan3A_629#2 : i32 to vector<16xi32>
    %add3A_652 = arith.addi %add3A_651, %rev3A_650 : vector<16xi32>
    %ge3A_653 = arith.constant 1645 : i32
    %ge3A_654 = vector.broadcast %ge3A_653 : i32 to vector<16xi32>
    %ge3A_655 = arith.cmpi sge, %add3A_652, %ge3A_654 : vector<16xi32>
    %all_reduce_population_count3A_656 = tpu.all_reduce %ge3A_655 {dim = 0 : i64, kind = #tpu.reduction_kind<sum>} : vector<16xi1> -> vector<16xi32>
    %sub3A_657 = arith.constant 1 : i32
    %sub3A_658 = vector.broadcast %sub3A_657 : i32 to vector<16xi32>
    %sub3A_659 = arith.subi %all_reduce_population_count3A_656, %sub3A_658 : vector<16xi32>
    %eq3A_660 = arith.cmpi eq, %iota3A, %sub3A_659 : vector<16xi32>
    %jit3A_661 = arith.constant 0 : i32
    %broadcast_in_dim3A_662 = vector.broadcast %jit3A_661 : i32 to vector<16xi32>
    %select_n3A_663 = arith.select %eq3A_660, %rev3A_650, %broadcast_in_dim3A_662 : vector<16xi1>, vector<16xi32>
    %reduce_sum3A_664 = arith.constant true
    %reduce_sum3A_665 = vector.broadcast %reduce_sum3A_664 : i1 to vector<16xi1>
    %reduce_sum3A_666 = tpu.scan <sum>, %select_n3A_663 masked %reduce_sum3A_665 : vector<16xi32>, vector<16xi1> -> vector<16xi32>
    %reduce_sum3A_667 = vector.extract %reduce_sum3A_666[15] : i32 from vector<16xi32>
    %eq3A_668 = arith.cmpi eq, %iota3A, %sub3A_659 : vector<16xi32>
    %jit3A_669 = arith.constant 0 : i32
    %broadcast_in_dim3A_670 = vector.broadcast %jit3A_669 : i32 to vector<16xi32>
    %select_n3A_671 = arith.select %eq3A_668, %get3A_637, %broadcast_in_dim3A_670 : vector<16xi1>, vector<16xi32>
    %reduce_sum3A_672 = arith.constant true
    %reduce_sum3A_673 = vector.broadcast %reduce_sum3A_672 : i1 to vector<16xi1>
    %reduce_sum3A_674 = tpu.scan <sum>, %select_n3A_671 masked %reduce_sum3A_673 : vector<16xi32>, vector<16xi1> -> vector<16xi32>
    %reduce_sum3A_675 = vector.extract %reduce_sum3A_674[15] : i32 from vector<16xi32>
    %add3A_676 = arith.addi %scan3A_629#2, %reduce_sum3A_667 : i32
    %sub3A_677 = arith.subi %add3A_676, %reduce_sum3A_675 : i32
    %sub3A_678 = arith.constant 1645 : i32
    %sub3A_679 = arith.subi %sub3A_678, %sub3A_677 : i32
    %mul3A_680 = arith.constant 256 : i32
    %mul3A_681 = arith.muli %scan3A_621#1, %mul3A_680 : i32
    %mul3A_682 = arith.constant 16 : i32
    %mul3A_683 = arith.muli %scan3A_629#1, %mul3A_682 : i32
    %add3A_684 = arith.addi %mul3A_681, %mul3A_683 : i32
    %add3A_685 = vector.broadcast %add3A_684 : i32 to vector<16xi32>
    %add3A_686 = arith.addi %add3A_685, %sub3A_659 : vector<16xi32>
    %broadcast_in_dim3A_687 = vector.broadcast %sub3A_679 : i32 to vector<16xi32>
    %scan3A_688 = arith.constant 0 : i32
    %scan3A_689 = arith.constant 0 : i32
    %scan3A_690 = arith.constant 0 : i32
    %scan3A_691 = arith.constant 16 : i32
    %scan3A_692 = arith.addi %scan3A_690, %scan3A_691 : i32
    %scan3A_693 = arith.constant 1 : i32
    %scan3A_694:3 = scf.for %scan3A_1182 = %scan3A_690 to %scan3A_692 step %scan3A_693 iter_args(%scan3A_1183 = %scan3A_621#4, %scan3A_1184 = %scan3A_688, %scan3A_1185 = %scan3A_689) -> (i32, i32, i32)  : i32 {
      %sub3A_1186 = arith.constant 15 : i32
      %sub3A_1187 = arith.subi %sub3A_1186, %scan3A_1182 : i32
      %mul3A_1188 = arith.constant 256 : i32
      %mul3A_1189 = arith.muli %scan3A_621#3, %mul3A_1188 : i32
      %mul3A_1190 = arith.constant 16 : i32
      %mul3A_1191 = arith.muli %sub3A_1187, %mul3A_1190 : i32
      %add3A_1192 = arith.addi %mul3A_1189, %mul3A_1191 : i32
      %get3A_1193 = arith.index_cast %add3A_1192 : i32 to index
      %get3A_1194 = tpu.vector_load %arg6[%get3A_1193] {strides = array<i32>} : memref<32768xi32, #tpu.memory_space<vmem>>, vector<16xi32>,
      %reduce_sum3A_1195 = arith.constant true
      %reduce_sum3A_1196 = vector.broadcast %reduce_sum3A_1195 : i1 to vector<16xi1>
      %reduce_sum3A_1197 = tpu.scan <sum>, %get3A_1194 masked %reduce_sum3A_1196 : vector<16xi32>, vector<16xi1> -> vector<16xi32>
      %reduce_sum3A_1198 = vector.extract %reduce_sum3A_1197[15] : i32 from vector<16xi32>
      %add3A_1199 = arith.addi %scan3A_1183, %reduce_sum3A_1198 : i32
      %lt3A = arith.constant 7 : i32
      %lt3A_1200 = arith.cmpi slt, %scan3A_1183, %lt3A : i32
      %ge3A_1201 = arith.constant 7 : i32
      %ge3A_1202 = arith.cmpi sge, %add3A_1199, %ge3A_1201 : i32
      %and3A_1203 = arith.andi %lt3A_1200, %ge3A_1202 : i1
      %select_n3A_1204 = arith.select %and3A_1203, %sub3A_1187, %scan3A_1184 : i32
      %select_n3A_1205 = arith.select %and3A_1203, %scan3A_1183, %scan3A_1185 : i32
      scf.yield %add3A_1199, %select_n3A_1204, %select_n3A_1205 : i32, i32, i32
    }
    %scan3A_695 = arith.constant 16 : i32
    %mul3A_696 = arith.constant 256 : i32
    %mul3A_697 = arith.muli %scan3A_621#3, %mul3A_696 : i32
    %mul3A_698 = arith.constant 16 : i32
    %mul3A_699 = arith.muli %scan3A_694#1, %mul3A_698 : i32
    %add3A_700 = arith.addi %mul3A_697, %mul3A_699 : i32
    %get3A_701 = arith.index_cast %add3A_700 : i32 to index
    %get3A_702 = tpu.vector_load %arg6[%get3A_701] {strides = array<i32>} : memref<32768xi32, #tpu.memory_space<vmem>>, vector<16xi32>,
    %rev3A_703 = arith.constant 15 : i32
    %rev3A_704 = vector.broadcast %rev3A_703 : i32 to vector<16xi32>
    %rev3A_705 = tpu.iota {dimensions = array<i32: 0>} : vector<16xi32>
    %rev3A_706 = arith.subi %rev3A_704, %rev3A_705 : vector<16xi32>
    %rev3A_707 = tpu.dynamic_gather %get3A_702[%rev3A_706] in [0] : vector<16xi32>, vector<16xi32> -> vector<16xi32>
    %broadcast_in_dim3A_708 = arith.constant true
    %broadcast_in_dim3A_709 = vector.broadcast %broadcast_in_dim3A_708 : i1 to vector<16xi1>
    %masked_cumsum3A_710 = tpu.scan <sum>, %rev3A_707 masked %broadcast_in_dim3A_709 : vector<16xi32>, vector<16xi1> -> vector<16xi32>
    %rev3A_711 = arith.constant 15 : i32
    %rev3A_712 = vector.broadcast %rev3A_711 : i32 to vector<16xi32>
    %rev3A_713 = tpu.iota {dimensions = array<i32: 0>} : vector<16xi32>
    %rev3A_714 = arith.subi %rev3A_712, %rev3A_713 : vector<16xi32>
    %rev3A_715 = tpu.dynamic_gather %masked_cumsum3A_710[%rev3A_714] in [0] : vector<16xi32>, vector<16xi32> -> vector<16xi32>
    %add3A_716 = vector.broadcast %scan3A_694#2 : i32 to vector<16xi32>
    %add3A_717 = arith.addi %add3A_716, %rev3A_715 : vector<16xi32>
    %ge3A_718 = arith.constant 7 : i32
    %ge3A_719 = vector.broadcast %ge3A_718 : i32 to vector<16xi32>
    %ge3A_720 = arith.cmpi sge, %add3A_717, %ge3A_719 : vector<16xi32>
    %all_reduce_population_count3A_721 = tpu.all_reduce %ge3A_720 {dim = 0 : i64, kind = #tpu.reduction_kind<sum>} : vector<16xi1> -> vector<16xi32>
    %sub3A_722 = arith.constant 1 : i32
    %sub3A_723 = vector.broadcast %sub3A_722 : i32 to vector<16xi32>
    %sub3A_724 = arith.subi %all_reduce_population_count3A_721, %sub3A_723 : vector<16xi32>
    %eq3A_725 = arith.cmpi eq, %iota3A, %sub3A_724 : vector<16xi32>
    %jit3A_726 = arith.constant 0 : i32
    %broadcast_in_dim3A_727 = vector.broadcast %jit3A_726 : i32 to vector<16xi32>
    %select_n3A_728 = arith.select %eq3A_725, %rev3A_715, %broadcast_in_dim3A_727 : vector<16xi1>, vector<16xi32>
    %reduce_sum3A_729 = arith.constant true
    %reduce_sum3A_730 = vector.broadcast %reduce_sum3A_729 : i1 to vector<16xi1>
    %reduce_sum3A_731 = tpu.scan <sum>, %select_n3A_728 masked %reduce_sum3A_730 : vector<16xi32>, vector<16xi1> -> vector<16xi32>
    %reduce_sum3A_732 = vector.extract %reduce_sum3A_731[15] : i32 from vector<16xi32>
    %eq3A_733 = arith.cmpi eq, %iota3A, %sub3A_724 : vector<16xi32>
    %jit3A_734 = arith.constant 0 : i32
    %broadcast_in_dim3A_735 = vector.broadcast %jit3A_734 : i32 to vector<16xi32>
    %select_n3A_736 = arith.select %eq3A_733, %get3A_702, %broadcast_in_dim3A_735 : vector<16xi1>, vector<16xi32>
    %reduce_sum3A_737 = arith.constant true
    %reduce_sum3A_738 = vector.broadcast %reduce_sum3A_737 : i1 to vector<16xi1>
    %reduce_sum3A_739 = tpu.scan <sum>, %select_n3A_736 masked %reduce_sum3A_738 : vector<16xi32>, vector<16xi1> -> vector<16xi32>
    %reduce_sum3A_740 = vector.extract %reduce_sum3A_739[15] : i32 from vector<16xi32>
    %add3A_741 = arith.addi %scan3A_694#2, %reduce_sum3A_732 : i32
    %sub3A_742 = arith.subi %add3A_741, %reduce_sum3A_740 : i32
    %sub3A_743 = arith.constant 7 : i32
    %sub3A_744 = arith.subi %sub3A_743, %sub3A_742 : i32
    %mul3A_745 = arith.constant 256 : i32
    %mul3A_746 = arith.muli %scan3A_621#3, %mul3A_745 : i32
    %mul3A_747 = arith.constant 16 : i32
    %mul3A_748 = arith.muli %scan3A_694#1, %mul3A_747 : i32
    %add3A_749 = arith.addi %mul3A_746, %mul3A_748 : i32
    %add3A_750 = vector.broadcast %add3A_749 : i32 to vector<16xi32>
    %add3A_751 = arith.addi %add3A_750, %sub3A_724 : vector<16xi32>
    %broadcast_in_dim3A_752 = vector.broadcast %sub3A_744 : i32 to vector<16xi32>
    %gather3A_753 = tpu.vector_load_idx %arg6[%add3A_751] : memref<32768xi32, #tpu.memory_space<vmem>>[vector<16xi32>], vector<16xi32>,
    %eq3A_754 = arith.cmpi eq, %add3A_686, %add3A_751 : vector<16xi32>
    %jit3A_755 = arith.constant 0 : i32
    %broadcast_in_dim3A_756 = vector.broadcast %jit3A_755 : i32 to vector<16xi32>
    %select_n3A_757 = arith.select %eq3A_754, %broadcast_in_dim3A_756, %gather3A_753 : vector<16xi1>, vector<16xi32>
    %gather3A_758 = tpu.vector_load_idx %arg6[%add3A_686] : memref<32768xi32, #tpu.memory_space<vmem>>[vector<16xi32>], vector<16xi32>,
    %add3A_759 = arith.addi %gather3A_758, %select_n3A_757 : vector<16xi32>
    %parallel_loop3A_760 = arith.constant 0 : i32
    %parallel_loop3A_761 = arith.constant 2048 : i32
    %parallel_loop3A_762 = arith.constant 1 : i32
    %parallel_loop3A_763 = scf.for %parallel_loop3A_1182 = %parallel_loop3A_760 to %parallel_loop3A_761 step %parallel_loop3A_762 iter_args(%parallel_loop3A_1183 = %broadcast_in_dim3A_5) -> (vector<16xi32>)  : i32 {
      %parallel_loop3A_1184 = arith.constant 16 : i32
      %parallel_loop3A_1185 = arith.muli %parallel_loop3A_1182, %parallel_loop3A_1184 : i32
      %parallel_loop3A_1186 = arith.index_cast %parallel_loop3A_1185 : i32 to index
      %parallel_loop3A_1187 = tpu.vector_load %arg4[%parallel_loop3A_1186] {strides = array<i32>} : memref<32768xf32, #tpu.memory_space<vmem>>, vector<16xf32>,
      %parallel_loop3A_1188 = tpu.bitcast %parallel_loop3A_1187 : vector<16xf32> -> vector<16xi32>
      %parallel_loop3A_1189 = arith.constant 0 : i32
      %parallel_loop3A_1190 = vector.broadcast %parallel_loop3A_1189 : i32 to vector<16xi32>
      %parallel_loop3A_1191 = arith.cmpi sge, %parallel_loop3A_1188, %parallel_loop3A_1190 : vector<16xi32>
      %parallel_loop3A_1192 = arith.constant 2147483647 : i32
      %parallel_loop3A_1193 = vector.broadcast %parallel_loop3A_1192 : i32 to vector<16xi32>
      %parallel_loop3A_1194 = arith.xori %parallel_loop3A_1188, %parallel_loop3A_1193 : vector<16xi32>
      %parallel_loop3A_1195 = arith.select %parallel_loop3A_1191, %parallel_loop3A_1188, %parallel_loop3A_1194 : vector<16xi1>, vector<16xi32>
      %parallel_loop3A_1196 = arith.constant 17 : i32
      %parallel_loop3A_1197 = vector.broadcast %parallel_loop3A_1196 : i32 to vector<16xi32>
      %parallel_loop3A_1198 = arith.shrsi %parallel_loop3A_1195, %parallel_loop3A_1197 : vector<16xi32>
      %parallel_loop3A_1199 = arith.constant 16384 : i32
      %parallel_loop3A_1200 = vector.broadcast %parallel_loop3A_1199 : i32 to vector<16xi32>
      %parallel_loop3A_1201 = arith.addi %parallel_loop3A_1198, %parallel_loop3A_1200 : vector<16xi32>
      %parallel_loop3A_1202 = arith.cmpi eq, %parallel_loop3A_1201, %add3A_686 : vector<16xi32>
      %parallel_loop3A_1203 = arith.cmpi eq, %parallel_loop3A_1201, %add3A_751 : vector<16xi32>
      %parallel_loop3A_1204 = arith.ori %parallel_loop3A_1202, %parallel_loop3A_1203 : vector<16xi1>
      %parallel_loop3A_1205 = arith.extui %parallel_loop3A_1204 : vector<16xi1> to vector<16xi32>
      %parallel_loop3A_1206 = arith.constant true
      %parallel_loop3A_1207 = vector.broadcast %parallel_loop3A_1206 : i1 to vector<16xi1>
      %parallel_loop3A_1208 = tpu.scan <sum>, %parallel_loop3A_1205 masked %parallel_loop3A_1207 : vector<16xi32>, vector<16xi1> -> vector<16xi32>
      %parallel_loop3A_1209 = arith.constant 1 : i32
      %parallel_loop3A_1210 = vector.broadcast %parallel_loop3A_1209 : i32 to vector<16xi32>
      %parallel_loop3A_1211 = arith.subi %parallel_loop3A_1208, %parallel_loop3A_1210 : vector<16xi32>
      %parallel_loop3A_1212 = arith.addi %parallel_loop3A_1211, %parallel_loop3A_1183 : vector<16xi32>
      %parallel_loop3A_1213 = arith.constant 0 : i32
      %parallel_loop3A_1214 = vector.broadcast %parallel_loop3A_1213 : i32 to vector<16xi32>
      %parallel_loop3A_1215 = arith.select %parallel_loop3A_1204, %parallel_loop3A_1212, %parallel_loop3A_1214 : vector<16xi1>, vector<16xi32>
      tpu.vector_store_idx %arg6[%parallel_loop3A_1215], %parallel_loop3A_1195 masked %parallel_loop3A_1204 : memref<32768xi32, #tpu.memory_space<vmem>>[vector<16xi32>], vector<16xi32>, vector<16xi1>
      %parallel_loop3A_1216 = tpu.all_reduce %parallel_loop3A_1204 {dim = 0 : i64, kind = #tpu.reduction_kind<sum>} : vector<16xi1> -> vector<16xi32>
      %parallel_loop3A_1217 = arith.addi %parallel_loop3A_1183, %parallel_loop3A_1216 : vector<16xi32>
      scf.yield %parallel_loop3A_1217 : vector<16xi32>
    } {sc.loop_unroll_factor = 8 : i64, sc.parallel_access}
    %add3A_764 = arith.addi %broadcast_in_dim3A_687, %select_n3A_757 : vector<16xi32>
    %reduce_max3A_765 = arith.constant true
    %reduce_max3A_766 = vector.broadcast %reduce_max3A_765 : i1 to vector<16xi1>
    %reduce_max3A_767 = arith.constant -2147483648 : i32
    %reduce_max3A_768 = vector.broadcast %reduce_max3A_767 : i32 to vector<16xi32>
    %reduce_max3A_769 = arith.xori %add3A_759, %reduce_max3A_768 : vector<16xi32>
    %reduce_max3A_770 = tpu.scan <max>, %reduce_max3A_769 masked %reduce_max3A_766 : vector<16xi32>, vector<16xi1> -> vector<16xi32>
    %reduce_max3A_771 = arith.xori %reduce_max3A_770, %reduce_max3A_768 : vector<16xi32>
    %reduce_max3A_772 = vector.extract %reduce_max3A_771[15] : i32 from vector<16xi32>
    %add3A_773 = arith.constant 16 : i32
    %add3A_774 = arith.addi %reduce_max3A_772, %add3A_773 : i32
    %sub3A_775 = arith.constant 1 : i32
    %sub3A_776 = arith.subi %add3A_774, %sub3A_775 : i32
    %jit3A_777 = arith.constant 16 : i32
    %div3A_778 = arith.divsi %sub3A_776, %jit3A_777 : i32
    %sign3A_779 = arith.constant 0 : i32
    %sign3A_780 = arith.cmpi sgt, %sub3A_776, %sign3A_779 : i32
    %sign3A_781 = arith.extui %sign3A_780 : i1 to i32
    %sign3A_782 = arith.constant 0 : i32
    %sign3A_783 = arith.cmpi slt, %sub3A_776, %sign3A_782 : i32
    %sign3A_784 = arith.extui %sign3A_783 : i1 to i32
    %sign3A_785 = arith.subi %sign3A_781, %sign3A_784 : i32
    %sign3A_786 = arith.constant 0 : i32
    %sign3A_787 = arith.cmpi sgt, %jit3A_777, %sign3A_786 : i32
    %sign3A_788 = arith.extui %sign3A_787 : i1 to i32
    %sign3A_789 = arith.constant 0 : i32
    %sign3A_790 = arith.cmpi slt, %jit3A_777, %sign3A_789 : i32
    %sign3A_791 = arith.extui %sign3A_790 : i1 to i32
    %sign3A_792 = arith.subi %sign3A_788, %sign3A_791 : i32
    %ne3A_793 = arith.cmpi ne, %sign3A_785, %sign3A_792 : i32
    %rem3A_794 = arith.remsi %sub3A_776, %jit3A_777 : i32
    %ne3A_795 = arith.constant 0 : i32
    %ne3A_796 = arith.cmpi ne, %rem3A_794, %ne3A_795 : i32
    %and3A_797 = arith.andi %ne3A_793, %ne3A_796 : i1
    %sub3A_798 = arith.constant 1 : i32
    %sub3A_799 = arith.subi %div3A_778, %sub3A_798 : i32
    %select_n3A_800 = arith.select %and3A_797, %sub3A_799, %div3A_778 : i32
    %sub3A_801 = arith.constant 16384 : i32
    %sub3A_802 = vector.broadcast %sub3A_801 : i32 to vector<16xi32>
    %sub3A_803 = arith.subi %add3A_686, %sub3A_802 : vector<16xi32>
    %mul3A_804 = arith.constant 131072 : i32
    %mul3A_805 = vector.broadcast %mul3A_804 : i32 to vector<16xi32>
    %mul3A_806 = arith.muli %sub3A_803, %mul3A_805 : vector<16xi32>
    %scan3A_807 = arith.constant 0 : i32
    %scan3A_808 = arith.constant 17 : i32
    %scan3A_809 = arith.addi %scan3A_807, %scan3A_808 : i32
    %scan3A_810 = arith.constant 1 : i32
    %scan3A_811 = scf.for %scan3A_1182 = %scan3A_807 to %scan3A_809 step %scan3A_810 iter_args(%scan3A_1183 = %broadcast_in_dim3A_5) -> (vector<16xi32>)  : i32 {
      %sub3A_1184 = arith.constant 16 : i32
      %sub3A_1185 = arith.subi %sub3A_1184, %scan3A_1182 : i32
      %broadcast_in_dim3A_1186 = vector.broadcast %sub3A_1185 : i32 to vector<16xi32>
      %shift_left3A = arith.shli %broadcast_in_dim3A_3, %broadcast_in_dim3A_1186 : vector<16xi32>
      %or3A = arith.ori %scan3A_1183, %shift_left3A : vector<16xi32>
      %add3A_1187 = arith.addi %mul3A_806, %or3A : vector<16xi32>
      %while3A = arith.constant 0 : i32
      %while3A_1188 = arith.subi %select_n3A_800, %while3A : i32
      %while3A_1189 = arith.addi %while3A, %while3A_1188 : i32
      %while3A_1190 = arith.constant 1 : i32
      %while3A_1191 = arith.divsi %while3A_1188, %while3A_1190 : i32
      %while3A_1192 = arith.muli %while3A_1191, %while3A_1190 : i32
      %while3A_1193 = arith.addi %while3A, %while3A_1192 : i32
      %while3A_1194 = arith.constant 1 : i32
      %while3A_1195 = scf.for %while3A_1201 = %while3A to %while3A_1193 step %while3A_1194 iter_args(%while3A_1202 = %broadcast_in_dim3A_5) -> (vector<16xi32>)  : i32 {
        %mul3A_1203 = arith.constant 16 : i32
        %mul3A_1204 = arith.muli %while3A_1201, %mul3A_1203 : i32
        %get3A_1205 = arith.index_cast %mul3A_1204 : i32 to index
        %get3A_1206 = tpu.vector_load %arg6[%get3A_1205] {strides = array<i32>} : memref<32768xi32, #tpu.memory_space<vmem>>, vector<16xi32>,
        %ge3A_1207 = arith.cmpi sge, %get3A_1206, %add3A_1187 : vector<16xi32>
        %mul3A_1208 = arith.constant 16 : i32
        %mul3A_1209 = arith.muli %while3A_1201, %mul3A_1208 : i32
        %add3A_1210 = vector.broadcast %mul3A_1209 : i32 to vector<16xi32>
        %add3A_1211 = arith.addi %add3A_1210, %iota3A : vector<16xi32>
        %lt3A = arith.cmpi slt, %add3A_1211, %add3A_759 : vector<16xi32>
        %and3A_1212 = arith.andi %ge3A_1207, %lt3A : vector<16xi1>
        %all_reduce_population_count3A_1213 = tpu.all_reduce %and3A_1212 {dim = 0 : i64, kind = #tpu.reduction_kind<sum>} : vector<16xi1> -> vector<16xi32>
        %add3A_1214 = arith.addi %while3A_1202, %all_reduce_population_count3A_1213 : vector<16xi32>
        scf.yield %add3A_1214 : vector<16xi32>
      }
      %while3A_1196 = arith.constant 1 : i32
      %while3A_1197 = scf.for %while3A_1201 = %while3A_1193 to %while3A_1189 step %while3A_1196 iter_args(%while3A_1202 = %while3A_1195) -> (vector<16xi32>)  : i32 {
        %mul3A_1203 = arith.constant 16 : i32
        %mul3A_1204 = arith.muli %while3A_1201, %mul3A_1203 : i32
        %get3A_1205 = arith.index_cast %mul3A_1204 : i32 to index
        %get3A_1206 = tpu.vector_load %arg6[%get3A_1205] {strides = array<i32>} : memref<32768xi32, #tpu.memory_space<vmem>>, vector<16xi32>,
        %ge3A_1207 = arith.cmpi sge, %get3A_1206, %add3A_1187 : vector<16xi32>
        %mul3A_1208 = arith.constant 16 : i32
        %mul3A_1209 = arith.muli %while3A_1201, %mul3A_1208 : i32
        %add3A_1210 = vector.broadcast %mul3A_1209 : i32 to vector<16xi32>
        %add3A_1211 = arith.addi %add3A_1210, %iota3A : vector<16xi32>
        %lt3A = arith.cmpi slt, %add3A_1211, %add3A_759 : vector<16xi32>
        %and3A_1212 = arith.andi %ge3A_1207, %lt3A : vector<16xi1>
        %all_reduce_population_count3A_1213 = tpu.all_reduce %and3A_1212 {dim = 0 : i64, kind = #tpu.reduction_kind<sum>} : vector<16xi1> -> vector<16xi32>
        %add3A_1214 = arith.addi %while3A_1202, %all_reduce_population_count3A_1213 : vector<16xi32>
        scf.yield %add3A_1214 : vector<16xi32>
      }
      %ge3A_1198 = arith.cmpi sge, %while3A_1197, %add3A_764 : vector<16xi32>
      %or3A_1199 = arith.ori %scan3A_1183, %shift_left3A : vector<16xi32>
      %select_n3A_1200 = arith.select %ge3A_1198, %or3A_1199, %scan3A_1183 : vector<16xi1>, vector<16xi32>
      scf.yield %select_n3A_1200 : vector<16xi32>
    }
    %scan3A_812 = arith.constant 17 : i32
    %add3A_813 = arith.addi %mul3A_806, %scan3A_811 : vector<16xi32>
    %ge3A_814 = arith.constant 0 : i32
    %ge3A_815 = vector.broadcast %ge3A_814 : i32 to vector<16xi32>
    %ge3A_816 = arith.cmpi sge, %add3A_813, %ge3A_815 : vector<16xi32>
    %xor3A_817 = arith.constant 2147483647 : i32
    %xor3A_818 = vector.broadcast %xor3A_817 : i32 to vector<16xi32>
    %xor3A_819 = arith.xori %add3A_813, %xor3A_818 : vector<16xi32>
    %select_n3A_820 = arith.select %ge3A_816, %add3A_813, %xor3A_819 : vector<16xi1>, vector<16xi32>
    %bitcast_convert_type3A_821 = tpu.bitcast %select_n3A_820 : vector<16xi32> -> vector<16xf32>
    %reduce_max3A_822 = arith.constant true
    %reduce_max3A_823 = vector.broadcast %reduce_max3A_822 : i1 to vector<16xi1>
    %reduce_max3A_824 = arith.constant -2147483648 : i32
    %reduce_max3A_825 = vector.broadcast %reduce_max3A_824 : i32 to vector<16xi32>
    %reduce_max3A_826 = arith.xori %add3A_759, %reduce_max3A_825 : vector<16xi32>
    %reduce_max3A_827 = tpu.scan <max>, %reduce_max3A_826 masked %reduce_max3A_823 : vector<16xi32>, vector<16xi1> -> vector<16xi32>
    %reduce_max3A_828 = arith.xori %reduce_max3A_827, %reduce_max3A_825 : vector<16xi32>
    %reduce_max3A_829 = vector.extract %reduce_max3A_828[15] : i32 from vector<16xi32>
    %add3A_830 = arith.constant 16 : i32
    %add3A_831 = arith.addi %reduce_max3A_829, %add3A_830 : i32
    %sub3A_832 = arith.constant 1 : i32
    %sub3A_833 = arith.subi %add3A_831, %sub3A_832 : i32
    %jit3A_834 = arith.constant 16 : i32
    %div3A_835 = arith.divsi %sub3A_833, %jit3A_834 : i32
    %sign3A_836 = arith.constant 0 : i32
    %sign3A_837 = arith.cmpi sgt, %sub3A_833, %sign3A_836 : i32
    %sign3A_838 = arith.extui %sign3A_837 : i1 to i32
    %sign3A_839 = arith.constant 0 : i32
    %sign3A_840 = arith.cmpi slt, %sub3A_833, %sign3A_839 : i32
    %sign3A_841 = arith.extui %sign3A_840 : i1 to i32
    %sign3A_842 = arith.subi %sign3A_838, %sign3A_841 : i32
    %sign3A_843 = arith.constant 0 : i32
    %sign3A_844 = arith.cmpi sgt, %jit3A_834, %sign3A_843 : i32
    %sign3A_845 = arith.extui %sign3A_844 : i1 to i32
    %sign3A_846 = arith.constant 0 : i32
    %sign3A_847 = arith.cmpi slt, %jit3A_834, %sign3A_846 : i32
    %sign3A_848 = arith.extui %sign3A_847 : i1 to i32
    %sign3A_849 = arith.subi %sign3A_845, %sign3A_848 : i32
    %ne3A_850 = arith.cmpi ne, %sign3A_842, %sign3A_849 : i32
    %rem3A_851 = arith.remsi %sub3A_833, %jit3A_834 : i32
    %ne3A_852 = arith.constant 0 : i32
    %ne3A_853 = arith.cmpi ne, %rem3A_851, %ne3A_852 : i32
    %and3A_854 = arith.andi %ne3A_850, %ne3A_853 : i1
    %sub3A_855 = arith.constant 1 : i32
    %sub3A_856 = arith.subi %div3A_835, %sub3A_855 : i32
    %select_n3A_857 = arith.select %and3A_854, %sub3A_856, %div3A_835 : i32
    %sub3A_858 = arith.constant 16384 : i32
    %sub3A_859 = vector.broadcast %sub3A_858 : i32 to vector<16xi32>
    %sub3A_860 = arith.subi %add3A_751, %sub3A_859 : vector<16xi32>
    %mul3A_861 = arith.constant 131072 : i32
    %mul3A_862 = vector.broadcast %mul3A_861 : i32 to vector<16xi32>
    %mul3A_863 = arith.muli %sub3A_860, %mul3A_862 : vector<16xi32>
    %scan3A_864 = arith.constant 0 : i32
    %scan3A_865 = arith.constant 17 : i32
    %scan3A_866 = arith.addi %scan3A_864, %scan3A_865 : i32
    %scan3A_867 = arith.constant 1 : i32
    %scan3A_868 = scf.for %scan3A_1182 = %scan3A_864 to %scan3A_866 step %scan3A_867 iter_args(%scan3A_1183 = %broadcast_in_dim3A_5) -> (vector<16xi32>)  : i32 {
      %sub3A_1184 = arith.constant 16 : i32
      %sub3A_1185 = arith.subi %sub3A_1184, %scan3A_1182 : i32
      %broadcast_in_dim3A_1186 = vector.broadcast %sub3A_1185 : i32 to vector<16xi32>
      %shift_left3A = arith.shli %broadcast_in_dim3A_3, %broadcast_in_dim3A_1186 : vector<16xi32>
      %or3A = arith.ori %scan3A_1183, %shift_left3A : vector<16xi32>
      %add3A_1187 = arith.addi %mul3A_863, %or3A : vector<16xi32>
      %while3A = arith.constant 0 : i32
      %while3A_1188 = arith.subi %select_n3A_857, %while3A : i32
      %while3A_1189 = arith.addi %while3A, %while3A_1188 : i32
      %while3A_1190 = arith.constant 1 : i32
      %while3A_1191 = arith.divsi %while3A_1188, %while3A_1190 : i32
      %while3A_1192 = arith.muli %while3A_1191, %while3A_1190 : i32
      %while3A_1193 = arith.addi %while3A, %while3A_1192 : i32
      %while3A_1194 = arith.constant 1 : i32
      %while3A_1195 = scf.for %while3A_1201 = %while3A to %while3A_1193 step %while3A_1194 iter_args(%while3A_1202 = %broadcast_in_dim3A_5) -> (vector<16xi32>)  : i32 {
        %mul3A_1203 = arith.constant 16 : i32
        %mul3A_1204 = arith.muli %while3A_1201, %mul3A_1203 : i32
        %get3A_1205 = arith.index_cast %mul3A_1204 : i32 to index
        %get3A_1206 = tpu.vector_load %arg6[%get3A_1205] {strides = array<i32>} : memref<32768xi32, #tpu.memory_space<vmem>>, vector<16xi32>,
        %ge3A_1207 = arith.cmpi sge, %get3A_1206, %add3A_1187 : vector<16xi32>
        %mul3A_1208 = arith.constant 16 : i32
        %mul3A_1209 = arith.muli %while3A_1201, %mul3A_1208 : i32
        %add3A_1210 = vector.broadcast %mul3A_1209 : i32 to vector<16xi32>
        %add3A_1211 = arith.addi %add3A_1210, %iota3A : vector<16xi32>
        %lt3A = arith.cmpi slt, %add3A_1211, %add3A_759 : vector<16xi32>
        %and3A_1212 = arith.andi %ge3A_1207, %lt3A : vector<16xi1>
        %all_reduce_population_count3A_1213 = tpu.all_reduce %and3A_1212 {dim = 0 : i64, kind = #tpu.reduction_kind<sum>} : vector<16xi1> -> vector<16xi32>
        %add3A_1214 = arith.addi %while3A_1202, %all_reduce_population_count3A_1213 : vector<16xi32>
        scf.yield %add3A_1214 : vector<16xi32>
      }
      %while3A_1196 = arith.constant 1 : i32
      %while3A_1197 = scf.for %while3A_1201 = %while3A_1193 to %while3A_1189 step %while3A_1196 iter_args(%while3A_1202 = %while3A_1195) -> (vector<16xi32>)  : i32 {
        %mul3A_1203 = arith.constant 16 : i32
        %mul3A_1204 = arith.muli %while3A_1201, %mul3A_1203 : i32
        %get3A_1205 = arith.index_cast %mul3A_1204 : i32 to index
        %get3A_1206 = tpu.vector_load %arg6[%get3A_1205] {strides = array<i32>} : memref<32768xi32, #tpu.memory_space<vmem>>, vector<16xi32>,
        %ge3A_1207 = arith.cmpi sge, %get3A_1206, %add3A_1187 : vector<16xi32>
        %mul3A_1208 = arith.constant 16 : i32
        %mul3A_1209 = arith.muli %while3A_1201, %mul3A_1208 : i32
        %add3A_1210 = vector.broadcast %mul3A_1209 : i32 to vector<16xi32>
        %add3A_1211 = arith.addi %add3A_1210, %iota3A : vector<16xi32>
        %lt3A = arith.cmpi slt, %add3A_1211, %add3A_759 : vector<16xi32>
        %and3A_1212 = arith.andi %ge3A_1207, %lt3A : vector<16xi1>
        %all_reduce_population_count3A_1213 = tpu.all_reduce %and3A_1212 {dim = 0 : i64, kind = #tpu.reduction_kind<sum>} : vector<16xi1> -> vector<16xi32>
        %add3A_1214 = arith.addi %while3A_1202, %all_reduce_population_count3A_1213 : vector<16xi32>
        scf.yield %add3A_1214 : vector<16xi32>
      }
      %ge3A_1198 = arith.cmpi sge, %while3A_1197, %broadcast_in_dim3A_752 : vector<16xi32>
      %or3A_1199 = arith.ori %scan3A_1183, %shift_left3A : vector<16xi32>
      %select_n3A_1200 = arith.select %ge3A_1198, %or3A_1199, %scan3A_1183 : vector<16xi1>, vector<16xi32>
      scf.yield %select_n3A_1200 : vector<16xi32>
    }
    %scan3A_869 = arith.constant 17 : i32
    %add3A_870 = arith.addi %mul3A_863, %scan3A_868 : vector<16xi32>
    %ge3A_871 = arith.constant 0 : i32
    %ge3A_872 = vector.broadcast %ge3A_871 : i32 to vector<16xi32>
    %ge3A_873 = arith.cmpi sge, %add3A_870, %ge3A_872 : vector<16xi32>
    %xor3A_874 = arith.constant 2147483647 : i32
    %xor3A_875 = vector.broadcast %xor3A_874 : i32 to vector<16xi32>
    %xor3A_876 = arith.xori %add3A_870, %xor3A_875 : vector<16xi32>
    %select_n3A_877 = arith.select %ge3A_873, %add3A_870, %xor3A_876 : vector<16xi1>, vector<16xi32>
    %bitcast_convert_type3A_878 = tpu.bitcast %select_n3A_877 : vector<16xi32> -> vector<16xf32>
    %eq3A_879 = arith.constant 0 : i32
    %eq3A_880 = vector.broadcast %eq3A_879 : i32 to vector<16xi32>
    %eq3A_881 = arith.cmpi eq, %iota3A, %eq3A_880 : vector<16xi32>
    %eq3A_882 = arith.constant 1 : i32
    %eq3A_883 = vector.broadcast %eq3A_882 : i32 to vector<16xi32>
    %eq3A_884 = arith.cmpi eq, %iota3A, %eq3A_883 : vector<16xi32>
    %jit3A_885 = arith.constant 0.000000e+00 : f32
    %broadcast_in_dim3A_886 = vector.broadcast %jit3A_885 : f32 to vector<16xf32>
    %select_n3A_887 = arith.select %eq3A_884, %bitcast_convert_type3A_878, %broadcast_in_dim3A_886 : vector<16xi1>, vector<16xf32>
    %select_n3A_888 = arith.select %eq3A_881, %bitcast_convert_type3A_821, %select_n3A_887 : vector<16xi1>, vector<16xf32>
    %swap3A_889 = arith.constant 32 : index
    %swap3A_890 = tpu.vector_load %arg7[%swap3A_889] {strides = array<i32>} : memref<64xf32, #tpu.memory_space<vmem>>, vector<16xf32>,
    tpu.vector_store %arg7[%swap3A_889], %select_n3A_888 {strides = array<i32>} : memref<64xf32, #tpu.memory_space<vmem>>, vector<16xf32>,
    %dma_wait3A_891 = arith.constant 0 : i32
    %dma_wait3A_892 = tpu.memref_slice %arg2[%add3A_599, %dma_wait3A_891] : memref<128x32768xf32, #tpu.memory_space<hbm>> -> memref<1x32768xf32, #tpu.memory_space<hbm>>
    %dma_wait3A_893 = tpu.memref_squeeze %dma_wait3A_892 : memref<1x32768xf32, #tpu.memory_space<hbm>> -> memref<32768xf32, #tpu.memory_space<hbm>>
    %dma_wait3A_894 = arith.constant 0 : i32
    %dma_wait3A_895 = tpu.memref_slice %arg2[%add3A_599, %dma_wait3A_894] : memref<128x32768xf32, #tpu.memory_space<hbm>> -> memref<1x32768xf32, #tpu.memory_space<hbm>>
    %dma_wait3A_896 = tpu.memref_squeeze %dma_wait3A_895 : memref<1x32768xf32, #tpu.memory_space<hbm>> -> memref<32768xf32, #tpu.memory_space<hbm>>
    tpu.wait_dma2 semaphore(%arg9 : memref<!tpu.dma_semaphore, #tpu.memory_space<semaphore_mem>>) src(%dma_wait3A_896 : memref<32768xf32, #tpu.memory_space<hbm>>) dst(%arg5 : memref<32768xf32, #tpu.memory_space<vmem>>)
    %parallel_loop3A_897 = arith.constant 0 : i32
    %parallel_loop3A_898 = arith.constant 2048 : i32
    %parallel_loop3A_899 = arith.constant 1 : i32
    scf.for %parallel_loop3A_1182 = %parallel_loop3A_897 to %parallel_loop3A_898 step %parallel_loop3A_899  : i32 {
      %parallel_loop3A_1183 = arith.constant 16 : i32
      %parallel_loop3A_1184 = arith.muli %parallel_loop3A_1182, %parallel_loop3A_1183 : i32
      %parallel_loop3A_1185 = arith.index_cast %parallel_loop3A_1184 : i32 to index
      %parallel_loop3A_1186 = tpu.vector_load %arg6[%parallel_loop3A_1185] {strides = array<i32>} : memref<32768xi32, #tpu.memory_space<vmem>>, vector<16xi32>,
      tpu.vector_store %arg6[%parallel_loop3A_1185], %broadcast_in_dim3A_5 {strides = array<i32>} : memref<32768xi32, #tpu.memory_space<vmem>>, vector<16xi32>,
    } {sc.loop_unroll_factor = 8 : i64, sc.parallel_access}
    %parallel_loop3A_900 = arith.constant 0 : i32
    %parallel_loop3A_901 = arith.constant 2048 : i32
    %parallel_loop3A_902 = arith.constant 1 : i32
    scf.for %parallel_loop3A_1182 = %parallel_loop3A_900 to %parallel_loop3A_901 step %parallel_loop3A_902  : i32 {
      %parallel_loop3A_1183 = arith.constant 16 : i32
      %parallel_loop3A_1184 = arith.muli %parallel_loop3A_1182, %parallel_loop3A_1183 : i32
      %parallel_loop3A_1185 = arith.index_cast %parallel_loop3A_1184 : i32 to index
      %parallel_loop3A_1186 = tpu.vector_load %arg5[%parallel_loop3A_1185] {strides = array<i32>} : memref<32768xf32, #tpu.memory_space<vmem>>, vector<16xf32>,
      %parallel_loop3A_1187 = tpu.bitcast %parallel_loop3A_1186 : vector<16xf32> -> vector<16xi32>
      %parallel_loop3A_1188 = arith.constant 0 : i32
      %parallel_loop3A_1189 = vector.broadcast %parallel_loop3A_1188 : i32 to vector<16xi32>
      %parallel_loop3A_1190 = arith.cmpi sge, %parallel_loop3A_1187, %parallel_loop3A_1189 : vector<16xi32>
      %parallel_loop3A_1191 = arith.constant 2147483647 : i32
      %parallel_loop3A_1192 = vector.broadcast %parallel_loop3A_1191 : i32 to vector<16xi32>
      %parallel_loop3A_1193 = arith.xori %parallel_loop3A_1187, %parallel_loop3A_1192 : vector<16xi32>
      %parallel_loop3A_1194 = arith.select %parallel_loop3A_1190, %parallel_loop3A_1187, %parallel_loop3A_1193 : vector<16xi1>, vector<16xi32>
      %parallel_loop3A_1195 = arith.constant 17 : i32
      %parallel_loop3A_1196 = vector.broadcast %parallel_loop3A_1195 : i32 to vector<16xi32>
      %parallel_loop3A_1197 = arith.shrsi %parallel_loop3A_1194, %parallel_loop3A_1196 : vector<16xi32>
      %parallel_loop3A_1198 = arith.constant 16384 : i32
      %parallel_loop3A_1199 = vector.broadcast %parallel_loop3A_1198 : i32 to vector<16xi32>
      %parallel_loop3A_1200 = arith.addi %parallel_loop3A_1197, %parallel_loop3A_1199 : vector<16xi32>
      tpu.vector_store_idx %arg6[%parallel_loop3A_1200], %broadcast_in_dim3A_3 {add = true} : memref<32768xi32, #tpu.memory_space<vmem>>[vector<16xi32>], vector<16xi32>,
    } {sc.loop_unroll_factor = 8 : i64, sc.parallel_access}
    %scan3A_903 = arith.constant 0 : i32
    %scan3A_904 = arith.constant 0 : i32
    %scan3A_905 = arith.constant 0 : i32
    %scan3A_906 = arith.constant 0 : i32
    %scan3A_907 = arith.constant 0 : i32
    %scan3A_908 = arith.constant 0 : i32
    %scan3A_909 = arith.constant 128 : i32
    %scan3A_910 = arith.addi %scan3A_908, %scan3A_909 : i32
    %scan3A_911 = arith.constant 1 : i32
    %scan3A_912:5 = scf.for %scan3A_1182 = %scan3A_908 to %scan3A_910 step %scan3A_911 iter_args(%scan3A_1183 = %scan3A_903, %scan3A_1184 = %scan3A_904, %scan3A_1185 = %scan3A_905, %scan3A_1186 = %scan3A_906, %scan3A_1187 = %scan3A_907) -> (i32, i32, i32, i32, i32)  : i32 {
      %sub3A_1188 = arith.constant 127 : i32
      %sub3A_1189 = arith.subi %sub3A_1188, %scan3A_1182 : i32
      %mul3A_1190 = arith.constant 256 : i32
      %mul3A_1191 = arith.muli %sub3A_1189, %mul3A_1190 : i32
      %add3A_1192 = arith.constant 0 : i32
      %add3A_1193 = arith.addi %mul3A_1191, %add3A_1192 : i32
      %get3A_1194 = arith.index_cast %add3A_1193 : i32 to index
      %get3A_1195 = tpu.vector_load %arg6[%get3A_1194] {strides = array<i32>} : memref<32768xi32, #tpu.memory_space<vmem>>, vector<16xi32>,
      %mul3A_1196 = arith.constant 256 : i32
      %mul3A_1197 = arith.muli %sub3A_1189, %mul3A_1196 : i32
      %add3A_1198 = arith.constant 16 : i32
      %add3A_1199 = arith.addi %mul3A_1197, %add3A_1198 : i32
      %get3A_1200 = arith.index_cast %add3A_1199 : i32 to index
      %get3A_1201 = tpu.vector_load %arg6[%get3A_1200] {strides = array<i32>} : memref<32768xi32, #tpu.memory_space<vmem>>, vector<16xi32>,
      %mul3A_1202 = arith.constant 256 : i32
      %mul3A_1203 = arith.muli %sub3A_1189, %mul3A_1202 : i32
      %add3A_1204 = arith.constant 32 : i32
      %add3A_1205 = arith.addi %mul3A_1203, %add3A_1204 : i32
      %get3A_1206 = arith.index_cast %add3A_1205 : i32 to index
      %get3A_1207 = tpu.vector_load %arg6[%get3A_1206] {strides = array<i32>} : memref<32768xi32, #tpu.memory_space<vmem>>, vector<16xi32>,
      %mul3A_1208 = arith.constant 256 : i32
      %mul3A_1209 = arith.muli %sub3A_1189, %mul3A_1208 : i32
      %add3A_1210 = arith.constant 48 : i32
      %add3A_1211 = arith.addi %mul3A_1209, %add3A_1210 : i32
      %get3A_1212 = arith.index_cast %add3A_1211 : i32 to index
      %get3A_1213 = tpu.vector_load %arg6[%get3A_1212] {strides = array<i32>} : memref<32768xi32, #tpu.memory_space<vmem>>, vector<16xi32>,
      %mul3A_1214 = arith.constant 256 : i32
      %mul3A_1215 = arith.muli %sub3A_1189, %mul3A_1214 : i32
      %add3A_1216 = arith.constant 64 : i32
      %add3A_1217 = arith.addi %mul3A_1215, %add3A_1216 : i32
      %get3A_1218 = arith.index_cast %add3A_1217 : i32 to index
      %get3A_1219 = tpu.vector_load %arg6[%get3A_1218] {strides = array<i32>} : memref<32768xi32, #tpu.memory_space<vmem>>, vector<16xi32>,
      %mul3A_1220 = arith.constant 256 : i32
      %mul3A_1221 = arith.muli %sub3A_1189, %mul3A_1220 : i32
      %add3A_1222 = arith.constant 80 : i32
      %add3A_1223 = arith.addi %mul3A_1221, %add3A_1222 : i32
      %get3A_1224 = arith.index_cast %add3A_1223 : i32 to index
      %get3A_1225 = tpu.vector_load %arg6[%get3A_1224] {strides = array<i32>} : memref<32768xi32, #tpu.memory_space<vmem>>, vector<16xi32>,
      %mul3A_1226 = arith.constant 256 : i32
      %mul3A_1227 = arith.muli %sub3A_1189, %mul3A_1226 : i32
      %add3A_1228 = arith.constant 96 : i32
      %add3A_1229 = arith.addi %mul3A_1227, %add3A_1228 : i32
      %get3A_1230 = arith.index_cast %add3A_1229 : i32 to index
      %get3A_1231 = tpu.vector_load %arg6[%get3A_1230] {strides = array<i32>} : memref<32768xi32, #tpu.memory_space<vmem>>, vector<16xi32>,
      %mul3A_1232 = arith.constant 256 : i32
      %mul3A_1233 = arith.muli %sub3A_1189, %mul3A_1232 : i32
      %add3A_1234 = arith.constant 112 : i32
      %add3A_1235 = arith.addi %mul3A_1233, %add3A_1234 : i32
      %get3A_1236 = arith.index_cast %add3A_1235 : i32 to index
      %get3A_1237 = tpu.vector_load %arg6[%get3A_1236] {strides = array<i32>} : memref<32768xi32, #tpu.memory_space<vmem>>, vector<16xi32>,
      %mul3A_1238 = arith.constant 256 : i32
      %mul3A_1239 = arith.muli %sub3A_1189, %mul3A_1238 : i32
      %add3A_1240 = arith.constant 128 : i32
      %add3A_1241 = arith.addi %mul3A_1239, %add3A_1240 : i32
      %get3A_1242 = arith.index_cast %add3A_1241 : i32 to index
      %get3A_1243 = tpu.vector_load %arg6[%get3A_1242] {strides = array<i32>} : memref<32768xi32, #tpu.memory_space<vmem>>, vector<16xi32>,
      %mul3A_1244 = arith.constant 256 : i32
      %mul3A_1245 = arith.muli %sub3A_1189, %mul3A_1244 : i32
      %add3A_1246 = arith.constant 144 : i32
      %add3A_1247 = arith.addi %mul3A_1245, %add3A_1246 : i32
      %get3A_1248 = arith.index_cast %add3A_1247 : i32 to index
      %get3A_1249 = tpu.vector_load %arg6[%get3A_1248] {strides = array<i32>} : memref<32768xi32, #tpu.memory_space<vmem>>, vector<16xi32>,
      %mul3A_1250 = arith.constant 256 : i32
      %mul3A_1251 = arith.muli %sub3A_1189, %mul3A_1250 : i32
      %add3A_1252 = arith.constant 160 : i32
      %add3A_1253 = arith.addi %mul3A_1251, %add3A_1252 : i32
      %get3A_1254 = arith.index_cast %add3A_1253 : i32 to index
      %get3A_1255 = tpu.vector_load %arg6[%get3A_1254] {strides = array<i32>} : memref<32768xi32, #tpu.memory_space<vmem>>, vector<16xi32>,
      %mul3A_1256 = arith.constant 256 : i32
      %mul3A_1257 = arith.muli %sub3A_1189, %mul3A_1256 : i32
      %add3A_1258 = arith.constant 176 : i32
      %add3A_1259 = arith.addi %mul3A_1257, %add3A_1258 : i32
      %get3A_1260 = arith.index_cast %add3A_1259 : i32 to index
      %get3A_1261 = tpu.vector_load %arg6[%get3A_1260] {strides = array<i32>} : memref<32768xi32, #tpu.memory_space<vmem>>, vector<16xi32>,
      %mul3A_1262 = arith.constant 256 : i32
      %mul3A_1263 = arith.muli %sub3A_1189, %mul3A_1262 : i32
      %add3A_1264 = arith.constant 192 : i32
      %add3A_1265 = arith.addi %mul3A_1263, %add3A_1264 : i32
      %get3A_1266 = arith.index_cast %add3A_1265 : i32 to index
      %get3A_1267 = tpu.vector_load %arg6[%get3A_1266] {strides = array<i32>} : memref<32768xi32, #tpu.memory_space<vmem>>, vector<16xi32>,
      %mul3A_1268 = arith.constant 256 : i32
      %mul3A_1269 = arith.muli %sub3A_1189, %mul3A_1268 : i32
      %add3A_1270 = arith.constant 208 : i32
      %add3A_1271 = arith.addi %mul3A_1269, %add3A_1270 : i32
      %get3A_1272 = arith.index_cast %add3A_1271 : i32 to index
      %get3A_1273 = tpu.vector_load %arg6[%get3A_1272] {strides = array<i32>} : memref<32768xi32, #tpu.memory_space<vmem>>, vector<16xi32>,
      %mul3A_1274 = arith.constant 256 : i32
      %mul3A_1275 = arith.muli %sub3A_1189, %mul3A_1274 : i32
      %add3A_1276 = arith.constant 224 : i32
      %add3A_1277 = arith.addi %mul3A_1275, %add3A_1276 : i32
      %get3A_1278 = arith.index_cast %add3A_1277 : i32 to index
      %get3A_1279 = tpu.vector_load %arg6[%get3A_1278] {strides = array<i32>} : memref<32768xi32, #tpu.memory_space<vmem>>, vector<16xi32>,
      %mul3A_1280 = arith.constant 256 : i32
      %mul3A_1281 = arith.muli %sub3A_1189, %mul3A_1280 : i32
      %add3A_1282 = arith.constant 240 : i32
      %add3A_1283 = arith.addi %mul3A_1281, %add3A_1282 : i32
      %get3A_1284 = arith.index_cast %add3A_1283 : i32 to index
      %get3A_1285 = tpu.vector_load %arg6[%get3A_1284] {strides = array<i32>} : memref<32768xi32, #tpu.memory_space<vmem>>, vector<16xi32>,
      %add3A_1286 = arith.addi %get3A_1195, %get3A_1201 : vector<16xi32>
      %add3A_1287 = arith.addi %get3A_1207, %get3A_1213 : vector<16xi32>
      %add3A_1288 = arith.addi %get3A_1219, %get3A_1225 : vector<16xi32>
      %add3A_1289 = arith.addi %get3A_1231, %get3A_1237 : vector<16xi32>
      %add3A_1290 = arith.addi %get3A_1243, %get3A_1249 : vector<16xi32>
      %add3A_1291 = arith.addi %get3A_1255, %get3A_1261 : vector<16xi32>
      %add3A_1292 = arith.addi %get3A_1267, %get3A_1273 : vector<16xi32>
      %add3A_1293 = arith.addi %get3A_1279, %get3A_1285 : vector<16xi32>
      %add3A_1294 = arith.addi %add3A_1286, %add3A_1287 : vector<16xi32>
      %add3A_1295 = arith.addi %add3A_1288, %add3A_1289 : vector<16xi32>
      %add3A_1296 = arith.addi %add3A_1290, %add3A_1291 : vector<16xi32>
      %add3A_1297 = arith.addi %add3A_1292, %add3A_1293 : vector<16xi32>
      %add3A_1298 = arith.addi %add3A_1294, %add3A_1295 : vector<16xi32>
      %add3A_1299 = arith.addi %add3A_1296, %add3A_1297 : vector<16xi32>
      %add3A_1300 = arith.addi %add3A_1298, %add3A_1299 : vector<16xi32>
      %reduce_sum3A_1301 = arith.constant true
      %reduce_sum3A_1302 = vector.broadcast %reduce_sum3A_1301 : i1 to vector<16xi1>
      %reduce_sum3A_1303 = tpu.scan <sum>, %add3A_1300 masked %reduce_sum3A_1302 : vector<16xi32>, vector<16xi1> -> vector<16xi32>
      %reduce_sum3A_1304 = vector.extract %reduce_sum3A_1303[15] : i32 from vector<16xi32>
      %add3A_1305 = arith.addi %scan3A_1183, %reduce_sum3A_1304 : i32
      %lt3A = arith.constant 1645 : i32
      %lt3A_1306 = arith.cmpi slt, %scan3A_1183, %lt3A : i32
      %ge3A_1307 = arith.constant 1645 : i32
      %ge3A_1308 = arith.cmpi sge, %add3A_1305, %ge3A_1307 : i32
      %and3A_1309 = arith.andi %lt3A_1306, %ge3A_1308 : i1
      %lt3A_1310 = arith.constant 7 : i32
      %lt3A_1311 = arith.cmpi slt, %scan3A_1183, %lt3A_1310 : i32
      %ge3A_1312 = arith.constant 7 : i32
      %ge3A_1313 = arith.cmpi sge, %add3A_1305, %ge3A_1312 : i32
      %and3A_1314 = arith.andi %lt3A_1311, %ge3A_1313 : i1
      %select_n3A_1315 = arith.select %and3A_1309, %sub3A_1189, %scan3A_1184 : i32
      %select_n3A_1316 = arith.select %and3A_1309, %scan3A_1183, %scan3A_1185 : i32
      %select_n3A_1317 = arith.select %and3A_1314, %sub3A_1189, %scan3A_1186 : i32
      %select_n3A_1318 = arith.select %and3A_1314, %scan3A_1183, %scan3A_1187 : i32
      scf.yield %add3A_1305, %select_n3A_1315, %select_n3A_1316, %select_n3A_1317, %select_n3A_1318 : i32, i32, i32, i32, i32
    }
    %scan3A_913 = arith.constant 128 : i32
    %scan3A_914 = arith.constant 0 : i32
    %scan3A_915 = arith.constant 0 : i32
    %scan3A_916 = arith.constant 0 : i32
    %scan3A_917 = arith.constant 16 : i32
    %scan3A_918 = arith.addi %scan3A_916, %scan3A_917 : i32
    %scan3A_919 = arith.constant 1 : i32
    %scan3A_920:3 = scf.for %scan3A_1182 = %scan3A_916 to %scan3A_918 step %scan3A_919 iter_args(%scan3A_1183 = %scan3A_912#2, %scan3A_1184 = %scan3A_914, %scan3A_1185 = %scan3A_915) -> (i32, i32, i32)  : i32 {
      %sub3A_1186 = arith.constant 15 : i32
      %sub3A_1187 = arith.subi %sub3A_1186, %scan3A_1182 : i32
      %mul3A_1188 = arith.constant 256 : i32
      %mul3A_1189 = arith.muli %scan3A_912#1, %mul3A_1188 : i32
      %mul3A_1190 = arith.constant 16 : i32
      %mul3A_1191 = arith.muli %sub3A_1187, %mul3A_1190 : i32
      %add3A_1192 = arith.addi %mul3A_1189, %mul3A_1191 : i32
      %get3A_1193 = arith.index_cast %add3A_1192 : i32 to index
      %get3A_1194 = tpu.vector_load %arg6[%get3A_1193] {strides = array<i32>} : memref<32768xi32, #tpu.memory_space<vmem>>, vector<16xi32>,
      %reduce_sum3A_1195 = arith.constant true
      %reduce_sum3A_1196 = vector.broadcast %reduce_sum3A_1195 : i1 to vector<16xi1>
      %reduce_sum3A_1197 = tpu.scan <sum>, %get3A_1194 masked %reduce_sum3A_1196 : vector<16xi32>, vector<16xi1> -> vector<16xi32>
      %reduce_sum3A_1198 = vector.extract %reduce_sum3A_1197[15] : i32 from vector<16xi32>
      %add3A_1199 = arith.addi %scan3A_1183, %reduce_sum3A_1198 : i32
      %lt3A = arith.constant 1645 : i32
      %lt3A_1200 = arith.cmpi slt, %scan3A_1183, %lt3A : i32
      %ge3A_1201 = arith.constant 1645 : i32
      %ge3A_1202 = arith.cmpi sge, %add3A_1199, %ge3A_1201 : i32
      %and3A_1203 = arith.andi %lt3A_1200, %ge3A_1202 : i1
      %select_n3A_1204 = arith.select %and3A_1203, %sub3A_1187, %scan3A_1184 : i32
      %select_n3A_1205 = arith.select %and3A_1203, %scan3A_1183, %scan3A_1185 : i32
      scf.yield %add3A_1199, %select_n3A_1204, %select_n3A_1205 : i32, i32, i32
    }
    %scan3A_921 = arith.constant 16 : i32
    %mul3A_922 = arith.constant 256 : i32
    %mul3A_923 = arith.muli %scan3A_912#1, %mul3A_922 : i32
    %mul3A_924 = arith.constant 16 : i32
    %mul3A_925 = arith.muli %scan3A_920#1, %mul3A_924 : i32
    %add3A_926 = arith.addi %mul3A_923, %mul3A_925 : i32
    %get3A_927 = arith.index_cast %add3A_926 : i32 to index
    %get3A_928 = tpu.vector_load %arg6[%get3A_927] {strides = array<i32>} : memref<32768xi32, #tpu.memory_space<vmem>>, vector<16xi32>,
    %rev3A_929 = arith.constant 15 : i32
    %rev3A_930 = vector.broadcast %rev3A_929 : i32 to vector<16xi32>
    %rev3A_931 = tpu.iota {dimensions = array<i32: 0>} : vector<16xi32>
    %rev3A_932 = arith.subi %rev3A_930, %rev3A_931 : vector<16xi32>
    %rev3A_933 = tpu.dynamic_gather %get3A_928[%rev3A_932] in [0] : vector<16xi32>, vector<16xi32> -> vector<16xi32>
    %broadcast_in_dim3A_934 = arith.constant true
    %broadcast_in_dim3A_935 = vector.broadcast %broadcast_in_dim3A_934 : i1 to vector<16xi1>
    %masked_cumsum3A_936 = tpu.scan <sum>, %rev3A_933 masked %broadcast_in_dim3A_935 : vector<16xi32>, vector<16xi1> -> vector<16xi32>
    %rev3A_937 = arith.constant 15 : i32
    %rev3A_938 = vector.broadcast %rev3A_937 : i32 to vector<16xi32>
    %rev3A_939 = tpu.iota {dimensions = array<i32: 0>} : vector<16xi32>
    %rev3A_940 = arith.subi %rev3A_938, %rev3A_939 : vector<16xi32>
    %rev3A_941 = tpu.dynamic_gather %masked_cumsum3A_936[%rev3A_940] in [0] : vector<16xi32>, vector<16xi32> -> vector<16xi32>
    %add3A_942 = vector.broadcast %scan3A_920#2 : i32 to vector<16xi32>
    %add3A_943 = arith.addi %add3A_942, %rev3A_941 : vector<16xi32>
    %ge3A_944 = arith.constant 1645 : i32
    %ge3A_945 = vector.broadcast %ge3A_944 : i32 to vector<16xi32>
    %ge3A_946 = arith.cmpi sge, %add3A_943, %ge3A_945 : vector<16xi32>
    %all_reduce_population_count3A_947 = tpu.all_reduce %ge3A_946 {dim = 0 : i64, kind = #tpu.reduction_kind<sum>} : vector<16xi1> -> vector<16xi32>
    %sub3A_948 = arith.constant 1 : i32
    %sub3A_949 = vector.broadcast %sub3A_948 : i32 to vector<16xi32>
    %sub3A_950 = arith.subi %all_reduce_population_count3A_947, %sub3A_949 : vector<16xi32>
    %eq3A_951 = arith.cmpi eq, %iota3A, %sub3A_950 : vector<16xi32>
    %jit3A_952 = arith.constant 0 : i32
    %broadcast_in_dim3A_953 = vector.broadcast %jit3A_952 : i32 to vector<16xi32>
    %select_n3A_954 = arith.select %eq3A_951, %rev3A_941, %broadcast_in_dim3A_953 : vector<16xi1>, vector<16xi32>
    %reduce_sum3A_955 = arith.constant true
    %reduce_sum3A_956 = vector.broadcast %reduce_sum3A_955 : i1 to vector<16xi1>
    %reduce_sum3A_957 = tpu.scan <sum>, %select_n3A_954 masked %reduce_sum3A_956 : vector<16xi32>, vector<16xi1> -> vector<16xi32>
    %reduce_sum3A_958 = vector.extract %reduce_sum3A_957[15] : i32 from vector<16xi32>
    %eq3A_959 = arith.cmpi eq, %iota3A, %sub3A_950 : vector<16xi32>
    %jit3A_960 = arith.constant 0 : i32
    %broadcast_in_dim3A_961 = vector.broadcast %jit3A_960 : i32 to vector<16xi32>
    %select_n3A_962 = arith.select %eq3A_959, %get3A_928, %broadcast_in_dim3A_961 : vector<16xi1>, vector<16xi32>
    %reduce_sum3A_963 = arith.constant true
    %reduce_sum3A_964 = vector.broadcast %reduce_sum3A_963 : i1 to vector<16xi1>
    %reduce_sum3A_965 = tpu.scan <sum>, %select_n3A_962 masked %reduce_sum3A_964 : vector<16xi32>, vector<16xi1> -> vector<16xi32>
    %reduce_sum3A_966 = vector.extract %reduce_sum3A_965[15] : i32 from vector<16xi32>
    %add3A_967 = arith.addi %scan3A_920#2, %reduce_sum3A_958 : i32
    %sub3A_968 = arith.subi %add3A_967, %reduce_sum3A_966 : i32
    %sub3A_969 = arith.constant 1645 : i32
    %sub3A_970 = arith.subi %sub3A_969, %sub3A_968 : i32
    %mul3A_971 = arith.constant 256 : i32
    %mul3A_972 = arith.muli %scan3A_912#1, %mul3A_971 : i32
    %mul3A_973 = arith.constant 16 : i32
    %mul3A_974 = arith.muli %scan3A_920#1, %mul3A_973 : i32
    %add3A_975 = arith.addi %mul3A_972, %mul3A_974 : i32
    %add3A_976 = vector.broadcast %add3A_975 : i32 to vector<16xi32>
    %add3A_977 = arith.addi %add3A_976, %sub3A_950 : vector<16xi32>
    %broadcast_in_dim3A_978 = vector.broadcast %sub3A_970 : i32 to vector<16xi32>
    %scan3A_979 = arith.constant 0 : i32
    %scan3A_980 = arith.constant 0 : i32
    %scan3A_981 = arith.constant 0 : i32
    %scan3A_982 = arith.constant 16 : i32
    %scan3A_983 = arith.addi %scan3A_981, %scan3A_982 : i32
    %scan3A_984 = arith.constant 1 : i32
    %scan3A_985:3 = scf.for %scan3A_1182 = %scan3A_981 to %scan3A_983 step %scan3A_984 iter_args(%scan3A_1183 = %scan3A_912#4, %scan3A_1184 = %scan3A_979, %scan3A_1185 = %scan3A_980) -> (i32, i32, i32)  : i32 {
      %sub3A_1186 = arith.constant 15 : i32
      %sub3A_1187 = arith.subi %sub3A_1186, %scan3A_1182 : i32
      %mul3A_1188 = arith.constant 256 : i32
      %mul3A_1189 = arith.muli %scan3A_912#3, %mul3A_1188 : i32
      %mul3A_1190 = arith.constant 16 : i32
      %mul3A_1191 = arith.muli %sub3A_1187, %mul3A_1190 : i32
      %add3A_1192 = arith.addi %mul3A_1189, %mul3A_1191 : i32
      %get3A_1193 = arith.index_cast %add3A_1192 : i32 to index
      %get3A_1194 = tpu.vector_load %arg6[%get3A_1193] {strides = array<i32>} : memref<32768xi32, #tpu.memory_space<vmem>>, vector<16xi32>,
      %reduce_sum3A_1195 = arith.constant true
      %reduce_sum3A_1196 = vector.broadcast %reduce_sum3A_1195 : i1 to vector<16xi1>
      %reduce_sum3A_1197 = tpu.scan <sum>, %get3A_1194 masked %reduce_sum3A_1196 : vector<16xi32>, vector<16xi1> -> vector<16xi32>
      %reduce_sum3A_1198 = vector.extract %reduce_sum3A_1197[15] : i32 from vector<16xi32>
      %add3A_1199 = arith.addi %scan3A_1183, %reduce_sum3A_1198 : i32
      %lt3A = arith.constant 7 : i32
      %lt3A_1200 = arith.cmpi slt, %scan3A_1183, %lt3A : i32
      %ge3A_1201 = arith.constant 7 : i32
      %ge3A_1202 = arith.cmpi sge, %add3A_1199, %ge3A_1201 : i32
      %and3A_1203 = arith.andi %lt3A_1200, %ge3A_1202 : i1
      %select_n3A_1204 = arith.select %and3A_1203, %sub3A_1187, %scan3A_1184 : i32
      %select_n3A_1205 = arith.select %and3A_1203, %scan3A_1183, %scan3A_1185 : i32
      scf.yield %add3A_1199, %select_n3A_1204, %select_n3A_1205 : i32, i32, i32
    }
    %scan3A_986 = arith.constant 16 : i32
    %mul3A_987 = arith.constant 256 : i32
    %mul3A_988 = arith.muli %scan3A_912#3, %mul3A_987 : i32
    %mul3A_989 = arith.constant 16 : i32
    %mul3A_990 = arith.muli %scan3A_985#1, %mul3A_989 : i32
    %add3A_991 = arith.addi %mul3A_988, %mul3A_990 : i32
    %get3A_992 = arith.index_cast %add3A_991 : i32 to index
    %get3A_993 = tpu.vector_load %arg6[%get3A_992] {strides = array<i32>} : memref<32768xi32, #tpu.memory_space<vmem>>, vector<16xi32>,
    %rev3A_994 = arith.constant 15 : i32
    %rev3A_995 = vector.broadcast %rev3A_994 : i32 to vector<16xi32>
    %rev3A_996 = tpu.iota {dimensions = array<i32: 0>} : vector<16xi32>
    %rev3A_997 = arith.subi %rev3A_995, %rev3A_996 : vector<16xi32>
    %rev3A_998 = tpu.dynamic_gather %get3A_993[%rev3A_997] in [0] : vector<16xi32>, vector<16xi32> -> vector<16xi32>
    %broadcast_in_dim3A_999 = arith.constant true
    %broadcast_in_dim3A_1000 = vector.broadcast %broadcast_in_dim3A_999 : i1 to vector<16xi1>
    %masked_cumsum3A_1001 = tpu.scan <sum>, %rev3A_998 masked %broadcast_in_dim3A_1000 : vector<16xi32>, vector<16xi1> -> vector<16xi32>
    %rev3A_1002 = arith.constant 15 : i32
    %rev3A_1003 = vector.broadcast %rev3A_1002 : i32 to vector<16xi32>
    %rev3A_1004 = tpu.iota {dimensions = array<i32: 0>} : vector<16xi32>
    %rev3A_1005 = arith.subi %rev3A_1003, %rev3A_1004 : vector<16xi32>
    %rev3A_1006 = tpu.dynamic_gather %masked_cumsum3A_1001[%rev3A_1005] in [0] : vector<16xi32>, vector<16xi32> -> vector<16xi32>
    %add3A_1007 = vector.broadcast %scan3A_985#2 : i32 to vector<16xi32>
    %add3A_1008 = arith.addi %add3A_1007, %rev3A_1006 : vector<16xi32>
    %ge3A_1009 = arith.constant 7 : i32
    %ge3A_1010 = vector.broadcast %ge3A_1009 : i32 to vector<16xi32>
    %ge3A_1011 = arith.cmpi sge, %add3A_1008, %ge3A_1010 : vector<16xi32>
    %all_reduce_population_count3A_1012 = tpu.all_reduce %ge3A_1011 {dim = 0 : i64, kind = #tpu.reduction_kind<sum>} : vector<16xi1> -> vector<16xi32>
    %sub3A_1013 = arith.constant 1 : i32
    %sub3A_1014 = vector.broadcast %sub3A_1013 : i32 to vector<16xi32>
    %sub3A_1015 = arith.subi %all_reduce_population_count3A_1012, %sub3A_1014 : vector<16xi32>
    %eq3A_1016 = arith.cmpi eq, %iota3A, %sub3A_1015 : vector<16xi32>
    %jit3A_1017 = arith.constant 0 : i32
    %broadcast_in_dim3A_1018 = vector.broadcast %jit3A_1017 : i32 to vector<16xi32>
    %select_n3A_1019 = arith.select %eq3A_1016, %rev3A_1006, %broadcast_in_dim3A_1018 : vector<16xi1>, vector<16xi32>
    %reduce_sum3A_1020 = arith.constant true
    %reduce_sum3A_1021 = vector.broadcast %reduce_sum3A_1020 : i1 to vector<16xi1>
    %reduce_sum3A_1022 = tpu.scan <sum>, %select_n3A_1019 masked %reduce_sum3A_1021 : vector<16xi32>, vector<16xi1> -> vector<16xi32>
    %reduce_sum3A_1023 = vector.extract %reduce_sum3A_1022[15] : i32 from vector<16xi32>
    %eq3A_1024 = arith.cmpi eq, %iota3A, %sub3A_1015 : vector<16xi32>
    %jit3A_1025 = arith.constant 0 : i32
    %broadcast_in_dim3A_1026 = vector.broadcast %jit3A_1025 : i32 to vector<16xi32>
    %select_n3A_1027 = arith.select %eq3A_1024, %get3A_993, %broadcast_in_dim3A_1026 : vector<16xi1>, vector<16xi32>
    %reduce_sum3A_1028 = arith.constant true
    %reduce_sum3A_1029 = vector.broadcast %reduce_sum3A_1028 : i1 to vector<16xi1>
    %reduce_sum3A_1030 = tpu.scan <sum>, %select_n3A_1027 masked %reduce_sum3A_1029 : vector<16xi32>, vector<16xi1> -> vector<16xi32>
    %reduce_sum3A_1031 = vector.extract %reduce_sum3A_1030[15] : i32 from vector<16xi32>
    %add3A_1032 = arith.addi %scan3A_985#2, %reduce_sum3A_1023 : i32
    %sub3A_1033 = arith.subi %add3A_1032, %reduce_sum3A_1031 : i32
    %sub3A_1034 = arith.constant 7 : i32
    %sub3A_1035 = arith.subi %sub3A_1034, %sub3A_1033 : i32
    %mul3A_1036 = arith.constant 256 : i32
    %mul3A_1037 = arith.muli %scan3A_912#3, %mul3A_1036 : i32
    %mul3A_1038 = arith.constant 16 : i32
    %mul3A_1039 = arith.muli %scan3A_985#1, %mul3A_1038 : i32
    %add3A_1040 = arith.addi %mul3A_1037, %mul3A_1039 : i32
    %add3A_1041 = vector.broadcast %add3A_1040 : i32 to vector<16xi32>
    %add3A_1042 = arith.addi %add3A_1041, %sub3A_1015 : vector<16xi32>
    %broadcast_in_dim3A_1043 = vector.broadcast %sub3A_1035 : i32 to vector<16xi32>
    %gather3A_1044 = tpu.vector_load_idx %arg6[%add3A_1042] : memref<32768xi32, #tpu.memory_space<vmem>>[vector<16xi32>], vector<16xi32>,
    %eq3A_1045 = arith.cmpi eq, %add3A_977, %add3A_1042 : vector<16xi32>
    %jit3A_1046 = arith.constant 0 : i32
    %broadcast_in_dim3A_1047 = vector.broadcast %jit3A_1046 : i32 to vector<16xi32>
    %select_n3A_1048 = arith.select %eq3A_1045, %broadcast_in_dim3A_1047, %gather3A_1044 : vector<16xi1>, vector<16xi32>
    %gather3A_1049 = tpu.vector_load_idx %arg6[%add3A_977] : memref<32768xi32, #tpu.memory_space<vmem>>[vector<16xi32>], vector<16xi32>,
    %add3A_1050 = arith.addi %gather3A_1049, %select_n3A_1048 : vector<16xi32>
    %parallel_loop3A_1051 = arith.constant 0 : i32
    %parallel_loop3A_1052 = arith.constant 2048 : i32
    %parallel_loop3A_1053 = arith.constant 1 : i32
    %parallel_loop3A_1054 = scf.for %parallel_loop3A_1182 = %parallel_loop3A_1051 to %parallel_loop3A_1052 step %parallel_loop3A_1053 iter_args(%parallel_loop3A_1183 = %broadcast_in_dim3A_5) -> (vector<16xi32>)  : i32 {
      %parallel_loop3A_1184 = arith.constant 16 : i32
      %parallel_loop3A_1185 = arith.muli %parallel_loop3A_1182, %parallel_loop3A_1184 : i32
      %parallel_loop3A_1186 = arith.index_cast %parallel_loop3A_1185 : i32 to index
      %parallel_loop3A_1187 = tpu.vector_load %arg5[%parallel_loop3A_1186] {strides = array<i32>} : memref<32768xf32, #tpu.memory_space<vmem>>, vector<16xf32>,
      %parallel_loop3A_1188 = tpu.bitcast %parallel_loop3A_1187 : vector<16xf32> -> vector<16xi32>
      %parallel_loop3A_1189 = arith.constant 0 : i32
      %parallel_loop3A_1190 = vector.broadcast %parallel_loop3A_1189 : i32 to vector<16xi32>
      %parallel_loop3A_1191 = arith.cmpi sge, %parallel_loop3A_1188, %parallel_loop3A_1190 : vector<16xi32>
      %parallel_loop3A_1192 = arith.constant 2147483647 : i32
      %parallel_loop3A_1193 = vector.broadcast %parallel_loop3A_1192 : i32 to vector<16xi32>
      %parallel_loop3A_1194 = arith.xori %parallel_loop3A_1188, %parallel_loop3A_1193 : vector<16xi32>
      %parallel_loop3A_1195 = arith.select %parallel_loop3A_1191, %parallel_loop3A_1188, %parallel_loop3A_1194 : vector<16xi1>, vector<16xi32>
      %parallel_loop3A_1196 = arith.constant 17 : i32
      %parallel_loop3A_1197 = vector.broadcast %parallel_loop3A_1196 : i32 to vector<16xi32>
      %parallel_loop3A_1198 = arith.shrsi %parallel_loop3A_1195, %parallel_loop3A_1197 : vector<16xi32>
      %parallel_loop3A_1199 = arith.constant 16384 : i32
      %parallel_loop3A_1200 = vector.broadcast %parallel_loop3A_1199 : i32 to vector<16xi32>
      %parallel_loop3A_1201 = arith.addi %parallel_loop3A_1198, %parallel_loop3A_1200 : vector<16xi32>
      %parallel_loop3A_1202 = arith.cmpi eq, %parallel_loop3A_1201, %add3A_977 : vector<16xi32>
      %parallel_loop3A_1203 = arith.cmpi eq, %parallel_loop3A_1201, %add3A_1042 : vector<16xi32>
      %parallel_loop3A_1204 = arith.ori %parallel_loop3A_1202, %parallel_loop3A_1203 : vector<16xi1>
      %parallel_loop3A_1205 = arith.extui %parallel_loop3A_1204 : vector<16xi1> to vector<16xi32>
      %parallel_loop3A_1206 = arith.constant true
      %parallel_loop3A_1207 = vector.broadcast %parallel_loop3A_1206 : i1 to vector<16xi1>
      %parallel_loop3A_1208 = tpu.scan <sum>, %parallel_loop3A_1205 masked %parallel_loop3A_1207 : vector<16xi32>, vector<16xi1> -> vector<16xi32>
      %parallel_loop3A_1209 = arith.constant 1 : i32
      %parallel_loop3A_1210 = vector.broadcast %parallel_loop3A_1209 : i32 to vector<16xi32>
      %parallel_loop3A_1211 = arith.subi %parallel_loop3A_1208, %parallel_loop3A_1210 : vector<16xi32>
      %parallel_loop3A_1212 = arith.addi %parallel_loop3A_1211, %parallel_loop3A_1183 : vector<16xi32>
      %parallel_loop3A_1213 = arith.constant 0 : i32
      %parallel_loop3A_1214 = vector.broadcast %parallel_loop3A_1213 : i32 to vector<16xi32>
      %parallel_loop3A_1215 = arith.select %parallel_loop3A_1204, %parallel_loop3A_1212, %parallel_loop3A_1214 : vector<16xi1>, vector<16xi32>
      tpu.vector_store_idx %arg6[%parallel_loop3A_1215], %parallel_loop3A_1195 masked %parallel_loop3A_1204 : memref<32768xi32, #tpu.memory_space<vmem>>[vector<16xi32>], vector<16xi32>, vector<16xi1>
      %parallel_loop3A_1216 = tpu.all_reduce %parallel_loop3A_1204 {dim = 0 : i64, kind = #tpu.reduction_kind<sum>} : vector<16xi1> -> vector<16xi32>
      %parallel_loop3A_1217 = arith.addi %parallel_loop3A_1183, %parallel_loop3A_1216 : vector<16xi32>
      scf.yield %parallel_loop3A_1217 : vector<16xi32>
    } {sc.loop_unroll_factor = 8 : i64, sc.parallel_access}
    %add3A_1055 = arith.addi %broadcast_in_dim3A_978, %select_n3A_1048 : vector<16xi32>
    %reduce_max3A_1056 = arith.constant true
    %reduce_max3A_1057 = vector.broadcast %reduce_max3A_1056 : i1 to vector<16xi1>
    %reduce_max3A_1058 = arith.constant -2147483648 : i32
    %reduce_max3A_1059 = vector.broadcast %reduce_max3A_1058 : i32 to vector<16xi32>
    %reduce_max3A_1060 = arith.xori %add3A_1050, %reduce_max3A_1059 : vector<16xi32>
    %reduce_max3A_1061 = tpu.scan <max>, %reduce_max3A_1060 masked %reduce_max3A_1057 : vector<16xi32>, vector<16xi1> -> vector<16xi32>
    %reduce_max3A_1062 = arith.xori %reduce_max3A_1061, %reduce_max3A_1059 : vector<16xi32>
    %reduce_max3A_1063 = vector.extract %reduce_max3A_1062[15] : i32 from vector<16xi32>
    %add3A_1064 = arith.constant 16 : i32
    %add3A_1065 = arith.addi %reduce_max3A_1063, %add3A_1064 : i32
    %sub3A_1066 = arith.constant 1 : i32
    %sub3A_1067 = arith.subi %add3A_1065, %sub3A_1066 : i32
    %jit3A_1068 = arith.constant 16 : i32
    %div3A_1069 = arith.divsi %sub3A_1067, %jit3A_1068 : i32
    %sign3A_1070 = arith.constant 0 : i32
    %sign3A_1071 = arith.cmpi sgt, %sub3A_1067, %sign3A_1070 : i32
    %sign3A_1072 = arith.extui %sign3A_1071 : i1 to i32
    %sign3A_1073 = arith.constant 0 : i32
    %sign3A_1074 = arith.cmpi slt, %sub3A_1067, %sign3A_1073 : i32
    %sign3A_1075 = arith.extui %sign3A_1074 : i1 to i32
    %sign3A_1076 = arith.subi %sign3A_1072, %sign3A_1075 : i32
    %sign3A_1077 = arith.constant 0 : i32
    %sign3A_1078 = arith.cmpi sgt, %jit3A_1068, %sign3A_1077 : i32
    %sign3A_1079 = arith.extui %sign3A_1078 : i1 to i32
    %sign3A_1080 = arith.constant 0 : i32
    %sign3A_1081 = arith.cmpi slt, %jit3A_1068, %sign3A_1080 : i32
    %sign3A_1082 = arith.extui %sign3A_1081 : i1 to i32
    %sign3A_1083 = arith.subi %sign3A_1079, %sign3A_1082 : i32
    %ne3A_1084 = arith.cmpi ne, %sign3A_1076, %sign3A_1083 : i32
    %rem3A_1085 = arith.remsi %sub3A_1067, %jit3A_1068 : i32
    %ne3A_1086 = arith.constant 0 : i32
    %ne3A_1087 = arith.cmpi ne, %rem3A_1085, %ne3A_1086 : i32
    %and3A_1088 = arith.andi %ne3A_1084, %ne3A_1087 : i1
    %sub3A_1089 = arith.constant 1 : i32
    %sub3A_1090 = arith.subi %div3A_1069, %sub3A_1089 : i32
    %select_n3A_1091 = arith.select %and3A_1088, %sub3A_1090, %div3A_1069 : i32
    %sub3A_1092 = arith.constant 16384 : i32
    %sub3A_1093 = vector.broadcast %sub3A_1092 : i32 to vector<16xi32>
    %sub3A_1094 = arith.subi %add3A_977, %sub3A_1093 : vector<16xi32>
    %mul3A_1095 = arith.constant 131072 : i32
    %mul3A_1096 = vector.broadcast %mul3A_1095 : i32 to vector<16xi32>
    %mul3A_1097 = arith.muli %sub3A_1094, %mul3A_1096 : vector<16xi32>
    %scan3A_1098 = arith.constant 0 : i32
    %scan3A_1099 = arith.constant 17 : i32
    %scan3A_1100 = arith.addi %scan3A_1098, %scan3A_1099 : i32
    %scan3A_1101 = arith.constant 1 : i32
    %scan3A_1102 = scf.for %scan3A_1182 = %scan3A_1098 to %scan3A_1100 step %scan3A_1101 iter_args(%scan3A_1183 = %broadcast_in_dim3A_5) -> (vector<16xi32>)  : i32 {
      %sub3A_1184 = arith.constant 16 : i32
      %sub3A_1185 = arith.subi %sub3A_1184, %scan3A_1182 : i32
      %broadcast_in_dim3A_1186 = vector.broadcast %sub3A_1185 : i32 to vector<16xi32>
      %shift_left3A = arith.shli %broadcast_in_dim3A_3, %broadcast_in_dim3A_1186 : vector<16xi32>
      %or3A = arith.ori %scan3A_1183, %shift_left3A : vector<16xi32>
      %add3A_1187 = arith.addi %mul3A_1097, %or3A : vector<16xi32>
      %while3A = arith.constant 0 : i32
      %while3A_1188 = arith.subi %select_n3A_1091, %while3A : i32
      %while3A_1189 = arith.addi %while3A, %while3A_1188 : i32
      %while3A_1190 = arith.constant 1 : i32
      %while3A_1191 = arith.divsi %while3A_1188, %while3A_1190 : i32
      %while3A_1192 = arith.muli %while3A_1191, %while3A_1190 : i32
      %while3A_1193 = arith.addi %while3A, %while3A_1192 : i32
      %while3A_1194 = arith.constant 1 : i32
      %while3A_1195 = scf.for %while3A_1201 = %while3A to %while3A_1193 step %while3A_1194 iter_args(%while3A_1202 = %broadcast_in_dim3A_5) -> (vector<16xi32>)  : i32 {
        %mul3A_1203 = arith.constant 16 : i32
        %mul3A_1204 = arith.muli %while3A_1201, %mul3A_1203 : i32
        %get3A_1205 = arith.index_cast %mul3A_1204 : i32 to index
        %get3A_1206 = tpu.vector_load %arg6[%get3A_1205] {strides = array<i32>} : memref<32768xi32, #tpu.memory_space<vmem>>, vector<16xi32>,
        %ge3A_1207 = arith.cmpi sge, %get3A_1206, %add3A_1187 : vector<16xi32>
        %mul3A_1208 = arith.constant 16 : i32
        %mul3A_1209 = arith.muli %while3A_1201, %mul3A_1208 : i32
        %add3A_1210 = vector.broadcast %mul3A_1209 : i32 to vector<16xi32>
        %add3A_1211 = arith.addi %add3A_1210, %iota3A : vector<16xi32>
        %lt3A = arith.cmpi slt, %add3A_1211, %add3A_1050 : vector<16xi32>
        %and3A_1212 = arith.andi %ge3A_1207, %lt3A : vector<16xi1>
        %all_reduce_population_count3A_1213 = tpu.all_reduce %and3A_1212 {dim = 0 : i64, kind = #tpu.reduction_kind<sum>} : vector<16xi1> -> vector<16xi32>
        %add3A_1214 = arith.addi %while3A_1202, %all_reduce_population_count3A_1213 : vector<16xi32>
        scf.yield %add3A_1214 : vector<16xi32>
      }
      %while3A_1196 = arith.constant 1 : i32
      %while3A_1197 = scf.for %while3A_1201 = %while3A_1193 to %while3A_1189 step %while3A_1196 iter_args(%while3A_1202 = %while3A_1195) -> (vector<16xi32>)  : i32 {
        %mul3A_1203 = arith.constant 16 : i32
        %mul3A_1204 = arith.muli %while3A_1201, %mul3A_1203 : i32
        %get3A_1205 = arith.index_cast %mul3A_1204 : i32 to index
        %get3A_1206 = tpu.vector_load %arg6[%get3A_1205] {strides = array<i32>} : memref<32768xi32, #tpu.memory_space<vmem>>, vector<16xi32>,
        %ge3A_1207 = arith.cmpi sge, %get3A_1206, %add3A_1187 : vector<16xi32>
        %mul3A_1208 = arith.constant 16 : i32
        %mul3A_1209 = arith.muli %while3A_1201, %mul3A_1208 : i32
        %add3A_1210 = vector.broadcast %mul3A_1209 : i32 to vector<16xi32>
        %add3A_1211 = arith.addi %add3A_1210, %iota3A : vector<16xi32>
        %lt3A = arith.cmpi slt, %add3A_1211, %add3A_1050 : vector<16xi32>
        %and3A_1212 = arith.andi %ge3A_1207, %lt3A : vector<16xi1>
        %all_reduce_population_count3A_1213 = tpu.all_reduce %and3A_1212 {dim = 0 : i64, kind = #tpu.reduction_kind<sum>} : vector<16xi1> -> vector<16xi32>
        %add3A_1214 = arith.addi %while3A_1202, %all_reduce_population_count3A_1213 : vector<16xi32>
        scf.yield %add3A_1214 : vector<16xi32>
      }
      %ge3A_1198 = arith.cmpi sge, %while3A_1197, %add3A_1055 : vector<16xi32>
      %or3A_1199 = arith.ori %scan3A_1183, %shift_left3A : vector<16xi32>
      %select_n3A_1200 = arith.select %ge3A_1198, %or3A_1199, %scan3A_1183 : vector<16xi1>, vector<16xi32>
      scf.yield %select_n3A_1200 : vector<16xi32>
    }
    %scan3A_1103 = arith.constant 17 : i32
    %add3A_1104 = arith.addi %mul3A_1097, %scan3A_1102 : vector<16xi32>
    %ge3A_1105 = arith.constant 0 : i32
    %ge3A_1106 = vector.broadcast %ge3A_1105 : i32 to vector<16xi32>
    %ge3A_1107 = arith.cmpi sge, %add3A_1104, %ge3A_1106 : vector<16xi32>
    %xor3A_1108 = arith.constant 2147483647 : i32
    %xor3A_1109 = vector.broadcast %xor3A_1108 : i32 to vector<16xi32>
    %xor3A_1110 = arith.xori %add3A_1104, %xor3A_1109 : vector<16xi32>
    %select_n3A_1111 = arith.select %ge3A_1107, %add3A_1104, %xor3A_1110 : vector<16xi1>, vector<16xi32>
    %bitcast_convert_type3A_1112 = tpu.bitcast %select_n3A_1111 : vector<16xi32> -> vector<16xf32>
    %reduce_max3A_1113 = arith.constant true
    %reduce_max3A_1114 = vector.broadcast %reduce_max3A_1113 : i1 to vector<16xi1>
    %reduce_max3A_1115 = arith.constant -2147483648 : i32
    %reduce_max3A_1116 = vector.broadcast %reduce_max3A_1115 : i32 to vector<16xi32>
    %reduce_max3A_1117 = arith.xori %add3A_1050, %reduce_max3A_1116 : vector<16xi32>
    %reduce_max3A_1118 = tpu.scan <max>, %reduce_max3A_1117 masked %reduce_max3A_1114 : vector<16xi32>, vector<16xi1> -> vector<16xi32>
    %reduce_max3A_1119 = arith.xori %reduce_max3A_1118, %reduce_max3A_1116 : vector<16xi32>
    %reduce_max3A_1120 = vector.extract %reduce_max3A_1119[15] : i32 from vector<16xi32>
    %add3A_1121 = arith.constant 16 : i32
    %add3A_1122 = arith.addi %reduce_max3A_1120, %add3A_1121 : i32
    %sub3A_1123 = arith.constant 1 : i32
    %sub3A_1124 = arith.subi %add3A_1122, %sub3A_1123 : i32
    %jit3A_1125 = arith.constant 16 : i32
    %div3A_1126 = arith.divsi %sub3A_1124, %jit3A_1125 : i32
    %sign3A_1127 = arith.constant 0 : i32
    %sign3A_1128 = arith.cmpi sgt, %sub3A_1124, %sign3A_1127 : i32
    %sign3A_1129 = arith.extui %sign3A_1128 : i1 to i32
    %sign3A_1130 = arith.constant 0 : i32
    %sign3A_1131 = arith.cmpi slt, %sub3A_1124, %sign3A_1130 : i32
    %sign3A_1132 = arith.extui %sign3A_1131 : i1 to i32
    %sign3A_1133 = arith.subi %sign3A_1129, %sign3A_1132 : i32
    %sign3A_1134 = arith.constant 0 : i32
    %sign3A_1135 = arith.cmpi sgt, %jit3A_1125, %sign3A_1134 : i32
    %sign3A_1136 = arith.extui %sign3A_1135 : i1 to i32
    %sign3A_1137 = arith.constant 0 : i32
    %sign3A_1138 = arith.cmpi slt, %jit3A_1125, %sign3A_1137 : i32
    %sign3A_1139 = arith.extui %sign3A_1138 : i1 to i32
    %sign3A_1140 = arith.subi %sign3A_1136, %sign3A_1139 : i32
    %ne3A_1141 = arith.cmpi ne, %sign3A_1133, %sign3A_1140 : i32
    %rem3A_1142 = arith.remsi %sub3A_1124, %jit3A_1125 : i32
    %ne3A_1143 = arith.constant 0 : i32
    %ne3A_1144 = arith.cmpi ne, %rem3A_1142, %ne3A_1143 : i32
    %and3A_1145 = arith.andi %ne3A_1141, %ne3A_1144 : i1
    %sub3A_1146 = arith.constant 1 : i32
    %sub3A_1147 = arith.subi %div3A_1126, %sub3A_1146 : i32
    %select_n3A_1148 = arith.select %and3A_1145, %sub3A_1147, %div3A_1126 : i32
    %sub3A_1149 = arith.constant 16384 : i32
    %sub3A_1150 = vector.broadcast %sub3A_1149 : i32 to vector<16xi32>
    %sub3A_1151 = arith.subi %add3A_1042, %sub3A_1150 : vector<16xi32>
    %mul3A_1152 = arith.constant 131072 : i32
    %mul3A_1153 = vector.broadcast %mul3A_1152 : i32 to vector<16xi32>
    %mul3A_1154 = arith.muli %sub3A_1151, %mul3A_1153 : vector<16xi32>
    %scan3A_1155 = arith.constant 0 : i32
    %scan3A_1156 = arith.constant 17 : i32
    %scan3A_1157 = arith.addi %scan3A_1155, %scan3A_1156 : i32
    %scan3A_1158 = arith.constant 1 : i32
    %scan3A_1159 = scf.for %scan3A_1182 = %scan3A_1155 to %scan3A_1157 step %scan3A_1158 iter_args(%scan3A_1183 = %broadcast_in_dim3A_5) -> (vector<16xi32>)  : i32 {
      %sub3A_1184 = arith.constant 16 : i32
      %sub3A_1185 = arith.subi %sub3A_1184, %scan3A_1182 : i32
      %broadcast_in_dim3A_1186 = vector.broadcast %sub3A_1185 : i32 to vector<16xi32>
      %shift_left3A = arith.shli %broadcast_in_dim3A_3, %broadcast_in_dim3A_1186 : vector<16xi32>
      %or3A = arith.ori %scan3A_1183, %shift_left3A : vector<16xi32>
      %add3A_1187 = arith.addi %mul3A_1154, %or3A : vector<16xi32>
      %while3A = arith.constant 0 : i32
      %while3A_1188 = arith.subi %select_n3A_1148, %while3A : i32
      %while3A_1189 = arith.addi %while3A, %while3A_1188 : i32
      %while3A_1190 = arith.constant 1 : i32
      %while3A_1191 = arith.divsi %while3A_1188, %while3A_1190 : i32
      %while3A_1192 = arith.muli %while3A_1191, %while3A_1190 : i32
      %while3A_1193 = arith.addi %while3A, %while3A_1192 : i32
      %while3A_1194 = arith.constant 1 : i32
      %while3A_1195 = scf.for %while3A_1201 = %while3A to %while3A_1193 step %while3A_1194 iter_args(%while3A_1202 = %broadcast_in_dim3A_5) -> (vector<16xi32>)  : i32 {
        %mul3A_1203 = arith.constant 16 : i32
        %mul3A_1204 = arith.muli %while3A_1201, %mul3A_1203 : i32
        %get3A_1205 = arith.index_cast %mul3A_1204 : i32 to index
        %get3A_1206 = tpu.vector_load %arg6[%get3A_1205] {strides = array<i32>} : memref<32768xi32, #tpu.memory_space<vmem>>, vector<16xi32>,
        %ge3A_1207 = arith.cmpi sge, %get3A_1206, %add3A_1187 : vector<16xi32>
        %mul3A_1208 = arith.constant 16 : i32
        %mul3A_1209 = arith.muli %while3A_1201, %mul3A_1208 : i32
        %add3A_1210 = vector.broadcast %mul3A_1209 : i32 to vector<16xi32>
        %add3A_1211 = arith.addi %add3A_1210, %iota3A : vector<16xi32>
        %lt3A = arith.cmpi slt, %add3A_1211, %add3A_1050 : vector<16xi32>
        %and3A_1212 = arith.andi %ge3A_1207, %lt3A : vector<16xi1>
        %all_reduce_population_count3A_1213 = tpu.all_reduce %and3A_1212 {dim = 0 : i64, kind = #tpu.reduction_kind<sum>} : vector<16xi1> -> vector<16xi32>
        %add3A_1214 = arith.addi %while3A_1202, %all_reduce_population_count3A_1213 : vector<16xi32>
        scf.yield %add3A_1214 : vector<16xi32>
      }
      %while3A_1196 = arith.constant 1 : i32
      %while3A_1197 = scf.for %while3A_1201 = %while3A_1193 to %while3A_1189 step %while3A_1196 iter_args(%while3A_1202 = %while3A_1195) -> (vector<16xi32>)  : i32 {
        %mul3A_1203 = arith.constant 16 : i32
        %mul3A_1204 = arith.muli %while3A_1201, %mul3A_1203 : i32
        %get3A_1205 = arith.index_cast %mul3A_1204 : i32 to index
        %get3A_1206 = tpu.vector_load %arg6[%get3A_1205] {strides = array<i32>} : memref<32768xi32, #tpu.memory_space<vmem>>, vector<16xi32>,
        %ge3A_1207 = arith.cmpi sge, %get3A_1206, %add3A_1187 : vector<16xi32>
        %mul3A_1208 = arith.constant 16 : i32
        %mul3A_1209 = arith.muli %while3A_1201, %mul3A_1208 : i32
        %add3A_1210 = vector.broadcast %mul3A_1209 : i32 to vector<16xi32>
        %add3A_1211 = arith.addi %add3A_1210, %iota3A : vector<16xi32>
        %lt3A = arith.cmpi slt, %add3A_1211, %add3A_1050 : vector<16xi32>
        %and3A_1212 = arith.andi %ge3A_1207, %lt3A : vector<16xi1>
        %all_reduce_population_count3A_1213 = tpu.all_reduce %and3A_1212 {dim = 0 : i64, kind = #tpu.reduction_kind<sum>} : vector<16xi1> -> vector<16xi32>
        %add3A_1214 = arith.addi %while3A_1202, %all_reduce_population_count3A_1213 : vector<16xi32>
        scf.yield %add3A_1214 : vector<16xi32>
      }
      %ge3A_1198 = arith.cmpi sge, %while3A_1197, %broadcast_in_dim3A_1043 : vector<16xi32>
      %or3A_1199 = arith.ori %scan3A_1183, %shift_left3A : vector<16xi32>
      %select_n3A_1200 = arith.select %ge3A_1198, %or3A_1199, %scan3A_1183 : vector<16xi1>, vector<16xi32>
      scf.yield %select_n3A_1200 : vector<16xi32>
    }
    %scan3A_1160 = arith.constant 17 : i32
    %add3A_1161 = arith.addi %mul3A_1154, %scan3A_1159 : vector<16xi32>
    %ge3A_1162 = arith.constant 0 : i32
    %ge3A_1163 = vector.broadcast %ge3A_1162 : i32 to vector<16xi32>
    %ge3A_1164 = arith.cmpi sge, %add3A_1161, %ge3A_1163 : vector<16xi32>
    %xor3A_1165 = arith.constant 2147483647 : i32
    %xor3A_1166 = vector.broadcast %xor3A_1165 : i32 to vector<16xi32>
    %xor3A_1167 = arith.xori %add3A_1161, %xor3A_1166 : vector<16xi32>
    %select_n3A_1168 = arith.select %ge3A_1164, %add3A_1161, %xor3A_1167 : vector<16xi1>, vector<16xi32>
    %bitcast_convert_type3A_1169 = tpu.bitcast %select_n3A_1168 : vector<16xi32> -> vector<16xf32>
    %eq3A_1170 = arith.constant 0 : i32
    %eq3A_1171 = vector.broadcast %eq3A_1170 : i32 to vector<16xi32>
    %eq3A_1172 = arith.cmpi eq, %iota3A, %eq3A_1171 : vector<16xi32>
    %eq3A_1173 = arith.constant 1 : i32
    %eq3A_1174 = vector.broadcast %eq3A_1173 : i32 to vector<16xi32>
    %eq3A_1175 = arith.cmpi eq, %iota3A, %eq3A_1174 : vector<16xi32>
    %jit3A_1176 = arith.constant 0.000000e+00 : f32
    %broadcast_in_dim3A_1177 = vector.broadcast %jit3A_1176 : f32 to vector<16xf32>
    %select_n3A_1178 = arith.select %eq3A_1175, %bitcast_convert_type3A_1169, %broadcast_in_dim3A_1177 : vector<16xi1>, vector<16xf32>
    %select_n3A_1179 = arith.select %eq3A_1172, %bitcast_convert_type3A_1112, %select_n3A_1178 : vector<16xi1>, vector<16xf32>
    %swap3A_1180 = arith.constant 48 : index
    %swap3A_1181 = tpu.vector_load %arg7[%swap3A_1180] {strides = array<i32>} : memref<64xf32, #tpu.memory_space<vmem>>, vector<16xf32>,
    tpu.vector_store %arg7[%swap3A_1180], %select_n3A_1179 {strides = array<i32>} : memref<64xf32, #tpu.memory_space<vmem>>, vector<16xf32>,
    "tpu.region"() ({
      %run_scoped3A = tpu.sem_alloc : memref<!tpu.dma_semaphore, #tpu.memory_space<semaphore_mem>>
      %dma_start3A_1182 = arith.constant 0 : i32
      %dma_start3A_1183 = tpu.memref_slice %arg3[%add3A, %dma_start3A_1182] : memref<32x64xf32, #tpu.memory_space<hbm>> -> memref<1x64xf32, #tpu.memory_space<hbm>>
      %dma_start3A_1184 = tpu.memref_squeeze %dma_start3A_1183 : memref<1x64xf32, #tpu.memory_space<hbm>> -> memref<64xf32, #tpu.memory_space<hbm>>
      %dma_start3A_1185 = arith.constant 0 : i32
      %dma_start3A_1186 = tpu.memref_slice %arg3[%add3A, %dma_start3A_1185] : memref<32x64xf32, #tpu.memory_space<hbm>> -> memref<1x64xf32, #tpu.memory_space<hbm>>
      %dma_start3A_1187 = tpu.memref_squeeze %dma_start3A_1186 : memref<1x64xf32, #tpu.memory_space<hbm>> -> memref<64xf32, #tpu.memory_space<hbm>>
      tpu.enqueue_dma source(%arg7 : memref<64xf32, #tpu.memory_space<vmem>>) target(%dma_start3A_1187 : memref<64xf32, #tpu.memory_space<hbm>>) target_semaphore(%run_scoped3A : memref<!tpu.dma_semaphore, #tpu.memory_space<semaphore_mem>>)
      %dma_wait3A_1188 = arith.constant 0 : i32
      %dma_wait3A_1189 = tpu.memref_slice %arg3[%add3A, %dma_wait3A_1188] : memref<32x64xf32, #tpu.memory_space<hbm>> -> memref<1x64xf32, #tpu.memory_space<hbm>>
      %dma_wait3A_1190 = tpu.memref_squeeze %dma_wait3A_1189 : memref<1x64xf32, #tpu.memory_space<hbm>> -> memref<64xf32, #tpu.memory_space<hbm>>
      %dma_wait3A_1191 = arith.constant 0 : i32
      %dma_wait3A_1192 = tpu.memref_slice %arg3[%add3A, %dma_wait3A_1191] : memref<32x64xf32, #tpu.memory_space<hbm>> -> memref<1x64xf32, #tpu.memory_space<hbm>>
      %dma_wait3A_1193 = tpu.memref_squeeze %dma_wait3A_1192 : memref<1x64xf32, #tpu.memory_space<hbm>> -> memref<64xf32, #tpu.memory_space<hbm>>
      tpu.wait_dma2 semaphore(%run_scoped3A : memref<!tpu.dma_semaphore, #tpu.memory_space<semaphore_mem>>) src(%arg7 : memref<64xf32, #tpu.memory_space<vmem>>) dst(%dma_wait3A_1193 : memref<64xf32, #tpu.memory_space<hbm>>)
      tpu.yield
    }) : () -> ()
    return
  }
}

module attributes {stable_mosaic.version = 14 : i64} {
  func.func @_combine_body(%arg0: i32, %arg1: memref<128x4096xf32, #tpu.memory_space<vmem>>, %arg2: memref<128x16xf32, #tpu.memory_space<vmem>>, %arg3: memref<128x4096xf32, #tpu.memory_space<vmem>>) attributes {dimension_semantics = [#tpu.dimension_semantics<arbitrary>], iteration_bounds = array<i64: 8>, scalar_prefetch = 0 : i64, scratch_operands = 0 : i64, tpu.core_type = #tpu.core_type<tc>, window_params = [{transform_indices = @transform_0, window_bounds = array<i64: 128, 4096>}, {pipeline_mode = #tpu.pipeline_mode<synchronous>, transform_indices = @transform_1, window_bounds = array<i64: 128, 16>}, {transform_indices = @transform_2, window_bounds = array<i64: 128, 4096>}]} {
    %get3A = arith.constant 0 : index
    %get3A_0 = arith.constant 0 : index
    %get3A_1 = vector.load %arg1[%get3A, %get3A_0] : memref<128x4096xf32, #tpu.memory_space<vmem>>, vector<128x4096xf32>
    %get3A_2 = arith.constant 0 : index
    %get3A_3 = arith.constant 0 : index
    %get3A_4 = vector.load %arg2[%get3A_2, %get3A_3] : memref<128x16xf32, #tpu.memory_space<vmem>>, vector<128x1xf32>
    %get3A_5 = arith.constant 0 : index
    %get3A_6 = arith.constant 1 : index
    %get3A_7 = vector.load %arg2[%get3A_5, %get3A_6] : memref<128x16xf32, #tpu.memory_space<vmem>>, vector<128x1xf32>
    %le3A = vector.broadcast %get3A_7 : vector<128x1xf32> to vector<128x4096xf32>
    %le3A_8 = arith.cmpf ole, %get3A_1, %le3A : vector<128x4096xf32>
    %ge3A = vector.broadcast %get3A_4 : vector<128x1xf32> to vector<128x4096xf32>
    %ge3A_9 = arith.cmpf oge, %get3A_1, %ge3A : vector<128x4096xf32>
    %and3A = arith.andi %le3A_8, %ge3A_9 : vector<128x4096xi1>
    %reduce_sum3A = arith.constant dense<0.000000e+00> : vector<4096xf32>
    %reduce_sum3A_10 = vector.multi_reduction <add>, %get3A_1, %reduce_sum3A [0] : vector<128x4096xf32> to vector<4096xf32>
    %broadcast_in_dim3A = vector.shape_cast %reduce_sum3A_10 : vector<4096xf32> to vector<1x4096xf32>
    %div3A = arith.constant 1.280000e+02 : f32
    %div3A_11 = vector.broadcast %div3A : f32 to vector<1x4096xf32>
    %div3A_12 = arith.divf %broadcast_in_dim3A, %div3A_11 : vector<1x4096xf32>
    %jit3A = arith.constant 0.000000e+00 : f32
    %broadcast_in_dim3A_13 = vector.broadcast %jit3A : f32 to vector<128x4096xf32>
    %select_n3A = arith.select %and3A, %get3A_1, %broadcast_in_dim3A_13 : vector<128x4096xi1>, vector<128x4096xf32>
    %convert_element_type3A = arith.extui %le3A_8 : vector<128x4096xi1> to vector<128x4096xi32>
    %convert_element_type3A_14 = arith.sitofp %convert_element_type3A : vector<128x4096xi32> to vector<128x4096xf32>
    %mul3A = vector.broadcast %div3A_12 : vector<1x4096xf32> to vector<128x4096xf32>
    %mul3A_15 = arith.mulf %mul3A, %convert_element_type3A_14 : vector<128x4096xf32>
    %sub3A = arith.subf %select_n3A, %mul3A_15 : vector<128x4096xf32>
    %swap3A = arith.constant 0 : index
    %swap3A_16 = arith.constant 0 : index
    %swap3A_17 = vector.load %arg3[%swap3A, %swap3A_16] : memref<128x4096xf32, #tpu.memory_space<vmem>>, vector<128x4096xf32>
    tpu.vector_store %arg3[%swap3A, %swap3A_16], %sub3A {strides = array<i32>} : memref<128x4096xf32, #tpu.memory_space<vmem>>, vector<128x4096xf32>,
    return
  }
  func.func @transform_0(%arg0: i32) -> (i32, i32) {
    %c0_i32 = arith.constant 0 : i32
    %c0_i32_0 = arith.constant 0 : i32
    return %c0_i32, %arg0 : i32, i32
  }
  func.func @transform_1(%arg0: i32) -> (i32, i32) {
    %c0_i32 = arith.constant 0 : i32
    %c0_i32_0 = arith.constant 0 : i32
    %c0_i32_1 = arith.constant 0 : i32
    return %c0_i32, %c0_i32_0 : i32, i32
  }
  func.func @transform_2(%arg0: i32) -> (i32, i32) {
    %c0_i32 = arith.constant 0 : i32
    %c0_i32_0 = arith.constant 0 : i32
    return %c0_i32, %arg0 : i32, i32
  }
}

</mosaic_0001>

<sc_bundles>
// kernel: kernel.4.cloned.1.call-start
scs
__scs_entry_jumppad:
0x0: {  	(pc) =	sbr.rel $0x88, $3  }
0x1: {  	(tag) =	ssettag $0x0;
	lr =	simm.s32 $0x1  }
0x2: {  	[smem:$0x3FA0] =	sst lr;
	_ =	strace $0xD0000000  }
0x3: {  	_ = 	snop  }
0x4: {  	_ = 	snop  }
0x5: {  	_ = 	snop  }
0x6: {  	_ = 	snop  }
0x7: {  	_ = 	snop  }
__scs_overlays_trampoline_lowered:
0x8: {  	[smem:$0x3FAF] =	sst s0  }
0x9: {  	[smem:$0x3FB0] =	sst s1  }
0xa: {  	[smem:$0x3FB1] =	sst s2  }
0xb: {  	[smem:$0x3FB2] =	sst s3  }
0xc: {  	[smem:$0x3FB3] =	sst s4  }
0xd: {  	[smem:$0x3FB4] =	sst s5  }
0xe: {  	[smem:$0x3FB5] =	sst s6  }
0xf: {  	[smem:$0x3FB6] =	sst s7  }
0x10: {  	[smem:$0x3FB7] =	sst s8  }
0x11: {  	[smem:$0x3FB8] =	sst s9;
	s0 =	simm.s32 @!p0 $0x0  }
0x12: {  	s1 =	sld [smem:$0x3F9E];
	s0 =	simm.s32 @p0 $0x1  }
0x13: {  	[smem:$0x3FB9] =	sst s0;
	s0 =	simm.s32 @!p1 $0x0  }
0x14: {  	s2 =	sld [smem:$0x3F9D];
	s0 =	simm.s32 @p1 $0x1  }
0x15: {  	[smem:$0x3FBA] =	sst s0;
	s0 =	simm.s32 @!p2 $0x0  }
0x16: {  	s3 =	sld [smem:$0x3FDB];
	s0 =	simm.s32 @p2 $0x1  }
0x17: {  	s4 =	simm.s32 $0x1BF5;
	[smem:$0x3FBC] =	sst s0  }
0x18: {  	s0 =	sld [smem:$0x3F9F];
	_ =	swait.ge [sflag:s4], $0x0  }
0x19: {  	s7 =	sld [smem:$0x3FA0]  }
0x1a: {  	s8 =	sadd.s32 $0xFFFFE003, lr  }
0x1b: {  	s9 =	sadd.s32 $0xFFFFFEF7, lr;
	s5 =	simm.s32 $0xFFFFFFFF;
	p2 =	slt.u32 s8, $0xFFFFF086  }
0x1c: {  	p1 =	slt.u32 s9, $0xF7A;
	s5 =	simm.s32 @!p2 $0x0  }
0x1d: {  	s5 =	simm.s32 @p1 $0x1;
	p0 =	seq.s32 s7, s2  }
0x1e: {  	s7 =	smul.u32 @!p0 $0xF7A, s2;
	p2 =	seq.s32 @!p0 s5, $0x0  }
0x1f: {  	s9 =	smul.u32 $0xF7A, s1;
	s8 =	simm.s32 @!p0 $0x1BF5;
	p2 =	por !p2, p0  }
0x20: {  	[sflag:s8] =	ssyncset.s32 @!p0 $0xFFFFF086;
	s6 =	sadd.s32 @!p0 s3, s7;
	s7 =	simm.s32 @!p0 $0x108  }
0x21: {  	s3 =	sadd.s32 s3, s9;
	s6 =	sadd.s32 @!p0 $0x88, s6;
	s7 =	simm.s32 @p2 $0x1082  }
0x22: {  	[simem:s7], [sflag:s8] =	dma.local @!p0 [hbm:s6], $0xF7A  }
0x23: {  	s9 =	sor.u32 $0xD0000000, s2;
	s6 =	simm.s32 $0x108;
	_ =	swait.ge @!p0 [sflag:s8], $0x0  }
0x24: {  	s3 =	sadd.s32 $0x88, s3;
	s6 =	simm.s32 @!p1 $0x1082;
	[sflag:s4] =	ssyncset.s32 $0xFFFFF086  }
0x25: {  	[simem:s6], [sflag:s4] =	dma.local [hbm:s3], $0xF7A  }
0x26: {  	[smem:$0x3FA0] =	sst s1;
	(tag) =	ssettag s2;
	_ =	strace s9  }
0x27: {  	s1 =	sld [smem:$0x3FB0]  }
0x28: {  	s2 =	sld [smem:$0x3FB1]  }
0x29: {  	s4 =	sld [smem:$0x3FB3]  }
0x2a: {  	p0 =	seq.s32 s5, $0x0;
	s5 =	sld [smem:$0x3FB4]  }
0x2b: {  	s6 =	sld [smem:$0x3FB5]  }
0x2c: {  	s7 =	sld [smem:$0x3FB6]  }
0x2d: {  	s3 =	simm.s32 $0x108;
	s8 =	sld [smem:$0x3FB7]  }
0x2e: {  	s3 =	simm.s32 @!p0 $0x1082;
	s9 =	sld [smem:$0x3FB8]  }
0x2f: {  	lr =	sadd.s32 s0, s3;
	s0 =	sld [smem:$0x3FAF]  }
0x30: {  	s3 =	sld [smem:$0x3FB2]  }
0x31: {  	[smem:$0x3FBB] =	sst s10  }
0x32: {  	s10 =	sld [smem:$0x3FB9];
	_ =	sdelay $0x3  }
0x33: {  	p0 =	seq.s32 s10, $0x1;
	s10 =	sld [smem:$0x3FBB];
	_ =	sdelay $0x3  }
0x34: {  	[smem:$0x3FBB] =	sst s10  }
0x35: {  	s10 =	sld [smem:$0x3FBA];
	_ =	sdelay $0x3  }
0x36: {  	p1 =	seq.s32 s10, $0x1;
	s10 =	sld [smem:$0x3FBB];
	_ =	sdelay $0x3  }
0x37: {  	[smem:$0x3FBB] =	sst s10  }
0x38: {  	s10 =	sld [smem:$0x3FBC]  }
0x39: {  	_ = 	snop;
	(pc) =	sbr.ind lr, $3  }
0x3a: {  	_ = 	snop  }
0x3b: {  	_ = 	snop  }
0x3c: {  	p2 =	seq.s32 s10, $0x1;
	s10 =	sld [smem:$0x3FBB]  }
0x3d: {  	_ =	shalt  }
0x3e: {  	_ =	shalt  }
0x3f: {  	_ =	shalt  }
0x40: {  	_ =	shalt  }
0x41: {  	_ =	shalt  }
0x42: {  	_ =	shalt  }
0x43: {  	_ =	shalt  }
0x44: {  	_ =	shalt  }
0x45: {  	_ =	shalt  }
0x46: {  	_ =	shalt  }
0x47: {  	_ =	shalt  }
0x48: {  	_ =	shalt  }
0x49: {  	_ =	shalt  }
0x4a: {  	_ =	shalt  }
0x4b: {  	_ =	shalt  }
0x4c: {  	_ =	shalt  }
0x4d: {  	_ =	shalt  }
0x4e: {  	_ =	shalt  }
0x4f: {  	_ =	shalt  }
0x50: {  	_ =	shalt  }
0x51: {  	_ =	shalt  }
0x52: {  	_ =	shalt  }
0x53: {  	_ =	shalt  }
0x54: {  	_ =	shalt  }
0x55: {  	_ =	shalt  }
0x56: {  	_ =	shalt  }
0x57: {  	_ =	shalt  }
0x58: {  	_ =	shalt  }
0x59: {  	_ =	shalt  }
0x5a: {  	_ =	shalt  }
0x5b: {  	_ =	shalt  }
0x5c: {  	_ =	shalt  }
0x5d: {  	_ =	shalt  }
0x5e: {  	_ =	shalt  }
0x5f: {  	_ =	shalt  }
0x60: {  	_ =	shalt  }
0x61: {  	_ =	shalt  }
0x62: {  	_ =	shalt  }
0x63: {  	_ =	shalt  }
0x64: {  	_ =	shalt  }
0x65: {  	_ =	shalt  }
0x66: {  	_ =	shalt  }
0x67: {  	_ =	shalt  }
0x68: {  	_ =	shalt  }
0x69: {  	_ =	shalt  }
0x6a: {  	_ =	shalt  }
0x6b: {  	_ =	shalt  }
0x6c: {  	_ =	shalt  }
0x6d: {  	_ =	shalt  }
0x6e: {  	_ =	shalt  }
0x6f: {  	_ =	shalt  }
0x70: {  	_ =	shalt  }
0x71: {  	_ =	shalt  }
0x72: {  	_ =	shalt  }
0x73: {  	_ =	shalt  }
0x74: {  	_ =	shalt  }
0x75: {  	_ =	shalt  }
0x76: {  	_ =	shalt  }
0x77: {  	_ =	shalt  }
0x78: {  	_ =	shalt  }
0x79: {  	_ =	shalt  }
0x7a: {  	_ =	shalt  }
0x7b: {  	_ =	shalt  }
0x7c: {  	_ =	shalt  }
0x7d: {  	_ =	shalt  }
0x7e: {  	_ =	shalt  }
0x7f: {  	_ =	shalt  }
0x80: {  	_ =	shalt  }
0x81: {  	_ =	shalt  }
0x82: {  	_ =	shalt  }
0x83: {  	_ =	shalt  }
0x84: {  	_ =	shalt  }
0x85: {  	_ =	shalt  }
0x86: {  	_ =	shalt  }
0x87: {  	_ =	shalt  }
.Lfunc_end0:
.L_simem_size_0:
called_computation_lowered:
.L_overlay_start_0:
0x88: {  	s2 =	sld [smem:$0x3FD9]  }
0x89: {  	s3 =	sld [smem:$0x3FFE];
	_ =	sdelay $0x1  }
0x8a: {  	s1 =	srdreg.scid  }
0x8b: {  	s0 =	sand.u32 $0x1, s1  }
0x8c: {  	s18 =	sshll.u32 s0, $0xA;
	s2 =	sadd.s32 s3, s2  }
0x8d: {  	s2 =	sadd.s32 s2, s18  }
0x8e: {  	[smem:$0x3FC7] =	sst s2  }
0x8f: {  	_ = 	snop  }
0x90: {  	s2 =	sld [smem:$0x3FC9]  }
0x91: {  	s19 =	sld [smem:$0x3FD0];
	(tm) =	ssettm $0x1  }
0x92: {  	s4 =	sld [smem:$0x3FFB];
	_ =	sdelay $0x3  }
0x93: {  	_ =	strace s4  }
0x94: {  	s4 =	sld [smem:$0x3FFC];
	_ =	sdelay $0x3  }
0x95: {  	_ =	strace s4  }
0x96: {  	s4 =	sld [smem:$0x3FFD];
	_ =	sdelay $0x3  }
0x97: {  	_ =	strace s4  }
0x98: {  	_ =	strace $0x8FFFFFFF  }
0x99: {  	s20 =	sld [smem:$0x3FDB];
	_ =	sdelay $0x1  }
0x9a: {  	s5 =	simm.s32 $_scs_section_size  }
0x9b: {  	s6 =	simm.s32 $_size__tile_overlayer_lowered;
	s7 =	simm.s32 $_tile_overlayer_lowered  }
0x9c: {  	s23 =	simm.s32 $0x1BFF;
	s22 =	sshll.u32 s7, $0x1;
	s4 =	sadd.s32 s5, s20  }
0x9d: {  	s8 =	simm.s32 $0x0;
	s21 =	sshll.u32 s6, $0x1;
	s6 =	sadd.s32 s22, s4  }
0x9e: {  	[timem:s8], [sflag:s23] =	dma.local [hbm:s6], s21  }
0x9f: {  	_ =	swait.ge [sflag:s23], s21  }
0xa0: {  	s5 =	ssub.s32 $0x0, s21;
	[sflag:s23] =	ssyncset.done $0x0  }
0xa1: {  	[sflag:s23] =	ssyncadd.s32 s5;
	_ =	sdelay $0x1  }
0xa2: {  	s24 =	simm.s32 $0x1B8B  }
0xa3: {  	_ =	swait.ge [sflag:s24], $0x1  }
0xa4: {  	[sflag:s24] =	ssyncset.done $0x0  }
0xa5: {  	s25 =	simm.s32 $0x1B8E;
	[sflag:s24] =	ssyncadd.s32 $0xFFFFFFFF  }
0xa6: {  	s26 =	simm.s32 $execute0_lowered;
	[smem:$0x3FD2] =	sst s25  }
0xa7: {  	s5 =	sshll.u32 s26, $0x1;
	_ =	strace $0x80000046;
	[dreg:$0x1] =	wrdreg $0xFFFFFFFF  }
0xa8: {  	s28 =	simm.s32 $_size_execute0_lowered;
	s4 =	sadd.s32 s4, s5;
	[dreg:$0x0] =	wrdreg $0x0  }
0xa9: {  	s5 =	sshll.u32 s28, $0x1;
	[dreg:$0x2] =	wrdreg s4  }
0xaa: {  	[dreg:$0x3] =	wrdreg s5  }
0xab: {  	[dreg:$0x4] =	wrdreg $0xC0  }
0xac: {  	_ =	task [dreg:s8], $0x5FFFF  }
0xad: {  	[dreg:$0x1] =	wrdreg $0xFFFFFFFF  }
0xae: {  	[dreg:$0x0] =	wrdreg $0x60  }
0xaf: {  	[dreg:$0x2] =	wrdreg s2  }
0xb0: {  	[dreg:$0x3] =	wrdreg s19  }
0xb1: {  	[dreg:$0x4] =	wrdreg $0x9  }
0xb2: {  	_ =	task.clear_ibuf [dreg:s8], $0x5FFFF;
	_ =	strace $0x90000046  }
0xb3: {  	s29 =	simm.s32 $0x9;
	_ =	strace $0x80000048  }
0xb4: {  	_ =	swait.ge [sflag:s29], $0x1  }
0xb5: {  	[sflag:s29] =	ssyncadd.s32 $0xFFFFFFFF  }
0xb6: {  	_ =	strace $0x90000048  }
0xb7: {  	_ =	sfence  }
0xb8: {  	s30 =	sld [smem:$0x0];
	_ =	sdelay $0x2  }
0xb9: {  	s31 =	sshll.u32 s1, $0xD;
	s1 =	sshrl.u32 s1, $0x2  }
0xba: {  	s3 =	sand.u32 $0x4000, s31;
	s1 =	sadd.s32 s1, s30  }
0xbb: {  	s0 =	sor.u32 s3, s0;
	s1 =	sshll.u32 s1, $0x11  }
0xbc: {  	s0 =	sor.u32 s1, s0  }
0xbd: {  	s0 =	sadd.s32 $0x8F2B, s0  }
0xbe: {  	[sflag:s0] =	ssyncadd.remote.s32 $0x1  }
0xbf: {  	_ =	sfence.sel $0xFFFF  }
0xc0: {  	[dreg:$0x0] =	wrdreg $0xFFFFFFFF;
	(pc) =	sbr.abs _section_cstart, $3  }
0xc1: {  	[dreg:$0x1] =	wrdreg $0xFFFFFFFF  }
0xc2: {  	_ =	task.clear_ibuf [dreg:s8], $0x2FFFF;
	_ =	strace $0x9FFFFFFF  }
0xc3: {  	(tm) =	ssettm $0x7FFFFFFF  }
tec
execute0_lowered:
.L_overlay_start_1:
0x0: {  	(tag) =	ssettag $0x1  }
0x1: {  	s3 =	rddreg [dreg:$0x0]  }
0x2: {  	s6 =	rddreg [dreg:$0x1]  }
0x3: {  	s2 =	srdreg.scid;
	s0 =	stileid.u32;
	s10 =	simm.s32 $0x400  }
0x4: {  	s11 =	simm.s32 $0x1;
	s12 =	simm.s32 $0x8000;
	s13 =	simm.s32 $0x10000  }
0x5: {  	s14 =	simm.s32 $0x2;
	s16 =	simm.s32 $0x3;
	s17 =	simm.s32 $0x0  }
0x6: {  	s5 =	sand.u32 $0x1, s2;
	s2 =	simm.s32 $0x0;
	s7 =	sshll.u32 s0, $0xF  }
0x7: {  	s9 =	sshll.u32 s0, $0x5;
	s4 =	sshll.u32 s5, $0x6;
	[smem:$0x7FF] =	sst s2  }
.Ltmp0:
0x8: {  	s8 =	ssub.s32 $0x2, s5;
	s31 =	sshll.u32 s5, $0x4;
	(pc) =	sbr.rel .LBB2_1-.Ltmp0, $4  }
0x9: {  	v0 =	vlaneseq.u32;
	s4 =	sor.u32 s4, s7;
	_ =	strace $0x80000047;
	s30 =	sshrl.u32 s8, $0x1  }
0xa: {  	v3 =	vmul.u32 $0xFFFFFFFF, v0;
	s7 =	sadd.s32 s6, s31;
	s3 =	sadd.s32 s3, s4;
	s8 =	ssub.s32 s8, s30  }
0xb: {  	v1 =	vimm.s32 $0x0;
	s7 =	sadd.s32 s9, s7;
	s9 =	simm.s32 $0x80;
	s4 =	sadd.s32 $0x10, s3  }
0xc: {  	v2 =	vimm.s32 $0x1;
	vm0 =	vcmask $0x3F08;
	v3 =	vadd.s32 $0xF, v3;
	s5 =	sadd.s32 $0x20, s3;
	s6 =	sadd.s32 $0x30, s3;
	s8 =	smax.u32 s8, $0x1  }
.LBB2_97:
0xd: {  	v4 =	vadd.s32 v6, v5  }
0xe: {  	v5 =	vadd.s32 v10, v9;
	v6 =	vxor.u32 $0x7FFFFFFF, v4;
	vm2 =	vlt.s32 v4, $0x0  }
0xf: {  	v7 =	vxor.u32 $0x7FFFFFFF, v5;
	v4 =	vsel vm2, v6, v4;
	vm2 =	vlt.s32 v5, $0x0  }
0x10: {  	s17 =	sadd.s32 $0x1, s17;
	v5 =	vsel vm2, v7, v5;
	v4 =	vsel vm0, $0x0, v4  }
0x11: {  	p0 =	sne.s32 s17, s8;
	v4 =	vsel vm1, v5, v4  }
.Ltmp1:
0x12: {  	s0 =	simm.s32 $0x18000;
	[tilespmem:$0x18030] =	vst v4;
	(pc) =	sbr.rel @!p0 .LBB2_98-.Ltmp1, $4  }
0x13: {  	[hbm4b:s7+s2] =	stream.linear.scatter [tilespmem:s0], [sflag:$0x3], $0x80, $0x38;
	[tilespmem:$0x18080] =	vst v63  }
0x14: {  	_ =	swait.ge [sflag:s16], $0x80  }
0x15: {  	[sflag:s16] =	ssyncset.done $0x0  }
0x16: {  	[sflag:s16] =	ssyncadd.s32 $0xFFFFFF80  }
.LBB2_1:
0x17: {  	[tilespmem:s2], [sflag:$0x1] =	stream.strided.gather [hbm4b:s3+s9], $0x8000, s10, s9, $0x38;
	[tilespmem:$0x18080] =	vst v63  }
0x18: {  	_ =	swait.ge [sflag:s11], $0x8000  }
0x19: {  	[sflag:s11] =	ssyncset.done $0x0  }
0x1a: {  	s19 =	simm.s32 $0x10040;
	[sflag:s11] =	ssyncadd.s32 $0xFFFF8000  }
0x1b: {  	[tilespmem:s12], [sflag:$0x2] =	stream.strided.gather [hbm4b:s4+s9], $0x8000, s10, s9, $0x38;
	[tilespmem:$0x18080] =	vst v63  }
0x1c: {  	[tilespmem:s19+$0xFFFFFFC0] =	vst v1  }
0x1d: {  	[tilespmem:s19+$0x30] =	vst v1  }
0x1e: {  	[tilespmem:s19+$0x20] =	vst v1  }
0x1f: {  	[tilespmem:s19+$0x10] =	vst v1  }
0x20: {  	[tilespmem:s19+$0x0] =	vst v1  }
0x21: {  	[tilespmem:s19+$0xFFFFFFF0] =	vst v1  }
0x22: {  	s20 =	simm.s32 $0x0;
	[tilespmem:s19+$0xFFFFFFE0] =	vst v1  }
.LBB2_2:
0x23: {  	s20 =	sadd.s32 $0x8, s20;
	[tilespmem:s19+$0xFFFFFFD0] =	vst v1;
	s19 =	sadd.s32 $0x80, s19;
	s18 =	simm.s32 $0x40  }
0x24: {  	[tilespmem:s19+$0xFFFFFFC0] =	vst v1;
	p0 =	slt.u32 s20, $0x7F8  }
0x25: {  	[tilespmem:s19+$0x30] =	vst v1  }
.Ltmp2:
0x26: {  	[tilespmem:s19+$0x20] =	vst v1;
	(pc) =	sbr.rel @p0 .LBB2_2-.Ltmp2, $4  }
0x27: {  	[tilespmem:s19+$0x10] =	vst v1  }
0x28: {  	[tilespmem:s19+$0x0] =	vst v1  }
0x29: {  	[tilespmem:s19+$0xFFFFFFF0] =	vst v1  }
0x2a: {  	[tilespmem:s19+$0xFFFFFFE0] =	vst v1  }
0x2b: {  	[tilespmem:s19+$0xFFFFFFD0] =	vst v1  }
0x2c: {  	v4 =	vld [tilespmem:s18+$0x10];
	_ =	sdelay $0x1  }
0x2d: {  	v5 =	vld [tilespmem:s18+$0xFFFFFFC0];
	_ =	sdelay $0x1  }
0x2e: {  	v6 =	vld [tilespmem:s18+$0x20]  }
0x2f: {  	v7 =	vshra.s32 v4, $0x11  }
0x30: {  	v9 =	vld [tilespmem:s18+$0xFFFFFFD0];
	vm1 =	vlt.s32 v4, $0x0;
	v4 =	vxor.u32 $0x3FFF, v7  }
0x31: {  	v10 =	vld [tilespmem:s18+$0x30];
	v4 =	vsel vm1, v4, v7;
	v7 =	vshra.s32 v5, $0x11  }
0x32: {  	v12 =	vld [tilespmem:s18+$0x0];
	vm1 =	vlt.s32 v5, $0x0;
	v11 =	vadd.s32 $0x4000, v4;
	v4 =	vxor.u32 $0x3FFF, v7  }
0x33: {  	v5 =	vshra.s32 v6, $0x11;
	v4 =	vsel vm1, v4, v7  }
0x34: {  	vm2 =	vlt.s32 v6, $0x0;
	v7 =	vxor.u32 $0x3FFF, v5;
	v6 =	vadd.s32 $0x4000, v4;
	v4 =	vld [tilespmem:s18+$0xFFFFFFE0]  }
0x35: {  	v5 =	vsel vm2, v7, v5  }
0x36: {  	v8 =	vshra.s32 v9, $0x11;
	v5 =	vadd.s32 $0x4000, v5  }
0x37: {  	vm3 =	vlt.s32 v12, $0x0;
	vm1 =	vlt.s32 v10, $0x0;
	v10 =	vshra.s32 v10, $0x11;
	v7 =	vld [tilespmem:s18+$0xFFFFFFF0]  }
0x38: {  	s19 =	simm.s32 $0x0;
	s20 =	simm.s32 $0xC0;
	vm2 =	vlt.s32 v9, $0x0;
	v9 =	vxor.u32 $0x3FFF, v8;
	[tilespmem:v11+s13+$0x0] =	vst.idx.add.s32.msk $0xffff, v2;
	v11 =	vshra.s32 v12, $0x11  }
.LBB2_4:
0x39: {  	s19 =	sadd.s32 $0x8, s19;
	[tilespmem:v6+s13+$0x0] =	vst.idx.add.s32.msk $0xffff, v2;
	vm4 =	vlt.s32 v4, $0x0;
	v6 =	vxor.u32 $0x3FFF, v11;
	v12 =	vxor.u32 $0x3FFF, v10;
	s18 =	simm.s32 $0x7F  }
0x3a: {  	v4 =	vshra.s32 v4, $0x11;
	v13 =	vld [tilespmem:s20+$0x10];
	p0 =	slt.u32 s19, $0x7F8;
	v6 =	vsel vm3, v6, v11;
	v10 =	vsel vm1, v12, v10  }
0x3b: {  	v8 =	vsel vm2, v9, v8;
	v9 =	vxor.u32 $0x3FFF, v4;
	[tilespmem:v5+s13+$0x0] =	vst.idx.add.s32.msk $0xffff, v2;
	v5 =	vadd.s32 $0x4000, v10  }
0x3c: {  	v4 =	vsel vm4, v9, v4;
	v6 =	vadd.s32 $0x4000, v6;
	v10 =	vld [tilespmem:s20+$0xFFFFFFC0]  }
0x3d: {  	v8 =	vadd.s32 $0x4000, v8;
	v11 =	vadd.s32 $0x4000, v4;
	v9 =	vld [tilespmem:s20+$0xFFFFFFD0];
	v4 =	vshra.s32 v7, $0x11  }
0x3e: {  	vm1 =	vlt.s32 v7, $0x0;
	v12 =	vld [tilespmem:s20+$0x20];
	v7 =	vxor.u32 $0x3FFF, v4  }
0x3f: {  	v14 =	vshra.s32 v13, $0x11;
	v15 =	vld [tilespmem:s20+$0x30];
	v7 =	vsel vm1, v7, v4  }
0x40: {  	vm1 =	vlt.s32 v13, $0x0;
	v4 =	vld [tilespmem:s20+$0xFFFFFFE0];
	v13 =	vxor.u32 $0x3FFF, v14;
	v7 =	vadd.s32 $0x4000, v7  }
0x41: {  	v16 =	vshra.s32 v10, $0x11;
	v13 =	vsel vm1, v13, v14;
	[tilespmem:v6+s13+$0x0] =	vst.idx.add.s32.msk $0xffff, v2  }
0x42: {  	vm1 =	vlt.s32 v10, $0x0;
	v6 =	vxor.u32 $0x3FFF, v16;
	v10 =	vadd.s32 $0x4000, v13;
	[tilespmem:v5+s13+$0x0] =	vst.idx.add.s32.msk $0xffff, v2  }
0x43: {  	v5 =	vsel vm1, v6, v16;
	v13 =	vld [tilespmem:s20+$0x0];
	vm2 =	vlt.s32 v12, $0x0;
	v12 =	vshra.s32 v12, $0x11  }
.Ltmp3:
0x44: {  	v6 =	vadd.s32 $0x4000, v5;
	v5 =	vxor.u32 $0x3FFF, v12;
	vm1 =	vlt.s32 v15, $0x0;
	[tilespmem:v8+s13+$0x0] =	vst.idx.add.s32.msk $0xffff, v2;
	(pc) =	sbr.rel @p0 .LBB2_4-.Ltmp3, $4  }
0x45: {  	v5 =	vsel vm2, v5, v12;
	[tilespmem:v11+s13+$0x0] =	vst.idx.add.s32.msk $0xffff, v2  }
0x46: {  	v8 =	vshra.s32 v9, $0x11;
	v5 =	vadd.s32 $0x4000, v5;
	[tilespmem:v7+s13+$0x0] =	vst.idx.add.s32.msk $0xffff, v2  }
0x47: {  	vm2 =	vlt.s32 v9, $0x0;
	v9 =	vxor.u32 $0x3FFF, v8;
	[tilespmem:v10+s13+$0x0] =	vst.idx.add.s32.msk $0xffff, v2  }
0x48: {  	v10 =	vshra.s32 v15, $0x11;
	v7 =	vld [tilespmem:s20+$0xFFFFFFF0];
	vm3 =	vlt.s32 v13, $0x0;
	v11 =	vshra.s32 v13, $0x11;
	s20 =	sadd.s32 $0x80, s20  }
0x49: {  	_ = 	snop  }
0x4a: {  	v12 =	vxor.u32 $0x3FFF, v11;
	v58 =	vxor.u32 $0x3FFF, v10;
	v8 =	vsel vm2, v9, v8  }
0x4b: {  	v11 =	vsel vm3, v12, v11;
	vm3 =	vlt.s32 v4, $0x0;
	v4 =	vshra.s32 v4, $0x11  }
0x4c: {  	v10 =	vsel vm1, v58, v10;
	v8 =	vadd.s32 $0x4000, v8;
	v9 =	vxor.u32 $0x3FFF, v4  }
0x4d: {  	v11 =	vadd.s32 $0x4000, v11;
	v4 =	vsel vm3, v9, v4;
	v9 =	vshra.s32 v7, $0x11  }
0x4e: {  	v10 =	vadd.s32 $0x4000, v10;
	vm1 =	vlt.s32 v7, $0x0;
	v7 =	vxor.u32 $0x3FFF, v9  }
0x4f: {  	[tilespmem:v6+s13+$0x0] =	vst.idx.add.s32.msk $0xffff, v2;
	v4 =	vadd.s32 $0x4000, v4;
	v6 =	vsel vm1, v7, v9  }
0x50: {  	[tilespmem:v5+s13+$0x0] =	vst.idx.add.s32.msk $0xffff, v2;
	v5 =	vadd.s32 $0x4000, v6  }
0x51: {  	[tilespmem:v8+s13+$0x0] =	vst.idx.add.s32.msk $0xffff, v2  }
0x52: {  	[tilespmem:v11+s13+$0x0] =	vst.idx.add.s32.msk $0xffff, v2  }
0x53: {  	[tilespmem:v10+s13+$0x0] =	vst.idx.add.s32.msk $0xffff, v2  }
0x54: {  	[tilespmem:v4+s13+$0x0] =	vst.idx.add.s32.msk $0xffff, v2  }
0x55: {  	s20 =	simm.s32 $0x0;
	[tilespmem:v5+s13+$0x0] =	vst.idx.add.s32.msk $0xffff, v2  }
0x56: {  	v4 =	vld [tilespmem:s20+$0x17F00]  }
0x57: {  	v5 =	vld [tilespmem:s20+$0x17F10]  }
0x58: {  	v6 =	vld [tilespmem:s20+$0x17F20]  }
0x59: {  	v7 =	vld [tilespmem:s20+$0x17F30]  }
0x5a: {  	v8 =	vld [tilespmem:s20+$0x17F40]  }
0x5b: {  	v9 =	vld [tilespmem:s20+$0x17F50]  }
0x5c: {  	v10 =	vld [tilespmem:s20+$0x17F60];
	v4 =	vadd.s32 v4, v5  }
0x5d: {  	v5 =	vld [tilespmem:s20+$0x17F70];
	v4 =	vadd.s32 v6, v4  }
0x5e: {  	v6 =	vld [tilespmem:s20+$0x17F80];
	v4 =	vadd.s32 v7, v4  }
0x5f: {  	v7 =	vld [tilespmem:s20+$0x17F90];
	v4 =	vadd.s32 v8, v4  }
0x60: {  	v8 =	vld [tilespmem:s20+$0x17FA0];
	v4 =	vadd.s32 v9, v4  }
0x61: {  	v9 =	vld [tilespmem:s20+$0x17FB0];
	v4 =	vadd.s32 v10, v4  }
0x62: {  	v10 =	vld [tilespmem:s20+$0x17FC0];
	v4 =	vadd.s32 v5, v4  }
0x63: {  	v5 =	vld [tilespmem:s20+$0x17FD0];
	v4 =	vadd.s32 v6, v4  }
0x64: {  	v6 =	vld [tilespmem:s20+$0x17FE0];
	v4 =	vadd.s32 v7, v4  }
0x65: {  	s30 =	simm.s32 $0xFFFFFF00;
	v7 =	vld [tilespmem:s20+$0x17FF0];
	v4 =	vadd.s32 v8, v4  }
0x66: {  	v11 =	vld [tilespmem:s30+$0x17F70];
	v4 =	vadd.s32 v9, v4  }
0x67: {  	v8 =	vld [tilespmem:s30+$0x17F00];
	v4 =	vadd.s32 v10, v4  }
0x68: {  	v4 =	vadd.s32 v5, v4;
	v5 =	vld [tilespmem:s30+$0x17F10]  }
0x69: {  	v4 =	vadd.s32 v6, v4;
	v6 =	vld [tilespmem:s30+$0x17F20]  }
0x6a: {  	v4 =	vadd.s32 v7, v4;
	v7 =	vld [tilespmem:s30+$0x17F30]  }
0x6b: {  	(xrf0) =	vadd.scan.msk.s32 $0xffff, v4;
	v4 =	vld [tilespmem:s30+$0x17F40]  }
0x6c: {  	v9 =	vld [tilespmem:s30+$0x17F50]  }
0x6d: {  	v10 =	vld [tilespmem:s30+$0x17F60];
	v5 =	vadd.s32 v8, v5  }
0x6e: {  	v59 =	vld [tilespmem:s30+$0x17F80];
	v5 =	vadd.s32 v6, v5  }
0x6f: {  	s21 =	simm.s32 $0xFFFFFE00;
	v13 =	vld [tilespmem:s30+$0x17F90];
	v5 =	vadd.s32 v7, v5  }
0x70: {  	v60 =	vld [tilespmem:s21+$0x17F10];
	v4 =	vadd.s32 v4, v5  }
0x71: {  	v8 =	vld [tilespmem:s30+$0x17FA0];
	v4 =	vadd.s32 v9, v4  }
0x72: {  	v6 =	vld [tilespmem:s30+$0x17FB0];
	v14, _, _ =	vpop (xrf0);
	v4 =	vadd.s32 v10, v4  }
0x73: {  	v7 =	vld [tilespmem:s30+$0x17FC0];
	(v2sf) =	vpush v14, $0xF;
	v4 =	vadd.s32 v11, v4  }
0x74: {  	v5 =	vld [tilespmem:s30+$0x17FD0];
	v4 =	vadd.s32 v59, v4  }
0x75: {  	v9 =	vld [tilespmem:s30+$0x17FE0];
	v4 =	vadd.s32 v13, v4  }
0x76: {  	v10 =	vld [tilespmem:s30+$0x17FF0];
	v4 =	vadd.s32 v8, v4  }
0x77: {  	v11 =	vld [tilespmem:s21+$0x17F00];
	v4 =	vadd.s32 v6, v4  }
0x78: {  	v61 =	vld [tilespmem:s21+$0x17F20];
	v4 =	vadd.s32 v7, v4  }
0x79: {  	v8 =	vld [tilespmem:s21+$0x17F30];
	v4 =	vadd.s32 v5, v4  }
0x7a: {  	v6 =	vld [tilespmem:s21+$0x17F40];
	v4 =	vadd.s32 v9, v4  }
0x7b: {  	v7 =	vld [tilespmem:s21+$0x17F50];
	v4 =	vadd.s32 v10, v4  }
0x7c: {  	v5 =	vadd.s32 v11, v60;
	v11 =	vld [tilespmem:s21+$0x17F60];
	(xrf0) =	vadd.scan.msk.s32 $0xffff, v4  }
0x7d: {  	v5 =	vadd.s32 v61, v5;
	v9 =	vld [tilespmem:s21+$0x17F70]  }
0x7e: {  	v5 =	vadd.s32 v8, v5  }
0x7f: {  	v10 =	vld [tilespmem:s21+$0x17F80];
	v4 =	vadd.s32 v6, v5  }
0x80: {  	v8 =	vld [tilespmem:s21+$0x17F90];
	v4 =	vadd.s32 v7, v4  }
0x81: {  	s19 =	simm.s32 $0x0;
	p1 =	por $0x1, $0x1;
	v62 =	vld [tilespmem:s21+$0x17FA0];
	v5 =	vadd.s32 v11, v4  }
0x82: {  	p3 =	por $0x1, $0x1;
	s24 =	simm.s32 $0xFFFFFD00;
	v63 =	vld [tilespmem:s21+$0x17FB0];
	v6 =	vadd.s32 v9, v5;
	s31 =	spop (v2sf);
	v9, _, _ =	vpop (xrf0)  }
0x83: {  	s22 =	simm.s32 $0x0;
	s26 =	simm.s32 $0xFFFFF000;
	v4 =	vld [tilespmem:s21+$0x17FC0];
	s23 =	sadd.s32 $0x0, s31;
	(v2sf) =	vpush v9, $0xF  }
0x84: {  	s25 =	simm.s32 $0x0;
	v5 =	vld [tilespmem:s21+$0x17FD0];
	v7 =	vadd.s32 v10, v6;
	p2 =	sgt.s32 s23, $0x66C;
	p4 =	sgt.s32 s23, $0x6  }
0x85: {  	s20 =	simm.s32 $0x0;
	v6 =	vld [tilespmem:s21+$0x17FE0];
	v8 =	vadd.s32 v8, v7;
	p1 =	por !p1, !p2;
	p3 =	por !p3, !p4  }
0x86: {  	v7 =	vld [tilespmem:s21+$0x17FF0];
	s21 =	simm.s32 $0x0;
	v10 =	vadd.s32 v62, v8;
	p2 =	por !p1, !p1;
	p1 =	por !p3, !p3  }
0x87: {  	v8 =	vld [tilespmem:s24+$0x17F00];
	p0 =	slt.s32 s23, $0x66D;
	v9 =	vadd.s32 v63, v10;
	s22 =	smov.u32 @p2 s18;
	s20 =	smov.u32 @p1 s20  }
.LBB2_6:
0x88: {  	p3 =	seq.s32 s26, $0xFFFE0400;
	v10 =	vld [tilespmem:s24+$0x17F10];
	v4 =	vadd.s32 v4, v9;
	s19 =	smov.u32 @p2 s25;
	s21 =	smov.u32 @p1 s18  }
0x89: {  	s25 =	smov.u32 s23;
	v9 =	vld [tilespmem:s24+$0x17F20];
	v4 =	vadd.s32 v5, v4  }
0x8a: {  	v5 =	vld [tilespmem:s24+$0x17F30];
	v4 =	vadd.s32 v6, v4  }
0x8b: {  	v6 =	vld [tilespmem:s24+$0x17F40];
	v4 =	vadd.s32 v7, v4  }
0x8c: {  	v7 =	vld [tilespmem:s24+$0x17F50];
	(xrf0) =	vadd.scan.msk.s32 $0xffff, v4  }
0x8d: {  	v4 =	vld [tilespmem:s24+$0x17F60];
	v8 =	vadd.s32 v8, v10  }
0x8e: {  	v10 =	vld [tilespmem:s24+$0x17F70];
	v8 =	vadd.s32 v9, v8  }
0x8f: {  	v9 =	vld [tilespmem:s24+$0x17F80];
	v5 =	vadd.s32 v5, v8  }
0x90: {  	v8 =	vld [tilespmem:s24+$0x17F90];
	v5 =	vadd.s32 v6, v5  }
0x91: {  	v11 =	vld [tilespmem:s24+$0x17FA0];
	v5 =	vadd.s32 v7, v5  }
0x92: {  	v12 =	vld [tilespmem:s24+$0x17FB0];
	v5 =	vadd.s32 v4, v5;
	v6, _, _ =	vpop (xrf0);
	s28 =	spop (v2sf)  }
.Ltmp4:
0x93: {  	s18 =	sadd.s32 $0xFFFFFFFF, s18;
	v4 =	vld [tilespmem:s24+$0x17FC0];
	v7 =	vadd.s32 v10, v5;
	(v2sf) =	vpush v6, $0xF;
	s23 =	sadd.s32 s23, s28;
	(pc) =	sbr.rel @!p3 .LBB2_6-.Ltmp4, $4  }
0x94: {  	p2 =	slt.s32 s25, $0x7;
	v5 =	vld [tilespmem:s24+$0x17FD0];
	v7 =	vadd.s32 v9, v7;
	p1 =	sgt.s32 s23, $0x66C;
	p4 =	sgt.s32 s23, $0x6  }
0x95: {  	v6 =	vld [tilespmem:s24+$0x17FE0];
	v8 =	vadd.s32 v8, v7;
	p1 =	por !p0, !p1;
	p0 =	slt.s32 s23, $0x66D;
	p4 =	por !p2, !p4  }
0x96: {  	v7 =	vld [tilespmem:s24+$0x17FF0];
	s24 =	sshra.s32 s26, $0x2;
	v9 =	vadd.s32 v11, v8;
	p2 =	por !p1, !p1;
	p1 =	por !p4, !p4  }
0x97: {  	s26 =	sadd.s32 $0xFFFFFC00, s26;
	v8 =	vld [tilespmem:s24+$0x17F00];
	v9 =	vadd.s32 v12, v9;
	s22 =	smov.u32 @p2 s18;
	s20 =	smov.u32 @p1 s25  }
0x98: {  	v10 =	vld [tilespmem:s24+$0x17F10]  }
0x99: {  	v11 =	vld [tilespmem:s24+$0x17F20]  }
0x9a: {  	v12 =	vld [tilespmem:s24+$0x17F30]  }
0x9b: {  	v13 =	vld [tilespmem:s24+$0x17F40]  }
0x9c: {  	v14 =	vld [tilespmem:s24+$0x17F50]  }
0x9d: {  	v57 =	vld [tilespmem:s24+$0x17F60];
	v8 =	vadd.s32 v8, v10  }
0x9e: {  	v58 =	vld [tilespmem:s24+$0x17F70];
	v8 =	vadd.s32 v11, v8  }
0x9f: {  	v59 =	vld [tilespmem:s24+$0x17F80];
	v8 =	vadd.s32 v12, v8  }
0xa0: {  	v4 =	vadd.s32 v4, v9;
	v60 =	vld [tilespmem:s24+$0x17F90];
	v8 =	vadd.s32 v13, v8  }
0xa1: {  	v61 =	vld [tilespmem:s24+$0x17FA0];
	v4 =	vadd.s32 v5, v4;
	v5 =	vadd.s32 v14, v8  }
0xa2: {  	v4 =	vadd.s32 v6, v4;
	v6 =	vld [tilespmem:s24+$0x17FB0];
	v5 =	vadd.s32 v57, v5  }
0xa3: {  	v4 =	vadd.s32 v7, v4;
	v7 =	vld [tilespmem:s24+$0x17FC0];
	v5 =	vadd.s32 v58, v5  }
0xa4: {  	(xrf0) =	vadd.scan.msk.s32 $0xffff, v4;
	v4 =	vld [tilespmem:s24+$0x17FD0];
	v5 =	vadd.s32 v59, v5  }
0xa5: {  	v62 =	vld [tilespmem:s24+$0x17FE0];
	v5 =	vadd.s32 v60, v5  }
0xa6: {  	v63 =	vld [tilespmem:s24+$0x17FF0];
	v5 =	vadd.s32 v61, v5  }
0xa7: {  	v5 =	vadd.s32 v6, v5  }
0xa8: {  	v5 =	vadd.s32 v7, v5  }
0xa9: {  	v4 =	vadd.s32 v4, v5  }
0xaa: {  	v4 =	vadd.s32 v62, v4  }
0xab: {  	v4 =	vadd.s32 v63, v4  }
0xac: {  	(xrf0) =	vadd.scan.msk.s32 $0xffff, v4;
	_ =	sdelay $0x2  }
0xad: {  	v5, _, _ =	vpop (xrf0)  }
0xae: {  	(v2sf) =	vpush v5, $0xF;
	_ =	sdelay $0x1  }
0xaf: {  	v4, _, _ =	vpop (xrf0)  }
0xb0: {  	(v2sf) =	vpush v4, $0xF;
	_ =	sdelay $0x6  }
0xb1: {  	s26 =	spop (v2sf)  }
0xb2: {  	s19 =	smov.u32 @p2 s25;
	s21 =	smov.u32 @p1 s18;
	s24 =	sadd.s32 s23, s26  }
0xb3: {  	p4 =	slt.s32 s23, $0x7;
	s18 =	sadd.s32 $0xFFFFFFFF, s18;
	p2 =	sgt.s32 s24, $0x66C  }
0xb4: {  	p3 =	sgt.s32 s24, $0x6;
	p6 =	slt.s32 s24, $0x66D;
	p0 =	por !p0, !p2  }
0xb5: {  	p5 =	por !p4, !p3;
	p3 =	slt.s32 s24, $0x7;
	p0 =	por !p0, !p0  }
0xb6: {  	p1 =	por !p5, !p5;
	s22 =	smov.u32 @p0 s18;
	s29 =	spop (v2sf)  }
0xb7: {  	s20 =	smov.u32 @p1 s23;
	s19 =	smov.u32 @p0 s23;
	s23 =	sadd.s32 s24, s29  }
0xb8: {  	s21 =	smov.u32 @p1 s18;
	s18 =	sadd.s32 $0xFFFFFFFF, s18;
	p1 =	sgt.s32 s23, $0x66C  }
0xb9: {  	p4 =	sgt.s32 s23, $0x6;
	p2 =	slt.s32 s23, $0x66D;
	s30 =	spop (v2sf)  }
0xba: {  	p0 =	por !p6, !p1;
	p1 =	por !p3, !p4;
	s31 =	sadd.s32 s23, s30  }
0xbb: {  	p0 =	por !p0, !p0;
	p1 =	por !p1, !p1;
	p5 =	sgt.s32 s31, $0x66C  }
0xbc: {  	s22 =	smov.u32 @p0 s18;
	s19 =	smov.u32 @p0 s24;
	p0 =	por !p2, !p5  }
0xbd: {  	s21 =	smov.u32 @p1 s18;
	s18 =	sadd.s32 $0xFFFFFFFF, s18;
	p0 =	por !p0, !p0  }
0xbe: {  	s1 =	simm.s32 $0xF0;
	s22 =	smov.u32 @p0 s18  }
0xbf: {  	p6 =	slt.s32 s23, $0x7;
	p4 =	sgt.s32 s31, $0x6;
	s22 =	sshll.u32 s22, $0x8  }
0xc0: {  	s15 =	sand.u32 $0x80, s1;
	p5 =	por !p6, !p4;
	s0 =	sand.u32 $0x3FFFFF00, s22  }
0xc1: {  	s20 =	smov.u32 @p1 s24;
	p1 =	por !p5, !p5;
	s26 =	sadd.s32 $0x10000, s0  }
0xc2: {  	s21 =	smov.u32 @p1 s18;
	s18 =	sand.u32 $0x70, s1;
	s24 =	sadd.s32 s15, s26  }
0xc3: {  	s18 =	sadd.s32 s18, s24  }
0xc4: {  	v4 =	vld [tilespmem:s18+$0x0];
	_ =	sdelay $0x4  }
0xc5: {  	(xrf0) =	vadd.scan.msk.s32 $0xffff, v4;
	_ =	sdelay $0x2  }
0xc6: {  	s29 =	simm.s32 $0xE0  }
0xc7: {  	s30 =	sand.u32 $0x80, s29  }
0xc8: {  	s24 =	sadd.s32 s30, s26;
	s18 =	sand.u32 $0x70, s29  }
0xc9: {  	s28 =	simm.s32 $0xD0;
	s18 =	sadd.s32 s18, s24;
	v4, _, _ =	vpop (xrf0)  }
0xca: {  	s31 =	sand.u32 $0x80, s28;
	s29 =	simm.s32 $0xC0;
	(v2sf) =	vpush v4, $0xF;
	v4 =	vld [tilespmem:s18+$0x0]  }
0xcb: {  	s28 =	sand.u32 $0x70, s28;
	s24 =	sadd.s32 s31, s26;
	s30 =	sand.u32 $0x80, s29  }
0xcc: {  	s1 =	sand.u32 $0x70, s29;
	s0 =	sadd.s32 s28, s24;
	s28 =	sadd.s32 s30, s26  }
0xcd: {  	v5 =	vld [tilespmem:s0+$0x0];
	s15 =	sadd.s32 s1, s28  }
0xce: {  	v6 =	vld [tilespmem:s15+$0x0]  }
0xcf: {  	(xrf0) =	vadd.scan.msk.s32 $0xffff, v4;
	_ =	sdelay $0x2  }
0xd0: {  	(xrf0) =	vadd.scan.msk.s32 $0xffff, v5  }
0xd1: {  	(xrf0) =	vadd.scan.msk.s32 $0xffff, v6;
	_ =	sdelay $0x1  }
0xd2: {  	v5, _, _ =	vpop (xrf0)  }
0xd3: {  	(v2sf) =	vpush v5, $0xF;
	_ =	sdelay $0x1  }
0xd4: {  	s24 =	simm.s32 $0xB0;
	v5, _, _ =	vpop (xrf0)  }
0xd5: {  	s29 =	sand.u32 $0x80, s24;
	(v2sf) =	vpush v5, $0xF;
	v5, _, _ =	vpop (xrf0)  }
0xd6: {  	s18 =	sand.u32 $0x70, s24;
	s24 =	sadd.s32 s29, s26;
	s31 =	spop (v2sf);
	(v2sf) =	vpush v5, $0xF  }
0xd7: {  	s18 =	sadd.s32 s18, s24  }
0xd8: {  	v4 =	vld [tilespmem:s18+$0x0]  }
0xd9: {  	s25 =	simm.s32 $0xF  }
0xda: {  	s20 =	smov.u32 @p1 s23;
	s19 =	smov.u32 @p0 s23;
	s30 =	simm.s32 $0xA0  }
0xdb: {  	p0 =	slt.s32 s19, $0x66D;
	s28 =	sand.u32 $0x80, s30;
	s24 =	sadd.s32 s19, s31  }
0xdc: {  	s28 =	sadd.s32 s28, s26;
	s18 =	sand.u32 $0x70, s30;
	p6 =	sgt.s32 s24, $0x66C  }
0xdd: {  	s23 =	simm.s32 $0x0;
	s18 =	sadd.s32 s18, s28;
	(xrf0) =	vadd.scan.msk.s32 $0xffff, v4;
	p0 =	por !p0, !p6  }
0xde: {  	s28 =	simm.s32 $0x90;
	v4 =	vld [tilespmem:s18+$0x0];
	s18 =	simm.s32 $0x0;
	p0 =	por !p0, !p0  }
.LBB2_8:
0xdf: {  	s29 =	sand.u32 $0x80, s28;
	s23 =	smov.u32 @p0 s25;
	s18 =	smov.u32 @p0 s19  }
0xe0: {  	s30 =	smov.u32 s28;
	s19 =	smov.u32 s24;
	p1 =	sne.s32 s28, $0x0  }
.Ltmp5:
0xe1: {  	s28 =	sadd.s32 $0xFFFFFFF0, s28;
	s31 =	spop (v2sf);
	(pc) =	sbr.rel @p1 .LBB2_8-.Ltmp5, $4  }
0xe2: {  	s30 =	sand.u32 $0x70, s30;
	s29 =	sadd.s32 s29, s26;
	s24 =	sadd.s32 s24, s31  }
0xe3: {  	p0 =	slt.s32 s19, $0x66D;
	s29 =	sadd.s32 s30, s29;
	(xrf0) =	vadd.scan.msk.s32 $0xffff, v4;
	v5, _, _ =	vpop (xrf0);
	p2 =	sgt.s32 s24, $0x66C  }
0xe4: {  	v4 =	vld [tilespmem:s29+$0x0];
	(v2sf) =	vpush v5, $0xF;
	p0 =	por !p0, !p2  }
0xe5: {  	s25 =	sadd.s32 $0xFFFFFFFF, s25;
	p0 =	por !p0, !p0  }
0xe6: {  	_ =	sdelay $0x2  }
0xe7: {  	(xrf0) =	vadd.scan.msk.s32 $0xffff, v4;
	_ =	sdelay $0x4  }
0xe8: {  	v4, _, _ =	vpop (xrf0)  }
0xe9: {  	(v2sf) =	vpush v4, $0xF;
	v4, _, _ =	vpop (xrf0)  }
0xea: {  	(v2sf) =	vpush v4, $0xF;
	_ =	sdelay $0x6  }
0xeb: {  	s26 =	spop (v2sf)  }
0xec: {  	s26 =	sadd.s32 s24, s26  }
0xed: {  	p1 =	slt.s32 s24, $0x66D;
	s28 =	spop (v2sf);
	p2 =	sgt.s32 s26, $0x66C  }
0xee: {  	s28 =	sadd.s32 s26, s28;
	p1 =	por !p1, !p2  }
0xef: {  	p4 =	slt.s32 s26, $0x66D;
	p3 =	sgt.s32 s28, $0x66C;
	s0 =	simm.s32 @!p1 $0x0  }
0xf0: {  	s0 =	simm.s32 @p1 $0x1;
	p1 =	por !p4, !p3  }
0xf1: {  	[smem:$0x7FC] =	sst s0;
	s0 =	simm.s32 @!p1 $0x0;
	s29 =	spop (v2sf)  }
0xf2: {  	s0 =	simm.s32 @p1 $0x1;
	s29 =	sadd.s32 s28, s29;
	s30 =	spop (v2sf)  }
0xf3: {  	[smem:$0x7FD] =	sst s0;
	s30 =	sadd.s32 s29, s30;
	s31 =	spop (v2sf)  }
0xf4: {  	s1 =	sld [smem:$0x7FD];
	s31 =	sadd.s32 s30, s31  }
0xf5: {  	s23 =	smov.u32 @p0 s25;
	p1 =	sgt.s32 s31, $0x66C;
	s31 =	sld [smem:$0x7FC]  }
0xf6: {  	s25 =	sadd.s32 $0xFFFFFFFF, s25;
	p3 =	slt.s32 s28, $0x66D;
	p4 =	sgt.s32 s29, $0x66C  }
0xf7: {  	p5 =	slt.s32 s29, $0x66D;
	p3 =	por !p3, !p4;
	p6 =	sgt.s32 s30, $0x66C  }
0xf8: {  	p4 =	seq.s32 s1, $0x1;
	p6 =	por !p5, !p6;
	p5 =	seq.s32 s31, $0x1  }
0xf9: {  	p4 =	por !p4, !p4;
	p3 =	por !p3, !p3;
	p5 =	por !p5, !p5  }
0xfa: {  	p2 =	slt.s32 s30, $0x66D;
	s23 =	smov.u32 @p5 s25;
	s25 =	sadd.s32 $0xFFFFFFFF, s25  }
0xfb: {  	p2 =	por !p2, !p1;
	s23 =	smov.u32 @p4 s25;
	s25 =	sadd.s32 $0xFFFFFFFF, s25  }
0xfc: {  	p1 =	por !p6, !p6;
	s23 =	smov.u32 @p3 s25;
	s25 =	sadd.s32 $0xFFFFFFFF, s25  }
0xfd: {  	p2 =	por !p2, !p2;
	s23 =	smov.u32 @p1 s25;
	s25 =	sadd.s32 $0xFFFFFFFF, s25  }
0xfe: {  	s23 =	smov.u32 @p2 s25  }
0xff: {  	s23 =	sshll.u32 s23, $0x4  }
0x100: {  	s21 =	sshll.u32 s21, $0x8;
	s22 =	sor.u32 s22, s23  }
0x101: {  	s15 =	sand.u32 $0x3FFFFF00, s21;
	s0 =	simm.s32 $0xF0;
	s23 =	sand.u32 $0x7FF0, s22  }
0x102: {  	s1 =	sand.u32 $0x80, s0;
	s25 =	sadd.s32 $0x10000, s15;
	v4 =	vld [tilespmem:s23+$0x10000]  }
0x103: {  	s31 =	sand.u32 $0x70, s0;
	s23 =	sadd.s32 s1, s25  }
0x104: {  	s23 =	sadd.s32 s31, s23  }
0x105: {  	v5 =	vld [tilespmem:s23+$0x0];
	_ =	sdelay $0x1  }
0x106: {  	v6 =	vperm.xlane v4, v3;
	_ =	sdelay $0x1  }
0x107: {  	(xrf0) =	vadd.scan.msk.s32 $0xffff, v6  }
0x108: {  	(xrf0) =	vadd.scan.msk.s32 $0xffff, v5;
	_ =	sdelay $0x2  }
0x109: {  	s15 =	simm.s32 $0xE0  }
0x10a: {  	s1 =	sand.u32 $0x80, s15  }
0x10b: {  	s31 =	sadd.s32 s1, s25;
	s23 =	sand.u32 $0x70, s15;
	v5, _, _ =	vpop (xrf0)  }
0x10c: {  	s0 =	simm.s32 $0xD0;
	s23 =	sadd.s32 s23, s31;
	v6, _, _ =	vpop (xrf0)  }
0x10d: {  	s1 =	simm.s32 $0xC0;
	s15 =	sand.u32 $0x80, s0;
	(v2sf) =	vpush v6, $0xF;
	v6 =	vld [tilespmem:s23+$0x0]  }
0x10e: {  	s0 =	sand.u32 $0x70, s0;
	s31 =	sadd.s32 s15, s25;
	s15 =	sand.u32 $0x80, s1  }
0x10f: {  	s1 =	sand.u32 $0x70, s1;
	s0 =	sadd.s32 s0, s31;
	s15 =	sadd.s32 s15, s25  }
0x110: {  	v7 =	vld [tilespmem:s0+$0x0];
	s15 =	sadd.s32 s1, s15  }
0x111: {  	v8 =	vld [tilespmem:s15+$0x0]  }
0x112: {  	(xrf0) =	vadd.scan.msk.s32 $0xffff, v6;
	_ =	sdelay $0x2  }
0x113: {  	(xrf0) =	vadd.scan.msk.s32 $0xffff, v7  }
0x114: {  	(xrf0) =	vadd.scan.msk.s32 $0xffff, v8;
	_ =	sdelay $0x1  }
0x115: {  	s18 =	smov.u32 @p0 s19;
	v9 =	vperm.xlane v5, v3;
	v5, _, _ =	vpop (xrf0)  }
0x116: {  	s18 =	smov.u32 @p5 s24;
	(v2sf) =	vpush v5, $0xF  }
0x117: {  	s18 =	smov.u32 @p4 s26  }
0x118: {  	s18 =	smov.u32 @p3 s28;
	s23 =	simm.s32 $0xB0;
	v5, _, _ =	vpop (xrf0)  }
0x119: {  	s18 =	smov.u32 @p1 s29;
	s24 =	sand.u32 $0x80, s23;
	(v2sf) =	vpush v5, $0xF;
	v8, _, _ =	vpop (xrf0)  }
0x11a: {  	s0 =	sand.u32 $0x70, s23;
	s1 =	sadd.s32 s24, s25;
	s29 =	spop (v2sf);
	(v2sf) =	vpush v8, $0xF  }
0x11b: {  	s0 =	sadd.s32 s0, s1  }
0x11c: {  	v6 =	vld [tilespmem:s0+$0x0];
	_ =	sdelay $0x1  }
0x11d: {  	s19 =	simm.s32 $0x0;
	p5 =	slt.s32 s20, $0x7;
	s26 =	simm.s32 $0xA0  }
0x11e: {  	s18 =	smov.u32 @p2 s30;
	s30 =	sand.u32 $0x80, s26;
	s23 =	sadd.s32 s20, s29  }
0x11f: {  	s31 =	sadd.s32 s30, s25;
	s0 =	sand.u32 $0x70, s26;
	v7 =	vadd.s32 s18, v9;
	p6 =	sgt.s32 s23, $0x6  }
0x120: {  	s28 =	simm.s32 $0x90;
	s0 =	sadd.s32 s0, s31;
	vm1 =	vgt.s32 v7, $0x66C;
	(xrf0) =	vadd.scan.msk.s32 $0xffff, v6;
	p0 =	por !p5, !p6  }
0x121: {  	s24 =	simm.s32 $0x0;
	s26 =	simm.s32 $0xF;
	v7 =	vmpcnt.ones.xlane vm1;
	v5 =	vld [tilespmem:s0+$0x0];
	p0 =	por !p0, !p0  }
.LBB2_10:
0x122: {  	s0 =	sand.u32 $0x80, s28;
	s24 =	smov.u32 @p0 s26;
	s19 =	smov.u32 @p0 s20  }
0x123: {  	s1 =	smov.u32 s28;
	s20 =	smov.u32 s23;
	p1 =	sne.s32 s28, $0x0  }
.Ltmp6:
0x124: {  	s28 =	sadd.s32 $0xFFFFFFF0, s28;
	s15 =	spop (v2sf);
	(pc) =	sbr.rel @p1 .LBB2_10-.Ltmp6, $4  }
0x125: {  	s1 =	sand.u32 $0x70, s1;
	s0 =	sadd.s32 s0, s25;
	s23 =	sadd.s32 s23, s15  }
0x126: {  	p0 =	slt.s32 s20, $0x7;
	s0 =	sadd.s32 s1, s0;
	(xrf0) =	vadd.scan.msk.s32 $0xffff, v5;
	v6, _, _ =	vpop (xrf0);
	p2 =	sgt.s32 s23, $0x6  }
0x127: {  	v5 =	vld [tilespmem:s0+$0x0];
	(v2sf) =	vpush v6, $0xF;
	p0 =	por !p0, !p2  }
0x128: {  	s26 =	sadd.s32 $0xFFFFFFFF, s26;
	p0 =	por !p0, !p0  }
0x129: {  	_ =	sdelay $0x2  }
0x12a: {  	(xrf0) =	vadd.scan.msk.s32 $0xffff, v5;
	_ =	sdelay $0x4  }
0x12b: {  	v5, _, _ =	vpop (xrf0)  }
0x12c: {  	(v2sf) =	vpush v5, $0xF;
	v5, _, _ =	vpop (xrf0)  }
0x12d: {  	(v2sf) =	vpush v5, $0xF;
	_ =	sdelay $0xa  }
0x12e: {  	s0 =	spop (v2sf)  }
0x12f: {  	s1 =	spop (v2sf);
	s0 =	sadd.s32 s23, s0  }
0x130: {  	s1 =	sadd.s32 s0, s1;
	s15 =	spop (v2sf)  }
0x131: {  	s15 =	sadd.s32 s1, s15;
	s25 =	spop (v2sf)  }
0x132: {  	s25 =	sadd.s32 s15, s25;
	s28 =	spop (v2sf)  }
0x133: {  	s28 =	sadd.s32 s25, s28  }
0x134: {  	p1 =	sgt.s32 s28, $0x6  }
0x135: {  	p2 =	slt.s32 s23, $0x7;
	p3 =	sgt.s32 s0, $0x6;
	s28 =	simm.s32 @!p1 $0x0  }
0x136: {  	s28 =	simm.s32 @p1 $0x1;
	p1 =	por !p2, !p3  }
0x137: {  	[smem:$0x7FA] =	sst s28;
	s28 =	simm.s32 @!p1 $0x0  }
0x138: {  	p5 =	slt.s32 s0, $0x7;
	s28 =	simm.s32 @p1 $0x1;
	s29 =	sld [smem:$0x7FA]  }
0x139: {  	p4 =	sgt.s32 s1, $0x6;
	p6 =	slt.s32 s15, $0x7;
	[smem:$0x7FB] =	sst s28  }
0x13a: {  	p3 =	por !p5, !p4;
	p4 =	slt.s32 s1, $0x7;
	s30 =	sld [smem:$0x7FB]  }
0x13b: {  	p5 =	sgt.s32 s15, $0x6;
	p2 =	slt.s32 s25, $0x7;
	p1 =	sgt.s32 s25, $0x6  }
0x13c: {  	p4 =	por !p4, !p5;
	p5 =	por !p6, !p1;
	p6 =	seq.s32 s29, $0x1  }
0x13d: {  	p6 =	por !p2, !p6;
	p2 =	seq.s32 s30, $0x1  }
0x13e: {  	s24 =	smov.u32 @p0 s26;
	s26 =	sadd.s32 $0xFFFFFFFF, s26;
	p1 =	por !p2, !p2  }
0x13f: {  	p2 =	por !p3, !p3;
	s24 =	smov.u32 @p1 s26;
	s26 =	sadd.s32 $0xFFFFFFFF, s26  }
0x140: {  	p3 =	por !p4, !p4;
	s24 =	smov.u32 @p2 s26;
	s26 =	sadd.s32 $0xFFFFFFFF, s26  }
0x141: {  	p5 =	por !p5, !p5;
	s24 =	smov.u32 @p3 s26;
	s26 =	sadd.s32 $0xFFFFFFFF, s26  }
0x142: {  	p4 =	por !p6, !p6;
	s24 =	smov.u32 @p5 s26;
	s26 =	sadd.s32 $0xFFFFFFFF, s26  }
0x143: {  	s24 =	smov.u32 @p4 s26  }
0x144: {  	s24 =	sshll.u32 s24, $0x4  }
0x145: {  	s21 =	sor.u32 s21, s24  }
0x146: {  	s24 =	sand.u32 $0x7FF0, s21  }
0x147: {  	v5 =	vld [tilespmem:s24+$0x10000];
	_ =	sdelay $0x4  }
0x148: {  	v6 =	vperm.xlane v5, v3;
	_ =	sdelay $0x1  }
0x149: {  	(xrf0) =	vadd.scan.msk.s32 $0xffff, v6;
	_ =	sdelay $0x2  }
0x14a: {  	s19 =	smov.u32 @p0 s20;
	s31 =	simm.s32 $0x40  }
0x14b: {  	v11 =	vld [tilespmem:s31+$0xFFFFFFD0];
	s19 =	smov.u32 @p1 s23  }
0x14c: {  	v17 =	vld [tilespmem:s31+$0xFFFFFFC0];
	s19 =	smov.u32 @p2 s0  }
0x14d: {  	s19 =	smov.u32 @p3 s1;
	v6, _, _ =	vpop (xrf0)  }
0x14e: {  	v14 =	vld [tilespmem:s31+$0x10];
	s19 =	smov.u32 @p5 s15;
	v6 =	vperm.xlane v6, v3  }
0x14f: {  	v15 =	vadd.s32 $0xFFFFFFFF, v7;
	v13 =	vld [tilespmem:s31+$0x0];
	s19 =	smov.u32 @p4 s25  }
0x150: {  	v20 =	vimm.s32 $0x0;
	v10 =	vadd.s32 s22, v15;
	v16 =	vld [tilespmem:s31+$0xFFFFFFF0];
	v8 =	vadd.s32 s19, v6  }
0x151: {  	v12 =	vxor.u32 $0x7FFFFFFF, v11;
	vm2 =	vlt.s32 v17, $0x0;
	vm1 =	vgt.s32 v8, $0x6  }
0x152: {  	v18 =	vxor.u32 $0x7FFFFFFF, v17;
	v8 =	vmpcnt.ones.xlane vm1;
	vm1 =	vlt.s32 v11, $0x0  }
0x153: {  	v19 =	vxor.u32 $0x7FFFFFFF, v14;
	v18 =	vsel vm2, v18, v17;
	v12 =	vsel vm1, v12, v11  }
0x154: {  	v21 =	vxor.u32 $0x7FFFFFFF, v13;
	v17 =	vshra.s32 v18, $0x11;
	v11 =	vshra.s32 v12, $0x11  }
0x155: {  	vm1 =	vlt.s32 v16, $0x0;
	v22 =	vadd.s32 $0x4000, v11;
	v11 =	vxor.u32 $0x7FFFFFFF, v16  }
0x156: {  	v17 =	vadd.s32 $0x4000, v17;
	v8 =	vadd.s32 $0xFFFFFFFF, v8;
	v11 =	vsel vm1, v11, v16  }
0x157: {  	v23 =	vld [tilespmem:s31+$0x30];
	v7 =	vadd.s32 s21, v8;
	vm3 =	veq.s32 v22, v10;
	v16 =	vshra.s32 v11, $0x11  }
0x158: {  	vm1 =	veq.s32 v22, v7;
	v22 =	vld [tilespmem:s31+$0xFFFFFFE0];
	vm6 =	veq.s32 v17, v7;
	v16 =	vadd.s32 $0x4000, v16  }
0x159: {  	v24 =	vld [tilespmem:s31+$0x20];
	vm1 =	vmor vm3, vm1;
	vm2 =	veq.s32 v16, v10;
	vm4 =	veq.s32 v16, v7  }
0x15a: {  	vm3 =	veq.s32 v17, v10;
	v16 =	vsel vm1, $0x1, v1;
	vm5 =	vmor vm2, vm4  }
0x15b: {  	vm2 =	vlt.s32 v13, $0x0;
	vm4 =	vmor vm3, vm6;
	vm6 =	vlt.s32 v14, $0x0  }
0x15c: {  	(xrf0) =	vadd.scan.msk.s32 $0xffff, v16;
	vm3 =	vlt.s32 v23, $0x0;
	v16 =	vsel vm5, $0x1, v1;
	v13 =	vsel vm2, v21, v13  }
0x15d: {  	v17 =	vsel vm4, $0x1, v1;
	v21 =	vxor.u32 $0x7FFFFFFF, v23;
	v26 =	vxor.u32 $0x7FFFFFFF, v22  }
0x15e: {  	vm2 =	vlt.s32 v24, $0x0;
	v29 =	vmpcnt.ones.xlane vm4;
	(xrf0) =	vadd.scan.msk.s32 $0xffff, v16;
	v16 =	vsel vm6, v19, v14  }
0x15f: {  	v25 =	vshra.s32 v13, $0x11;
	v14 =	vxor.u32 $0x7FFFFFFF, v24;
	vm6 =	vlt.s32 v22, $0x0;
	(xrf0) =	vadd.scan.msk.s32 $0xffff, v17  }
0x160: {  	v19 =	vmpcnt.ones.xlane vm5;
	v17 =	vmpcnt.ones.xlane vm1;
	v27 =	vshra.s32 v16, $0x11  }
0x161: {  	v22 =	vsel vm6, v26, v22;
	v14 =	vsel vm2, v14, v24;
	v28 =	vadd.s32 $0x4000, v25  }
0x162: {  	v31 =	vadd.s32 v20, v29;
	v24 =	vshra.s32 v14, $0x11;
	v29 =	vshra.s32 v22, $0x11  }
0x163: {  	v27 =	vadd.s32 $0x4000, v27;
	v30 =	vadd.s32 $0x4000, v24;
	v24 =	vadd.s32 v31, v17;
	v26, _, _ =	vpop (xrf0)  }
0x164: {  	v17 =	vadd.s32 $0x4000, v29;
	vm2 =	veq.s32 v30, v7;
	vm6 =	veq.s32 v30, v10;
	v25, _, _ =	vpop (xrf0)  }
0x165: {  	vm8 =	veq.s32 v27, v7;
	vm7 =	veq.s32 v17, v10;
	vm2 =	vmor vm6, vm2;
	v29, _, _ =	vpop (xrf0)  }
0x166: {  	vm6 =	veq.s32 v17, v7;
	v17 =	vsel vm3, v21, v23;
	v20 =	vadd.s32 v29, v20  }
0x167: {  	v26 =	vadd.s32 v26, v31;
	vm9 =	vmor vm7, vm6;
	v20 =	vadd.s32 $0xFFFFFFFF, v20  }
0x168: {  	vm6 =	veq.s32 v27, v10;
	v23 =	vmpcnt.ones.xlane vm9;
	v29 =	vnsel vm4, $0x0, v20  }
0x169: {  	v21 =	vld.idx.msk [tilespmem:v7+s13+$0x0], $0xffff;
	v32 =	vshra.s32 v17, $0x11;
	vm3 =	vmor vm6, vm8;
	v27 =	vsel vm9, $0x1, v1  }
0x16a: {  	s20 =	simm.s32 $0x0;
	s21 =	simm.s32 $0xC0;
	v31 =	vadd.s32 $0x4000, v32;
	v30 =	vsel vm3, $0x1, v1;
	(xrf0) =	vadd.scan.msk.s32 $0xffff, v27;
	v27 =	vadd.s32 v24, v23;
	v20 =	vld.idx.msk [tilespmem:v10+s13+$0x0], $0xffff  }
.LBB2_12:
0x16b: {  	vm8 =	veq.s32 v31, v10  }
0x16c: {  	v32 =	vld [tilespmem:s21+$0xFFFFFFD0];
	s20 =	sadd.s32 $0x8, s20;
	vm10 =	veq.s32 v31, v7;
	v23 =	vmovc v22;
	vm7 =	vmmov vm5;
	vm6 =	vmmov vm9  }
0x16d: {  	vm5 =	veq.s32 v28, v7;
	v22 =	vld [tilespmem:s21+$0x10];
	p0 =	slt.u32 s20, $0x7F8;
	[tilespmem:v29+s13+$0x0] =	vst.idx.msk vm4, v18;
	v18 =	vadd.s32 $0xFFFFFFFF, v26;
	vm4 =	veq.s32 v28, v10  }
0x16e: {  	v28 =	vsel vm2, $0x1, v1;
	v26 =	vld [tilespmem:s21+$0x30];
	v18 =	vnsel vm1, $0x0, v18;
	vm9 =	vmor vm4, vm5  }
0x16f: {  	vm8 =	vmor vm8, vm10;
	v29 =	vld [tilespmem:s21+$0x0];
	v31 =	vsel vm9, $0x1, v1;
	v33 =	vmpcnt.ones.xlane vm9  }
0x170: {  	v25 =	vadd.s32 v25, v27;
	v35 =	vmpcnt.ones.xlane vm2;
	v36 =	vsel vm8, $0x1, v1;
	v34 =	vld [tilespmem:s21+$0x20];
	v37, _, _ =	vpop (xrf0)  }
0x171: {  	v38 =	vxor.u32 $0x7FFFFFFF, v32;
	vm4 =	vlt.s32 v32, $0x0;
	v39 =	vld [tilespmem:s21+$0xFFFFFFE0];
	v37 =	vadd.s32 v37, v24  }
0x172: {  	v40 =	vadd.s32 $0xFFFFFFFF, v25;
	v24 =	vsel vm4, v38, v32;
	v32 =	vld [tilespmem:s21+$0xFFFFFFF0];
	v38 =	vxor.u32 $0x7FFFFFFF, v22  }
0x173: {  	v42 =	vmpcnt.ones.xlane vm8;
	vm4 =	vlt.s32 v22, $0x0;
	v25 =	vld [tilespmem:s21+$0xFFFFFFC0];
	v41 =	vshra.s32 v24, $0x11;
	(xrf0) =	vadd.scan.msk.s32 $0xffff, v31  }
0x174: {  	v43 =	vmpcnt.ones.xlane vm3;
	v31 =	vxor.u32 $0x7FFFFFFF, v29;
	vm5 =	vlt.s32 v29, $0x0;
	(xrf0) =	vadd.scan.msk.s32 $0xffff, v30  }
0x175: {  	vm10 =	vlt.s32 v26, $0x0;
	v30 =	vadd.s32 $0x4000, v41;
	v29 =	vsel vm5, v31, v29;
	[tilespmem:v18+s13+$0x0] =	vst.idx.msk vm1, v12;
	v12 =	vmovc v24  }
0x176: {  	vm1 =	veq.s32 v30, v10;
	vm5 =	veq.s32 v30, v7;
	v30 =	vxor.u32 $0x7FFFFFFF, v26  }
0x177: {  	v31 =	vsel vm4, v38, v22;
	vm1 =	vmor vm1, vm5;
	vm5 =	vlt.s32 v32, $0x0  }
0x178: {  	v41 =	vadd.s32 v27, v19;
	v18 =	vxor.u32 $0x7FFFFFFF, v32;
	vm4 =	vlt.s32 v25, $0x0  }
0x179: {  	v27 =	vadd.s32 v41, v33;
	v24 =	vmpcnt.ones.xlane vm1;
	v22 =	vxor.u32 $0x7FFFFFFF, v25;
	v33, _, _ =	vpop (xrf0)  }
0x17a: {  	v38 =	vshra.s32 v29, $0x11;
	v32 =	vsel vm5, v18, v32;
	v33 =	vadd.s32 v33, v41;
	v19, _, _ =	vpop (xrf0);
	(xrf0) =	vadd.scan.msk.s32 $0xffff, v36  }
0x17b: {  	v18 =	vsel vm4, v22, v25;
	v22 =	vshra.s32 v32, $0x11;
	v19 =	vadd.s32 v19, v27  }
0x17c: {  	v25 =	vshra.s32 v18, $0x11;
	v22 =	vadd.s32 $0x4000, v22;
	v36 =	vxor.u32 $0x7FFFFFFF, v34  }
0x17d: {  	v25 =	vadd.s32 $0x4000, v25;
	vm5 =	veq.s32 v22, v10;
	v41 =	vadd.s32 $0xFFFFFFFF, v19;
	(xrf0) =	vadd.scan.msk.s32 $0xffff, v28  }
0x17e: {  	vm11 =	veq.s32 v22, v7;
	vm4 =	veq.s32 v25, v10;
	v28 =	vxor.u32 $0x7FFFFFFF, v39  }
0x17f: {  	vm13 =	vlt.s32 v34, $0x0;
	vm12 =	veq.s32 v25, v7;
	v19 =	vsel vm1, $0x1, v1  }
0x180: {  	v44 =	vshra.s32 v31, $0x11;
	vm5 =	vmor vm5, vm11;
	vm4 =	vmor vm4, vm12;
	(xrf0) =	vadd.scan.msk.s32 $0xffff, v19;
	v25, _, _ =	vpop (xrf0)  }
0x181: {  	vm11 =	vlt.s32 v39, $0x0;
	v22 =	vsel vm5, $0x1, v1;
	v19 =	vmpcnt.ones.xlane vm5  }
0x182: {  	v41 =	vnsel vm3, $0x0, v41;
	v45 =	vsel vm4, $0x1, v1;
	v46 =	vmpcnt.ones.xlane vm4;
	(xrf0) =	vadd.scan.msk.s32 $0xffff, v22  }
0x183: {  	v34 =	vsel vm13, v36, v34;
	v27 =	vadd.s32 v27, v43;
	v22 =	vsel vm11, v28, v39;
	(xrf0) =	vadd.scan.msk.s32 $0xffff, v45;
	v36, _, _ =	vpop (xrf0)  }
0x184: {  	v33 =	vadd.s32 $0xFFFFFFFF, v33;
	v28 =	vadd.s32 $0x4000, v38;
	v36 =	vadd.s32 v36, v27  }
0x185: {  	v39 =	vshra.s32 v34, $0x11;
	v27 =	vadd.s32 v27, v35;
	v36 =	vadd.s32 $0xFFFFFFFF, v36  }
0x186: {  	v35 =	vadd.s32 $0x4000, v39;
	v39 =	vadd.s32 v27, v42;
	v38, _, _ =	vpop (xrf0);
	v36 =	vnsel vm2, $0x0, v36  }
0x187: {  	v33 =	vnsel vm9, $0x0, v33;
	v42 =	vadd.s32 v39, v46;
	[tilespmem:v41+s13+$0x0] =	vst.idx.msk vm3, v16;
	v16 =	vadd.s32 v25, v27  }
0x188: {  	v24 =	vadd.s32 v42, v24;
	v27 =	vshra.s32 v22, $0x11;
	v25, _, _ =	vpop (xrf0);
	v45 =	vadd.s32 $0xFFFFFFFF, v16  }
0x189: {  	vm3 =	veq.s32 v35, v7;
	v27 =	vadd.s32 $0x4000, v27;
	v41, _, _ =	vpop (xrf0);
	v43 =	vnsel vm8, $0x0, v45  }
0x18a: {  	vm12 =	veq.s32 v35, v10;
	v35 =	vnsel vm7, $0x0, v40;
	vm11 =	veq.s32 v27, v10;
	v16 =	vmovc v31  }
0x18b: {  	v37 =	vadd.s32 $0xFFFFFFFF, v37;
	v31 =	vadd.s32 v41, v39;
	[tilespmem:v36+s13+$0x0] =	vst.idx.msk vm2, v14;
	vm2 =	vmor vm12, vm3;
	v14 =	vmovc v34  }
0x18c: {  	v31 =	vadd.s32 $0xFFFFFFFF, v31;
	v34 =	vadd.s32 $0x4000, v44;
	v36 =	vnsel vm6, $0x0, v37;
	[tilespmem:v33+s13+$0x0] =	vst.idx.msk vm9, v13;
	v13 =	vmovc v29  }
.Ltmp7:
0x18d: {  	vm3 =	veq.s32 v27, v7;
	v29 =	vnsel vm4, $0x0, v31;
	vm12 =	veq.s32 v34, v7;
	(pc) =	sbr.rel @p0 .LBB2_12-.Ltmp7, $4  }
0x18e: {  	vm9 =	vmor vm11, vm3;
	vm3 =	veq.s32 v34, v10;
	[tilespmem:v43+s13+$0x0] =	vst.idx.msk vm8, v17;
	v17 =	vsel vm10, v30, v26  }
0x18f: {  	v27 =	vmpcnt.ones.xlane vm9;
	vm3 =	vmor vm3, vm12;
	v26 =	vsel vm9, $0x1, v1  }
0x190: {  	v30 =	vsel vm3, $0x1, v1;
	v31 =	vshra.s32 v17, $0x11;
	(xrf0) =	vadd.scan.msk.s32 $0xffff, v26;
	[tilespmem:v35+s13+$0x0] =	vst.idx.msk vm7, v11;
	v11 =	vmovc v32  }
0x191: {  	s21 =	sadd.s32 $0x80, s21;
	v27 =	vadd.s32 v24, v27;
	v26 =	vadd.s32 v38, v42;
	v31 =	vadd.s32 $0x4000, v31;
	[tilespmem:v36+s13+$0x0] =	vst.idx.msk vm6, v23  }
0x192: {  	vm6 =	veq.s32 v28, v10;
	vm7 =	veq.s32 v28, v7  }
0x193: {  	vm7 =	vmor vm6, vm7  }
0x194: {  	vm13 =	veq.s32 v31, v10;
	vm8 =	veq.s32 v31, v7;
	v23 =	vsel vm7, $0x1, v1  }
0x195: {  	vm6 =	vmor vm13, vm8;
	(xrf0) =	vadd.scan.msk.s32 $0xffff, v23  }
0x196: {  	v48 =	vsel vm6, $0x1, v1;
	(xrf0) =	vadd.scan.msk.s32 $0xffff, v30  }
0x197: {  	v49 =	vsel vm2, $0x1, v1;
	vm14 =	veq.s32 v15, v0;
	vm10 =	veq.s32 v10, v7;
	(xrf0) =	vadd.scan.msk.s32 $0xffff, v48  }
0x198: {  	v50 =	vsel vm10, $0x0, v21;
	v9 =	vnsel vm14, $0x0, v9;
	(xrf0) =	vadd.scan.msk.s32 $0xffff, v49  }
0x199: {  	(xrf0) =	vadd.scan.msk.s32 $0xffff, v9;
	v9 =	vnsel vm14, $0x0, v4;
	v4 =	vadd.s32 v20, v50  }
0x19a: {  	v51, _, _ =	vpop (xrf0);
	(xrf0) =	vadd.scan.msk.s32 $0xffff, v9;
	v9 =	vxor.u32 $0x80000000, v4;
	_ =	sdelay $0x1  }
0x19b: {  	v52, _, _ =	vpop (xrf0);
	(xrf0) =	vmax.scan.msk.u32 $0xffff, v9  }
0x19c: {  	v9, _, _ =	vpop (xrf0)  }
0x19d: {  	v23, _, _ =	vpop (xrf0)  }
0x19e: {  	v28, _, _ =	vpop (xrf0)  }
0x19f: {  	v53, _, _ =	vpop (xrf0)  }
0x1a0: {  	(v2sf) =	vpush v53, $0xF;
	v54, _, _ =	vpop (xrf0)  }
0x1a1: {  	(v2sf) =	vpush v54, $0xF;
	v55, _, _ =	vpop (xrf0)  }
0x1a2: {  	(v2sf) =	vpush v55, $0xF;
	_ =	sdelay $0x7  }
0x1a3: {  	v56 =	vmpcnt.ones.xlane vm7  }
0x1a4: {  	v26 =	vadd.s32 $0xFFFFFFFF, v26;
	v57 =	vmpcnt.ones.xlane vm3;
	v19 =	vadd.s32 v27, v19  }
0x1a5: {  	vm5 =	vmmov vm5;
	v25 =	vadd.s32 v25, v27;
	v30 =	vadd.s32 v19, v56  }
0x1a6: {  	v58 =	vmpcnt.ones.xlane vm2;
	v62 =	vadd.s32 $0xFFFFFFFF, v25;
	v9 =	vadd.s32 v9, v30  }
0x1a7: {  	v26 =	vnsel vm1, $0x0, v26;
	v63 =	vnsel vm5, $0x0, v62;
	v9 =	vadd.s32 $0xFFFFFFFF, v9  }
0x1a8: {  	v19 =	vadd.s32 v52, v19;
	v30 =	vadd.s32 v30, v57;
	v9 =	vnsel vm3, $0x0, v9;
	s0 =	spop (v2sf)  }
0x1a9: {  	v19 =	vadd.s32 $0xFFFFFFFF, v19;
	v60 =	vadd.s32 v30, v58;
	v59 =	vadd.s32 v28, v30;
	s1 =	spop (v2sf)  }
0x1aa: {  	v19 =	vnsel vm7, $0x0, v19;
	v23 =	vadd.s32 v23, v60;
	v21 =	vadd.s32 $0xFFFFFFFF, v59;
	s15 =	spop (v2sf)  }
0x1ab: {  	[tilespmem:v29+s13+$0x0] =	vst.idx.msk vm4, v18;
	v61 =	vadd.s32 v51, v24;
	v23 =	vadd.s32 $0xFFFFFFFF, v23;
	v21 =	vnsel vm2, $0x0, v21;
	s15 =	sadd.s32 $0x8000000F, s15  }
0x1ac: {  	vm15 =	vmmov vm9;
	[tilespmem:v26+s13+$0x0] =	vst.idx.msk vm1, v12;
	v18 =	vadd.s32 $0xFFFFFFFF, v61;
	v23 =	vnsel vm6, $0x0, v23;
	s0 =	sadd.s32 s0, s18;
	s20 =	sand.u32 $0xF, s15  }
0x1ad: {  	[tilespmem:v9+s13+$0x0] =	vst.idx.msk vm3, v16;
	v9 =	vnsel vm15, $0x0, v18;
	s29 =	sshra.s32 s15, $0x1F;
	p1 =	slt.s32 s15, $0x1;
	p0 =	sne.s32 s20, $0x0  }
.Ltmp8:
0x1ae: {  	[tilespmem:v63+s13+$0x0] =	vst.idx.msk vm5, v11;
	s30 =	sshrl.u32 s29, $0x1C;
	p0 =	por !p1, !p0;
	(pc) =	sbr.rel .LBB2_14-.Ltmp8, $4  }
0x1af: {  	[tilespmem:v19+s13+$0x0] =	vst.idx.msk vm7, v13;
	s18 =	simm.s32 $0x1;
	s15 =	sadd.s32 s30, s15;
	p0 =	por !p0, !p0  }
0x1b0: {  	[tilespmem:v21+s13+$0x0] =	vst.idx.msk vm2, v14;
	s0 =	ssub.s32 s1, s0;
	s31 =	sshra.s32 s15, $0x4;
	s18 =	simm.s32 @!p0 $0x0  }
0x1b1: {  	v10 =	vshll.u32 v10, $0x11;
	[tilespmem:v23+s13+$0x0] =	vst.idx.msk vm6, v17;
	s0 =	sadd.s32 $0x66D, s0;
	s18 =	ssub.s32 s31, s18  }
0x1b2: {  	s21 =	simm.s32 $0x0;
	v10 =	vxor.u32 $0x80000000, v10;
	[tilespmem:v9+s13+$0x0] =	vst.idx.msk vm9, v22;
	v9 =	vimm.s32 $0x0;
	v11 =	vadd.s32 s0, v50;
	s20 =	simm.s32 $0x0;
	p0 =	slt.s32 s18, $0x1  }
.LBB2_17:
0x1b3: {  	vm1 =	vmand vm2, vm1  }
0x1b4: {  	v13 =	vmpcnt.ones.xlane vm1;
	_ =	sdelay $0x1  }
0x1b5: {  	v13 =	vadd.s32 v14, v13  }
.LBB2_18:
0x1b6: {  	s21 =	sadd.s32 $0x1, s21  }
0x1b7: {  	p1 =	sne.s32 s21, $0x11  }
.Ltmp9:
0x1b8: {  	_ = 	snop;
	(pc) =	sbr.rel @!p1 .LBB2_19-.Ltmp9, $3  }
0x1b9: {  	_ =	sdelay $0x1  }
0x1ba: {  	vm1 =	vlt.s32 v13, v11  }
0x1bb: {  	v9 =	vsel vm1, v9, v12  }
.LBB2_14:
.Ltmp10:
0x1bc: {  	s0 =	ssub.s32 $0x10, s21;
	(pc) =	sbr.rel @p0 .LBB2_18-.Ltmp10, $3  }
0x1bd: {  	v12 =	vshll.u32 v2, s0  }
0x1be: {  	v12 =	vbroadcast v12, $0x0;
	_ =	sdelay $0x1  }
0x1bf: {  	v13 =	vimm.s32 $0x0;
	v12 =	vor.u32 v9, v12  }
0x1c0: {  	s0 =	simm.s32 $0x10000  }
0x1c1: {  	p1 =	sne.s32 s18, $0x1;
	v14 =	vld [tilespmem:s0+$0x0]  }
.Ltmp11:
0x1c2: {  	_ = 	snop;
	(pc) =	sbr.rel @!p1 .LBB2_17-.Ltmp11, $3  }
0x1c3: {  	_ =	sdelay $0x1  }
0x1c4: {  	v13 =	vadd.s32 v10, v12;
	v15 =	vor.u32 s20, v0  }
0x1c5: {  	s22 =	sadd.s32 $0xFFFFFFFF, s18;
	s23 =	simm.s32 $0x10010;
	s24 =	simm.s32 $0x0;
	vm2 =	vlt.s32 v15, v4;
	vm1 =	vge.s32 v14, v13;
	v14 =	vimm.s32 $0x0  }
.LBB2_16:
0x1c6: {  	v15 =	vld [tilespmem:s23+$0x0];
	p1 =	sne.s32 s22, $0x1;
	s22 =	sadd.s32 $0xFFFFFFFF, s22;
	vm1 =	vmand vm2, vm1  }
.Ltmp12:
0x1c7: {  	v16 =	vmpcnt.ones.xlane vm1;
	(pc) =	sbr.rel @p1 .LBB2_16-.Ltmp12, $4  }
0x1c8: {  	_ = 	snop  }
0x1c9: {  	s24 =	sadd.s32 $0x10, s24;
	v14 =	vadd.s32 v14, v16  }
0x1ca: {  	v16 =	vor.u32 s24, v0  }
0x1cb: {  	s23 =	sadd.s32 $0x10, s23;
	vm2 =	vlt.s32 v16, v4;
	vm1 =	vge.s32 v15, v13  }
.Ltmp13:
0x1cc: {  	_ = 	snop;
	(pc) =	sbr.rel .LBB2_17-.Ltmp13, $1  }
0x1cd: {  	_ =	sdelay $0x3  }
.LBB2_19:
0x1ce: {  	vm1 =	veq.s32 v8, v0  }
0x1cf: {  	v6 =	vnsel vm1, $0x0, v6  }
0x1d0: {  	v5 =	vnsel vm1, $0x0, v5;
	(xrf0) =	vadd.scan.msk.s32 $0xffff, v6  }
0x1d1: {  	(xrf0) =	vadd.scan.msk.s32 $0xffff, v5;
	_ =	sdelay $0x4  }
0x1d2: {  	v5, _, _ =	vpop (xrf0)  }
0x1d3: {  	(v2sf) =	vpush v5, $0xF;
	v5, _, _ =	vpop (xrf0)  }
0x1d4: {  	(v2sf) =	vpush v5, $0xF;
	_ =	sdelay $0xd  }
.Ltmp14:
0x1d5: {  	s0 =	spop (v2sf);
	(pc) =	sbr.rel .LBB2_20-.Ltmp14, $4  }
0x1d6: {  	s1 =	spop (v2sf);
	s0 =	sadd.s32 s0, s19  }
0x1d7: {  	s0 =	ssub.s32 s1, s0  }
0x1d8: {  	v6 =	vshll.u32 v7, $0x11;
	s0 =	sadd.s32 $0x7, s0  }
0x1d9: {  	s20 =	simm.s32 $0x0;
	v6 =	vxor.u32 $0x80000000, v6;
	v5 =	vimm.s32 $0x0;
	s19 =	simm.s32 $0x0;
	v7 =	vmov s0  }
.LBB2_23:
0x1da: {  	vm1 =	vmand vm2, vm1  }
0x1db: {  	v11 =	vmpcnt.ones.xlane vm1;
	_ =	sdelay $0x1  }
0x1dc: {  	v11 =	vadd.s32 v12, v11  }
.LBB2_24:
0x1dd: {  	s20 =	sadd.s32 $0x1, s20  }
0x1de: {  	p1 =	sne.s32 s20, $0x11  }
.Ltmp15:
0x1df: {  	_ = 	snop;
	(pc) =	sbr.rel @!p1 .LBB2_25-.Ltmp15, $3  }
0x1e0: {  	_ =	sdelay $0x1  }
0x1e1: {  	vm1 =	vlt.s32 v11, v7  }
0x1e2: {  	v5 =	vsel vm1, v5, v8  }
.LBB2_20:
.Ltmp16:
0x1e3: {  	s0 =	ssub.s32 $0x10, s20;
	(pc) =	sbr.rel @p0 .LBB2_24-.Ltmp16, $3  }
0x1e4: {  	v8 =	vshll.u32 v2, s0  }
0x1e5: {  	v8 =	vbroadcast v8, $0x0;
	_ =	sdelay $0x1  }
0x1e6: {  	v11 =	vimm.s32 $0x0;
	v8 =	vor.u32 v5, v8  }
0x1e7: {  	s0 =	simm.s32 $0x10000  }
0x1e8: {  	p1 =	sne.s32 s18, $0x1;
	v12 =	vld [tilespmem:s0+$0x0]  }
.Ltmp17:
0x1e9: {  	_ = 	snop;
	(pc) =	sbr.rel @!p1 .LBB2_23-.Ltmp17, $3  }
0x1ea: {  	_ =	sdelay $0x1  }
0x1eb: {  	v11 =	vadd.s32 v6, v8;
	v13 =	vor.u32 s19, v0  }
0x1ec: {  	s21 =	sadd.s32 $0xFFFFFFFF, s18;
	s22 =	simm.s32 $0x10010;
	s23 =	simm.s32 $0x0;
	vm2 =	vlt.s32 v13, v4;
	vm1 =	vge.s32 v12, v11;
	v12 =	vimm.s32 $0x0  }
.LBB2_22:
0x1ed: {  	v13 =	vld [tilespmem:s22+$0x0];
	p1 =	sne.s32 s21, $0x1;
	s21 =	sadd.s32 $0xFFFFFFFF, s21;
	vm1 =	vmand vm2, vm1  }
.Ltmp18:
0x1ee: {  	v14 =	vmpcnt.ones.xlane vm1;
	(pc) =	sbr.rel @p1 .LBB2_22-.Ltmp18, $4  }
0x1ef: {  	_ = 	snop  }
0x1f0: {  	s23 =	sadd.s32 $0x10, s23;
	v12 =	vadd.s32 v12, v14  }
0x1f1: {  	v14 =	vor.u32 s23, v0  }
0x1f2: {  	s22 =	sadd.s32 $0x10, s22;
	vm2 =	vlt.s32 v14, v4;
	vm1 =	vge.s32 v13, v11  }
.Ltmp19:
0x1f3: {  	_ = 	snop;
	(pc) =	sbr.rel .LBB2_23-.Ltmp19, $1  }
0x1f4: {  	_ =	sdelay $0x3  }
.LBB2_25:
0x1f5: {  	v4 =	vadd.s32 v6, v5  }
0x1f6: {  	v5 =	vadd.s32 v10, v9;
	v6 =	vxor.u32 $0x7FFFFFFF, v4;
	vm1 =	vlt.s32 v4, $0x0  }
0x1f7: {  	v7 =	vxor.u32 $0x7FFFFFFF, v5;
	v4 =	vsel vm1, v6, v4;
	vm1 =	vlt.s32 v5, $0x0  }
0x1f8: {  	v5 =	vsel vm1, v7, v5;
	v4 =	vsel vm0, $0x0, v4;
	vm1 =	vmmov $0x1  }
0x1f9: {  	v4 =	vsel vm1, v5, v4  }
0x1fa: {  	[tilespmem:$0x18000] =	vst v4  }
0x1fb: {  	_ =	swait.ge [sflag:s14], $0x8000  }
0x1fc: {  	[sflag:s14] =	ssyncset.done $0x0  }
0x1fd: {  	s18 =	simm.s32 $0x10040;
	[sflag:s14] =	ssyncadd.s32 $0xFFFF8000  }
0x1fe: {  	[tilespmem:s2], [sflag:$0x1] =	stream.strided.gather [hbm4b:s5+s9], $0x8000, s10, s9, $0x38;
	[tilespmem:$0x18080] =	vst v63  }
0x1ff: {  	[tilespmem:s18+$0xFFFFFFC0] =	vst v1  }
0x200: {  	[tilespmem:s18+$0x30] =	vst v1  }
0x201: {  	[tilespmem:s18+$0x20] =	vst v1  }
0x202: {  	[tilespmem:s18+$0x10] =	vst v1  }
0x203: {  	[tilespmem:s18+$0x0] =	vst v1  }
0x204: {  	[tilespmem:s18+$0xFFFFFFF0] =	vst v1  }
0x205: {  	s20 =	simm.s32 $0x0;
	[tilespmem:s18+$0xFFFFFFE0] =	vst v1  }
.LBB2_26:
0x206: {  	s20 =	sadd.s32 $0x8, s20;
	[tilespmem:s18+$0xFFFFFFD0] =	vst v1;
	s18 =	sadd.s32 $0x80, s18;
	s19 =	simm.s32 $0x8040  }
0x207: {  	[tilespmem:s18+$0xFFFFFFC0] =	vst v1;
	p0 =	slt.u32 s20, $0x7F8  }
0x208: {  	[tilespmem:s18+$0x30] =	vst v1  }
.Ltmp20:
0x209: {  	[tilespmem:s18+$0x20] =	vst v1;
	(pc) =	sbr.rel @p0 .LBB2_26-.Ltmp20, $4  }
0x20a: {  	[tilespmem:s18+$0x10] =	vst v1  }
0x20b: {  	[tilespmem:s18+$0x0] =	vst v1  }
0x20c: {  	[tilespmem:s18+$0xFFFFFFF0] =	vst v1  }
0x20d: {  	[tilespmem:s18+$0xFFFFFFE0] =	vst v1  }
0x20e: {  	[tilespmem:s18+$0xFFFFFFD0] =	vst v1  }
0x20f: {  	v4 =	vld [tilespmem:s19+$0x10];
	_ =	sdelay $0x1  }
0x210: {  	v5 =	vld [tilespmem:s19+$0xFFFFFFC0];
	_ =	sdelay $0x1  }
0x211: {  	v6 =	vld [tilespmem:s19+$0x20]  }
0x212: {  	v7 =	vshra.s32 v4, $0x11  }
0x213: {  	v9 =	vld [tilespmem:s19+$0xFFFFFFD0];
	vm2 =	vlt.s32 v4, $0x0;
	v4 =	vxor.u32 $0x3FFF, v7  }
0x214: {  	v10 =	vld [tilespmem:s19+$0x30];
	v4 =	vsel vm2, v4, v7;
	v7 =	vshra.s32 v5, $0x11  }
0x215: {  	v12 =	vld [tilespmem:s19+$0x0];
	vm2 =	vlt.s32 v5, $0x0;
	v11 =	vadd.s32 $0x4000, v4;
	v4 =	vxor.u32 $0x3FFF, v7  }
0x216: {  	v5 =	vshra.s32 v6, $0x11;
	v4 =	vsel vm2, v4, v7  }
0x217: {  	vm3 =	vlt.s32 v6, $0x0;
	v7 =	vxor.u32 $0x3FFF, v5;
	v6 =	vadd.s32 $0x4000, v4;
	v4 =	vld [tilespmem:s19+$0xFFFFFFE0]  }
0x218: {  	v5 =	vsel vm3, v7, v5  }
0x219: {  	v8 =	vshra.s32 v9, $0x11;
	v5 =	vadd.s32 $0x4000, v5  }
0x21a: {  	vm4 =	vlt.s32 v12, $0x0;
	vm2 =	vlt.s32 v10, $0x0;
	v10 =	vshra.s32 v10, $0x11;
	v7 =	vld [tilespmem:s19+$0xFFFFFFF0]  }
0x21b: {  	s18 =	simm.s32 $0x0;
	vm3 =	vlt.s32 v9, $0x0;
	v9 =	vxor.u32 $0x3FFF, v8;
	s19 =	simm.s32 $0x80C0;
	[tilespmem:v11+s13+$0x0] =	vst.idx.add.s32.msk $0xffff, v2;
	v11 =	vshra.s32 v12, $0x11  }
.LBB2_28:
0x21c: {  	s18 =	sadd.s32 $0x8, s18;
	[tilespmem:v6+s13+$0x0] =	vst.idx.add.s32.msk $0xffff, v2;
	vm5 =	vlt.s32 v4, $0x0;
	v6 =	vxor.u32 $0x3FFF, v11;
	v12 =	vxor.u32 $0x3FFF, v10  }
0x21d: {  	v4 =	vshra.s32 v4, $0x11;
	v13 =	vld [tilespmem:s19+$0x10];
	p0 =	slt.u32 s18, $0x7F8;
	v6 =	vsel vm4, v6, v11;
	v10 =	vsel vm2, v12, v10  }
0x21e: {  	v8 =	vsel vm3, v9, v8;
	v9 =	vxor.u32 $0x3FFF, v4;
	[tilespmem:v5+s13+$0x0] =	vst.idx.add.s32.msk $0xffff, v2;
	v5 =	vadd.s32 $0x4000, v10  }
0x21f: {  	v4 =	vsel vm5, v9, v4;
	v6 =	vadd.s32 $0x4000, v6;
	v10 =	vld [tilespmem:s19+$0xFFFFFFC0]  }
0x220: {  	v8 =	vadd.s32 $0x4000, v8;
	v11 =	vadd.s32 $0x4000, v4;
	v9 =	vld [tilespmem:s19+$0xFFFFFFD0];
	v4 =	vshra.s32 v7, $0x11  }
0x221: {  	vm2 =	vlt.s32 v7, $0x0;
	v12 =	vld [tilespmem:s19+$0x20];
	v7 =	vxor.u32 $0x3FFF, v4  }
0x222: {  	v14 =	vshra.s32 v13, $0x11;
	v15 =	vld [tilespmem:s19+$0x30];
	v7 =	vsel vm2, v7, v4  }
0x223: {  	vm2 =	vlt.s32 v13, $0x0;
	v4 =	vld [tilespmem:s19+$0xFFFFFFE0];
	v13 =	vxor.u32 $0x3FFF, v14;
	v7 =	vadd.s32 $0x4000, v7  }
0x224: {  	v16 =	vshra.s32 v10, $0x11;
	v13 =	vsel vm2, v13, v14;
	[tilespmem:v6+s13+$0x0] =	vst.idx.add.s32.msk $0xffff, v2  }
0x225: {  	vm2 =	vlt.s32 v10, $0x0;
	v6 =	vxor.u32 $0x3FFF, v16;
	v10 =	vadd.s32 $0x4000, v13;
	[tilespmem:v5+s13+$0x0] =	vst.idx.add.s32.msk $0xffff, v2  }
0x226: {  	v5 =	vsel vm2, v6, v16;
	v13 =	vld [tilespmem:s19+$0x0];
	vm3 =	vlt.s32 v12, $0x0;
	v12 =	vshra.s32 v12, $0x11  }
.Ltmp21:
0x227: {  	v6 =	vadd.s32 $0x4000, v5;
	v5 =	vxor.u32 $0x3FFF, v12;
	vm2 =	vlt.s32 v15, $0x0;
	[tilespmem:v8+s13+$0x0] =	vst.idx.add.s32.msk $0xffff, v2;
	(pc) =	sbr.rel @p0 .LBB2_28-.Ltmp21, $4  }
0x228: {  	v5 =	vsel vm3, v5, v12;
	[tilespmem:v11+s13+$0x0] =	vst.idx.add.s32.msk $0xffff, v2  }
0x229: {  	v8 =	vshra.s32 v9, $0x11;
	v5 =	vadd.s32 $0x4000, v5;
	[tilespmem:v7+s13+$0x0] =	vst.idx.add.s32.msk $0xffff, v2  }
0x22a: {  	vm3 =	vlt.s32 v9, $0x0;
	v9 =	vxor.u32 $0x3FFF, v8;
	[tilespmem:v10+s13+$0x0] =	vst.idx.add.s32.msk $0xffff, v2  }
0x22b: {  	v10 =	vshra.s32 v15, $0x11;
	v7 =	vld [tilespmem:s19+$0xFFFFFFF0];
	vm4 =	vlt.s32 v13, $0x0;
	v11 =	vshra.s32 v13, $0x11;
	s19 =	sadd.s32 $0x80, s19  }
0x22c: {  	_ = 	snop  }
0x22d: {  	v12 =	vxor.u32 $0x3FFF, v11;
	v58 =	vxor.u32 $0x3FFF, v10;
	vm15 =	vlt.s32 v4, $0x0  }
0x22e: {  	v4 =	vshra.s32 v4, $0x11;
	v8 =	vsel vm3, v9, v8;
	v11 =	vsel vm4, v12, v11  }
0x22f: {  	v10 =	vsel vm2, v58, v10;
	v9 =	vxor.u32 $0x3FFF, v4;
	v8 =	vadd.s32 $0x4000, v8  }
0x230: {  	v11 =	vadd.s32 $0x4000, v11;
	v4 =	vsel vm15, v9, v4;
	v9 =	vshra.s32 v7, $0x11  }
0x231: {  	v10 =	vadd.s32 $0x4000, v10;
	vm2 =	vlt.s32 v7, $0x0;
	v7 =	vxor.u32 $0x3FFF, v9  }
0x232: {  	[tilespmem:v6+s13+$0x0] =	vst.idx.add.s32.msk $0xffff, v2;
	v4 =	vadd.s32 $0x4000, v4;
	v6 =	vsel vm2, v7, v9  }
0x233: {  	[tilespmem:v5+s13+$0x0] =	vst.idx.add.s32.msk $0xffff, v2;
	v5 =	vadd.s32 $0x4000, v6  }
0x234: {  	[tilespmem:v8+s13+$0x0] =	vst.idx.add.s32.msk $0xffff, v2  }
0x235: {  	[tilespmem:v11+s13+$0x0] =	vst.idx.add.s32.msk $0xffff, v2  }
0x236: {  	[tilespmem:v10+s13+$0x0] =	vst.idx.add.s32.msk $0xffff, v2  }
0x237: {  	[tilespmem:v4+s13+$0x0] =	vst.idx.add.s32.msk $0xffff, v2  }
0x238: {  	s0 =	simm.s32 $0x0;
	[tilespmem:v5+s13+$0x0] =	vst.idx.add.s32.msk $0xffff, v2  }
0x239: {  	v4 =	vld [tilespmem:s0+$0x17F00]  }
0x23a: {  	v5 =	vld [tilespmem:s0+$0x17F10]  }
0x23b: {  	v6 =	vld [tilespmem:s0+$0x17F20]  }
0x23c: {  	v7 =	vld [tilespmem:s0+$0x17F30]  }
0x23d: {  	v8 =	vld [tilespmem:s0+$0x17F40]  }
0x23e: {  	v9 =	vld [tilespmem:s0+$0x17F50]  }
0x23f: {  	v10 =	vld [tilespmem:s0+$0x17F60];
	v4 =	vadd.s32 v4, v5  }
0x240: {  	v5 =	vld [tilespmem:s0+$0x17F70];
	v4 =	vadd.s32 v6, v4  }
0x241: {  	v6 =	vld [tilespmem:s0+$0x17F80];
	v4 =	vadd.s32 v7, v4  }
0x242: {  	v7 =	vld [tilespmem:s0+$0x17F90];
	v4 =	vadd.s32 v8, v4  }
0x243: {  	v8 =	vld [tilespmem:s0+$0x17FA0];
	v4 =	vadd.s32 v9, v4  }
0x244: {  	v9 =	vld [tilespmem:s0+$0x17FB0];
	v4 =	vadd.s32 v10, v4  }
0x245: {  	v10 =	vld [tilespmem:s0+$0x17FC0];
	v4 =	vadd.s32 v5, v4  }
0x246: {  	v5 =	vld [tilespmem:s0+$0x17FD0];
	v4 =	vadd.s32 v6, v4  }
0x247: {  	v6 =	vld [tilespmem:s0+$0x17FE0];
	v4 =	vadd.s32 v7, v4  }
0x248: {  	s30 =	simm.s32 $0xFFFFFF00;
	v7 =	vld [tilespmem:s0+$0x17FF0];
	v4 =	vadd.s32 v8, v4  }
0x249: {  	v11 =	vld [tilespmem:s30+$0x17F70];
	v4 =	vadd.s32 v9, v4  }
0x24a: {  	v8 =	vld [tilespmem:s30+$0x17F00];
	v4 =	vadd.s32 v10, v4  }
0x24b: {  	v4 =	vadd.s32 v5, v4;
	v5 =	vld [tilespmem:s30+$0x17F10]  }
0x24c: {  	v4 =	vadd.s32 v6, v4;
	v6 =	vld [tilespmem:s30+$0x17F20]  }
0x24d: {  	v4 =	vadd.s32 v7, v4;
	v7 =	vld [tilespmem:s30+$0x17F30]  }
0x24e: {  	(xrf0) =	vadd.scan.msk.s32 $0xffff, v4;
	v4 =	vld [tilespmem:s30+$0x17F40]  }
0x24f: {  	v9 =	vld [tilespmem:s30+$0x17F50]  }
0x250: {  	v10 =	vld [tilespmem:s30+$0x17F60];
	v5 =	vadd.s32 v8, v5  }
0x251: {  	v59 =	vld [tilespmem:s30+$0x17F80];
	v5 =	vadd.s32 v6, v5  }
0x252: {  	s1 =	simm.s32 $0xFFFFFE00;
	v13 =	vld [tilespmem:s30+$0x17F90];
	v5 =	vadd.s32 v7, v5  }
0x253: {  	v60 =	vld [tilespmem:s1+$0x17F10];
	v4 =	vadd.s32 v4, v5  }
0x254: {  	v8 =	vld [tilespmem:s30+$0x17FA0];
	v4 =	vadd.s32 v9, v4  }
0x255: {  	v6 =	vld [tilespmem:s30+$0x17FB0];
	v14, _, _ =	vpop (xrf0);
	v4 =	vadd.s32 v10, v4  }
0x256: {  	v7 =	vld [tilespmem:s30+$0x17FC0];
	(v2sf) =	vpush v14, $0xF;
	v4 =	vadd.s32 v11, v4  }
0x257: {  	v5 =	vld [tilespmem:s30+$0x17FD0];
	v4 =	vadd.s32 v59, v4  }
0x258: {  	v9 =	vld [tilespmem:s30+$0x17FE0];
	v4 =	vadd.s32 v13, v4  }
0x259: {  	v10 =	vld [tilespmem:s30+$0x17FF0];
	v4 =	vadd.s32 v8, v4  }
0x25a: {  	v11 =	vld [tilespmem:s1+$0x17F00];
	v4 =	vadd.s32 v6, v4  }
0x25b: {  	v61 =	vld [tilespmem:s1+$0x17F20];
	v4 =	vadd.s32 v7, v4  }
0x25c: {  	v8 =	vld [tilespmem:s1+$0x17F30];
	v4 =	vadd.s32 v5, v4  }
0x25d: {  	v6 =	vld [tilespmem:s1+$0x17F40];
	v4 =	vadd.s32 v9, v4  }
0x25e: {  	v7 =	vld [tilespmem:s1+$0x17F50];
	v4 =	vadd.s32 v10, v4  }
0x25f: {  	v5 =	vadd.s32 v11, v60;
	v11 =	vld [tilespmem:s1+$0x17F60];
	(xrf0) =	vadd.scan.msk.s32 $0xffff, v4  }
0x260: {  	v5 =	vadd.s32 v61, v5;
	v9 =	vld [tilespmem:s1+$0x17F70]  }
0x261: {  	v5 =	vadd.s32 v8, v5  }
0x262: {  	v10 =	vld [tilespmem:s1+$0x17F80];
	v4 =	vadd.s32 v6, v5  }
0x263: {  	v8 =	vld [tilespmem:s1+$0x17F90];
	v4 =	vadd.s32 v7, v4  }
0x264: {  	s19 =	simm.s32 $0x0;
	s18 =	simm.s32 $0x7F;
	p1 =	por $0x1, $0x1;
	v62 =	vld [tilespmem:s1+$0x17FA0];
	v5 =	vadd.s32 v11, v4  }
0x265: {  	p3 =	por $0x1, $0x1;
	s24 =	simm.s32 $0xFFFFFD00;
	v63 =	vld [tilespmem:s1+$0x17FB0];
	v6 =	vadd.s32 v9, v5;
	s31 =	spop (v2sf);
	v9, _, _ =	vpop (xrf0)  }
0x266: {  	s22 =	simm.s32 $0x0;
	s26 =	simm.s32 $0xFFFFF000;
	v4 =	vld [tilespmem:s1+$0x17FC0];
	s23 =	sadd.s32 $0x0, s31;
	(v2sf) =	vpush v9, $0xF  }
0x267: {  	s20 =	simm.s32 $0x0;
	v5 =	vld [tilespmem:s1+$0x17FD0];
	v7 =	vadd.s32 v10, v6;
	p2 =	sgt.s32 s23, $0x66C;
	p4 =	sgt.s32 s23, $0x6  }
0x268: {  	s25 =	simm.s32 $0x0;
	v6 =	vld [tilespmem:s1+$0x17FE0];
	v8 =	vadd.s32 v8, v7;
	p1 =	por !p1, !p2;
	p3 =	por !p3, !p4  }
0x269: {  	s21 =	simm.s32 $0x0;
	v7 =	vld [tilespmem:s1+$0x17FF0];
	v10 =	vadd.s32 v62, v8;
	p2 =	por !p1, !p1;
	p1 =	por !p3, !p3  }
0x26a: {  	v8 =	vld [tilespmem:s24+$0x17F00];
	p0 =	slt.s32 s23, $0x66D;
	v9 =	vadd.s32 v63, v10;
	s22 =	smov.u32 @p2 s18;
	s20 =	smov.u32 @p1 s20  }
.LBB2_30:
0x26b: {  	p3 =	seq.s32 s26, $0xFFFE0400;
	v10 =	vld [tilespmem:s24+$0x17F10];
	v4 =	vadd.s32 v4, v9;
	s19 =	smov.u32 @p2 s25;
	s21 =	smov.u32 @p1 s18  }
0x26c: {  	s25 =	smov.u32 s23;
	v9 =	vld [tilespmem:s24+$0x17F20];
	v4 =	vadd.s32 v5, v4  }
0x26d: {  	v5 =	vld [tilespmem:s24+$0x17F30];
	v4 =	vadd.s32 v6, v4  }
0x26e: {  	v6 =	vld [tilespmem:s24+$0x17F40];
	v4 =	vadd.s32 v7, v4  }
0x26f: {  	v7 =	vld [tilespmem:s24+$0x17F50];
	(xrf0) =	vadd.scan.msk.s32 $0xffff, v4  }
0x270: {  	v4 =	vld [tilespmem:s24+$0x17F60];
	v8 =	vadd.s32 v8, v10  }
0x271: {  	v10 =	vld [tilespmem:s24+$0x17F70];
	v8 =	vadd.s32 v9, v8  }
0x272: {  	v9 =	vld [tilespmem:s24+$0x17F80];
	v5 =	vadd.s32 v5, v8  }
0x273: {  	v8 =	vld [tilespmem:s24+$0x17F90];
	v5 =	vadd.s32 v6, v5  }
0x274: {  	v11 =	vld [tilespmem:s24+$0x17FA0];
	v5 =	vadd.s32 v7, v5  }
0x275: {  	v12 =	vld [tilespmem:s24+$0x17FB0];
	v5 =	vadd.s32 v4, v5;
	v6, _, _ =	vpop (xrf0);
	s0 =	spop (v2sf)  }
.Ltmp22:
0x276: {  	s18 =	sadd.s32 $0xFFFFFFFF, s18;
	v4 =	vld [tilespmem:s24+$0x17FC0];
	v7 =	vadd.s32 v10, v5;
	(v2sf) =	vpush v6, $0xF;
	s23 =	sadd.s32 s23, s0;
	(pc) =	sbr.rel @!p3 .LBB2_30-.Ltmp22, $4  }
0x277: {  	p2 =	slt.s32 s25, $0x7;
	v5 =	vld [tilespmem:s24+$0x17FD0];
	v7 =	vadd.s32 v9, v7;
	p1 =	sgt.s32 s23, $0x66C;
	p4 =	sgt.s32 s23, $0x6  }
0x278: {  	v6 =	vld [tilespmem:s24+$0x17FE0];
	v8 =	vadd.s32 v8, v7;
	p1 =	por !p0, !p1;
	p0 =	slt.s32 s23, $0x66D;
	p4 =	por !p2, !p4  }
0x279: {  	v7 =	vld [tilespmem:s24+$0x17FF0];
	s24 =	sshra.s32 s26, $0x2;
	v9 =	vadd.s32 v11, v8;
	p2 =	por !p1, !p1;
	p1 =	por !p4, !p4  }
0x27a: {  	s26 =	sadd.s32 $0xFFFFFC00, s26;
	v8 =	vld [tilespmem:s24+$0x17F00];
	v9 =	vadd.s32 v12, v9;
	s22 =	smov.u32 @p2 s18;
	s20 =	smov.u32 @p1 s25  }
0x27b: {  	v10 =	vld [tilespmem:s24+$0x17F10]  }
0x27c: {  	v11 =	vld [tilespmem:s24+$0x17F20]  }
0x27d: {  	v12 =	vld [tilespmem:s24+$0x17F30]  }
0x27e: {  	v13 =	vld [tilespmem:s24+$0x17F40]  }
0x27f: {  	v14 =	vld [tilespmem:s24+$0x17F50]  }
0x280: {  	v57 =	vld [tilespmem:s24+$0x17F60];
	v8 =	vadd.s32 v8, v10  }
0x281: {  	v58 =	vld [tilespmem:s24+$0x17F70];
	v8 =	vadd.s32 v11, v8  }
0x282: {  	v59 =	vld [tilespmem:s24+$0x17F80];
	v8 =	vadd.s32 v12, v8  }
0x283: {  	v4 =	vadd.s32 v4, v9;
	v60 =	vld [tilespmem:s24+$0x17F90];
	v8 =	vadd.s32 v13, v8  }
0x284: {  	v61 =	vld [tilespmem:s24+$0x17FA0];
	v4 =	vadd.s32 v5, v4;
	v5 =	vadd.s32 v14, v8  }
0x285: {  	v4 =	vadd.s32 v6, v4;
	v6 =	vld [tilespmem:s24+$0x17FB0];
	v5 =	vadd.s32 v57, v5  }
0x286: {  	v4 =	vadd.s32 v7, v4;
	v7 =	vld [tilespmem:s24+$0x17FC0];
	v5 =	vadd.s32 v58, v5  }
0x287: {  	(xrf0) =	vadd.scan.msk.s32 $0xffff, v4;
	v4 =	vld [tilespmem:s24+$0x17FD0];
	v5 =	vadd.s32 v59, v5  }
0x288: {  	v62 =	vld [tilespmem:s24+$0x17FE0];
	v5 =	vadd.s32 v60, v5  }
0x289: {  	v63 =	vld [tilespmem:s24+$0x17FF0];
	v5 =	vadd.s32 v61, v5  }
0x28a: {  	v5 =	vadd.s32 v6, v5  }
0x28b: {  	v5 =	vadd.s32 v7, v5  }
0x28c: {  	v4 =	vadd.s32 v4, v5  }
0x28d: {  	v4 =	vadd.s32 v62, v4  }
0x28e: {  	v4 =	vadd.s32 v63, v4  }
0x28f: {  	(xrf0) =	vadd.scan.msk.s32 $0xffff, v4;
	_ =	sdelay $0x2  }
0x290: {  	v5, _, _ =	vpop (xrf0)  }
0x291: {  	(v2sf) =	vpush v5, $0xF;
	_ =	sdelay $0x1  }
0x292: {  	v4, _, _ =	vpop (xrf0)  }
0x293: {  	(v2sf) =	vpush v4, $0xF;
	_ =	sdelay $0x6  }
0x294: {  	s0 =	spop (v2sf)  }
0x295: {  	s19 =	smov.u32 @p2 s25;
	s21 =	smov.u32 @p1 s18;
	s0 =	sadd.s32 s23, s0  }
0x296: {  	p4 =	slt.s32 s23, $0x7;
	s15 =	sadd.s32 $0xFFFFFFFF, s18;
	p2 =	sgt.s32 s0, $0x66C  }
0x297: {  	p3 =	sgt.s32 s0, $0x6;
	p6 =	slt.s32 s0, $0x66D;
	p0 =	por !p0, !p2  }
0x298: {  	p5 =	por !p4, !p3;
	p3 =	slt.s32 s0, $0x7;
	p0 =	por !p0, !p0  }
0x299: {  	p1 =	por !p5, !p5;
	s22 =	smov.u32 @p0 s15;
	s1 =	spop (v2sf)  }
0x29a: {  	s20 =	smov.u32 @p1 s23;
	s19 =	smov.u32 @p0 s23;
	s1 =	sadd.s32 s0, s1  }
0x29b: {  	s21 =	smov.u32 @p1 s15;
	s15 =	sadd.s32 $0xFFFFFFFF, s15;
	p1 =	sgt.s32 s1, $0x66C  }
0x29c: {  	p4 =	sgt.s32 s1, $0x6;
	p2 =	slt.s32 s1, $0x66D;
	s24 =	spop (v2sf)  }
0x29d: {  	p0 =	por !p6, !p1;
	p1 =	por !p3, !p4;
	s25 =	sadd.s32 s1, s24  }
0x29e: {  	p0 =	por !p0, !p0;
	p1 =	por !p1, !p1;
	p5 =	sgt.s32 s25, $0x66C  }
0x29f: {  	s22 =	smov.u32 @p0 s15;
	s19 =	smov.u32 @p0 s0;
	p0 =	por !p2, !p5  }
0x2a0: {  	s20 =	smov.u32 @p1 s0;
	s0 =	sadd.s32 $0xFFFFFFFF, s15;
	p0 =	por !p0, !p0  }
0x2a1: {  	s29 =	simm.s32 $0xF0;
	s22 =	smov.u32 @p0 s0  }
0x2a2: {  	p6 =	slt.s32 s1, $0x7;
	p4 =	sgt.s32 s25, $0x6;
	s22 =	sshll.u32 s22, $0x8  }
0x2a3: {  	s30 =	sand.u32 $0x80, s29;
	p5 =	por !p6, !p4;
	s26 =	sand.u32 $0x3FFFFF00, s22  }
0x2a4: {  	s21 =	smov.u32 @p1 s15;
	p1 =	por !p5, !p5;
	s26 =	sadd.s32 $0x10000, s26  }
0x2a5: {  	s31 =	sand.u32 $0x70, s29;
	s21 =	smov.u32 @p1 s0;
	s0 =	sadd.s32 s30, s26  }
0x2a6: {  	s0 =	sadd.s32 s31, s0  }
0x2a7: {  	v4 =	vld [tilespmem:s0+$0x0];
	_ =	sdelay $0x4  }
0x2a8: {  	(xrf0) =	vadd.scan.msk.s32 $0xffff, v4;
	_ =	sdelay $0x2  }
0x2a9: {  	s15 =	simm.s32 $0xE0  }
0x2aa: {  	s18 =	sand.u32 $0x80, s15;
	s20 =	smov.u32 @p1 s1  }
0x2ab: {  	s19 =	smov.u32 @p0 s1;
	s1 =	sadd.s32 s18, s26;
	s0 =	sand.u32 $0x70, s15  }
0x2ac: {  	s24 =	simm.s32 $0xD0;
	s0 =	sadd.s32 s0, s1;
	v4, _, _ =	vpop (xrf0)  }
0x2ad: {  	s29 =	sand.u32 $0x80, s24;
	s30 =	simm.s32 $0xC0;
	(v2sf) =	vpush v4, $0xF;
	v4 =	vld [tilespmem:s0+$0x0]  }
0x2ae: {  	s31 =	sand.u32 $0x80, s30;
	s15 =	sand.u32 $0x70, s24;
	s1 =	sadd.s32 s29, s26  }
0x2af: {  	s30 =	sand.u32 $0x70, s30;
	s31 =	sadd.s32 s31, s26;
	s29 =	sadd.s32 s15, s1  }
0x2b0: {  	s1 =	sadd.s32 s30, s31;
	v5 =	vld [tilespmem:s29+$0x0]  }
0x2b1: {  	v6 =	vld [tilespmem:s1+$0x0]  }
0x2b2: {  	(xrf0) =	vadd.scan.msk.s32 $0xffff, v4;
	_ =	sdelay $0x2  }
0x2b3: {  	(xrf0) =	vadd.scan.msk.s32 $0xffff, v5  }
0x2b4: {  	(xrf0) =	vadd.scan.msk.s32 $0xffff, v6;
	_ =	sdelay $0x1  }
0x2b5: {  	v5, _, _ =	vpop (xrf0)  }
0x2b6: {  	(v2sf) =	vpush v5, $0xF;
	_ =	sdelay $0x1  }
0x2b7: {  	s15 =	simm.s32 $0xB0;
	v5, _, _ =	vpop (xrf0)  }
0x2b8: {  	s18 =	sand.u32 $0x80, s15;
	(v2sf) =	vpush v5, $0xF;
	v5, _, _ =	vpop (xrf0)  }
0x2b9: {  	s1 =	sadd.s32 s18, s26;
	s0 =	sand.u32 $0x70, s15;
	s29 =	spop (v2sf);
	(v2sf) =	vpush v5, $0xF  }
0x2ba: {  	s0 =	sadd.s32 s0, s1  }
0x2bb: {  	v4 =	vld [tilespmem:s0+$0x0];
	_ =	sdelay $0x1  }
0x2bc: {  	s28 =	simm.s32 $0x90;
	s24 =	simm.s32 $0xA0  }
0x2bd: {  	s30 =	sand.u32 $0x80, s24;
	s0 =	sand.u32 $0x70, s24;
	s24 =	sadd.s32 s19, s29  }
0x2be: {  	p0 =	slt.s32 s19, $0x66D;
	s31 =	sadd.s32 s30, s26;
	p6 =	sgt.s32 s24, $0x66C  }
0x2bf: {  	s23 =	simm.s32 $0x0;
	s0 =	sadd.s32 s0, s31;
	(xrf0) =	vadd.scan.msk.s32 $0xffff, v4;
	p0 =	por !p0, !p6  }
0x2c0: {  	s25 =	simm.s32 $0xF;
	s18 =	simm.s32 $0x0;
	v4 =	vld [tilespmem:s0+$0x0];
	p0 =	por !p0, !p0  }
.LBB2_32:
0x2c1: {  	s0 =	sand.u32 $0x80, s28;
	s23 =	smov.u32 @p0 s25;
	s18 =	smov.u32 @p0 s19  }
0x2c2: {  	s1 =	smov.u32 s28;
	s19 =	smov.u32 s24;
	p1 =	sne.s32 s28, $0x0  }
.Ltmp23:
0x2c3: {  	s28 =	sadd.s32 $0xFFFFFFF0, s28;
	s15 =	spop (v2sf);
	(pc) =	sbr.rel @p1 .LBB2_32-.Ltmp23, $4  }
0x2c4: {  	s1 =	sand.u32 $0x70, s1;
	s0 =	sadd.s32 s0, s26;
	s24 =	sadd.s32 s24, s15  }
0x2c5: {  	p0 =	slt.s32 s19, $0x66D;
	s0 =	sadd.s32 s1, s0;
	(xrf0) =	vadd.scan.msk.s32 $0xffff, v4;
	v5, _, _ =	vpop (xrf0);
	p2 =	sgt.s32 s24, $0x66C  }
0x2c6: {  	v4 =	vld [tilespmem:s0+$0x0];
	(v2sf) =	vpush v5, $0xF;
	p0 =	por !p0, !p2  }
0x2c7: {  	s25 =	sadd.s32 $0xFFFFFFFF, s25;
	p0 =	por !p0, !p0  }
0x2c8: {  	_ =	sdelay $0x2  }
0x2c9: {  	(xrf0) =	vadd.scan.msk.s32 $0xffff, v4;
	_ =	sdelay $0x4  }
0x2ca: {  	v4, _, _ =	vpop (xrf0)  }
0x2cb: {  	(v2sf) =	vpush v4, $0xF;
	v4, _, _ =	vpop (xrf0)  }
0x2cc: {  	(v2sf) =	vpush v4, $0xF;
	_ =	sdelay $0x5  }
0x2cd: {  	s0 =	spop (v2sf)  }
0x2ce: {  	s26 =	sadd.s32 s24, s0  }
0x2cf: {  	p1 =	slt.s32 s24, $0x66D;
	s29 =	spop (v2sf);
	p2 =	sgt.s32 s26, $0x66C  }
0x2d0: {  	s23 =	smov.u32 @p0 s25;
	s28 =	sadd.s32 s26, s29;
	p1 =	por !p1, !p2  }
0x2d1: {  	p4 =	slt.s32 s26, $0x66D;
	p3 =	sgt.s32 s28, $0x66C;
	s1 =	simm.s32 @!p1 $0x0  }
0x2d2: {  	s1 =	simm.s32 @p1 $0x1;
	p1 =	por !p4, !p3;
	p3 =	slt.s32 s28, $0x66D  }
0x2d3: {  	[smem:$0x7F8] =	sst s1;
	s1 =	simm.s32 @!p1 $0x0;
	s30 =	spop (v2sf)  }
0x2d4: {  	s1 =	simm.s32 @p1 $0x1;
	s15 =	sld [smem:$0x7F8];
	s29 =	sadd.s32 s28, s30  }
0x2d5: {  	[smem:$0x7F9] =	sst s1;
	p4 =	sgt.s32 s29, $0x66C;
	s31 =	spop (v2sf)  }
0x2d6: {  	p5 =	slt.s32 s29, $0x66D;
	s30 =	sadd.s32 s29, s31;
	s1 =	spop (v2sf)  }
0x2d7: {  	p6 =	sgt.s32 s30, $0x66C;
	s0 =	sadd.s32 s30, s1;
	s1 =	sld [smem:$0x7F9]  }
0x2d8: {  	p3 =	por !p3, !p4;
	p6 =	por !p5, !p6;
	p5 =	seq.s32 s15, $0x1  }
0x2d9: {  	p3 =	por !p3, !p3;
	p2 =	slt.s32 s30, $0x66D;
	p5 =	por !p5, !p5  }
0x2da: {  	p1 =	sgt.s32 s0, $0x66C;
	s0 =	sadd.s32 $0xFFFFFFFF, s25;
	p4 =	seq.s32 s1, $0x1  }
0x2db: {  	s23 =	smov.u32 @p5 s0;
	s0 =	sadd.s32 $0xFFFFFFFF, s0;
	p4 =	por !p4, !p4  }
0x2dc: {  	p2 =	por !p2, !p1;
	s23 =	smov.u32 @p4 s0;
	s0 =	sadd.s32 $0xFFFFFFFF, s0  }
0x2dd: {  	p1 =	por !p6, !p6;
	s23 =	smov.u32 @p3 s0;
	s0 =	sadd.s32 $0xFFFFFFFF, s0  }
0x2de: {  	p2 =	por !p2, !p2;
	s23 =	smov.u32 @p1 s0;
	s0 =	sadd.s32 $0xFFFFFFFF, s0  }
0x2df: {  	s23 =	smov.u32 @p2 s0  }
0x2e0: {  	s0 =	sshll.u32 s23, $0x4  }
0x2e1: {  	s21 =	sshll.u32 s21, $0x8;
	s22 =	sor.u32 s22, s0  }
0x2e2: {  	s31 =	sand.u32 $0x3FFFFF00, s21;
	s15 =	simm.s32 $0xF0;
	s0 =	sand.u32 $0x7FF0, s22  }
0x2e3: {  	s25 =	sadd.s32 $0x10000, s31;
	s23 =	sand.u32 $0x80, s15;
	v4 =	vld [tilespmem:s0+$0x10000]  }
0x2e4: {  	s31 =	sand.u32 $0x70, s15;
	s0 =	sadd.s32 s23, s25  }
0x2e5: {  	s0 =	sadd.s32 s31, s0  }
0x2e6: {  	v5 =	vld [tilespmem:s0+$0x0];
	_ =	sdelay $0x1  }
0x2e7: {  	v6 =	vperm.xlane v4, v3;
	_ =	sdelay $0x1  }
0x2e8: {  	(xrf0) =	vadd.scan.msk.s32 $0xffff, v6  }
0x2e9: {  	(xrf0) =	vadd.scan.msk.s32 $0xffff, v5;
	_ =	sdelay $0x2  }
0x2ea: {  	s1 =	simm.s32 $0xE0  }
0x2eb: {  	s23 =	sand.u32 $0x80, s1  }
0x2ec: {  	s0 =	sand.u32 $0x70, s1;
	s1 =	sadd.s32 s23, s25;
	v5, _, _ =	vpop (xrf0)  }
0x2ed: {  	s15 =	simm.s32 $0xD0;
	s0 =	sadd.s32 s0, s1;
	v6, _, _ =	vpop (xrf0)  }
0x2ee: {  	s31 =	sand.u32 $0x80, s15;
	s23 =	simm.s32 $0xC0;
	(v2sf) =	vpush v6, $0xF;
	v6 =	vld [tilespmem:s0+$0x0]  }
0x2ef: {  	s15 =	sand.u32 $0x70, s15;
	s1 =	sadd.s32 s31, s25;
	s31 =	sand.u32 $0x80, s23  }
0x2f0: {  	s23 =	sand.u32 $0x70, s23;
	s15 =	sadd.s32 s15, s1;
	s31 =	sadd.s32 s31, s25  }
0x2f1: {  	v7 =	vld [tilespmem:s15+$0x0];
	s15 =	sadd.s32 s23, s31  }
0x2f2: {  	v8 =	vld [tilespmem:s15+$0x0]  }
0x2f3: {  	(xrf0) =	vadd.scan.msk.s32 $0xffff, v6;
	_ =	sdelay $0x2  }
0x2f4: {  	(xrf0) =	vadd.scan.msk.s32 $0xffff, v7  }
0x2f5: {  	(xrf0) =	vadd.scan.msk.s32 $0xffff, v8;
	_ =	sdelay $0x1  }
0x2f6: {  	s18 =	smov.u32 @p0 s19;
	v9 =	vperm.xlane v5, v3;
	v5, _, _ =	vpop (xrf0)  }
0x2f7: {  	s18 =	smov.u32 @p5 s24;
	(v2sf) =	vpush v5, $0xF  }
0x2f8: {  	s18 =	smov.u32 @p4 s26  }
0x2f9: {  	s18 =	smov.u32 @p3 s28;
	s23 =	simm.s32 $0xB0;
	v5, _, _ =	vpop (xrf0)  }
0x2fa: {  	s18 =	smov.u32 @p1 s29;
	s24 =	sand.u32 $0x80, s23;
	(v2sf) =	vpush v5, $0xF;
	v8, _, _ =	vpop (xrf0)  }
0x2fb: {  	s1 =	sadd.s32 s24, s25;
	s0 =	sand.u32 $0x70, s23;
	s29 =	spop (v2sf);
	(v2sf) =	vpush v8, $0xF  }
0x2fc: {  	s0 =	sadd.s32 s0, s1  }
0x2fd: {  	v6 =	vld [tilespmem:s0+$0x0];
	_ =	sdelay $0x1  }
0x2fe: {  	s19 =	simm.s32 $0x0;
	p5 =	slt.s32 s20, $0x7;
	s26 =	simm.s32 $0xA0  }
0x2ff: {  	s18 =	smov.u32 @p2 s30;
	s30 =	sand.u32 $0x80, s26;
	s23 =	sadd.s32 s20, s29  }
0x300: {  	s31 =	sadd.s32 s30, s25;
	s0 =	sand.u32 $0x70, s26;
	v7 =	vadd.s32 s18, v9;
	p6 =	sgt.s32 s23, $0x6  }
0x301: {  	s28 =	simm.s32 $0x90;
	s0 =	sadd.s32 s0, s31;
	vm2 =	vgt.s32 v7, $0x66C;
	(xrf0) =	vadd.scan.msk.s32 $0xffff, v6;
	p0 =	por !p5, !p6  }
0x302: {  	s24 =	simm.s32 $0x0;
	s26 =	simm.s32 $0xF;
	v7 =	vmpcnt.ones.xlane vm2;
	v5 =	vld [tilespmem:s0+$0x0];
	p0 =	por !p0, !p0  }
.LBB2_34:
0x303: {  	s0 =	sand.u32 $0x80, s28;
	s24 =	smov.u32 @p0 s26;
	s19 =	smov.u32 @p0 s20  }
0x304: {  	s1 =	smov.u32 s28;
	s20 =	smov.u32 s23;
	p1 =	sne.s32 s28, $0x0  }
.Ltmp24:
0x305: {  	s28 =	sadd.s32 $0xFFFFFFF0, s28;
	s15 =	spop (v2sf);
	(pc) =	sbr.rel @p1 .LBB2_34-.Ltmp24, $4  }
0x306: {  	s1 =	sand.u32 $0x70, s1;
	s0 =	sadd.s32 s0, s25;
	s23 =	sadd.s32 s23, s15  }
0x307: {  	p0 =	slt.s32 s20, $0x7;
	s0 =	sadd.s32 s1, s0;
	(xrf0) =	vadd.scan.msk.s32 $0xffff, v5;
	v6, _, _ =	vpop (xrf0);
	p2 =	sgt.s32 s23, $0x6  }
0x308: {  	v5 =	vld [tilespmem:s0+$0x0];
	(v2sf) =	vpush v6, $0xF;
	p0 =	por !p0, !p2  }
0x309: {  	s26 =	sadd.s32 $0xFFFFFFFF, s26;
	p0 =	por !p0, !p0  }
0x30a: {  	_ =	sdelay $0x2  }
0x30b: {  	(xrf0) =	vadd.scan.msk.s32 $0xffff, v5;
	_ =	sdelay $0x4  }
0x30c: {  	v5, _, _ =	vpop (xrf0)  }
0x30d: {  	(v2sf) =	vpush v5, $0xF;
	v5, _, _ =	vpop (xrf0)  }
0x30e: {  	(v2sf) =	vpush v5, $0xF;
	_ =	sdelay $0xa  }
0x30f: {  	s0 =	spop (v2sf)  }
0x310: {  	s1 =	spop (v2sf);
	s0 =	sadd.s32 s23, s0  }
0x311: {  	s1 =	sadd.s32 s0, s1;
	s15 =	spop (v2sf)  }
0x312: {  	s15 =	sadd.s32 s1, s15;
	s25 =	spop (v2sf)  }
0x313: {  	s25 =	sadd.s32 s15, s25;
	s28 =	spop (v2sf)  }
0x314: {  	s28 =	sadd.s32 s25, s28  }
0x315: {  	p1 =	sgt.s32 s28, $0x6  }
0x316: {  	p2 =	slt.s32 s23, $0x7;
	p3 =	sgt.s32 s0, $0x6;
	s28 =	simm.s32 @!p1 $0x0  }
0x317: {  	s28 =	simm.s32 @p1 $0x1;
	p1 =	por !p2, !p3  }
0x318: {  	[smem:$0x7F6] =	sst s28;
	s28 =	simm.s32 @!p1 $0x0  }
0x319: {  	p5 =	slt.s32 s0, $0x7;
	s28 =	simm.s32 @p1 $0x1;
	s29 =	sld [smem:$0x7F6]  }
0x31a: {  	p4 =	sgt.s32 s1, $0x6;
	p6 =	slt.s32 s15, $0x7;
	[smem:$0x7F7] =	sst s28  }
0x31b: {  	p3 =	por !p5, !p4;
	p4 =	slt.s32 s1, $0x7;
	s30 =	sld [smem:$0x7F7]  }
0x31c: {  	p5 =	sgt.s32 s15, $0x6;
	p2 =	slt.s32 s25, $0x7;
	p1 =	sgt.s32 s25, $0x6  }
0x31d: {  	p4 =	por !p4, !p5;
	p5 =	por !p6, !p1;
	p6 =	seq.s32 s29, $0x1  }
0x31e: {  	p6 =	por !p2, !p6;
	p2 =	seq.s32 s30, $0x1  }
0x31f: {  	s24 =	smov.u32 @p0 s26;
	s26 =	sadd.s32 $0xFFFFFFFF, s26;
	p1 =	por !p2, !p2  }
0x320: {  	p2 =	por !p3, !p3;
	s24 =	smov.u32 @p1 s26;
	s26 =	sadd.s32 $0xFFFFFFFF, s26  }
0x321: {  	p3 =	por !p4, !p4;
	s24 =	smov.u32 @p2 s26;
	s26 =	sadd.s32 $0xFFFFFFFF, s26  }
0x322: {  	p5 =	por !p5, !p5;
	s24 =	smov.u32 @p3 s26;
	s26 =	sadd.s32 $0xFFFFFFFF, s26  }
0x323: {  	p4 =	por !p6, !p6;
	s24 =	smov.u32 @p5 s26;
	s26 =	sadd.s32 $0xFFFFFFFF, s26  }
0x324: {  	s24 =	smov.u32 @p4 s26  }
0x325: {  	s24 =	sshll.u32 s24, $0x4  }
0x326: {  	s21 =	sor.u32 s21, s24  }
0x327: {  	s24 =	sand.u32 $0x7FF0, s21  }
0x328: {  	v5 =	vld [tilespmem:s24+$0x10000];
	_ =	sdelay $0x4  }
0x329: {  	v6 =	vperm.xlane v5, v3;
	_ =	sdelay $0x1  }
0x32a: {  	(xrf0) =	vadd.scan.msk.s32 $0xffff, v6;
	_ =	sdelay $0x2  }
0x32b: {  	s19 =	smov.u32 @p0 s20;
	s31 =	simm.s32 $0x8040  }
0x32c: {  	v11 =	vld [tilespmem:s31+$0xFFFFFFD0];
	s19 =	smov.u32 @p1 s23  }
0x32d: {  	v17 =	vld [tilespmem:s31+$0xFFFFFFC0];
	s19 =	smov.u32 @p2 s0  }
0x32e: {  	s19 =	smov.u32 @p3 s1;
	v6, _, _ =	vpop (xrf0)  }
0x32f: {  	v14 =	vld [tilespmem:s31+$0x10];
	s19 =	smov.u32 @p5 s15;
	v6 =	vperm.xlane v6, v3  }
0x330: {  	v15 =	vadd.s32 $0xFFFFFFFF, v7;
	v13 =	vld [tilespmem:s31+$0x0];
	s19 =	smov.u32 @p4 s25  }
0x331: {  	v20 =	vimm.s32 $0x0;
	v10 =	vadd.s32 s22, v15;
	v16 =	vld [tilespmem:s31+$0xFFFFFFF0];
	v8 =	vadd.s32 s19, v6  }
0x332: {  	v12 =	vxor.u32 $0x7FFFFFFF, v11;
	vm3 =	vlt.s32 v17, $0x0;
	vm2 =	vgt.s32 v8, $0x6  }
0x333: {  	v18 =	vxor.u32 $0x7FFFFFFF, v17;
	v8 =	vmpcnt.ones.xlane vm2;
	vm2 =	vlt.s32 v11, $0x0  }
0x334: {  	v19 =	vxor.u32 $0x7FFFFFFF, v14;
	v18 =	vsel vm3, v18, v17;
	v12 =	vsel vm2, v12, v11  }
0x335: {  	v21 =	vxor.u32 $0x7FFFFFFF, v13;
	v17 =	vshra.s32 v18, $0x11;
	v11 =	vshra.s32 v12, $0x11  }
0x336: {  	vm2 =	vlt.s32 v16, $0x0;
	v22 =	vadd.s32 $0x4000, v11;
	v11 =	vxor.u32 $0x7FFFFFFF, v16  }
0x337: {  	v17 =	vadd.s32 $0x4000, v17;
	v8 =	vadd.s32 $0xFFFFFFFF, v8;
	v11 =	vsel vm2, v11, v16  }
0x338: {  	v23 =	vld [tilespmem:s31+$0x30];
	v7 =	vadd.s32 s21, v8;
	vm4 =	veq.s32 v22, v10;
	v16 =	vshra.s32 v11, $0x11  }
0x339: {  	vm2 =	veq.s32 v22, v7;
	v22 =	vld [tilespmem:s31+$0xFFFFFFE0];
	vm7 =	veq.s32 v17, v7;
	v16 =	vadd.s32 $0x4000, v16  }
0x33a: {  	v24 =	vld [tilespmem:s31+$0x20];
	vm2 =	vmor vm4, vm2;
	vm3 =	veq.s32 v16, v10;
	vm5 =	veq.s32 v16, v7  }
0x33b: {  	vm4 =	veq.s32 v17, v10;
	v16 =	vsel vm2, $0x1, v1;
	vm6 =	vmor vm3, vm5  }
0x33c: {  	vm3 =	vlt.s32 v13, $0x0;
	vm5 =	vmor vm4, vm7;
	vm7 =	vlt.s32 v14, $0x0  }
0x33d: {  	(xrf0) =	vadd.scan.msk.s32 $0xffff, v16;
	vm4 =	vlt.s32 v23, $0x0;
	v16 =	vsel vm6, $0x1, v1;
	v13 =	vsel vm3, v21, v13  }
0x33e: {  	v17 =	vsel vm5, $0x1, v1;
	v21 =	vxor.u32 $0x7FFFFFFF, v23;
	v26 =	vxor.u32 $0x7FFFFFFF, v22  }
0x33f: {  	vm3 =	vlt.s32 v24, $0x0;
	v29 =	vmpcnt.ones.xlane vm5;
	(xrf0) =	vadd.scan.msk.s32 $0xffff, v16;
	v16 =	vsel vm7, v19, v14  }
0x340: {  	v25 =	vshra.s32 v13, $0x11;
	v14 =	vxor.u32 $0x7FFFFFFF, v24;
	vm7 =	vlt.s32 v22, $0x0;
	(xrf0) =	vadd.scan.msk.s32 $0xffff, v17  }
0x341: {  	v19 =	vmpcnt.ones.xlane vm6;
	v17 =	vmpcnt.ones.xlane vm2;
	v27 =	vshra.s32 v16, $0x11  }
0x342: {  	v22 =	vsel vm7, v26, v22;
	v14 =	vsel vm3, v14, v24;
	v28 =	vadd.s32 $0x4000, v25  }
0x343: {  	v31 =	vadd.s32 v20, v29;
	v24 =	vshra.s32 v14, $0x11;
	v29 =	vshra.s32 v22, $0x11  }
0x344: {  	v27 =	vadd.s32 $0x4000, v27;
	v30 =	vadd.s32 $0x4000, v24;
	v24 =	vadd.s32 v31, v17;
	v26, _, _ =	vpop (xrf0)  }
0x345: {  	v17 =	vadd.s32 $0x4000, v29;
	vm3 =	veq.s32 v30, v7;
	vm7 =	veq.s32 v30, v10;
	v25, _, _ =	vpop (xrf0)  }
0x346: {  	vm9 =	veq.s32 v27, v7;
	vm8 =	veq.s32 v17, v10;
	vm3 =	vmor vm7, vm3;
	v29, _, _ =	vpop (xrf0)  }
0x347: {  	vm7 =	veq.s32 v17, v7;
	v17 =	vsel vm4, v21, v23;
	v20 =	vadd.s32 v29, v20  }
0x348: {  	v26 =	vadd.s32 v26, v31;
	vm10 =	vmor vm8, vm7;
	v20 =	vadd.s32 $0xFFFFFFFF, v20  }
0x349: {  	vm7 =	veq.s32 v27, v10;
	v23 =	vmpcnt.ones.xlane vm10;
	v29 =	vnsel vm5, $0x0, v20  }
0x34a: {  	v21 =	vld.idx.msk [tilespmem:v7+s13+$0x0], $0xffff;
	v32 =	vshra.s32 v17, $0x11;
	vm4 =	vmor vm7, vm9;
	v27 =	vsel vm10, $0x1, v1  }
0x34b: {  	s20 =	simm.s32 $0x0;
	s21 =	simm.s32 $0x80C0;
	v31 =	vadd.s32 $0x4000, v32;
	v30 =	vsel vm4, $0x1, v1;
	(xrf0) =	vadd.scan.msk.s32 $0xffff, v27;
	v27 =	vadd.s32 v24, v23;
	v20 =	vld.idx.msk [tilespmem:v10+s13+$0x0], $0xffff  }
.LBB2_36:
0x34c: {  	vm9 =	veq.s32 v31, v10  }
0x34d: {  	v32 =	vld [tilespmem:s21+$0xFFFFFFD0];
	s20 =	sadd.s32 $0x8, s20;
	vm11 =	veq.s32 v31, v7;
	v23 =	vmovc v22;
	vm8 =	vmmov vm6;
	vm7 =	vmmov vm10  }
0x34e: {  	vm6 =	veq.s32 v28, v7;
	v22 =	vld [tilespmem:s21+$0x10];
	p0 =	slt.u32 s20, $0x7F8;
	[tilespmem:v29+s13+$0x0] =	vst.idx.msk vm5, v18;
	v18 =	vadd.s32 $0xFFFFFFFF, v26;
	vm5 =	veq.s32 v28, v10  }
0x34f: {  	v28 =	vsel vm3, $0x1, v1;
	v26 =	vld [tilespmem:s21+$0x30];
	v18 =	vnsel vm2, $0x0, v18;
	vm10 =	vmor vm5, vm6  }
0x350: {  	vm9 =	vmor vm9, vm11;
	v29 =	vld [tilespmem:s21+$0x0];
	v31 =	vsel vm10, $0x1, v1;
	v33 =	vmpcnt.ones.xlane vm10  }
0x351: {  	v25 =	vadd.s32 v25, v27;
	v35 =	vmpcnt.ones.xlane vm3;
	v36 =	vsel vm9, $0x1, v1;
	v34 =	vld [tilespmem:s21+$0x20];
	v37, _, _ =	vpop (xrf0)  }
0x352: {  	v38 =	vxor.u32 $0x7FFFFFFF, v32;
	vm5 =	vlt.s32 v32, $0x0;
	v39 =	vld [tilespmem:s21+$0xFFFFFFE0];
	v37 =	vadd.s32 v37, v24  }
0x353: {  	v40 =	vadd.s32 $0xFFFFFFFF, v25;
	v24 =	vsel vm5, v38, v32;
	v32 =	vld [tilespmem:s21+$0xFFFFFFF0];
	v38 =	vxor.u32 $0x7FFFFFFF, v22  }
0x354: {  	v42 =	vmpcnt.ones.xlane vm9;
	vm5 =	vlt.s32 v22, $0x0;
	v25 =	vld [tilespmem:s21+$0xFFFFFFC0];
	v41 =	vshra.s32 v24, $0x11;
	(xrf0) =	vadd.scan.msk.s32 $0xffff, v31  }
0x355: {  	v43 =	vmpcnt.ones.xlane vm4;
	v31 =	vxor.u32 $0x7FFFFFFF, v29;
	vm6 =	vlt.s32 v29, $0x0;
	(xrf0) =	vadd.scan.msk.s32 $0xffff, v30  }
0x356: {  	vm11 =	vlt.s32 v26, $0x0;
	v30 =	vadd.s32 $0x4000, v41;
	v29 =	vsel vm6, v31, v29;
	[tilespmem:v18+s13+$0x0] =	vst.idx.msk vm2, v12;
	v12 =	vmovc v24  }
0x357: {  	vm2 =	veq.s32 v30, v10;
	vm6 =	veq.s32 v30, v7;
	v30 =	vxor.u32 $0x7FFFFFFF, v26  }
0x358: {  	v31 =	vsel vm5, v38, v22;
	vm2 =	vmor vm2, vm6;
	vm6 =	vlt.s32 v32, $0x0  }
0x359: {  	v41 =	vadd.s32 v27, v19;
	v18 =	vxor.u32 $0x7FFFFFFF, v32;
	vm5 =	vlt.s32 v25, $0x0  }
0x35a: {  	v27 =	vadd.s32 v41, v33;
	v24 =	vmpcnt.ones.xlane vm2;
	v22 =	vxor.u32 $0x7FFFFFFF, v25;
	v33, _, _ =	vpop (xrf0)  }
0x35b: {  	v38 =	vshra.s32 v29, $0x11;
	v32 =	vsel vm6, v18, v32;
	v33 =	vadd.s32 v33, v41;
	v19, _, _ =	vpop (xrf0);
	(xrf0) =	vadd.scan.msk.s32 $0xffff, v36  }
0x35c: {  	v18 =	vsel vm5, v22, v25;
	v22 =	vshra.s32 v32, $0x11;
	v19 =	vadd.s32 v19, v27  }
0x35d: {  	v25 =	vshra.s32 v18, $0x11;
	v22 =	vadd.s32 $0x4000, v22;
	v36 =	vxor.u32 $0x7FFFFFFF, v34  }
0x35e: {  	v25 =	vadd.s32 $0x4000, v25;
	vm6 =	veq.s32 v22, v10;
	v41 =	vadd.s32 $0xFFFFFFFF, v19;
	(xrf0) =	vadd.scan.msk.s32 $0xffff, v28  }
0x35f: {  	vm12 =	veq.s32 v22, v7;
	vm5 =	veq.s32 v25, v10;
	v28 =	vxor.u32 $0x7FFFFFFF, v39  }
0x360: {  	vm14 =	vlt.s32 v34, $0x0;
	vm13 =	veq.s32 v25, v7;
	v19 =	vsel vm2, $0x1, v1  }
0x361: {  	v44 =	vshra.s32 v31, $0x11;
	vm6 =	vmor vm6, vm12;
	vm5 =	vmor vm5, vm13;
	(xrf0) =	vadd.scan.msk.s32 $0xffff, v19;
	v25, _, _ =	vpop (xrf0)  }
0x362: {  	vm12 =	vlt.s32 v39, $0x0;
	v22 =	vsel vm6, $0x1, v1;
	v19 =	vmpcnt.ones.xlane vm6  }
0x363: {  	v41 =	vnsel vm4, $0x0, v41;
	v45 =	vsel vm5, $0x1, v1;
	v46 =	vmpcnt.ones.xlane vm5;
	(xrf0) =	vadd.scan.msk.s32 $0xffff, v22  }
0x364: {  	v34 =	vsel vm14, v36, v34;
	v27 =	vadd.s32 v27, v43;
	v22 =	vsel vm12, v28, v39;
	(xrf0) =	vadd.scan.msk.s32 $0xffff, v45;
	v36, _, _ =	vpop (xrf0)  }
0x365: {  	v33 =	vadd.s32 $0xFFFFFFFF, v33;
	v28 =	vadd.s32 $0x4000, v38;
	v36 =	vadd.s32 v36, v27  }
0x366: {  	v39 =	vshra.s32 v34, $0x11;
	v27 =	vadd.s32 v27, v35;
	v36 =	vadd.s32 $0xFFFFFFFF, v36  }
0x367: {  	v35 =	vadd.s32 $0x4000, v39;
	v39 =	vadd.s32 v27, v42;
	v38, _, _ =	vpop (xrf0);
	v36 =	vnsel vm3, $0x0, v36  }
0x368: {  	v33 =	vnsel vm10, $0x0, v33;
	v42 =	vadd.s32 v39, v46;
	[tilespmem:v41+s13+$0x0] =	vst.idx.msk vm4, v16;
	v16 =	vadd.s32 v25, v27  }
0x369: {  	v24 =	vadd.s32 v42, v24;
	v27 =	vshra.s32 v22, $0x11;
	v25, _, _ =	vpop (xrf0);
	v45 =	vadd.s32 $0xFFFFFFFF, v16  }
0x36a: {  	vm4 =	veq.s32 v35, v7;
	v27 =	vadd.s32 $0x4000, v27;
	v41, _, _ =	vpop (xrf0);
	v43 =	vnsel vm9, $0x0, v45  }
0x36b: {  	vm13 =	veq.s32 v35, v10;
	v35 =	vnsel vm8, $0x0, v40;
	vm12 =	veq.s32 v27, v10;
	v16 =	vmovc v31  }
0x36c: {  	v37 =	vadd.s32 $0xFFFFFFFF, v37;
	v31 =	vadd.s32 v41, v39;
	[tilespmem:v36+s13+$0x0] =	vst.idx.msk vm3, v14;
	vm3 =	vmor vm13, vm4;
	v14 =	vmovc v34  }
0x36d: {  	v31 =	vadd.s32 $0xFFFFFFFF, v31;
	v34 =	vadd.s32 $0x4000, v44;
	v36 =	vnsel vm7, $0x0, v37;
	[tilespmem:v33+s13+$0x0] =	vst.idx.msk vm10, v13;
	v13 =	vmovc v29  }
.Ltmp25:
0x36e: {  	vm4 =	veq.s32 v27, v7;
	v29 =	vnsel vm5, $0x0, v31;
	vm13 =	veq.s32 v34, v7;
	(pc) =	sbr.rel @p0 .LBB2_36-.Ltmp25, $4  }
0x36f: {  	vm10 =	vmor vm12, vm4;
	vm4 =	veq.s32 v34, v10;
	[tilespmem:v43+s13+$0x0] =	vst.idx.msk vm9, v17;
	v17 =	vsel vm11, v30, v26  }
0x370: {  	v27 =	vmpcnt.ones.xlane vm10;
	vm4 =	vmor vm4, vm13;
	v26 =	vsel vm10, $0x1, v1  }
0x371: {  	v30 =	vsel vm4, $0x1, v1;
	v31 =	vshra.s32 v17, $0x11;
	(xrf0) =	vadd.scan.msk.s32 $0xffff, v26;
	[tilespmem:v35+s13+$0x0] =	vst.idx.msk vm8, v11;
	v11 =	vmovc v32  }
0x372: {  	s21 =	sadd.s32 $0x80, s21;
	v27 =	vadd.s32 v24, v27;
	v26 =	vadd.s32 v38, v42;
	v31 =	vadd.s32 $0x4000, v31;
	[tilespmem:v36+s13+$0x0] =	vst.idx.msk vm7, v23  }
0x373: {  	vm7 =	veq.s32 v28, v10;
	vm8 =	veq.s32 v28, v7  }
0x374: {  	vm8 =	vmor vm7, vm8  }
0x375: {  	vm13 =	veq.s32 v31, v10;
	vm9 =	veq.s32 v31, v7;
	v23 =	vsel vm8, $0x1, v1  }
0x376: {  	vm7 =	vmor vm13, vm9;
	(xrf0) =	vadd.scan.msk.s32 $0xffff, v23  }
0x377: {  	v48 =	vsel vm7, $0x1, v1;
	(xrf0) =	vadd.scan.msk.s32 $0xffff, v30  }
0x378: {  	v49 =	vsel vm3, $0x1, v1;
	vm14 =	veq.s32 v15, v0;
	vm11 =	veq.s32 v10, v7;
	(xrf0) =	vadd.scan.msk.s32 $0xffff, v48  }
0x379: {  	v50 =	vsel vm11, $0x0, v21;
	v9 =	vnsel vm14, $0x0, v9;
	(xrf0) =	vadd.scan.msk.s32 $0xffff, v49  }
0x37a: {  	(xrf0) =	vadd.scan.msk.s32 $0xffff, v9;
	v9 =	vnsel vm14, $0x0, v4;
	v4 =	vadd.s32 v20, v50  }
0x37b: {  	v51, _, _ =	vpop (xrf0);
	(xrf0) =	vadd.scan.msk.s32 $0xffff, v9;
	v9 =	vxor.u32 $0x80000000, v4;
	_ =	sdelay $0x1  }
0x37c: {  	v52, _, _ =	vpop (xrf0);
	(xrf0) =	vmax.scan.msk.u32 $0xffff, v9  }
0x37d: {  	v9, _, _ =	vpop (xrf0)  }
0x37e: {  	v23, _, _ =	vpop (xrf0)  }
0x37f: {  	v28, _, _ =	vpop (xrf0)  }
0x380: {  	v53, _, _ =	vpop (xrf0)  }
0x381: {  	(v2sf) =	vpush v53, $0xF;
	v54, _, _ =	vpop (xrf0)  }
0x382: {  	(v2sf) =	vpush v54, $0xF;
	v55, _, _ =	vpop (xrf0)  }
0x383: {  	(v2sf) =	vpush v55, $0xF;
	_ =	sdelay $0x7  }
0x384: {  	v56 =	vmpcnt.ones.xlane vm8  }
0x385: {  	v26 =	vadd.s32 $0xFFFFFFFF, v26;
	v57 =	vmpcnt.ones.xlane vm4;
	v19 =	vadd.s32 v27, v19  }
0x386: {  	vm6 =	vmmov vm6;
	v25 =	vadd.s32 v25, v27;
	v30 =	vadd.s32 v19, v56  }
0x387: {  	v58 =	vmpcnt.ones.xlane vm3;
	v62 =	vadd.s32 $0xFFFFFFFF, v25;
	v9 =	vadd.s32 v9, v30  }
0x388: {  	v26 =	vnsel vm2, $0x0, v26;
	v63 =	vnsel vm6, $0x0, v62;
	v9 =	vadd.s32 $0xFFFFFFFF, v9  }
0x389: {  	v19 =	vadd.s32 v52, v19;
	v30 =	vadd.s32 v30, v57;
	v9 =	vnsel vm4, $0x0, v9;
	s0 =	spop (v2sf)  }
0x38a: {  	v19 =	vadd.s32 $0xFFFFFFFF, v19;
	v60 =	vadd.s32 v30, v58;
	v59 =	vadd.s32 v28, v30;
	s1 =	spop (v2sf)  }
0x38b: {  	v19 =	vnsel vm8, $0x0, v19;
	v23 =	vadd.s32 v23, v60;
	v21 =	vadd.s32 $0xFFFFFFFF, v59;
	s15 =	spop (v2sf)  }
0x38c: {  	[tilespmem:v29+s13+$0x0] =	vst.idx.msk vm5, v18;
	v61 =	vadd.s32 v51, v24;
	v23 =	vadd.s32 $0xFFFFFFFF, v23;
	v21 =	vnsel vm3, $0x0, v21;
	s15 =	sadd.s32 $0x8000000F, s15  }
0x38d: {  	vm15 =	vmmov vm10;
	[tilespmem:v26+s13+$0x0] =	vst.idx.msk vm2, v12;
	v18 =	vadd.s32 $0xFFFFFFFF, v61;
	v23 =	vnsel vm7, $0x0, v23;
	s0 =	sadd.s32 s0, s18;
	s20 =	sand.u32 $0xF, s15  }
0x38e: {  	[tilespmem:v9+s13+$0x0] =	vst.idx.msk vm4, v16;
	v9 =	vnsel vm15, $0x0, v18;
	s29 =	sshra.s32 s15, $0x1F;
	p1 =	slt.s32 s15, $0x1;
	p0 =	sne.s32 s20, $0x0  }
.Ltmp26:
0x38f: {  	[tilespmem:v63+s13+$0x0] =	vst.idx.msk vm6, v11;
	s30 =	sshrl.u32 s29, $0x1C;
	p0 =	por !p1, !p0;
	(pc) =	sbr.rel .LBB2_38-.Ltmp26, $4  }
0x390: {  	[tilespmem:v19+s13+$0x0] =	vst.idx.msk vm8, v13;
	s18 =	simm.s32 $0x1;
	s15 =	sadd.s32 s30, s15;
	p0 =	por !p0, !p0  }
0x391: {  	[tilespmem:v21+s13+$0x0] =	vst.idx.msk vm3, v14;
	s0 =	ssub.s32 s1, s0;
	s31 =	sshra.s32 s15, $0x4;
	s18 =	simm.s32 @!p0 $0x0  }
0x392: {  	v10 =	vshll.u32 v10, $0x11;
	[tilespmem:v23+s13+$0x0] =	vst.idx.msk vm7, v17;
	s0 =	sadd.s32 $0x66D, s0;
	s18 =	ssub.s32 s31, s18  }
0x393: {  	s21 =	simm.s32 $0x0;
	v10 =	vxor.u32 $0x80000000, v10;
	[tilespmem:v9+s13+$0x0] =	vst.idx.msk vm10, v22;
	v9 =	vimm.s32 $0x0;
	v11 =	vadd.s32 s0, v50;
	s20 =	simm.s32 $0x0;
	p0 =	slt.s32 s18, $0x1  }
.LBB2_41:
0x394: {  	vm2 =	vmand vm3, vm2  }
0x395: {  	v13 =	vmpcnt.ones.xlane vm2;
	_ =	sdelay $0x1  }
0x396: {  	v13 =	vadd.s32 v14, v13  }
.LBB2_42:
0x397: {  	s21 =	sadd.s32 $0x1, s21  }
0x398: {  	p1 =	sne.s32 s21, $0x11  }
.Ltmp27:
0x399: {  	_ = 	snop;
	(pc) =	sbr.rel @!p1 .LBB2_43-.Ltmp27, $3  }
0x39a: {  	_ =	sdelay $0x1  }
0x39b: {  	vm2 =	vlt.s32 v13, v11  }
0x39c: {  	v9 =	vsel vm2, v9, v12  }
.LBB2_38:
.Ltmp28:
0x39d: {  	s0 =	ssub.s32 $0x10, s21;
	(pc) =	sbr.rel @p0 .LBB2_42-.Ltmp28, $3  }
0x39e: {  	v12 =	vshll.u32 v2, s0  }
0x39f: {  	v12 =	vbroadcast v12, $0x0;
	_ =	sdelay $0x1  }
0x3a0: {  	v13 =	vimm.s32 $0x0;
	v12 =	vor.u32 v9, v12  }
0x3a1: {  	s0 =	simm.s32 $0x10000  }
0x3a2: {  	p1 =	sne.s32 s18, $0x1;
	v14 =	vld [tilespmem:s0+$0x0]  }
.Ltmp29:
0x3a3: {  	_ = 	snop;
	(pc) =	sbr.rel @!p1 .LBB2_41-.Ltmp29, $3  }
0x3a4: {  	_ =	sdelay $0x1  }
0x3a5: {  	v13 =	vadd.s32 v10, v12;
	v15 =	vor.u32 s20, v0  }
0x3a6: {  	s22 =	sadd.s32 $0xFFFFFFFF, s18;
	s23 =	simm.s32 $0x10010;
	s24 =	simm.s32 $0x0;
	vm3 =	vlt.s32 v15, v4;
	vm2 =	vge.s32 v14, v13;
	v14 =	vimm.s32 $0x0  }
.LBB2_40:
0x3a7: {  	v15 =	vld [tilespmem:s23+$0x0];
	p1 =	sne.s32 s22, $0x1;
	s22 =	sadd.s32 $0xFFFFFFFF, s22;
	vm2 =	vmand vm3, vm2  }
.Ltmp30:
0x3a8: {  	v16 =	vmpcnt.ones.xlane vm2;
	(pc) =	sbr.rel @p1 .LBB2_40-.Ltmp30, $4  }
0x3a9: {  	_ = 	snop  }
0x3aa: {  	s24 =	sadd.s32 $0x10, s24;
	v14 =	vadd.s32 v14, v16  }
0x3ab: {  	v16 =	vor.u32 s24, v0  }
0x3ac: {  	s23 =	sadd.s32 $0x10, s23;
	vm3 =	vlt.s32 v16, v4;
	vm2 =	vge.s32 v15, v13  }
.Ltmp31:
0x3ad: {  	_ = 	snop;
	(pc) =	sbr.rel .LBB2_41-.Ltmp31, $1  }
0x3ae: {  	_ =	sdelay $0x3  }
.LBB2_43:
0x3af: {  	vm2 =	veq.s32 v8, v0  }
0x3b0: {  	v6 =	vnsel vm2, $0x0, v6  }
0x3b1: {  	v5 =	vnsel vm2, $0x0, v5;
	(xrf0) =	vadd.scan.msk.s32 $0xffff, v6  }
0x3b2: {  	(xrf0) =	vadd.scan.msk.s32 $0xffff, v5;
	_ =	sdelay $0x4  }
0x3b3: {  	v5, _, _ =	vpop (xrf0)  }
0x3b4: {  	(v2sf) =	vpush v5, $0xF;
	v5, _, _ =	vpop (xrf0)  }
0x3b5: {  	(v2sf) =	vpush v5, $0xF;
	_ =	sdelay $0xd  }
.Ltmp32:
0x3b6: {  	s0 =	spop (v2sf);
	(pc) =	sbr.rel .LBB2_44-.Ltmp32, $4  }
0x3b7: {  	s1 =	spop (v2sf);
	s0 =	sadd.s32 s0, s19  }
0x3b8: {  	s0 =	ssub.s32 s1, s0  }
0x3b9: {  	v6 =	vshll.u32 v7, $0x11;
	s0 =	sadd.s32 $0x7, s0  }
0x3ba: {  	s20 =	simm.s32 $0x0;
	v6 =	vxor.u32 $0x80000000, v6;
	v5 =	vimm.s32 $0x0;
	s19 =	simm.s32 $0x0;
	v7 =	vmov s0  }
.LBB2_47:
0x3bb: {  	vm2 =	vmand vm3, vm2  }
0x3bc: {  	v11 =	vmpcnt.ones.xlane vm2;
	_ =	sdelay $0x1  }
0x3bd: {  	v11 =	vadd.s32 v12, v11  }
.LBB2_48:
0x3be: {  	s20 =	sadd.s32 $0x1, s20  }
0x3bf: {  	p1 =	sne.s32 s20, $0x11  }
.Ltmp33:
0x3c0: {  	_ = 	snop;
	(pc) =	sbr.rel @!p1 .LBB2_49-.Ltmp33, $3  }
0x3c1: {  	_ =	sdelay $0x1  }
0x3c2: {  	vm2 =	vlt.s32 v11, v7  }
0x3c3: {  	v5 =	vsel vm2, v5, v8  }
.LBB2_44:
.Ltmp34:
0x3c4: {  	s0 =	ssub.s32 $0x10, s20;
	(pc) =	sbr.rel @p0 .LBB2_48-.Ltmp34, $3  }
0x3c5: {  	v8 =	vshll.u32 v2, s0  }
0x3c6: {  	v8 =	vbroadcast v8, $0x0;
	_ =	sdelay $0x1  }
0x3c7: {  	v11 =	vimm.s32 $0x0;
	v8 =	vor.u32 v5, v8  }
0x3c8: {  	s0 =	simm.s32 $0x10000  }
0x3c9: {  	p1 =	sne.s32 s18, $0x1;
	v12 =	vld [tilespmem:s0+$0x0]  }
.Ltmp35:
0x3ca: {  	_ = 	snop;
	(pc) =	sbr.rel @!p1 .LBB2_47-.Ltmp35, $3  }
0x3cb: {  	_ =	sdelay $0x1  }
0x3cc: {  	v11 =	vadd.s32 v6, v8;
	v13 =	vor.u32 s19, v0  }
0x3cd: {  	s21 =	sadd.s32 $0xFFFFFFFF, s18;
	s22 =	simm.s32 $0x10010;
	s23 =	simm.s32 $0x0;
	vm3 =	vlt.s32 v13, v4;
	vm2 =	vge.s32 v12, v11;
	v12 =	vimm.s32 $0x0  }
.LBB2_46:
0x3ce: {  	v13 =	vld [tilespmem:s22+$0x0];
	p1 =	sne.s32 s21, $0x1;
	s21 =	sadd.s32 $0xFFFFFFFF, s21;
	vm2 =	vmand vm3, vm2  }
.Ltmp36:
0x3cf: {  	v14 =	vmpcnt.ones.xlane vm2;
	(pc) =	sbr.rel @p1 .LBB2_46-.Ltmp36, $4  }
0x3d0: {  	_ = 	snop  }
0x3d1: {  	s23 =	sadd.s32 $0x10, s23;
	v12 =	vadd.s32 v12, v14  }
0x3d2: {  	v14 =	vor.u32 s23, v0  }
0x3d3: {  	s22 =	sadd.s32 $0x10, s22;
	vm3 =	vlt.s32 v14, v4;
	vm2 =	vge.s32 v13, v11  }
.Ltmp37:
0x3d4: {  	_ = 	snop;
	(pc) =	sbr.rel .LBB2_47-.Ltmp37, $1  }
0x3d5: {  	_ =	sdelay $0x3  }
.LBB2_49:
0x3d6: {  	v4 =	vadd.s32 v6, v5  }
0x3d7: {  	v5 =	vadd.s32 v10, v9;
	v6 =	vxor.u32 $0x7FFFFFFF, v4;
	vm2 =	vlt.s32 v4, $0x0  }
0x3d8: {  	v7 =	vxor.u32 $0x7FFFFFFF, v5;
	v4 =	vsel vm2, v6, v4;
	vm2 =	vlt.s32 v5, $0x0  }
0x3d9: {  	v5 =	vsel vm2, v7, v5;
	v4 =	vsel vm0, $0x0, v4  }
0x3da: {  	v4 =	vsel vm1, v5, v4  }
0x3db: {  	[tilespmem:$0x18010] =	vst v4  }
0x3dc: {  	_ =	swait.ge [sflag:s11], $0x8000  }
0x3dd: {  	[sflag:s11] =	ssyncset.done $0x0  }
0x3de: {  	s18 =	simm.s32 $0x10040;
	[sflag:s11] =	ssyncadd.s32 $0xFFFF8000  }
0x3df: {  	[tilespmem:s12], [sflag:$0x2] =	stream.strided.gather [hbm4b:s6+s9], $0x8000, s10, s9, $0x38;
	[tilespmem:$0x18080] =	vst v63  }
0x3e0: {  	[tilespmem:s18+$0xFFFFFFC0] =	vst v1  }
0x3e1: {  	[tilespmem:s18+$0x30] =	vst v1  }
0x3e2: {  	[tilespmem:s18+$0x20] =	vst v1  }
0x3e3: {  	[tilespmem:s18+$0x10] =	vst v1  }
0x3e4: {  	[tilespmem:s18+$0x0] =	vst v1  }
0x3e5: {  	[tilespmem:s18+$0xFFFFFFF0] =	vst v1  }
0x3e6: {  	s19 =	simm.s32 $0x0;
	[tilespmem:s18+$0xFFFFFFE0] =	vst v1  }
.LBB2_50:
0x3e7: {  	s19 =	sadd.s32 $0x8, s19;
	[tilespmem:s18+$0xFFFFFFD0] =	vst v1;
	s18 =	sadd.s32 $0x80, s18  }
0x3e8: {  	[tilespmem:s18+$0xFFFFFFC0] =	vst v1;
	p0 =	slt.u32 s19, $0x7F8  }
0x3e9: {  	[tilespmem:s18+$0x30] =	vst v1  }
.Ltmp38:
0x3ea: {  	[tilespmem:s18+$0x20] =	vst v1;
	(pc) =	sbr.rel @p0 .LBB2_50-.Ltmp38, $4  }
0x3eb: {  	[tilespmem:s18+$0x10] =	vst v1  }
0x3ec: {  	[tilespmem:s18+$0x0] =	vst v1  }
0x3ed: {  	[tilespmem:s18+$0xFFFFFFF0] =	vst v1  }
0x3ee: {  	[tilespmem:s18+$0xFFFFFFE0] =	vst v1  }
0x3ef: {  	[tilespmem:s18+$0xFFFFFFD0] =	vst v1;
	s0 =	simm.s32 $0x40  }
0x3f0: {  	v4 =	vld [tilespmem:s0+$0x10];
	_ =	sdelay $0x1  }
0x3f1: {  	v5 =	vld [tilespmem:s0+$0xFFFFFFC0];
	_ =	sdelay $0x1  }
0x3f2: {  	v6 =	vld [tilespmem:s0+$0x20]  }
0x3f3: {  	v7 =	vshra.s32 v4, $0x11  }
0x3f4: {  	v9 =	vld [tilespmem:s0+$0xFFFFFFD0];
	vm2 =	vlt.s32 v4, $0x0;
	v4 =	vxor.u32 $0x3FFF, v7  }
0x3f5: {  	v10 =	vld [tilespmem:s0+$0x30];
	v4 =	vsel vm2, v4, v7;
	v7 =	vshra.s32 v5, $0x11  }
0x3f6: {  	v12 =	vld [tilespmem:s0+$0x0];
	vm2 =	vlt.s32 v5, $0x0;
	v11 =	vadd.s32 $0x4000, v4;
	v4 =	vxor.u32 $0x3FFF, v7  }
0x3f7: {  	v5 =	vshra.s32 v6, $0x11;
	v4 =	vsel vm2, v4, v7  }
0x3f8: {  	vm3 =	vlt.s32 v6, $0x0;
	v7 =	vxor.u32 $0x3FFF, v5;
	v6 =	vadd.s32 $0x4000, v4;
	v4 =	vld [tilespmem:s0+$0xFFFFFFE0]  }
0x3f9: {  	v5 =	vsel vm3, v7, v5  }
0x3fa: {  	v8 =	vshra.s32 v9, $0x11;
	v5 =	vadd.s32 $0x4000, v5  }
0x3fb: {  	vm4 =	vlt.s32 v12, $0x0;
	vm2 =	vlt.s32 v10, $0x0;
	v10 =	vshra.s32 v10, $0x11;
	v7 =	vld [tilespmem:s0+$0xFFFFFFF0]  }
0x3fc: {  	s18 =	simm.s32 $0x0;
	s19 =	simm.s32 $0xC0;
	vm3 =	vlt.s32 v9, $0x0;
	v9 =	vxor.u32 $0x3FFF, v8;
	[tilespmem:v11+s13+$0x0] =	vst.idx.add.s32.msk $0xffff, v2;
	v11 =	vshra.s32 v12, $0x11  }
.LBB2_52:
0x3fd: {  	s18 =	sadd.s32 $0x8, s18;
	[tilespmem:v6+s13+$0x0] =	vst.idx.add.s32.msk $0xffff, v2;
	vm5 =	vlt.s32 v4, $0x0;
	v6 =	vxor.u32 $0x3FFF, v11;
	v12 =	vxor.u32 $0x3FFF, v10  }
0x3fe: {  	v4 =	vshra.s32 v4, $0x11;
	v13 =	vld [tilespmem:s19+$0x10];
	p0 =	slt.u32 s18, $0x7F8;
	v6 =	vsel vm4, v6, v11;
	v10 =	vsel vm2, v12, v10  }
0x3ff: {  	v8 =	vsel vm3, v9, v8;
	v9 =	vxor.u32 $0x3FFF, v4;
	[tilespmem:v5+s13+$0x0] =	vst.idx.add.s32.msk $0xffff, v2;
	v5 =	vadd.s32 $0x4000, v10  }
0x400: {  	v4 =	vsel vm5, v9, v4;
	v6 =	vadd.s32 $0x4000, v6;
	v10 =	vld [tilespmem:s19+$0xFFFFFFC0]  }
0x401: {  	v8 =	vadd.s32 $0x4000, v8;
	v11 =	vadd.s32 $0x4000, v4;
	v9 =	vld [tilespmem:s19+$0xFFFFFFD0];
	v4 =	vshra.s32 v7, $0x11  }
0x402: {  	vm2 =	vlt.s32 v7, $0x0;
	v12 =	vld [tilespmem:s19+$0x20];
	v7 =	vxor.u32 $0x3FFF, v4  }
0x403: {  	v14 =	vshra.s32 v13, $0x11;
	v15 =	vld [tilespmem:s19+$0x30];
	v7 =	vsel vm2, v7, v4  }
0x404: {  	vm2 =	vlt.s32 v13, $0x0;
	v4 =	vld [tilespmem:s19+$0xFFFFFFE0];
	v13 =	vxor.u32 $0x3FFF, v14;
	v7 =	vadd.s32 $0x4000, v7  }
0x405: {  	v16 =	vshra.s32 v10, $0x11;
	v13 =	vsel vm2, v13, v14;
	[tilespmem:v6+s13+$0x0] =	vst.idx.add.s32.msk $0xffff, v2  }
0x406: {  	vm2 =	vlt.s32 v10, $0x0;
	v6 =	vxor.u32 $0x3FFF, v16;
	v10 =	vadd.s32 $0x4000, v13;
	[tilespmem:v5+s13+$0x0] =	vst.idx.add.s32.msk $0xffff, v2  }
0x407: {  	v5 =	vsel vm2, v6, v16;
	v13 =	vld [tilespmem:s19+$0x0];
	vm3 =	vlt.s32 v12, $0x0;
	v12 =	vshra.s32 v12, $0x11  }
.Ltmp39:
0x408: {  	v6 =	vadd.s32 $0x4000, v5;
	v5 =	vxor.u32 $0x3FFF, v12;
	vm2 =	vlt.s32 v15, $0x0;
	[tilespmem:v8+s13+$0x0] =	vst.idx.add.s32.msk $0xffff, v2;
	(pc) =	sbr.rel @p0 .LBB2_52-.Ltmp39, $4  }
0x409: {  	v5 =	vsel vm3, v5, v12;
	[tilespmem:v11+s13+$0x0] =	vst.idx.add.s32.msk $0xffff, v2  }
0x40a: {  	v8 =	vshra.s32 v9, $0x11;
	v5 =	vadd.s32 $0x4000, v5;
	[tilespmem:v7+s13+$0x0] =	vst.idx.add.s32.msk $0xffff, v2  }
0x40b: {  	vm3 =	vlt.s32 v9, $0x0;
	v9 =	vxor.u32 $0x3FFF, v8;
	[tilespmem:v10+s13+$0x0] =	vst.idx.add.s32.msk $0xffff, v2  }
0x40c: {  	v10 =	vshra.s32 v15, $0x11;
	v7 =	vld [tilespmem:s19+$0xFFFFFFF0];
	vm4 =	vlt.s32 v13, $0x0;
	v11 =	vshra.s32 v13, $0x11;
	s19 =	sadd.s32 $0x80, s19  }
0x40d: {  	_ = 	snop  }
0x40e: {  	v12 =	vxor.u32 $0x3FFF, v11;
	v58 =	vxor.u32 $0x3FFF, v10;
	vm15 =	vlt.s32 v4, $0x0  }
0x40f: {  	v4 =	vshra.s32 v4, $0x11;
	v8 =	vsel vm3, v9, v8;
	v11 =	vsel vm4, v12, v11  }
0x410: {  	v10 =	vsel vm2, v58, v10;
	v9 =	vxor.u32 $0x3FFF, v4;
	v8 =	vadd.s32 $0x4000, v8  }
0x411: {  	v11 =	vadd.s32 $0x4000, v11;
	v4 =	vsel vm15, v9, v4;
	v9 =	vshra.s32 v7, $0x11  }
0x412: {  	v10 =	vadd.s32 $0x4000, v10;
	vm2 =	vlt.s32 v7, $0x0;
	v7 =	vxor.u32 $0x3FFF, v9  }
0x413: {  	[tilespmem:v6+s13+$0x0] =	vst.idx.add.s32.msk $0xffff, v2;
	v4 =	vadd.s32 $0x4000, v4;
	v6 =	vsel vm2, v7, v9  }
0x414: {  	[tilespmem:v5+s13+$0x0] =	vst.idx.add.s32.msk $0xffff, v2;
	v5 =	vadd.s32 $0x4000, v6  }
0x415: {  	[tilespmem:v8+s13+$0x0] =	vst.idx.add.s32.msk $0xffff, v2  }
0x416: {  	[tilespmem:v11+s13+$0x0] =	vst.idx.add.s32.msk $0xffff, v2  }
0x417: {  	[tilespmem:v10+s13+$0x0] =	vst.idx.add.s32.msk $0xffff, v2  }
0x418: {  	[tilespmem:v4+s13+$0x0] =	vst.idx.add.s32.msk $0xffff, v2  }
0x419: {  	s0 =	simm.s32 $0x0;
	[tilespmem:v5+s13+$0x0] =	vst.idx.add.s32.msk $0xffff, v2  }
0x41a: {  	v4 =	vld [tilespmem:s0+$0x17F00]  }
0x41b: {  	v5 =	vld [tilespmem:s0+$0x17F10]  }
0x41c: {  	v6 =	vld [tilespmem:s0+$0x17F20]  }
0x41d: {  	v7 =	vld [tilespmem:s0+$0x17F30]  }
0x41e: {  	v8 =	vld [tilespmem:s0+$0x17F40]  }
0x41f: {  	v9 =	vld [tilespmem:s0+$0x17F50]  }
0x420: {  	v10 =	vld [tilespmem:s0+$0x17F60];
	v4 =	vadd.s32 v4, v5  }
0x421: {  	v5 =	vld [tilespmem:s0+$0x17F70];
	v4 =	vadd.s32 v6, v4  }
0x422: {  	v6 =	vld [tilespmem:s0+$0x17F80];
	v4 =	vadd.s32 v7, v4  }
0x423: {  	v7 =	vld [tilespmem:s0+$0x17F90];
	v4 =	vadd.s32 v8, v4  }
0x424: {  	v8 =	vld [tilespmem:s0+$0x17FA0];
	v4 =	vadd.s32 v9, v4  }
0x425: {  	v9 =	vld [tilespmem:s0+$0x17FB0];
	v4 =	vadd.s32 v10, v4  }
0x426: {  	v10 =	vld [tilespmem:s0+$0x17FC0];
	v4 =	vadd.s32 v5, v4  }
0x427: {  	v5 =	vld [tilespmem:s0+$0x17FD0];
	v4 =	vadd.s32 v6, v4  }
0x428: {  	v6 =	vld [tilespmem:s0+$0x17FE0];
	v4 =	vadd.s32 v7, v4  }
0x429: {  	s30 =	simm.s32 $0xFFFFFF00;
	v7 =	vld [tilespmem:s0+$0x17FF0];
	v4 =	vadd.s32 v8, v4  }
0x42a: {  	v11 =	vld [tilespmem:s30+$0x17F70];
	v4 =	vadd.s32 v9, v4  }
0x42b: {  	v8 =	vld [tilespmem:s30+$0x17F00];
	v4 =	vadd.s32 v10, v4  }
0x42c: {  	v4 =	vadd.s32 v5, v4;
	v5 =	vld [tilespmem:s30+$0x17F10]  }
0x42d: {  	v4 =	vadd.s32 v6, v4;
	v6 =	vld [tilespmem:s30+$0x17F20]  }
0x42e: {  	v4 =	vadd.s32 v7, v4;
	v7 =	vld [tilespmem:s30+$0x17F30]  }
0x42f: {  	(xrf0) =	vadd.scan.msk.s32 $0xffff, v4;
	v4 =	vld [tilespmem:s30+$0x17F40]  }
0x430: {  	v9 =	vld [tilespmem:s30+$0x17F50]  }
0x431: {  	v10 =	vld [tilespmem:s30+$0x17F60];
	v5 =	vadd.s32 v8, v5  }
0x432: {  	v59 =	vld [tilespmem:s30+$0x17F80];
	v5 =	vadd.s32 v6, v5  }
0x433: {  	s1 =	simm.s32 $0xFFFFFE00;
	v13 =	vld [tilespmem:s30+$0x17F90];
	v5 =	vadd.s32 v7, v5  }
0x434: {  	v60 =	vld [tilespmem:s1+$0x17F10];
	v4 =	vadd.s32 v4, v5  }
0x435: {  	v8 =	vld [tilespmem:s30+$0x17FA0];
	v4 =	vadd.s32 v9, v4  }
0x436: {  	v6 =	vld [tilespmem:s30+$0x17FB0];
	v14, _, _ =	vpop (xrf0);
	v4 =	vadd.s32 v10, v4  }
0x437: {  	v7 =	vld [tilespmem:s30+$0x17FC0];
	(v2sf) =	vpush v14, $0xF;
	v4 =	vadd.s32 v11, v4  }
0x438: {  	v5 =	vld [tilespmem:s30+$0x17FD0];
	v4 =	vadd.s32 v59, v4  }
0x439: {  	v9 =	vld [tilespmem:s30+$0x17FE0];
	v4 =	vadd.s32 v13, v4  }
0x43a: {  	v10 =	vld [tilespmem:s30+$0x17FF0];
	v4 =	vadd.s32 v8, v4  }
0x43b: {  	v11 =	vld [tilespmem:s1+$0x17F00];
	v4 =	vadd.s32 v6, v4  }
0x43c: {  	v61 =	vld [tilespmem:s1+$0x17F20];
	v4 =	vadd.s32 v7, v4  }
0x43d: {  	v8 =	vld [tilespmem:s1+$0x17F30];
	v4 =	vadd.s32 v5, v4  }
0x43e: {  	v6 =	vld [tilespmem:s1+$0x17F40];
	v4 =	vadd.s32 v9, v4  }
0x43f: {  	v7 =	vld [tilespmem:s1+$0x17F50];
	v4 =	vadd.s32 v10, v4  }
0x440: {  	v5 =	vadd.s32 v11, v60;
	v11 =	vld [tilespmem:s1+$0x17F60];
	(xrf0) =	vadd.scan.msk.s32 $0xffff, v4  }
0x441: {  	v5 =	vadd.s32 v61, v5;
	v9 =	vld [tilespmem:s1+$0x17F70]  }
0x442: {  	v5 =	vadd.s32 v8, v5  }
0x443: {  	v10 =	vld [tilespmem:s1+$0x17F80];
	v4 =	vadd.s32 v6, v5  }
0x444: {  	v8 =	vld [tilespmem:s1+$0x17F90];
	v4 =	vadd.s32 v7, v4  }
0x445: {  	s19 =	simm.s32 $0x0;
	s18 =	simm.s32 $0x7F;
	p1 =	por $0x1, $0x1;
	v62 =	vld [tilespmem:s1+$0x17FA0];
	v5 =	vadd.s32 v11, v4  }
0x446: {  	p3 =	por $0x1, $0x1;
	s24 =	simm.s32 $0xFFFFFD00;
	v63 =	vld [tilespmem:s1+$0x17FB0];
	v6 =	vadd.s32 v9, v5;
	s31 =	spop (v2sf);
	v9, _, _ =	vpop (xrf0)  }
0x447: {  	s22 =	simm.s32 $0x0;
	s26 =	simm.s32 $0xFFFFF000;
	v4 =	vld [tilespmem:s1+$0x17FC0];
	s23 =	sadd.s32 $0x0, s31;
	(v2sf) =	vpush v9, $0xF  }
0x448: {  	s20 =	simm.s32 $0x0;
	v5 =	vld [tilespmem:s1+$0x17FD0];
	v7 =	vadd.s32 v10, v6;
	p2 =	sgt.s32 s23, $0x66C;
	p4 =	sgt.s32 s23, $0x6  }
0x449: {  	s25 =	simm.s32 $0x0;
	v6 =	vld [tilespmem:s1+$0x17FE0];
	v8 =	vadd.s32 v8, v7;
	p1 =	por !p1, !p2;
	p3 =	por !p3, !p4  }
0x44a: {  	s21 =	simm.s32 $0x0;
	v7 =	vld [tilespmem:s1+$0x17FF0];
	v10 =	vadd.s32 v62, v8;
	p2 =	por !p1, !p1;
	p1 =	por !p3, !p3  }
0x44b: {  	v8 =	vld [tilespmem:s24+$0x17F00];
	p0 =	slt.s32 s23, $0x66D;
	v9 =	vadd.s32 v63, v10;
	s22 =	smov.u32 @p2 s18;
	s20 =	smov.u32 @p1 s20  }
.LBB2_54:
0x44c: {  	p3 =	seq.s32 s26, $0xFFFE0400;
	v10 =	vld [tilespmem:s24+$0x17F10];
	v4 =	vadd.s32 v4, v9;
	s19 =	smov.u32 @p2 s25;
	s21 =	smov.u32 @p1 s18  }
0x44d: {  	s25 =	smov.u32 s23;
	v9 =	vld [tilespmem:s24+$0x17F20];
	v4 =	vadd.s32 v5, v4  }
0x44e: {  	v5 =	vld [tilespmem:s24+$0x17F30];
	v4 =	vadd.s32 v6, v4  }
0x44f: {  	v6 =	vld [tilespmem:s24+$0x17F40];
	v4 =	vadd.s32 v7, v4  }
0x450: {  	v7 =	vld [tilespmem:s24+$0x17F50];
	(xrf0) =	vadd.scan.msk.s32 $0xffff, v4  }
0x451: {  	v4 =	vld [tilespmem:s24+$0x17F60];
	v8 =	vadd.s32 v8, v10  }
0x452: {  	v10 =	vld [tilespmem:s24+$0x17F70];
	v8 =	vadd.s32 v9, v8  }
0x453: {  	v9 =	vld [tilespmem:s24+$0x17F80];
	v5 =	vadd.s32 v5, v8  }
0x454: {  	v8 =	vld [tilespmem:s24+$0x17F90];
	v5 =	vadd.s32 v6, v5  }
0x455: {  	v11 =	vld [tilespmem:s24+$0x17FA0];
	v5 =	vadd.s32 v7, v5  }
0x456: {  	v12 =	vld [tilespmem:s24+$0x17FB0];
	v5 =	vadd.s32 v4, v5;
	v6, _, _ =	vpop (xrf0);
	s0 =	spop (v2sf)  }
.Ltmp40:
0x457: {  	s18 =	sadd.s32 $0xFFFFFFFF, s18;
	v4 =	vld [tilespmem:s24+$0x17FC0];
	v7 =	vadd.s32 v10, v5;
	(v2sf) =	vpush v6, $0xF;
	s23 =	sadd.s32 s23, s0;
	(pc) =	sbr.rel @!p3 .LBB2_54-.Ltmp40, $4  }
0x458: {  	p2 =	slt.s32 s25, $0x7;
	v5 =	vld [tilespmem:s24+$0x17FD0];
	v7 =	vadd.s32 v9, v7;
	p1 =	sgt.s32 s23, $0x66C;
	p4 =	sgt.s32 s23, $0x6  }
0x459: {  	v6 =	vld [tilespmem:s24+$0x17FE0];
	v8 =	vadd.s32 v8, v7;
	p1 =	por !p0, !p1;
	p0 =	slt.s32 s23, $0x66D;
	p4 =	por !p2, !p4  }
0x45a: {  	v7 =	vld [tilespmem:s24+$0x17FF0];
	s24 =	sshra.s32 s26, $0x2;
	v9 =	vadd.s32 v11, v8;
	p2 =	por !p1, !p1;
	p1 =	por !p4, !p4  }
0x45b: {  	s26 =	sadd.s32 $0xFFFFFC00, s26;
	v8 =	vld [tilespmem:s24+$0x17F00];
	v9 =	vadd.s32 v12, v9;
	s22 =	smov.u32 @p2 s18;
	s20 =	smov.u32 @p1 s25  }
0x45c: {  	v10 =	vld [tilespmem:s24+$0x17F10]  }
0x45d: {  	v11 =	vld [tilespmem:s24+$0x17F20]  }
0x45e: {  	v12 =	vld [tilespmem:s24+$0x17F30]  }
0x45f: {  	v13 =	vld [tilespmem:s24+$0x17F40]  }
0x460: {  	v14 =	vld [tilespmem:s24+$0x17F50]  }
0x461: {  	v57 =	vld [tilespmem:s24+$0x17F60];
	v8 =	vadd.s32 v8, v10  }
0x462: {  	v58 =	vld [tilespmem:s24+$0x17F70];
	v8 =	vadd.s32 v11, v8  }
0x463: {  	v59 =	vld [tilespmem:s24+$0x17F80];
	v8 =	vadd.s32 v12, v8  }
0x464: {  	v4 =	vadd.s32 v4, v9;
	v60 =	vld [tilespmem:s24+$0x17F90];
	v8 =	vadd.s32 v13, v8  }
0x465: {  	v61 =	vld [tilespmem:s24+$0x17FA0];
	v4 =	vadd.s32 v5, v4;
	v5 =	vadd.s32 v14, v8  }
0x466: {  	v4 =	vadd.s32 v6, v4;
	v6 =	vld [tilespmem:s24+$0x17FB0];
	v5 =	vadd.s32 v57, v5  }
0x467: {  	v4 =	vadd.s32 v7, v4;
	v7 =	vld [tilespmem:s24+$0x17FC0];
	v5 =	vadd.s32 v58, v5  }
0x468: {  	(xrf0) =	vadd.scan.msk.s32 $0xffff, v4;
	v4 =	vld [tilespmem:s24+$0x17FD0];
	v5 =	vadd.s32 v59, v5  }
0x469: {  	v62 =	vld [tilespmem:s24+$0x17FE0];
	v5 =	vadd.s32 v60, v5  }
0x46a: {  	v63 =	vld [tilespmem:s24+$0x17FF0];
	v5 =	vadd.s32 v61, v5  }
0x46b: {  	v5 =	vadd.s32 v6, v5  }
0x46c: {  	v5 =	vadd.s32 v7, v5  }
0x46d: {  	v4 =	vadd.s32 v4, v5  }
0x46e: {  	v4 =	vadd.s32 v62, v4  }
0x46f: {  	v4 =	vadd.s32 v63, v4  }
0x470: {  	(xrf0) =	vadd.scan.msk.s32 $0xffff, v4;
	_ =	sdelay $0x2  }
0x471: {  	v5, _, _ =	vpop (xrf0)  }
0x472: {  	(v2sf) =	vpush v5, $0xF;
	_ =	sdelay $0x1  }
0x473: {  	v4, _, _ =	vpop (xrf0)  }
0x474: {  	(v2sf) =	vpush v4, $0xF;
	_ =	sdelay $0x6  }
0x475: {  	s0 =	spop (v2sf)  }
0x476: {  	s19 =	smov.u32 @p2 s25;
	s21 =	smov.u32 @p1 s18;
	s0 =	sadd.s32 s23, s0  }
0x477: {  	p4 =	slt.s32 s23, $0x7;
	s15 =	sadd.s32 $0xFFFFFFFF, s18;
	p2 =	sgt.s32 s0, $0x66C  }
0x478: {  	p3 =	sgt.s32 s0, $0x6;
	p6 =	slt.s32 s0, $0x66D;
	p0 =	por !p0, !p2  }
0x479: {  	p5 =	por !p4, !p3;
	p3 =	slt.s32 s0, $0x7;
	p0 =	por !p0, !p0  }
0x47a: {  	p1 =	por !p5, !p5;
	s22 =	smov.u32 @p0 s15;
	s1 =	spop (v2sf)  }
0x47b: {  	s20 =	smov.u32 @p1 s23;
	s19 =	smov.u32 @p0 s23;
	s1 =	sadd.s32 s0, s1  }
0x47c: {  	s21 =	smov.u32 @p1 s15;
	s15 =	sadd.s32 $0xFFFFFFFF, s15;
	p1 =	sgt.s32 s1, $0x66C  }
0x47d: {  	p4 =	sgt.s32 s1, $0x6;
	p2 =	slt.s32 s1, $0x66D;
	s24 =	spop (v2sf)  }
0x47e: {  	p0 =	por !p6, !p1;
	p1 =	por !p3, !p4;
	s25 =	sadd.s32 s1, s24  }
0x47f: {  	p0 =	por !p0, !p0;
	p1 =	por !p1, !p1;
	p5 =	sgt.s32 s25, $0x66C  }
0x480: {  	s22 =	smov.u32 @p0 s15;
	s19 =	smov.u32 @p0 s0;
	p0 =	por !p2, !p5  }
0x481: {  	s20 =	smov.u32 @p1 s0;
	s0 =	sadd.s32 $0xFFFFFFFF, s15;
	p0 =	por !p0, !p0  }
0x482: {  	s29 =	simm.s32 $0xF0;
	s22 =	smov.u32 @p0 s0  }
0x483: {  	p6 =	slt.s32 s1, $0x7;
	p4 =	sgt.s32 s25, $0x6;
	s22 =	sshll.u32 s22, $0x8  }
0x484: {  	s30 =	sand.u32 $0x80, s29;
	p5 =	por !p6, !p4;
	s26 =	sand.u32 $0x3FFFFF00, s22  }
0x485: {  	s21 =	smov.u32 @p1 s15;
	p1 =	por !p5, !p5;
	s26 =	sadd.s32 $0x10000, s26  }
0x486: {  	s31 =	sand.u32 $0x70, s29;
	s21 =	smov.u32 @p1 s0;
	s0 =	sadd.s32 s30, s26  }
0x487: {  	s0 =	sadd.s32 s31, s0  }
0x488: {  	v4 =	vld [tilespmem:s0+$0x0];
	_ =	sdelay $0x4  }
0x489: {  	(xrf0) =	vadd.scan.msk.s32 $0xffff, v4;
	_ =	sdelay $0x2  }
0x48a: {  	s15 =	simm.s32 $0xE0  }
0x48b: {  	s18 =	sand.u32 $0x80, s15;
	s20 =	smov.u32 @p1 s1  }
0x48c: {  	s19 =	smov.u32 @p0 s1;
	s1 =	sadd.s32 s18, s26;
	s0 =	sand.u32 $0x70, s15  }
0x48d: {  	s24 =	simm.s32 $0xD0;
	s0 =	sadd.s32 s0, s1;
	v4, _, _ =	vpop (xrf0)  }
0x48e: {  	s29 =	sand.u32 $0x80, s24;
	s30 =	simm.s32 $0xC0;
	(v2sf) =	vpush v4, $0xF;
	v4 =	vld [tilespmem:s0+$0x0]  }
0x48f: {  	s31 =	sand.u32 $0x80, s30;
	s15 =	sand.u32 $0x70, s24;
	s1 =	sadd.s32 s29, s26  }
0x490: {  	s30 =	sand.u32 $0x70, s30;
	s31 =	sadd.s32 s31, s26;
	s29 =	sadd.s32 s15, s1  }
0x491: {  	s1 =	sadd.s32 s30, s31;
	v5 =	vld [tilespmem:s29+$0x0]  }
0x492: {  	v6 =	vld [tilespmem:s1+$0x0]  }
0x493: {  	(xrf0) =	vadd.scan.msk.s32 $0xffff, v4;
	_ =	sdelay $0x2  }
0x494: {  	(xrf0) =	vadd.scan.msk.s32 $0xffff, v5  }
0x495: {  	(xrf0) =	vadd.scan.msk.s32 $0xffff, v6;
	_ =	sdelay $0x1  }
0x496: {  	v5, _, _ =	vpop (xrf0)  }
0x497: {  	(v2sf) =	vpush v5, $0xF;
	_ =	sdelay $0x1  }
0x498: {  	s15 =	simm.s32 $0xB0;
	v5, _, _ =	vpop (xrf0)  }
0x499: {  	s18 =	sand.u32 $0x80, s15;
	(v2sf) =	vpush v5, $0xF;
	v5, _, _ =	vpop (xrf0)  }
0x49a: {  	s1 =	sadd.s32 s18, s26;
	s0 =	sand.u32 $0x70, s15;
	s29 =	spop (v2sf);
	(v2sf) =	vpush v5, $0xF  }
0x49b: {  	s0 =	sadd.s32 s0, s1  }
0x49c: {  	v4 =	vld [tilespmem:s0+$0x0];
	_ =	sdelay $0x1  }
0x49d: {  	s28 =	simm.s32 $0x90;
	s24 =	simm.s32 $0xA0  }
0x49e: {  	s30 =	sand.u32 $0x80, s24;
	s0 =	sand.u32 $0x70, s24;
	s24 =	sadd.s32 s19, s29  }
0x49f: {  	p0 =	slt.s32 s19, $0x66D;
	s31 =	sadd.s32 s30, s26;
	p6 =	sgt.s32 s24, $0x66C  }
0x4a0: {  	s23 =	simm.s32 $0x0;
	s0 =	sadd.s32 s0, s31;
	(xrf0) =	vadd.scan.msk.s32 $0xffff, v4;
	p0 =	por !p0, !p6  }
0x4a1: {  	s25 =	simm.s32 $0xF;
	s18 =	simm.s32 $0x0;
	v4 =	vld [tilespmem:s0+$0x0];
	p0 =	por !p0, !p0  }
.LBB2_56:
0x4a2: {  	s0 =	sand.u32 $0x80, s28;
	s23 =	smov.u32 @p0 s25;
	s18 =	smov.u32 @p0 s19  }
0x4a3: {  	s1 =	smov.u32 s28;
	s19 =	smov.u32 s24;
	p1 =	sne.s32 s28, $0x0  }
.Ltmp41:
0x4a4: {  	s28 =	sadd.s32 $0xFFFFFFF0, s28;
	s15 =	spop (v2sf);
	(pc) =	sbr.rel @p1 .LBB2_56-.Ltmp41, $4  }
0x4a5: {  	s1 =	sand.u32 $0x70, s1;
	s0 =	sadd.s32 s0, s26;
	s24 =	sadd.s32 s24, s15  }
0x4a6: {  	p0 =	slt.s32 s19, $0x66D;
	s0 =	sadd.s32 s1, s0;
	(xrf0) =	vadd.scan.msk.s32 $0xffff, v4;
	v5, _, _ =	vpop (xrf0);
	p2 =	sgt.s32 s24, $0x66C  }
0x4a7: {  	v4 =	vld [tilespmem:s0+$0x0];
	(v2sf) =	vpush v5, $0xF;
	p0 =	por !p0, !p2  }
0x4a8: {  	s25 =	sadd.s32 $0xFFFFFFFF, s25;
	p0 =	por !p0, !p0  }
0x4a9: {  	_ =	sdelay $0x2  }
0x4aa: {  	(xrf0) =	vadd.scan.msk.s32 $0xffff, v4;
	_ =	sdelay $0x4  }
0x4ab: {  	v4, _, _ =	vpop (xrf0)  }
0x4ac: {  	(v2sf) =	vpush v4, $0xF;
	v4, _, _ =	vpop (xrf0)  }
0x4ad: {  	(v2sf) =	vpush v4, $0xF;
	_ =	sdelay $0x5  }
0x4ae: {  	s0 =	spop (v2sf)  }
0x4af: {  	s26 =	sadd.s32 s24, s0  }
0x4b0: {  	p1 =	slt.s32 s24, $0x66D;
	s29 =	spop (v2sf);
	p2 =	sgt.s32 s26, $0x66C  }
0x4b1: {  	s23 =	smov.u32 @p0 s25;
	s28 =	sadd.s32 s26, s29;
	p1 =	por !p1, !p2  }
0x4b2: {  	p4 =	slt.s32 s26, $0x66D;
	p3 =	sgt.s32 s28, $0x66C;
	s1 =	simm.s32 @!p1 $0x0  }
0x4b3: {  	s1 =	simm.s32 @p1 $0x1;
	p1 =	por !p4, !p3;
	p3 =	slt.s32 s28, $0x66D  }
0x4b4: {  	[smem:$0x7F4] =	sst s1;
	s1 =	simm.s32 @!p1 $0x0;
	s30 =	spop (v2sf)  }
0x4b5: {  	s1 =	simm.s32 @p1 $0x1;
	s15 =	sld [smem:$0x7F4];
	s29 =	sadd.s32 s28, s30  }
0x4b6: {  	[smem:$0x7F5] =	sst s1;
	p4 =	sgt.s32 s29, $0x66C;
	s31 =	spop (v2sf)  }
0x4b7: {  	p5 =	slt.s32 s29, $0x66D;
	s30 =	sadd.s32 s29, s31;
	s1 =	spop (v2sf)  }
0x4b8: {  	p6 =	sgt.s32 s30, $0x66C;
	s0 =	sadd.s32 s30, s1;
	s1 =	sld [smem:$0x7F5]  }
0x4b9: {  	p3 =	por !p3, !p4;
	p6 =	por !p5, !p6;
	p5 =	seq.s32 s15, $0x1  }
0x4ba: {  	p3 =	por !p3, !p3;
	p2 =	slt.s32 s30, $0x66D;
	p5 =	por !p5, !p5  }
0x4bb: {  	p1 =	sgt.s32 s0, $0x66C;
	s0 =	sadd.s32 $0xFFFFFFFF, s25;
	p4 =	seq.s32 s1, $0x1  }
0x4bc: {  	s23 =	smov.u32 @p5 s0;
	s0 =	sadd.s32 $0xFFFFFFFF, s0;
	p4 =	por !p4, !p4  }
0x4bd: {  	p2 =	por !p2, !p1;
	s23 =	smov.u32 @p4 s0;
	s0 =	sadd.s32 $0xFFFFFFFF, s0  }
0x4be: {  	p1 =	por !p6, !p6;
	s23 =	smov.u32 @p3 s0;
	s0 =	sadd.s32 $0xFFFFFFFF, s0  }
0x4bf: {  	p2 =	por !p2, !p2;
	s23 =	smov.u32 @p1 s0;
	s0 =	sadd.s32 $0xFFFFFFFF, s0  }
0x4c0: {  	s23 =	smov.u32 @p2 s0  }
0x4c1: {  	s0 =	sshll.u32 s23, $0x4  }
0x4c2: {  	s21 =	sshll.u32 s21, $0x8;
	s22 =	sor.u32 s22, s0  }
0x4c3: {  	s31 =	sand.u32 $0x3FFFFF00, s21;
	s15 =	simm.s32 $0xF0;
	s0 =	sand.u32 $0x7FF0, s22  }
0x4c4: {  	s25 =	sadd.s32 $0x10000, s31;
	s23 =	sand.u32 $0x80, s15;
	v4 =	vld [tilespmem:s0+$0x10000]  }
0x4c5: {  	s31 =	sand.u32 $0x70, s15;
	s0 =	sadd.s32 s23, s25  }
0x4c6: {  	s0 =	sadd.s32 s31, s0  }
0x4c7: {  	v5 =	vld [tilespmem:s0+$0x0];
	_ =	sdelay $0x1  }
0x4c8: {  	v6 =	vperm.xlane v4, v3;
	_ =	sdelay $0x1  }
0x4c9: {  	(xrf0) =	vadd.scan.msk.s32 $0xffff, v6  }
0x4ca: {  	(xrf0) =	vadd.scan.msk.s32 $0xffff, v5;
	_ =	sdelay $0x2  }
0x4cb: {  	s1 =	simm.s32 $0xE0  }
0x4cc: {  	s23 =	sand.u32 $0x80, s1  }
0x4cd: {  	s0 =	sand.u32 $0x70, s1;
	s1 =	sadd.s32 s23, s25;
	v5, _, _ =	vpop (xrf0)  }
0x4ce: {  	s15 =	simm.s32 $0xD0;
	s0 =	sadd.s32 s0, s1;
	v6, _, _ =	vpop (xrf0)  }
0x4cf: {  	s31 =	sand.u32 $0x80, s15;
	s23 =	simm.s32 $0xC0;
	(v2sf) =	vpush v6, $0xF;
	v6 =	vld [tilespmem:s0+$0x0]  }
0x4d0: {  	s15 =	sand.u32 $0x70, s15;
	s1 =	sadd.s32 s31, s25;
	s31 =	sand.u32 $0x80, s23  }
0x4d1: {  	s23 =	sand.u32 $0x70, s23;
	s15 =	sadd.s32 s15, s1;
	s31 =	sadd.s32 s31, s25  }
0x4d2: {  	v7 =	vld [tilespmem:s15+$0x0];
	s15 =	sadd.s32 s23, s31  }
0x4d3: {  	v8 =	vld [tilespmem:s15+$0x0]  }
0x4d4: {  	(xrf0) =	vadd.scan.msk.s32 $0xffff, v6;
	_ =	sdelay $0x2  }
0x4d5: {  	(xrf0) =	vadd.scan.msk.s32 $0xffff, v7  }
0x4d6: {  	(xrf0) =	vadd.scan.msk.s32 $0xffff, v8;
	_ =	sdelay $0x1  }
0x4d7: {  	s18 =	smov.u32 @p0 s19;
	v9 =	vperm.xlane v5, v3;
	v5, _, _ =	vpop (xrf0)  }
0x4d8: {  	s18 =	smov.u32 @p5 s24;
	(v2sf) =	vpush v5, $0xF  }
0x4d9: {  	s18 =	smov.u32 @p4 s26  }
0x4da: {  	s18 =	smov.u32 @p3 s28;
	s23 =	simm.s32 $0xB0;
	v5, _, _ =	vpop (xrf0)  }
0x4db: {  	s18 =	smov.u32 @p1 s29;
	s24 =	sand.u32 $0x80, s23;
	(v2sf) =	vpush v5, $0xF;
	v8, _, _ =	vpop (xrf0)  }
0x4dc: {  	s1 =	sadd.s32 s24, s25;
	s0 =	sand.u32 $0x70, s23;
	s29 =	spop (v2sf);
	(v2sf) =	vpush v8, $0xF  }
0x4dd: {  	s0 =	sadd.s32 s0, s1  }
0x4de: {  	v6 =	vld [tilespmem:s0+$0x0];
	_ =	sdelay $0x1  }
0x4df: {  	s19 =	simm.s32 $0x0;
	p5 =	slt.s32 s20, $0x7;
	s26 =	simm.s32 $0xA0  }
0x4e0: {  	s18 =	smov.u32 @p2 s30;
	s30 =	sand.u32 $0x80, s26;
	s23 =	sadd.s32 s20, s29  }
0x4e1: {  	s31 =	sadd.s32 s30, s25;
	s0 =	sand.u32 $0x70, s26;
	v7 =	vadd.s32 s18, v9;
	p6 =	sgt.s32 s23, $0x6  }
0x4e2: {  	s28 =	simm.s32 $0x90;
	s0 =	sadd.s32 s0, s31;
	vm2 =	vgt.s32 v7, $0x66C;
	(xrf0) =	vadd.scan.msk.s32 $0xffff, v6;
	p0 =	por !p5, !p6  }
0x4e3: {  	s24 =	simm.s32 $0x0;
	s26 =	simm.s32 $0xF;
	v7 =	vmpcnt.ones.xlane vm2;
	v5 =	vld [tilespmem:s0+$0x0];
	p0 =	por !p0, !p0  }
.LBB2_58:
0x4e4: {  	s0 =	sand.u32 $0x80, s28;
	s24 =	smov.u32 @p0 s26;
	s19 =	smov.u32 @p0 s20  }
0x4e5: {  	s1 =	smov.u32 s28;
	s20 =	smov.u32 s23;
	p1 =	sne.s32 s28, $0x0  }
.Ltmp42:
0x4e6: {  	s28 =	sadd.s32 $0xFFFFFFF0, s28;
	s15 =	spop (v2sf);
	(pc) =	sbr.rel @p1 .LBB2_58-.Ltmp42, $4  }
0x4e7: {  	s1 =	sand.u32 $0x70, s1;
	s0 =	sadd.s32 s0, s25;
	s23 =	sadd.s32 s23, s15  }
0x4e8: {  	p0 =	slt.s32 s20, $0x7;
	s0 =	sadd.s32 s1, s0;
	(xrf0) =	vadd.scan.msk.s32 $0xffff, v5;
	v6, _, _ =	vpop (xrf0);
	p2 =	sgt.s32 s23, $0x6  }
0x4e9: {  	v5 =	vld [tilespmem:s0+$0x0];
	(v2sf) =	vpush v6, $0xF;
	p0 =	por !p0, !p2  }
0x4ea: {  	s26 =	sadd.s32 $0xFFFFFFFF, s26;
	p0 =	por !p0, !p0  }
0x4eb: {  	_ =	sdelay $0x2  }
0x4ec: {  	(xrf0) =	vadd.scan.msk.s32 $0xffff, v5;
	_ =	sdelay $0x4  }
0x4ed: {  	v5, _, _ =	vpop (xrf0)  }
0x4ee: {  	(v2sf) =	vpush v5, $0xF;
	v5, _, _ =	vpop (xrf0)  }
0x4ef: {  	(v2sf) =	vpush v5, $0xF;
	_ =	sdelay $0xa  }
0x4f0: {  	s0 =	spop (v2sf)  }
0x4f1: {  	s1 =	spop (v2sf);
	s0 =	sadd.s32 s23, s0  }
0x4f2: {  	s1 =	sadd.s32 s0, s1;
	s15 =	spop (v2sf)  }
0x4f3: {  	s15 =	sadd.s32 s1, s15;
	s25 =	spop (v2sf)  }
0x4f4: {  	s25 =	sadd.s32 s15, s25;
	s28 =	spop (v2sf)  }
0x4f5: {  	s28 =	sadd.s32 s25, s28  }
0x4f6: {  	p1 =	sgt.s32 s28, $0x6  }
0x4f7: {  	p2 =	slt.s32 s23, $0x7;
	p3 =	sgt.s32 s0, $0x6;
	s28 =	simm.s32 @!p1 $0x0  }
0x4f8: {  	s28 =	simm.s32 @p1 $0x1;
	p1 =	por !p2, !p3  }
0x4f9: {  	[smem:$0x7F2] =	sst s28;
	s28 =	simm.s32 @!p1 $0x0  }
0x4fa: {  	p5 =	slt.s32 s0, $0x7;
	s28 =	simm.s32 @p1 $0x1;
	s29 =	sld [smem:$0x7F2]  }
0x4fb: {  	p4 =	sgt.s32 s1, $0x6;
	p6 =	slt.s32 s15, $0x7;
	[smem:$0x7F3] =	sst s28  }
0x4fc: {  	p3 =	por !p5, !p4;
	p4 =	slt.s32 s1, $0x7;
	s30 =	sld [smem:$0x7F3]  }
0x4fd: {  	p5 =	sgt.s32 s15, $0x6;
	p2 =	slt.s32 s25, $0x7;
	p1 =	sgt.s32 s25, $0x6  }
0x4fe: {  	p4 =	por !p4, !p5;
	p5 =	por !p6, !p1;
	p6 =	seq.s32 s29, $0x1  }
0x4ff: {  	p6 =	por !p2, !p6;
	p2 =	seq.s32 s30, $0x1  }
0x500: {  	s24 =	smov.u32 @p0 s26;
	s26 =	sadd.s32 $0xFFFFFFFF, s26;
	p1 =	por !p2, !p2  }
0x501: {  	p2 =	por !p3, !p3;
	s24 =	smov.u32 @p1 s26;
	s26 =	sadd.s32 $0xFFFFFFFF, s26  }
0x502: {  	p3 =	por !p4, !p4;
	s24 =	smov.u32 @p2 s26;
	s26 =	sadd.s32 $0xFFFFFFFF, s26  }
0x503: {  	p5 =	por !p5, !p5;
	s24 =	smov.u32 @p3 s26;
	s26 =	sadd.s32 $0xFFFFFFFF, s26  }
0x504: {  	p4 =	por !p6, !p6;
	s24 =	smov.u32 @p5 s26;
	s26 =	sadd.s32 $0xFFFFFFFF, s26  }
0x505: {  	s24 =	smov.u32 @p4 s26  }
0x506: {  	s24 =	sshll.u32 s24, $0x4  }
0x507: {  	s21 =	sor.u32 s21, s24  }
0x508: {  	s24 =	sand.u32 $0x7FF0, s21  }
0x509: {  	v5 =	vld [tilespmem:s24+$0x10000];
	_ =	sdelay $0x4  }
0x50a: {  	v6 =	vperm.xlane v5, v3;
	_ =	sdelay $0x1  }
0x50b: {  	(xrf0) =	vadd.scan.msk.s32 $0xffff, v6;
	_ =	sdelay $0x2  }
0x50c: {  	s19 =	smov.u32 @p0 s20;
	s31 =	simm.s32 $0x40  }
0x50d: {  	v11 =	vld [tilespmem:s31+$0xFFFFFFD0];
	s19 =	smov.u32 @p1 s23  }
0x50e: {  	v17 =	vld [tilespmem:s31+$0xFFFFFFC0];
	s19 =	smov.u32 @p2 s0  }
0x50f: {  	s19 =	smov.u32 @p3 s1;
	v6, _, _ =	vpop (xrf0)  }
0x510: {  	v14 =	vld [tilespmem:s31+$0x10];
	s19 =	smov.u32 @p5 s15;
	v6 =	vperm.xlane v6, v3  }
0x511: {  	v15 =	vadd.s32 $0xFFFFFFFF, v7;
	v13 =	vld [tilespmem:s31+$0x0];
	s19 =	smov.u32 @p4 s25  }
0x512: {  	v20 =	vimm.s32 $0x0;
	v10 =	vadd.s32 s22, v15;
	v16 =	vld [tilespmem:s31+$0xFFFFFFF0];
	v8 =	vadd.s32 s19, v6  }
0x513: {  	v12 =	vxor.u32 $0x7FFFFFFF, v11;
	vm3 =	vlt.s32 v17, $0x0;
	vm2 =	vgt.s32 v8, $0x6  }
0x514: {  	v18 =	vxor.u32 $0x7FFFFFFF, v17;
	v8 =	vmpcnt.ones.xlane vm2;
	vm2 =	vlt.s32 v11, $0x0  }
0x515: {  	v19 =	vxor.u32 $0x7FFFFFFF, v14;
	v18 =	vsel vm3, v18, v17;
	v12 =	vsel vm2, v12, v11  }
0x516: {  	v21 =	vxor.u32 $0x7FFFFFFF, v13;
	v17 =	vshra.s32 v18, $0x11;
	v11 =	vshra.s32 v12, $0x11  }
0x517: {  	vm2 =	vlt.s32 v16, $0x0;
	v22 =	vadd.s32 $0x4000, v11;
	v11 =	vxor.u32 $0x7FFFFFFF, v16  }
0x518: {  	v17 =	vadd.s32 $0x4000, v17;
	v8 =	vadd.s32 $0xFFFFFFFF, v8;
	v11 =	vsel vm2, v11, v16  }
0x519: {  	v23 =	vld [tilespmem:s31+$0x30];
	v7 =	vadd.s32 s21, v8;
	vm4 =	veq.s32 v22, v10;
	v16 =	vshra.s32 v11, $0x11  }
0x51a: {  	vm2 =	veq.s32 v22, v7;
	v22 =	vld [tilespmem:s31+$0xFFFFFFE0];
	vm7 =	veq.s32 v17, v7;
	v16 =	vadd.s32 $0x4000, v16  }
0x51b: {  	v24 =	vld [tilespmem:s31+$0x20];
	vm2 =	vmor vm4, vm2;
	vm3 =	veq.s32 v16, v10;
	vm5 =	veq.s32 v16, v7  }
0x51c: {  	vm4 =	veq.s32 v17, v10;
	v16 =	vsel vm2, $0x1, v1;
	vm6 =	vmor vm3, vm5  }
0x51d: {  	vm3 =	vlt.s32 v13, $0x0;
	vm5 =	vmor vm4, vm7;
	vm7 =	vlt.s32 v14, $0x0  }
0x51e: {  	(xrf0) =	vadd.scan.msk.s32 $0xffff, v16;
	vm4 =	vlt.s32 v23, $0x0;
	v16 =	vsel vm6, $0x1, v1;
	v13 =	vsel vm3, v21, v13  }
0x51f: {  	v17 =	vsel vm5, $0x1, v1;
	v21 =	vxor.u32 $0x7FFFFFFF, v23;
	v26 =	vxor.u32 $0x7FFFFFFF, v22  }
0x520: {  	vm3 =	vlt.s32 v24, $0x0;
	v29 =	vmpcnt.ones.xlane vm5;
	(xrf0) =	vadd.scan.msk.s32 $0xffff, v16;
	v16 =	vsel vm7, v19, v14  }
0x521: {  	v25 =	vshra.s32 v13, $0x11;
	v14 =	vxor.u32 $0x7FFFFFFF, v24;
	vm7 =	vlt.s32 v22, $0x0;
	(xrf0) =	vadd.scan.msk.s32 $0xffff, v17  }
0x522: {  	v19 =	vmpcnt.ones.xlane vm6;
	v17 =	vmpcnt.ones.xlane vm2;
	v27 =	vshra.s32 v16, $0x11  }
0x523: {  	v22 =	vsel vm7, v26, v22;
	v14 =	vsel vm3, v14, v24;
	v28 =	vadd.s32 $0x4000, v25  }
0x524: {  	v31 =	vadd.s32 v20, v29;
	v24 =	vshra.s32 v14, $0x11;
	v29 =	vshra.s32 v22, $0x11  }
0x525: {  	v27 =	vadd.s32 $0x4000, v27;
	v30 =	vadd.s32 $0x4000, v24;
	v24 =	vadd.s32 v31, v17;
	v26, _, _ =	vpop (xrf0)  }
0x526: {  	v17 =	vadd.s32 $0x4000, v29;
	vm3 =	veq.s32 v30, v7;
	vm7 =	veq.s32 v30, v10;
	v25, _, _ =	vpop (xrf0)  }
0x527: {  	vm9 =	veq.s32 v27, v7;
	vm8 =	veq.s32 v17, v10;
	vm3 =	vmor vm7, vm3;
	v29, _, _ =	vpop (xrf0)  }
0x528: {  	vm7 =	veq.s32 v17, v7;
	v17 =	vsel vm4, v21, v23;
	v20 =	vadd.s32 v29, v20  }
0x529: {  	v26 =	vadd.s32 v26, v31;
	vm10 =	vmor vm8, vm7;
	v20 =	vadd.s32 $0xFFFFFFFF, v20  }
0x52a: {  	vm7 =	veq.s32 v27, v10;
	v23 =	vmpcnt.ones.xlane vm10;
	v29 =	vnsel vm5, $0x0, v20  }
0x52b: {  	v21 =	vld.idx.msk [tilespmem:v7+s13+$0x0], $0xffff;
	v32 =	vshra.s32 v17, $0x11;
	vm4 =	vmor vm7, vm9;
	v27 =	vsel vm10, $0x1, v1  }
0x52c: {  	s20 =	simm.s32 $0x0;
	s21 =	simm.s32 $0xC0;
	v31 =	vadd.s32 $0x4000, v32;
	v30 =	vsel vm4, $0x1, v1;
	(xrf0) =	vadd.scan.msk.s32 $0xffff, v27;
	v27 =	vadd.s32 v24, v23;
	v20 =	vld.idx.msk [tilespmem:v10+s13+$0x0], $0xffff  }
.LBB2_60:
0x52d: {  	vm9 =	veq.s32 v31, v10  }
0x52e: {  	v32 =	vld [tilespmem:s21+$0xFFFFFFD0];
	s20 =	sadd.s32 $0x8, s20;
	vm11 =	veq.s32 v31, v7;
	v23 =	vmovc v22;
	vm8 =	vmmov vm6;
	vm7 =	vmmov vm10  }
0x52f: {  	vm6 =	veq.s32 v28, v7;
	v22 =	vld [tilespmem:s21+$0x10];
	p0 =	slt.u32 s20, $0x7F8;
	[tilespmem:v29+s13+$0x0] =	vst.idx.msk vm5, v18;
	v18 =	vadd.s32 $0xFFFFFFFF, v26;
	vm5 =	veq.s32 v28, v10  }
0x530: {  	v28 =	vsel vm3, $0x1, v1;
	v26 =	vld [tilespmem:s21+$0x30];
	v18 =	vnsel vm2, $0x0, v18;
	vm10 =	vmor vm5, vm6  }
0x531: {  	vm9 =	vmor vm9, vm11;
	v29 =	vld [tilespmem:s21+$0x0];
	v31 =	vsel vm10, $0x1, v1;
	v33 =	vmpcnt.ones.xlane vm10  }
0x532: {  	v25 =	vadd.s32 v25, v27;
	v35 =	vmpcnt.ones.xlane vm3;
	v36 =	vsel vm9, $0x1, v1;
	v34 =	vld [tilespmem:s21+$0x20];
	v37, _, _ =	vpop (xrf0)  }
0x533: {  	v38 =	vxor.u32 $0x7FFFFFFF, v32;
	vm5 =	vlt.s32 v32, $0x0;
	v39 =	vld [tilespmem:s21+$0xFFFFFFE0];
	v37 =	vadd.s32 v37, v24  }
0x534: {  	v40 =	vadd.s32 $0xFFFFFFFF, v25;
	v24 =	vsel vm5, v38, v32;
	v32 =	vld [tilespmem:s21+$0xFFFFFFF0];
	v38 =	vxor.u32 $0x7FFFFFFF, v22  }
0x535: {  	v42 =	vmpcnt.ones.xlane vm9;
	vm5 =	vlt.s32 v22, $0x0;
	v25 =	vld [tilespmem:s21+$0xFFFFFFC0];
	v41 =	vshra.s32 v24, $0x11;
	(xrf0) =	vadd.scan.msk.s32 $0xffff, v31  }
0x536: {  	v43 =	vmpcnt.ones.xlane vm4;
	v31 =	vxor.u32 $0x7FFFFFFF, v29;
	vm6 =	vlt.s32 v29, $0x0;
	(xrf0) =	vadd.scan.msk.s32 $0xffff, v30  }
0x537: {  	vm11 =	vlt.s32 v26, $0x0;
	v30 =	vadd.s32 $0x4000, v41;
	v29 =	vsel vm6, v31, v29;
	[tilespmem:v18+s13+$0x0] =	vst.idx.msk vm2, v12;
	v12 =	vmovc v24  }
0x538: {  	vm2 =	veq.s32 v30, v10;
	vm6 =	veq.s32 v30, v7;
	v30 =	vxor.u32 $0x7FFFFFFF, v26  }
0x539: {  	v31 =	vsel vm5, v38, v22;
	vm2 =	vmor vm2, vm6;
	vm6 =	vlt.s32 v32, $0x0  }
0x53a: {  	v41 =	vadd.s32 v27, v19;
	v18 =	vxor.u32 $0x7FFFFFFF, v32;
	vm5 =	vlt.s32 v25, $0x0  }
0x53b: {  	v27 =	vadd.s32 v41, v33;
	v24 =	vmpcnt.ones.xlane vm2;
	v22 =	vxor.u32 $0x7FFFFFFF, v25;
	v33, _, _ =	vpop (xrf0)  }
0x53c: {  	v38 =	vshra.s32 v29, $0x11;
	v32 =	vsel vm6, v18, v32;
	v33 =	vadd.s32 v33, v41;
	v19, _, _ =	vpop (xrf0);
	(xrf0) =	vadd.scan.msk.s32 $0xffff, v36  }
0x53d: {  	v18 =	vsel vm5, v22, v25;
	v22 =	vshra.s32 v32, $0x11;
	v19 =	vadd.s32 v19, v27  }
0x53e: {  	v25 =	vshra.s32 v18, $0x11;
	v22 =	vadd.s32 $0x4000, v22;
	v36 =	vxor.u32 $0x7FFFFFFF, v34  }
0x53f: {  	v25 =	vadd.s32 $0x4000, v25;
	vm6 =	veq.s32 v22, v10;
	v41 =	vadd.s32 $0xFFFFFFFF, v19;
	(xrf0) =	vadd.scan.msk.s32 $0xffff, v28  }
0x540: {  	vm12 =	veq.s32 v22, v7;
	vm5 =	veq.s32 v25, v10;
	v28 =	vxor.u32 $0x7FFFFFFF, v39  }
0x541: {  	vm14 =	vlt.s32 v34, $0x0;
	vm13 =	veq.s32 v25, v7;
	v19 =	vsel vm2, $0x1, v1  }
0x542: {  	v44 =	vshra.s32 v31, $0x11;
	vm6 =	vmor vm6, vm12;
	vm5 =	vmor vm5, vm13;
	(xrf0) =	vadd.scan.msk.s32 $0xffff, v19;
	v25, _, _ =	vpop (xrf0)  }
0x543: {  	vm12 =	vlt.s32 v39, $0x0;
	v22 =	vsel vm6, $0x1, v1;
	v19 =	vmpcnt.ones.xlane vm6  }
0x544: {  	v41 =	vnsel vm4, $0x0, v41;
	v45 =	vsel vm5, $0x1, v1;
	v46 =	vmpcnt.ones.xlane vm5;
	(xrf0) =	vadd.scan.msk.s32 $0xffff, v22  }
0x545: {  	v34 =	vsel vm14, v36, v34;
	v27 =	vadd.s32 v27, v43;
	v22 =	vsel vm12, v28, v39;
	(xrf0) =	vadd.scan.msk.s32 $0xffff, v45;
	v36, _, _ =	vpop (xrf0)  }
0x546: {  	v33 =	vadd.s32 $0xFFFFFFFF, v33;
	v28 =	vadd.s32 $0x4000, v38;
	v36 =	vadd.s32 v36, v27  }
0x547: {  	v39 =	vshra.s32 v34, $0x11;
	v27 =	vadd.s32 v27, v35;
	v36 =	vadd.s32 $0xFFFFFFFF, v36  }
0x548: {  	v35 =	vadd.s32 $0x4000, v39;
	v39 =	vadd.s32 v27, v42;
	v38, _, _ =	vpop (xrf0);
	v36 =	vnsel vm3, $0x0, v36  }
0x549: {  	v33 =	vnsel vm10, $0x0, v33;
	v42 =	vadd.s32 v39, v46;
	[tilespmem:v41+s13+$0x0] =	vst.idx.msk vm4, v16;
	v16 =	vadd.s32 v25, v27  }
0x54a: {  	v24 =	vadd.s32 v42, v24;
	v27 =	vshra.s32 v22, $0x11;
	v25, _, _ =	vpop (xrf0);
	v45 =	vadd.s32 $0xFFFFFFFF, v16  }
0x54b: {  	vm4 =	veq.s32 v35, v7;
	v27 =	vadd.s32 $0x4000, v27;
	v41, _, _ =	vpop (xrf0);
	v43 =	vnsel vm9, $0x0, v45  }
0x54c: {  	vm13 =	veq.s32 v35, v10;
	v35 =	vnsel vm8, $0x0, v40;
	vm12 =	veq.s32 v27, v10;
	v16 =	vmovc v31  }
0x54d: {  	v37 =	vadd.s32 $0xFFFFFFFF, v37;
	v31 =	vadd.s32 v41, v39;
	[tilespmem:v36+s13+$0x0] =	vst.idx.msk vm3, v14;
	vm3 =	vmor vm13, vm4;
	v14 =	vmovc v34  }
0x54e: {  	v31 =	vadd.s32 $0xFFFFFFFF, v31;
	v34 =	vadd.s32 $0x4000, v44;
	v36 =	vnsel vm7, $0x0, v37;
	[tilespmem:v33+s13+$0x0] =	vst.idx.msk vm10, v13;
	v13 =	vmovc v29  }
.Ltmp43:
0x54f: {  	vm4 =	veq.s32 v27, v7;
	v29 =	vnsel vm5, $0x0, v31;
	vm13 =	veq.s32 v34, v7;
	(pc) =	sbr.rel @p0 .LBB2_60-.Ltmp43, $4  }
0x550: {  	vm10 =	vmor vm12, vm4;
	vm4 =	veq.s32 v34, v10;
	[tilespmem:v43+s13+$0x0] =	vst.idx.msk vm9, v17;
	v17 =	vsel vm11, v30, v26  }
0x551: {  	v27 =	vmpcnt.ones.xlane vm10;
	vm4 =	vmor vm4, vm13;
	v26 =	vsel vm10, $0x1, v1  }
0x552: {  	v30 =	vsel vm4, $0x1, v1;
	v31 =	vshra.s32 v17, $0x11;
	(xrf0) =	vadd.scan.msk.s32 $0xffff, v26;
	[tilespmem:v35+s13+$0x0] =	vst.idx.msk vm8, v11;
	v11 =	vmovc v32  }
0x553: {  	s21 =	sadd.s32 $0x80, s21;
	v27 =	vadd.s32 v24, v27;
	v26 =	vadd.s32 v38, v42;
	v31 =	vadd.s32 $0x4000, v31;
	[tilespmem:v36+s13+$0x0] =	vst.idx.msk vm7, v23  }
0x554: {  	vm7 =	veq.s32 v28, v10;
	vm8 =	veq.s32 v28, v7  }
0x555: {  	vm8 =	vmor vm7, vm8  }
0x556: {  	vm13 =	veq.s32 v31, v10;
	vm9 =	veq.s32 v31, v7;
	v23 =	vsel vm8, $0x1, v1  }
0x557: {  	vm7 =	vmor vm13, vm9;
	(xrf0) =	vadd.scan.msk.s32 $0xffff, v23  }
0x558: {  	v48 =	vsel vm7, $0x1, v1;
	(xrf0) =	vadd.scan.msk.s32 $0xffff, v30  }
0x559: {  	v49 =	vsel vm3, $0x1, v1;
	vm14 =	veq.s32 v15, v0;
	vm11 =	veq.s32 v10, v7;
	(xrf0) =	vadd.scan.msk.s32 $0xffff, v48  }
0x55a: {  	v50 =	vsel vm11, $0x0, v21;
	v9 =	vnsel vm14, $0x0, v9;
	(xrf0) =	vadd.scan.msk.s32 $0xffff, v49  }
0x55b: {  	(xrf0) =	vadd.scan.msk.s32 $0xffff, v9;
	v9 =	vnsel vm14, $0x0, v4;
	v4 =	vadd.s32 v20, v50  }
0x55c: {  	v51, _, _ =	vpop (xrf0);
	(xrf0) =	vadd.scan.msk.s32 $0xffff, v9;
	v9 =	vxor.u32 $0x80000000, v4;
	_ =	sdelay $0x1  }
0x55d: {  	v52, _, _ =	vpop (xrf0);
	(xrf0) =	vmax.scan.msk.u32 $0xffff, v9  }
0x55e: {  	v9, _, _ =	vpop (xrf0)  }
0x55f: {  	v23, _, _ =	vpop (xrf0)  }
0x560: {  	v28, _, _ =	vpop (xrf0)  }
0x561: {  	v53, _, _ =	vpop (xrf0)  }
0x562: {  	(v2sf) =	vpush v53, $0xF;
	v54, _, _ =	vpop (xrf0)  }
0x563: {  	(v2sf) =	vpush v54, $0xF;
	v55, _, _ =	vpop (xrf0)  }
0x564: {  	(v2sf) =	vpush v55, $0xF;
	_ =	sdelay $0x7  }
0x565: {  	v56 =	vmpcnt.ones.xlane vm8  }
0x566: {  	v26 =	vadd.s32 $0xFFFFFFFF, v26;
	v57 =	vmpcnt.ones.xlane vm4;
	v19 =	vadd.s32 v27, v19  }
0x567: {  	vm6 =	vmmov vm6;
	v25 =	vadd.s32 v25, v27;
	v30 =	vadd.s32 v19, v56  }
0x568: {  	v58 =	vmpcnt.ones.xlane vm3;
	v62 =	vadd.s32 $0xFFFFFFFF, v25;
	v9 =	vadd.s32 v9, v30  }
0x569: {  	v26 =	vnsel vm2, $0x0, v26;
	v63 =	vnsel vm6, $0x0, v62;
	v9 =	vadd.s32 $0xFFFFFFFF, v9  }
0x56a: {  	v19 =	vadd.s32 v52, v19;
	v30 =	vadd.s32 v30, v57;
	v9 =	vnsel vm4, $0x0, v9;
	s0 =	spop (v2sf)  }
0x56b: {  	v19 =	vadd.s32 $0xFFFFFFFF, v19;
	v60 =	vadd.s32 v30, v58;
	v59 =	vadd.s32 v28, v30;
	s1 =	spop (v2sf)  }
0x56c: {  	v19 =	vnsel vm8, $0x0, v19;
	v23 =	vadd.s32 v23, v60;
	v21 =	vadd.s32 $0xFFFFFFFF, v59;
	s15 =	spop (v2sf)  }
0x56d: {  	[tilespmem:v29+s13+$0x0] =	vst.idx.msk vm5, v18;
	v61 =	vadd.s32 v51, v24;
	v23 =	vadd.s32 $0xFFFFFFFF, v23;
	v21 =	vnsel vm3, $0x0, v21;
	s15 =	sadd.s32 $0x8000000F, s15  }
0x56e: {  	vm15 =	vmmov vm10;
	[tilespmem:v26+s13+$0x0] =	vst.idx.msk vm2, v12;
	v18 =	vadd.s32 $0xFFFFFFFF, v61;
	v23 =	vnsel vm7, $0x0, v23;
	s0 =	sadd.s32 s0, s18;
	s20 =	sand.u32 $0xF, s15  }
0x56f: {  	[tilespmem:v9+s13+$0x0] =	vst.idx.msk vm4, v16;
	v9 =	vnsel vm15, $0x0, v18;
	s29 =	sshra.s32 s15, $0x1F;
	p1 =	slt.s32 s15, $0x1;
	p0 =	sne.s32 s20, $0x0  }
.Ltmp44:
0x570: {  	[tilespmem:v63+s13+$0x0] =	vst.idx.msk vm6, v11;
	s30 =	sshrl.u32 s29, $0x1C;
	p0 =	por !p1, !p0;
	(pc) =	sbr.rel .LBB2_62-.Ltmp44, $4  }
0x571: {  	[tilespmem:v19+s13+$0x0] =	vst.idx.msk vm8, v13;
	s18 =	simm.s32 $0x1;
	s15 =	sadd.s32 s30, s15;
	p0 =	por !p0, !p0  }
0x572: {  	[tilespmem:v21+s13+$0x0] =	vst.idx.msk vm3, v14;
	s0 =	ssub.s32 s1, s0;
	s31 =	sshra.s32 s15, $0x4;
	s18 =	simm.s32 @!p0 $0x0  }
0x573: {  	v10 =	vshll.u32 v10, $0x11;
	[tilespmem:v23+s13+$0x0] =	vst.idx.msk vm7, v17;
	s0 =	sadd.s32 $0x66D, s0;
	s18 =	ssub.s32 s31, s18  }
0x574: {  	s21 =	simm.s32 $0x0;
	v10 =	vxor.u32 $0x80000000, v10;
	[tilespmem:v9+s13+$0x0] =	vst.idx.msk vm10, v22;
	v9 =	vimm.s32 $0x0;
	v11 =	vadd.s32 s0, v50;
	s20 =	simm.s32 $0x0;
	p0 =	slt.s32 s18, $0x1  }
.LBB2_65:
0x575: {  	vm2 =	vmand vm3, vm2  }
0x576: {  	v13 =	vmpcnt.ones.xlane vm2;
	_ =	sdelay $0x1  }
0x577: {  	v13 =	vadd.s32 v14, v13  }
.LBB2_66:
0x578: {  	s21 =	sadd.s32 $0x1, s21  }
0x579: {  	p1 =	sne.s32 s21, $0x11  }
.Ltmp45:
0x57a: {  	_ = 	snop;
	(pc) =	sbr.rel @!p1 .LBB2_67-.Ltmp45, $3  }
0x57b: {  	_ =	sdelay $0x1  }
0x57c: {  	vm2 =	vlt.s32 v13, v11  }
0x57d: {  	v9 =	vsel vm2, v9, v12  }
.LBB2_62:
.Ltmp46:
0x57e: {  	s0 =	ssub.s32 $0x10, s21;
	(pc) =	sbr.rel @p0 .LBB2_66-.Ltmp46, $3  }
0x57f: {  	v12 =	vshll.u32 v2, s0  }
0x580: {  	v12 =	vbroadcast v12, $0x0;
	_ =	sdelay $0x1  }
0x581: {  	v13 =	vimm.s32 $0x0;
	v12 =	vor.u32 v9, v12  }
0x582: {  	s0 =	simm.s32 $0x10000  }
0x583: {  	p1 =	sne.s32 s18, $0x1;
	v14 =	vld [tilespmem:s0+$0x0]  }
.Ltmp47:
0x584: {  	_ = 	snop;
	(pc) =	sbr.rel @!p1 .LBB2_65-.Ltmp47, $3  }
0x585: {  	_ =	sdelay $0x1  }
0x586: {  	v13 =	vadd.s32 v10, v12;
	v15 =	vor.u32 s20, v0  }
0x587: {  	s22 =	sadd.s32 $0xFFFFFFFF, s18;
	s23 =	simm.s32 $0x10010;
	s24 =	simm.s32 $0x0;
	vm3 =	vlt.s32 v15, v4;
	vm2 =	vge.s32 v14, v13;
	v14 =	vimm.s32 $0x0  }
.LBB2_64:
0x588: {  	v15 =	vld [tilespmem:s23+$0x0];
	p1 =	sne.s32 s22, $0x1;
	s22 =	sadd.s32 $0xFFFFFFFF, s22;
	vm2 =	vmand vm3, vm2  }
.Ltmp48:
0x589: {  	v16 =	vmpcnt.ones.xlane vm2;
	(pc) =	sbr.rel @p1 .LBB2_64-.Ltmp48, $4  }
0x58a: {  	_ = 	snop  }
0x58b: {  	s24 =	sadd.s32 $0x10, s24;
	v14 =	vadd.s32 v14, v16  }
0x58c: {  	v16 =	vor.u32 s24, v0  }
0x58d: {  	s23 =	sadd.s32 $0x10, s23;
	vm3 =	vlt.s32 v16, v4;
	vm2 =	vge.s32 v15, v13  }
.Ltmp49:
0x58e: {  	_ = 	snop;
	(pc) =	sbr.rel .LBB2_65-.Ltmp49, $1  }
0x58f: {  	_ =	sdelay $0x3  }
.LBB2_67:
0x590: {  	vm2 =	veq.s32 v8, v0  }
0x591: {  	v6 =	vnsel vm2, $0x0, v6  }
0x592: {  	v5 =	vnsel vm2, $0x0, v5;
	(xrf0) =	vadd.scan.msk.s32 $0xffff, v6  }
0x593: {  	(xrf0) =	vadd.scan.msk.s32 $0xffff, v5;
	_ =	sdelay $0x4  }
0x594: {  	v5, _, _ =	vpop (xrf0)  }
0x595: {  	(v2sf) =	vpush v5, $0xF;
	v5, _, _ =	vpop (xrf0)  }
0x596: {  	(v2sf) =	vpush v5, $0xF;
	_ =	sdelay $0xd  }
.Ltmp50:
0x597: {  	s0 =	spop (v2sf);
	(pc) =	sbr.rel .LBB2_68-.Ltmp50, $4  }
0x598: {  	s1 =	spop (v2sf);
	s0 =	sadd.s32 s0, s19  }
0x599: {  	s0 =	ssub.s32 s1, s0  }
0x59a: {  	v6 =	vshll.u32 v7, $0x11;
	s0 =	sadd.s32 $0x7, s0  }
0x59b: {  	s20 =	simm.s32 $0x0;
	v6 =	vxor.u32 $0x80000000, v6;
	v5 =	vimm.s32 $0x0;
	s19 =	simm.s32 $0x0;
	v7 =	vmov s0  }
.LBB2_71:
0x59c: {  	vm2 =	vmand vm3, vm2  }
0x59d: {  	v11 =	vmpcnt.ones.xlane vm2;
	_ =	sdelay $0x1  }
0x59e: {  	v11 =	vadd.s32 v12, v11  }
.LBB2_72:
0x59f: {  	s20 =	sadd.s32 $0x1, s20  }
0x5a0: {  	p1 =	sne.s32 s20, $0x11  }
.Ltmp51:
0x5a1: {  	_ = 	snop;
	(pc) =	sbr.rel @!p1 .LBB2_73-.Ltmp51, $3  }
0x5a2: {  	_ =	sdelay $0x1  }
0x5a3: {  	vm2 =	vlt.s32 v11, v7  }
0x5a4: {  	v5 =	vsel vm2, v5, v8  }
.LBB2_68:
.Ltmp52:
0x5a5: {  	s0 =	ssub.s32 $0x10, s20;
	(pc) =	sbr.rel @p0 .LBB2_72-.Ltmp52, $3  }
0x5a6: {  	v8 =	vshll.u32 v2, s0  }
0x5a7: {  	v8 =	vbroadcast v8, $0x0;
	_ =	sdelay $0x1  }
0x5a8: {  	v11 =	vimm.s32 $0x0;
	v8 =	vor.u32 v5, v8  }
0x5a9: {  	s0 =	simm.s32 $0x10000  }
0x5aa: {  	p1 =	sne.s32 s18, $0x1;
	v12 =	vld [tilespmem:s0+$0x0]  }
.Ltmp53:
0x5ab: {  	_ = 	snop;
	(pc) =	sbr.rel @!p1 .LBB2_71-.Ltmp53, $3  }
0x5ac: {  	_ =	sdelay $0x1  }
0x5ad: {  	v11 =	vadd.s32 v6, v8;
	v13 =	vor.u32 s19, v0  }
0x5ae: {  	s21 =	sadd.s32 $0xFFFFFFFF, s18;
	s22 =	simm.s32 $0x10010;
	s23 =	simm.s32 $0x0;
	vm3 =	vlt.s32 v13, v4;
	vm2 =	vge.s32 v12, v11;
	v12 =	vimm.s32 $0x0  }
.LBB2_70:
0x5af: {  	v13 =	vld [tilespmem:s22+$0x0];
	p1 =	sne.s32 s21, $0x1;
	s21 =	sadd.s32 $0xFFFFFFFF, s21;
	vm2 =	vmand vm3, vm2  }
.Ltmp54:
0x5b0: {  	v14 =	vmpcnt.ones.xlane vm2;
	(pc) =	sbr.rel @p1 .LBB2_70-.Ltmp54, $4  }
0x5b1: {  	_ = 	snop  }
0x5b2: {  	s23 =	sadd.s32 $0x10, s23;
	v12 =	vadd.s32 v12, v14  }
0x5b3: {  	v14 =	vor.u32 s23, v0  }
0x5b4: {  	s22 =	sadd.s32 $0x10, s22;
	vm3 =	vlt.s32 v14, v4;
	vm2 =	vge.s32 v13, v11  }
.Ltmp55:
0x5b5: {  	_ = 	snop;
	(pc) =	sbr.rel .LBB2_71-.Ltmp55, $1  }
0x5b6: {  	_ =	sdelay $0x3  }
.LBB2_73:
0x5b7: {  	v4 =	vadd.s32 v6, v5  }
0x5b8: {  	v5 =	vadd.s32 v10, v9;
	v6 =	vxor.u32 $0x7FFFFFFF, v4;
	vm2 =	vlt.s32 v4, $0x0  }
0x5b9: {  	v7 =	vxor.u32 $0x7FFFFFFF, v5;
	v4 =	vsel vm2, v6, v4;
	vm2 =	vlt.s32 v5, $0x0  }
0x5ba: {  	v5 =	vsel vm2, v7, v5;
	v4 =	vsel vm0, $0x0, v4  }
0x5bb: {  	v4 =	vsel vm1, v5, v4  }
0x5bc: {  	[tilespmem:$0x18020] =	vst v4  }
0x5bd: {  	_ =	swait.ge [sflag:s14], $0x8000  }
0x5be: {  	[sflag:s14] =	ssyncset.done $0x0  }
0x5bf: {  	s18 =	simm.s32 $0x10040;
	[sflag:s14] =	ssyncadd.s32 $0xFFFF8000  }
0x5c0: {  	[tilespmem:s18+$0xFFFFFFC0] =	vst v1  }
0x5c1: {  	[tilespmem:s18+$0x30] =	vst v1  }
0x5c2: {  	[tilespmem:s18+$0x20] =	vst v1  }
0x5c3: {  	[tilespmem:s18+$0x10] =	vst v1  }
0x5c4: {  	[tilespmem:s18+$0x0] =	vst v1  }
0x5c5: {  	[tilespmem:s18+$0xFFFFFFF0] =	vst v1  }
0x5c6: {  	s19 =	simm.s32 $0x0;
	[tilespmem:s18+$0xFFFFFFE0] =	vst v1  }
.LBB2_74:
0x5c7: {  	s19 =	sadd.s32 $0x8, s19;
	[tilespmem:s18+$0xFFFFFFD0] =	vst v1;
	s18 =	sadd.s32 $0x80, s18  }
0x5c8: {  	[tilespmem:s18+$0xFFFFFFC0] =	vst v1;
	p0 =	slt.u32 s19, $0x7F8  }
0x5c9: {  	[tilespmem:s18+$0x30] =	vst v1  }
.Ltmp56:
0x5ca: {  	[tilespmem:s18+$0x20] =	vst v1;
	(pc) =	sbr.rel @p0 .LBB2_74-.Ltmp56, $4  }
0x5cb: {  	[tilespmem:s18+$0x10] =	vst v1  }
0x5cc: {  	[tilespmem:s18+$0x0] =	vst v1  }
0x5cd: {  	[tilespmem:s18+$0xFFFFFFF0] =	vst v1  }
0x5ce: {  	[tilespmem:s18+$0xFFFFFFE0] =	vst v1  }
0x5cf: {  	[tilespmem:s18+$0xFFFFFFD0] =	vst v1;
	s0 =	simm.s32 $0x8040  }
0x5d0: {  	v4 =	vld [tilespmem:s0+$0x10];
	_ =	sdelay $0x1  }
0x5d1: {  	v5 =	vld [tilespmem:s0+$0xFFFFFFC0];
	_ =	sdelay $0x1  }
0x5d2: {  	v6 =	vld [tilespmem:s0+$0x20]  }
0x5d3: {  	v7 =	vshra.s32 v4, $0x11  }
0x5d4: {  	v9 =	vld [tilespmem:s0+$0xFFFFFFD0];
	vm2 =	vlt.s32 v4, $0x0;
	v4 =	vxor.u32 $0x3FFF, v7  }
0x5d5: {  	v10 =	vld [tilespmem:s0+$0x30];
	v4 =	vsel vm2, v4, v7;
	v7 =	vshra.s32 v5, $0x11  }
0x5d6: {  	v12 =	vld [tilespmem:s0+$0x0];
	vm2 =	vlt.s32 v5, $0x0;
	v11 =	vadd.s32 $0x4000, v4;
	v4 =	vxor.u32 $0x3FFF, v7  }
0x5d7: {  	v5 =	vshra.s32 v6, $0x11;
	v4 =	vsel vm2, v4, v7  }
0x5d8: {  	vm3 =	vlt.s32 v6, $0x0;
	v7 =	vxor.u32 $0x3FFF, v5;
	v6 =	vadd.s32 $0x4000, v4;
	v4 =	vld [tilespmem:s0+$0xFFFFFFE0]  }
0x5d9: {  	v5 =	vsel vm3, v7, v5  }
0x5da: {  	v8 =	vshra.s32 v9, $0x11;
	v5 =	vadd.s32 $0x4000, v5  }
0x5db: {  	vm4 =	vlt.s32 v12, $0x0;
	vm2 =	vlt.s32 v10, $0x0;
	v10 =	vshra.s32 v10, $0x11;
	v7 =	vld [tilespmem:s0+$0xFFFFFFF0]  }
0x5dc: {  	s18 =	simm.s32 $0x0;
	s19 =	simm.s32 $0x80C0;
	vm3 =	vlt.s32 v9, $0x0;
	v9 =	vxor.u32 $0x3FFF, v8;
	[tilespmem:v11+s13+$0x0] =	vst.idx.add.s32.msk $0xffff, v2;
	v11 =	vshra.s32 v12, $0x11  }
.LBB2_76:
0x5dd: {  	s18 =	sadd.s32 $0x8, s18;
	[tilespmem:v6+s13+$0x0] =	vst.idx.add.s32.msk $0xffff, v2;
	vm5 =	vlt.s32 v4, $0x0;
	v6 =	vxor.u32 $0x3FFF, v11;
	v12 =	vxor.u32 $0x3FFF, v10  }
0x5de: {  	v4 =	vshra.s32 v4, $0x11;
	v13 =	vld [tilespmem:s19+$0x10];
	p0 =	slt.u32 s18, $0x7F8;
	v6 =	vsel vm4, v6, v11;
	v10 =	vsel vm2, v12, v10  }
0x5df: {  	v8 =	vsel vm3, v9, v8;
	v9 =	vxor.u32 $0x3FFF, v4;
	[tilespmem:v5+s13+$0x0] =	vst.idx.add.s32.msk $0xffff, v2;
	v5 =	vadd.s32 $0x4000, v10  }
0x5e0: {  	v4 =	vsel vm5, v9, v4;
	v6 =	vadd.s32 $0x4000, v6;
	v10 =	vld [tilespmem:s19+$0xFFFFFFC0]  }
0x5e1: {  	v8 =	vadd.s32 $0x4000, v8;
	v11 =	vadd.s32 $0x4000, v4;
	v9 =	vld [tilespmem:s19+$0xFFFFFFD0];
	v4 =	vshra.s32 v7, $0x11  }
0x5e2: {  	vm2 =	vlt.s32 v7, $0x0;
	v12 =	vld [tilespmem:s19+$0x20];
	v7 =	vxor.u32 $0x3FFF, v4  }
0x5e3: {  	v14 =	vshra.s32 v13, $0x11;
	v15 =	vld [tilespmem:s19+$0x30];
	v7 =	vsel vm2, v7, v4  }
0x5e4: {  	vm2 =	vlt.s32 v13, $0x0;
	v4 =	vld [tilespmem:s19+$0xFFFFFFE0];
	v13 =	vxor.u32 $0x3FFF, v14;
	v7 =	vadd.s32 $0x4000, v7  }
0x5e5: {  	v16 =	vshra.s32 v10, $0x11;
	v13 =	vsel vm2, v13, v14;
	[tilespmem:v6+s13+$0x0] =	vst.idx.add.s32.msk $0xffff, v2  }
0x5e6: {  	vm2 =	vlt.s32 v10, $0x0;
	v6 =	vxor.u32 $0x3FFF, v16;
	v10 =	vadd.s32 $0x4000, v13;
	[tilespmem:v5+s13+$0x0] =	vst.idx.add.s32.msk $0xffff, v2  }
0x5e7: {  	v5 =	vsel vm2, v6, v16;
	v13 =	vld [tilespmem:s19+$0x0];
	vm3 =	vlt.s32 v12, $0x0;
	v12 =	vshra.s32 v12, $0x11  }
.Ltmp57:
0x5e8: {  	v6 =	vadd.s32 $0x4000, v5;
	v5 =	vxor.u32 $0x3FFF, v12;
	vm2 =	vlt.s32 v15, $0x0;
	[tilespmem:v8+s13+$0x0] =	vst.idx.add.s32.msk $0xffff, v2;
	(pc) =	sbr.rel @p0 .LBB2_76-.Ltmp57, $4  }
0x5e9: {  	v5 =	vsel vm3, v5, v12;
	[tilespmem:v11+s13+$0x0] =	vst.idx.add.s32.msk $0xffff, v2  }
0x5ea: {  	v8 =	vshra.s32 v9, $0x11;
	v5 =	vadd.s32 $0x4000, v5;
	[tilespmem:v7+s13+$0x0] =	vst.idx.add.s32.msk $0xffff, v2  }
0x5eb: {  	vm3 =	vlt.s32 v9, $0x0;
	v9 =	vxor.u32 $0x3FFF, v8;
	[tilespmem:v10+s13+$0x0] =	vst.idx.add.s32.msk $0xffff, v2  }
0x5ec: {  	v10 =	vshra.s32 v15, $0x11;
	v7 =	vld [tilespmem:s19+$0xFFFFFFF0];
	vm4 =	vlt.s32 v13, $0x0;
	v11 =	vshra.s32 v13, $0x11;
	s19 =	sadd.s32 $0x80, s19  }
0x5ed: {  	_ = 	snop  }
0x5ee: {  	v12 =	vxor.u32 $0x3FFF, v11;
	v58 =	vxor.u32 $0x3FFF, v10;
	vm15 =	vlt.s32 v4, $0x0  }
0x5ef: {  	v4 =	vshra.s32 v4, $0x11;
	v8 =	vsel vm3, v9, v8;
	v11 =	vsel vm4, v12, v11  }
0x5f0: {  	v10 =	vsel vm2, v58, v10;
	v9 =	vxor.u32 $0x3FFF, v4;
	v8 =	vadd.s32 $0x4000, v8  }
0x5f1: {  	v11 =	vadd.s32 $0x4000, v11;
	v4 =	vsel vm15, v9, v4;
	v9 =	vshra.s32 v7, $0x11  }
0x5f2: {  	v10 =	vadd.s32 $0x4000, v10;
	vm2 =	vlt.s32 v7, $0x0;
	v7 =	vxor.u32 $0x3FFF, v9  }
0x5f3: {  	[tilespmem:v6+s13+$0x0] =	vst.idx.add.s32.msk $0xffff, v2;
	v4 =	vadd.s32 $0x4000, v4;
	v6 =	vsel vm2, v7, v9  }
0x5f4: {  	[tilespmem:v5+s13+$0x0] =	vst.idx.add.s32.msk $0xffff, v2;
	v5 =	vadd.s32 $0x4000, v6  }
0x5f5: {  	[tilespmem:v8+s13+$0x0] =	vst.idx.add.s32.msk $0xffff, v2  }
0x5f6: {  	[tilespmem:v11+s13+$0x0] =	vst.idx.add.s32.msk $0xffff, v2  }
0x5f7: {  	[tilespmem:v10+s13+$0x0] =	vst.idx.add.s32.msk $0xffff, v2  }
0x5f8: {  	[tilespmem:v4+s13+$0x0] =	vst.idx.add.s32.msk $0xffff, v2  }
0x5f9: {  	s0 =	simm.s32 $0x0;
	[tilespmem:v5+s13+$0x0] =	vst.idx.add.s32.msk $0xffff, v2  }
0x5fa: {  	v4 =	vld [tilespmem:s0+$0x17F00]  }
0x5fb: {  	v5 =	vld [tilespmem:s0+$0x17F10]  }
0x5fc: {  	v6 =	vld [tilespmem:s0+$0x17F20]  }
0x5fd: {  	v7 =	vld [tilespmem:s0+$0x17F30]  }
0x5fe: {  	v8 =	vld [tilespmem:s0+$0x17F40]  }
0x5ff: {  	v9 =	vld [tilespmem:s0+$0x17F50]  }
0x600: {  	v10 =	vld [tilespmem:s0+$0x17F60];
	v4 =	vadd.s32 v4, v5  }
0x601: {  	v5 =	vld [tilespmem:s0+$0x17F70];
	v4 =	vadd.s32 v6, v4  }
0x602: {  	v6 =	vld [tilespmem:s0+$0x17F80];
	v4 =	vadd.s32 v7, v4  }
0x603: {  	v7 =	vld [tilespmem:s0+$0x17F90];
	v4 =	vadd.s32 v8, v4  }
0x604: {  	v8 =	vld [tilespmem:s0+$0x17FA0];
	v4 =	vadd.s32 v9, v4  }
0x605: {  	v9 =	vld [tilespmem:s0+$0x17FB0];
	v4 =	vadd.s32 v10, v4  }
0x606: {  	v10 =	vld [tilespmem:s0+$0x17FC0];
	v4 =	vadd.s32 v5, v4  }
0x607: {  	v5 =	vld [tilespmem:s0+$0x17FD0];
	v4 =	vadd.s32 v6, v4  }
0x608: {  	v6 =	vld [tilespmem:s0+$0x17FE0];
	v4 =	vadd.s32 v7, v4  }
0x609: {  	s30 =	simm.s32 $0xFFFFFF00;
	v7 =	vld [tilespmem:s0+$0x17FF0];
	v4 =	vadd.s32 v8, v4  }
0x60a: {  	v11 =	vld [tilespmem:s30+$0x17F70];
	v4 =	vadd.s32 v9, v4  }
0x60b: {  	v8 =	vld [tilespmem:s30+$0x17F00];
	v4 =	vadd.s32 v10, v4  }
0x60c: {  	v4 =	vadd.s32 v5, v4;
	v5 =	vld [tilespmem:s30+$0x17F10]  }
0x60d: {  	v4 =	vadd.s32 v6, v4;
	v6 =	vld [tilespmem:s30+$0x17F20]  }
0x60e: {  	v4 =	vadd.s32 v7, v4;
	v7 =	vld [tilespmem:s30+$0x17F30]  }
0x60f: {  	(xrf0) =	vadd.scan.msk.s32 $0xffff, v4;
	v4 =	vld [tilespmem:s30+$0x17F40]  }
0x610: {  	v9 =	vld [tilespmem:s30+$0x17F50]  }
0x611: {  	v10 =	vld [tilespmem:s30+$0x17F60];
	v5 =	vadd.s32 v8, v5  }
0x612: {  	v59 =	vld [tilespmem:s30+$0x17F80];
	v5 =	vadd.s32 v6, v5  }
0x613: {  	s1 =	simm.s32 $0xFFFFFE00;
	v13 =	vld [tilespmem:s30+$0x17F90];
	v5 =	vadd.s32 v7, v5  }
0x614: {  	v60 =	vld [tilespmem:s1+$0x17F10];
	v4 =	vadd.s32 v4, v5  }
0x615: {  	v8 =	vld [tilespmem:s30+$0x17FA0];
	v4 =	vadd.s32 v9, v4  }
0x616: {  	v6 =	vld [tilespmem:s30+$0x17FB0];
	v14, _, _ =	vpop (xrf0);
	v4 =	vadd.s32 v10, v4  }
0x617: {  	v7 =	vld [tilespmem:s30+$0x17FC0];
	(v2sf) =	vpush v14, $0xF;
	v4 =	vadd.s32 v11, v4  }
0x618: {  	v5 =	vld [tilespmem:s30+$0x17FD0];
	v4 =	vadd.s32 v59, v4  }
0x619: {  	v9 =	vld [tilespmem:s30+$0x17FE0];
	v4 =	vadd.s32 v13, v4  }
0x61a: {  	v10 =	vld [tilespmem:s30+$0x17FF0];
	v4 =	vadd.s32 v8, v4  }
0x61b: {  	v11 =	vld [tilespmem:s1+$0x17F00];
	v4 =	vadd.s32 v6, v4  }
0x61c: {  	v61 =	vld [tilespmem:s1+$0x17F20];
	v4 =	vadd.s32 v7, v4  }
0x61d: {  	v8 =	vld [tilespmem:s1+$0x17F30];
	v4 =	vadd.s32 v5, v4  }
0x61e: {  	v6 =	vld [tilespmem:s1+$0x17F40];
	v4 =	vadd.s32 v9, v4  }
0x61f: {  	v7 =	vld [tilespmem:s1+$0x17F50];
	v4 =	vadd.s32 v10, v4  }
0x620: {  	v5 =	vadd.s32 v11, v60;
	v11 =	vld [tilespmem:s1+$0x17F60];
	(xrf0) =	vadd.scan.msk.s32 $0xffff, v4  }
0x621: {  	v5 =	vadd.s32 v61, v5;
	v9 =	vld [tilespmem:s1+$0x17F70]  }
0x622: {  	v5 =	vadd.s32 v8, v5  }
0x623: {  	v10 =	vld [tilespmem:s1+$0x17F80];
	v4 =	vadd.s32 v6, v5  }
0x624: {  	v8 =	vld [tilespmem:s1+$0x17F90];
	v4 =	vadd.s32 v7, v4  }
0x625: {  	s19 =	simm.s32 $0x0;
	s18 =	simm.s32 $0x7F;
	p1 =	por $0x1, $0x1;
	v62 =	vld [tilespmem:s1+$0x17FA0];
	v5 =	vadd.s32 v11, v4  }
0x626: {  	p3 =	por $0x1, $0x1;
	s24 =	simm.s32 $0xFFFFFD00;
	v63 =	vld [tilespmem:s1+$0x17FB0];
	v6 =	vadd.s32 v9, v5;
	s31 =	spop (v2sf);
	v9, _, _ =	vpop (xrf0)  }
0x627: {  	s22 =	simm.s32 $0x0;
	s26 =	simm.s32 $0xFFFFF000;
	v4 =	vld [tilespmem:s1+$0x17FC0];
	s23 =	sadd.s32 $0x0, s31;
	(v2sf) =	vpush v9, $0xF  }
0x628: {  	s20 =	simm.s32 $0x0;
	v5 =	vld [tilespmem:s1+$0x17FD0];
	v7 =	vadd.s32 v10, v6;
	p2 =	sgt.s32 s23, $0x66C;
	p4 =	sgt.s32 s23, $0x6  }
0x629: {  	s25 =	simm.s32 $0x0;
	v6 =	vld [tilespmem:s1+$0x17FE0];
	v8 =	vadd.s32 v8, v7;
	p1 =	por !p1, !p2;
	p3 =	por !p3, !p4  }
0x62a: {  	s21 =	simm.s32 $0x0;
	v7 =	vld [tilespmem:s1+$0x17FF0];
	v10 =	vadd.s32 v62, v8;
	p2 =	por !p1, !p1;
	p1 =	por !p3, !p3  }
0x62b: {  	v8 =	vld [tilespmem:s24+$0x17F00];
	p0 =	slt.s32 s23, $0x66D;
	v9 =	vadd.s32 v63, v10;
	s22 =	smov.u32 @p2 s18;
	s20 =	smov.u32 @p1 s20  }
.LBB2_78:
0x62c: {  	p3 =	seq.s32 s26, $0xFFFE0400;
	v10 =	vld [tilespmem:s24+$0x17F10];
	v4 =	vadd.s32 v4, v9;
	s19 =	smov.u32 @p2 s25;
	s21 =	smov.u32 @p1 s18  }
0x62d: {  	s25 =	smov.u32 s23;
	v9 =	vld [tilespmem:s24+$0x17F20];
	v4 =	vadd.s32 v5, v4  }
0x62e: {  	v5 =	vld [tilespmem:s24+$0x17F30];
	v4 =	vadd.s32 v6, v4  }
0x62f: {  	v6 =	vld [tilespmem:s24+$0x17F40];
	v4 =	vadd.s32 v7, v4  }
0x630: {  	v7 =	vld [tilespmem:s24+$0x17F50];
	(xrf0) =	vadd.scan.msk.s32 $0xffff, v4  }
0x631: {  	v4 =	vld [tilespmem:s24+$0x17F60];
	v8 =	vadd.s32 v8, v10  }
0x632: {  	v10 =	vld [tilespmem:s24+$0x17F70];
	v8 =	vadd.s32 v9, v8  }
0x633: {  	v9 =	vld [tilespmem:s24+$0x17F80];
	v5 =	vadd.s32 v5, v8  }
0x634: {  	v8 =	vld [tilespmem:s24+$0x17F90];
	v5 =	vadd.s32 v6, v5  }
0x635: {  	v11 =	vld [tilespmem:s24+$0x17FA0];
	v5 =	vadd.s32 v7, v5  }
0x636: {  	v12 =	vld [tilespmem:s24+$0x17FB0];
	v5 =	vadd.s32 v4, v5;
	v6, _, _ =	vpop (xrf0);
	s0 =	spop (v2sf)  }
.Ltmp58:
0x637: {  	s18 =	sadd.s32 $0xFFFFFFFF, s18;
	v4 =	vld [tilespmem:s24+$0x17FC0];
	v7 =	vadd.s32 v10, v5;
	(v2sf) =	vpush v6, $0xF;
	s23 =	sadd.s32 s23, s0;
	(pc) =	sbr.rel @!p3 .LBB2_78-.Ltmp58, $4  }
0x638: {  	p2 =	slt.s32 s25, $0x7;
	v5 =	vld [tilespmem:s24+$0x17FD0];
	v7 =	vadd.s32 v9, v7;
	p1 =	sgt.s32 s23, $0x66C;
	p4 =	sgt.s32 s23, $0x6  }
0x639: {  	v6 =	vld [tilespmem:s24+$0x17FE0];
	v8 =	vadd.s32 v8, v7;
	p1 =	por !p0, !p1;
	p0 =	slt.s32 s23, $0x66D;
	p4 =	por !p2, !p4  }
0x63a: {  	v7 =	vld [tilespmem:s24+$0x17FF0];
	s24 =	sshra.s32 s26, $0x2;
	v9 =	vadd.s32 v11, v8;
	p2 =	por !p1, !p1;
	p1 =	por !p4, !p4  }
0x63b: {  	s26 =	sadd.s32 $0xFFFFFC00, s26;
	v8 =	vld [tilespmem:s24+$0x17F00];
	v9 =	vadd.s32 v12, v9;
	s22 =	smov.u32 @p2 s18;
	s20 =	smov.u32 @p1 s25  }
0x63c: {  	v10 =	vld [tilespmem:s24+$0x17F10]  }
0x63d: {  	v11 =	vld [tilespmem:s24+$0x17F20]  }
0x63e: {  	v12 =	vld [tilespmem:s24+$0x17F30]  }
0x63f: {  	v13 =	vld [tilespmem:s24+$0x17F40]  }
0x640: {  	v14 =	vld [tilespmem:s24+$0x17F50]  }
0x641: {  	v57 =	vld [tilespmem:s24+$0x17F60];
	v8 =	vadd.s32 v8, v10  }
0x642: {  	v58 =	vld [tilespmem:s24+$0x17F70];
	v8 =	vadd.s32 v11, v8  }
0x643: {  	v59 =	vld [tilespmem:s24+$0x17F80];
	v8 =	vadd.s32 v12, v8  }
0x644: {  	v4 =	vadd.s32 v4, v9;
	v60 =	vld [tilespmem:s24+$0x17F90];
	v8 =	vadd.s32 v13, v8  }
0x645: {  	v61 =	vld [tilespmem:s24+$0x17FA0];
	v4 =	vadd.s32 v5, v4;
	v5 =	vadd.s32 v14, v8  }
0x646: {  	v4 =	vadd.s32 v6, v4;
	v6 =	vld [tilespmem:s24+$0x17FB0];
	v5 =	vadd.s32 v57, v5  }
0x647: {  	v4 =	vadd.s32 v7, v4;
	v7 =	vld [tilespmem:s24+$0x17FC0];
	v5 =	vadd.s32 v58, v5  }
0x648: {  	(xrf0) =	vadd.scan.msk.s32 $0xffff, v4;
	v4 =	vld [tilespmem:s24+$0x17FD0];
	v5 =	vadd.s32 v59, v5  }
0x649: {  	v62 =	vld [tilespmem:s24+$0x17FE0];
	v5 =	vadd.s32 v60, v5  }
0x64a: {  	v63 =	vld [tilespmem:s24+$0x17FF0];
	v5 =	vadd.s32 v61, v5  }
0x64b: {  	v5 =	vadd.s32 v6, v5  }
0x64c: {  	v5 =	vadd.s32 v7, v5  }
0x64d: {  	v4 =	vadd.s32 v4, v5  }
0x64e: {  	v4 =	vadd.s32 v62, v4  }
0x64f: {  	v4 =	vadd.s32 v63, v4  }
0x650: {  	(xrf0) =	vadd.scan.msk.s32 $0xffff, v4;
	_ =	sdelay $0x2  }
0x651: {  	v5, _, _ =	vpop (xrf0)  }
0x652: {  	(v2sf) =	vpush v5, $0xF;
	_ =	sdelay $0x1  }
0x653: {  	v4, _, _ =	vpop (xrf0)  }
0x654: {  	(v2sf) =	vpush v4, $0xF;
	_ =	sdelay $0x6  }
0x655: {  	s0 =	spop (v2sf)  }
0x656: {  	s19 =	smov.u32 @p2 s25;
	s21 =	smov.u32 @p1 s18;
	s0 =	sadd.s32 s23, s0  }
0x657: {  	p4 =	slt.s32 s23, $0x7;
	s15 =	sadd.s32 $0xFFFFFFFF, s18;
	p2 =	sgt.s32 s0, $0x66C  }
0x658: {  	p3 =	sgt.s32 s0, $0x6;
	p6 =	slt.s32 s0, $0x66D;
	p0 =	por !p0, !p2  }
0x659: {  	p5 =	por !p4, !p3;
	p3 =	slt.s32 s0, $0x7;
	p0 =	por !p0, !p0  }
0x65a: {  	p1 =	por !p5, !p5;
	s22 =	smov.u32 @p0 s15;
	s1 =	spop (v2sf)  }
0x65b: {  	s20 =	smov.u32 @p1 s23;
	s19 =	smov.u32 @p0 s23;
	s1 =	sadd.s32 s0, s1  }
0x65c: {  	s21 =	smov.u32 @p1 s15;
	s15 =	sadd.s32 $0xFFFFFFFF, s15;
	p1 =	sgt.s32 s1, $0x66C  }
0x65d: {  	p4 =	sgt.s32 s1, $0x6;
	p2 =	slt.s32 s1, $0x66D;
	s24 =	spop (v2sf)  }
0x65e: {  	p0 =	por !p6, !p1;
	p1 =	por !p3, !p4;
	s25 =	sadd.s32 s1, s24  }
0x65f: {  	p0 =	por !p0, !p0;
	p1 =	por !p1, !p1;
	p5 =	sgt.s32 s25, $0x66C  }
0x660: {  	s22 =	smov.u32 @p0 s15;
	s19 =	smov.u32 @p0 s0;
	p0 =	por !p2, !p5  }
0x661: {  	s20 =	smov.u32 @p1 s0;
	s0 =	sadd.s32 $0xFFFFFFFF, s15;
	p0 =	por !p0, !p0  }
0x662: {  	s29 =	simm.s32 $0xF0;
	s22 =	smov.u32 @p0 s0  }
0x663: {  	p6 =	slt.s32 s1, $0x7;
	p4 =	sgt.s32 s25, $0x6;
	s22 =	sshll.u32 s22, $0x8  }
0x664: {  	s30 =	sand.u32 $0x80, s29;
	p5 =	por !p6, !p4;
	s26 =	sand.u32 $0x3FFFFF00, s22  }
0x665: {  	s21 =	smov.u32 @p1 s15;
	p1 =	por !p5, !p5;
	s26 =	sadd.s32 $0x10000, s26  }
0x666: {  	s31 =	sand.u32 $0x70, s29;
	s21 =	smov.u32 @p1 s0;
	s0 =	sadd.s32 s30, s26  }
0x667: {  	s0 =	sadd.s32 s31, s0  }
0x668: {  	v4 =	vld [tilespmem:s0+$0x0];
	_ =	sdelay $0x4  }
0x669: {  	(xrf0) =	vadd.scan.msk.s32 $0xffff, v4;
	_ =	sdelay $0x2  }
0x66a: {  	s15 =	simm.s32 $0xE0  }
0x66b: {  	s18 =	sand.u32 $0x80, s15;
	s20 =	smov.u32 @p1 s1  }
0x66c: {  	s19 =	smov.u32 @p0 s1;
	s1 =	sadd.s32 s18, s26;
	s0 =	sand.u32 $0x70, s15  }
0x66d: {  	s24 =	simm.s32 $0xD0;
	s0 =	sadd.s32 s0, s1;
	v4, _, _ =	vpop (xrf0)  }
0x66e: {  	s29 =	sand.u32 $0x80, s24;
	s30 =	simm.s32 $0xC0;
	(v2sf) =	vpush v4, $0xF;
	v4 =	vld [tilespmem:s0+$0x0]  }
0x66f: {  	s31 =	sand.u32 $0x80, s30;
	s15 =	sand.u32 $0x70, s24;
	s1 =	sadd.s32 s29, s26  }
0x670: {  	s30 =	sand.u32 $0x70, s30;
	s31 =	sadd.s32 s31, s26;
	s29 =	sadd.s32 s15, s1  }
0x671: {  	s1 =	sadd.s32 s30, s31;
	v5 =	vld [tilespmem:s29+$0x0]  }
0x672: {  	v6 =	vld [tilespmem:s1+$0x0]  }
0x673: {  	(xrf0) =	vadd.scan.msk.s32 $0xffff, v4;
	_ =	sdelay $0x2  }
0x674: {  	(xrf0) =	vadd.scan.msk.s32 $0xffff, v5  }
0x675: {  	(xrf0) =	vadd.scan.msk.s32 $0xffff, v6;
	_ =	sdelay $0x1  }
0x676: {  	v5, _, _ =	vpop (xrf0)  }
0x677: {  	(v2sf) =	vpush v5, $0xF;
	_ =	sdelay $0x1  }
0x678: {  	s15 =	simm.s32 $0xB0;
	v5, _, _ =	vpop (xrf0)  }
0x679: {  	s18 =	sand.u32 $0x80, s15;
	(v2sf) =	vpush v5, $0xF;
	v5, _, _ =	vpop (xrf0)  }
0x67a: {  	s1 =	sadd.s32 s18, s26;
	s0 =	sand.u32 $0x70, s15;
	s29 =	spop (v2sf);
	(v2sf) =	vpush v5, $0xF  }
0x67b: {  	s0 =	sadd.s32 s0, s1  }
0x67c: {  	v4 =	vld [tilespmem:s0+$0x0];
	_ =	sdelay $0x1  }
0x67d: {  	s28 =	simm.s32 $0x90;
	s24 =	simm.s32 $0xA0  }
0x67e: {  	s30 =	sand.u32 $0x80, s24;
	s0 =	sand.u32 $0x70, s24;
	s24 =	sadd.s32 s19, s29  }
0x67f: {  	p0 =	slt.s32 s19, $0x66D;
	s31 =	sadd.s32 s30, s26;
	p6 =	sgt.s32 s24, $0x66C  }
0x680: {  	s23 =	simm.s32 $0x0;
	s0 =	sadd.s32 s0, s31;
	(xrf0) =	vadd.scan.msk.s32 $0xffff, v4;
	p0 =	por !p0, !p6  }
0x681: {  	s25 =	simm.s32 $0xF;
	s18 =	simm.s32 $0x0;
	v4 =	vld [tilespmem:s0+$0x0];
	p0 =	por !p0, !p0  }
.LBB2_80:
0x682: {  	s0 =	sand.u32 $0x80, s28;
	s23 =	smov.u32 @p0 s25;
	s18 =	smov.u32 @p0 s19  }
0x683: {  	s1 =	smov.u32 s28;
	s19 =	smov.u32 s24;
	p1 =	sne.s32 s28, $0x0  }
.Ltmp59:
0x684: {  	s28 =	sadd.s32 $0xFFFFFFF0, s28;
	s15 =	spop (v2sf);
	(pc) =	sbr.rel @p1 .LBB2_80-.Ltmp59, $4  }
0x685: {  	s1 =	sand.u32 $0x70, s1;
	s0 =	sadd.s32 s0, s26;
	s24 =	sadd.s32 s24, s15  }
0x686: {  	p0 =	slt.s32 s19, $0x66D;
	s0 =	sadd.s32 s1, s0;
	(xrf0) =	vadd.scan.msk.s32 $0xffff, v4;
	v5, _, _ =	vpop (xrf0);
	p2 =	sgt.s32 s24, $0x66C  }
0x687: {  	v4 =	vld [tilespmem:s0+$0x0];
	(v2sf) =	vpush v5, $0xF;
	p0 =	por !p0, !p2  }
0x688: {  	s25 =	sadd.s32 $0xFFFFFFFF, s25;
	p0 =	por !p0, !p0  }
0x689: {  	_ =	sdelay $0x2  }
0x68a: {  	(xrf0) =	vadd.scan.msk.s32 $0xffff, v4;
	_ =	sdelay $0x4  }
0x68b: {  	v4, _, _ =	vpop (xrf0)  }
0x68c: {  	(v2sf) =	vpush v4, $0xF;
	v4, _, _ =	vpop (xrf0)  }
0x68d: {  	(v2sf) =	vpush v4, $0xF;
	_ =	sdelay $0x5  }
0x68e: {  	s0 =	spop (v2sf)  }
0x68f: {  	s26 =	sadd.s32 s24, s0  }
0x690: {  	p1 =	slt.s32 s24, $0x66D;
	s29 =	spop (v2sf);
	p2 =	sgt.s32 s26, $0x66C  }
0x691: {  	s23 =	smov.u32 @p0 s25;
	s28 =	sadd.s32 s26, s29;
	p1 =	por !p1, !p2  }
0x692: {  	p4 =	slt.s32 s26, $0x66D;
	p3 =	sgt.s32 s28, $0x66C;
	s1 =	simm.s32 @!p1 $0x0  }
0x693: {  	s1 =	simm.s32 @p1 $0x1;
	p1 =	por !p4, !p3;
	p3 =	slt.s32 s28, $0x66D  }
0x694: {  	[smem:$0x7F0] =	sst s1;
	s1 =	simm.s32 @!p1 $0x0;
	s30 =	spop (v2sf)  }
0x695: {  	s1 =	simm.s32 @p1 $0x1;
	s15 =	sld [smem:$0x7F0];
	s29 =	sadd.s32 s28, s30  }
0x696: {  	[smem:$0x7F1] =	sst s1;
	p4 =	sgt.s32 s29, $0x66C;
	s31 =	spop (v2sf)  }
0x697: {  	p5 =	slt.s32 s29, $0x66D;
	s30 =	sadd.s32 s29, s31;
	s1 =	spop (v2sf)  }
0x698: {  	p6 =	sgt.s32 s30, $0x66C;
	s0 =	sadd.s32 s30, s1;
	s1 =	sld [smem:$0x7F1]  }
0x699: {  	p3 =	por !p3, !p4;
	p6 =	por !p5, !p6;
	p5 =	seq.s32 s15, $0x1  }
0x69a: {  	p3 =	por !p3, !p3;
	p2 =	slt.s32 s30, $0x66D;
	p5 =	por !p5, !p5  }
0x69b: {  	p1 =	sgt.s32 s0, $0x66C;
	s0 =	sadd.s32 $0xFFFFFFFF, s25;
	p4 =	seq.s32 s1, $0x1  }
0x69c: {  	s23 =	smov.u32 @p5 s0;
	s0 =	sadd.s32 $0xFFFFFFFF, s0;
	p4 =	por !p4, !p4  }
0x69d: {  	p2 =	por !p2, !p1;
	s23 =	smov.u32 @p4 s0;
	s0 =	sadd.s32 $0xFFFFFFFF, s0  }
0x69e: {  	p1 =	por !p6, !p6;
	s23 =	smov.u32 @p3 s0;
	s0 =	sadd.s32 $0xFFFFFFFF, s0  }
0x69f: {  	p2 =	por !p2, !p2;
	s23 =	smov.u32 @p1 s0;
	s0 =	sadd.s32 $0xFFFFFFFF, s0  }
0x6a0: {  	s23 =	smov.u32 @p2 s0  }
0x6a1: {  	s0 =	sshll.u32 s23, $0x4  }
0x6a2: {  	s21 =	sshll.u32 s21, $0x8;
	s22 =	sor.u32 s22, s0  }
0x6a3: {  	s31 =	sand.u32 $0x3FFFFF00, s21;
	s15 =	simm.s32 $0xF0;
	s0 =	sand.u32 $0x7FF0, s22  }
0x6a4: {  	s25 =	sadd.s32 $0x10000, s31;
	s23 =	sand.u32 $0x80, s15;
	v4 =	vld [tilespmem:s0+$0x10000]  }
0x6a5: {  	s31 =	sand.u32 $0x70, s15;
	s0 =	sadd.s32 s23, s25  }
0x6a6: {  	s0 =	sadd.s32 s31, s0  }
0x6a7: {  	v5 =	vld [tilespmem:s0+$0x0];
	_ =	sdelay $0x1  }
0x6a8: {  	v6 =	vperm.xlane v4, v3;
	_ =	sdelay $0x1  }
0x6a9: {  	(xrf0) =	vadd.scan.msk.s32 $0xffff, v6  }
0x6aa: {  	(xrf0) =	vadd.scan.msk.s32 $0xffff, v5;
	_ =	sdelay $0x2  }
0x6ab: {  	s1 =	simm.s32 $0xE0  }
0x6ac: {  	s23 =	sand.u32 $0x80, s1  }
0x6ad: {  	s0 =	sand.u32 $0x70, s1;
	s1 =	sadd.s32 s23, s25;
	v5, _, _ =	vpop (xrf0)  }
0x6ae: {  	s15 =	simm.s32 $0xD0;
	s0 =	sadd.s32 s0, s1;
	v6, _, _ =	vpop (xrf0)  }
0x6af: {  	s31 =	sand.u32 $0x80, s15;
	s23 =	simm.s32 $0xC0;
	(v2sf) =	vpush v6, $0xF;
	v6 =	vld [tilespmem:s0+$0x0]  }
0x6b0: {  	s15 =	sand.u32 $0x70, s15;
	s1 =	sadd.s32 s31, s25;
	s31 =	sand.u32 $0x80, s23  }
0x6b1: {  	s23 =	sand.u32 $0x70, s23;
	s15 =	sadd.s32 s15, s1;
	s31 =	sadd.s32 s31, s25  }
0x6b2: {  	v7 =	vld [tilespmem:s15+$0x0];
	s15 =	sadd.s32 s23, s31  }
0x6b3: {  	v8 =	vld [tilespmem:s15+$0x0]  }
0x6b4: {  	(xrf0) =	vadd.scan.msk.s32 $0xffff, v6;
	_ =	sdelay $0x2  }
0x6b5: {  	(xrf0) =	vadd.scan.msk.s32 $0xffff, v7  }
0x6b6: {  	(xrf0) =	vadd.scan.msk.s32 $0xffff, v8;
	_ =	sdelay $0x1  }
0x6b7: {  	s18 =	smov.u32 @p0 s19;
	v9 =	vperm.xlane v5, v3;
	v5, _, _ =	vpop (xrf0)  }
0x6b8: {  	s18 =	smov.u32 @p5 s24;
	(v2sf) =	vpush v5, $0xF  }
0x6b9: {  	s18 =	smov.u32 @p4 s26  }
0x6ba: {  	s18 =	smov.u32 @p3 s28;
	s23 =	simm.s32 $0xB0;
	v5, _, _ =	vpop (xrf0)  }
0x6bb: {  	s18 =	smov.u32 @p1 s29;
	s24 =	sand.u32 $0x80, s23;
	(v2sf) =	vpush v5, $0xF;
	v8, _, _ =	vpop (xrf0)  }
0x6bc: {  	s1 =	sadd.s32 s24, s25;
	s0 =	sand.u32 $0x70, s23;
	s29 =	spop (v2sf);
	(v2sf) =	vpush v8, $0xF  }
0x6bd: {  	s0 =	sadd.s32 s0, s1  }
0x6be: {  	v6 =	vld [tilespmem:s0+$0x0];
	_ =	sdelay $0x1  }
0x6bf: {  	s19 =	simm.s32 $0x0;
	p5 =	slt.s32 s20, $0x7;
	s26 =	simm.s32 $0xA0  }
0x6c0: {  	s18 =	smov.u32 @p2 s30;
	s30 =	sand.u32 $0x80, s26;
	s23 =	sadd.s32 s20, s29  }
0x6c1: {  	s31 =	sadd.s32 s30, s25;
	s0 =	sand.u32 $0x70, s26;
	v7 =	vadd.s32 s18, v9;
	p6 =	sgt.s32 s23, $0x6  }
0x6c2: {  	s28 =	simm.s32 $0x90;
	s0 =	sadd.s32 s0, s31;
	vm2 =	vgt.s32 v7, $0x66C;
	(xrf0) =	vadd.scan.msk.s32 $0xffff, v6;
	p0 =	por !p5, !p6  }
0x6c3: {  	s24 =	simm.s32 $0x0;
	s26 =	simm.s32 $0xF;
	v7 =	vmpcnt.ones.xlane vm2;
	v5 =	vld [tilespmem:s0+$0x0];
	p0 =	por !p0, !p0  }
.LBB2_82:
0x6c4: {  	s0 =	sand.u32 $0x80, s28;
	s24 =	smov.u32 @p0 s26;
	s19 =	smov.u32 @p0 s20  }
0x6c5: {  	s1 =	smov.u32 s28;
	s20 =	smov.u32 s23;
	p1 =	sne.s32 s28, $0x0  }
.Ltmp60:
0x6c6: {  	s28 =	sadd.s32 $0xFFFFFFF0, s28;
	s15 =	spop (v2sf);
	(pc) =	sbr.rel @p1 .LBB2_82-.Ltmp60, $4  }
0x6c7: {  	s1 =	sand.u32 $0x70, s1;
	s0 =	sadd.s32 s0, s25;
	s23 =	sadd.s32 s23, s15  }
0x6c8: {  	p0 =	slt.s32 s20, $0x7;
	s0 =	sadd.s32 s1, s0;
	(xrf0) =	vadd.scan.msk.s32 $0xffff, v5;
	v6, _, _ =	vpop (xrf0);
	p2 =	sgt.s32 s23, $0x6  }
0x6c9: {  	v5 =	vld [tilespmem:s0+$0x0];
	(v2sf) =	vpush v6, $0xF;
	p0 =	por !p0, !p2  }
0x6ca: {  	s26 =	sadd.s32 $0xFFFFFFFF, s26;
	p0 =	por !p0, !p0  }
0x6cb: {  	_ =	sdelay $0x2  }
0x6cc: {  	(xrf0) =	vadd.scan.msk.s32 $0xffff, v5;
	_ =	sdelay $0x4  }
0x6cd: {  	v5, _, _ =	vpop (xrf0)  }
0x6ce: {  	(v2sf) =	vpush v5, $0xF;
	v5, _, _ =	vpop (xrf0)  }
0x6cf: {  	(v2sf) =	vpush v5, $0xF;
	_ =	sdelay $0xa  }
0x6d0: {  	s0 =	spop (v2sf)  }
0x6d1: {  	s1 =	spop (v2sf);
	s0 =	sadd.s32 s23, s0  }
0x6d2: {  	s1 =	sadd.s32 s0, s1;
	s15 =	spop (v2sf)  }
0x6d3: {  	s15 =	sadd.s32 s1, s15;
	s25 =	spop (v2sf)  }
0x6d4: {  	s25 =	sadd.s32 s15, s25;
	s28 =	spop (v2sf)  }
0x6d5: {  	s28 =	sadd.s32 s25, s28  }
0x6d6: {  	p1 =	sgt.s32 s28, $0x6  }
0x6d7: {  	p2 =	slt.s32 s23, $0x7;
	p3 =	sgt.s32 s0, $0x6;
	s28 =	simm.s32 @!p1 $0x0  }
0x6d8: {  	s28 =	simm.s32 @p1 $0x1;
	p1 =	por !p2, !p3  }
0x6d9: {  	[smem:$0x7EE] =	sst s28;
	s28 =	simm.s32 @!p1 $0x0  }
0x6da: {  	p5 =	slt.s32 s0, $0x7;
	s28 =	simm.s32 @p1 $0x1;
	s29 =	sld [smem:$0x7EE]  }
0x6db: {  	p4 =	sgt.s32 s1, $0x6;
	p6 =	slt.s32 s15, $0x7;
	[smem:$0x7EF] =	sst s28  }
0x6dc: {  	p3 =	por !p5, !p4;
	p4 =	slt.s32 s1, $0x7;
	s30 =	sld [smem:$0x7EF]  }
0x6dd: {  	p5 =	sgt.s32 s15, $0x6;
	p2 =	slt.s32 s25, $0x7;
	p1 =	sgt.s32 s25, $0x6  }
0x6de: {  	p4 =	por !p4, !p5;
	p5 =	por !p6, !p1;
	p6 =	seq.s32 s29, $0x1  }
0x6df: {  	p6 =	por !p2, !p6;
	p2 =	seq.s32 s30, $0x1  }
0x6e0: {  	s24 =	smov.u32 @p0 s26;
	s26 =	sadd.s32 $0xFFFFFFFF, s26;
	p1 =	por !p2, !p2  }
0x6e1: {  	p2 =	por !p3, !p3;
	s24 =	smov.u32 @p1 s26;
	s26 =	sadd.s32 $0xFFFFFFFF, s26  }
0x6e2: {  	p3 =	por !p4, !p4;
	s24 =	smov.u32 @p2 s26;
	s26 =	sadd.s32 $0xFFFFFFFF, s26  }
0x6e3: {  	p5 =	por !p5, !p5;
	s24 =	smov.u32 @p3 s26;
	s26 =	sadd.s32 $0xFFFFFFFF, s26  }
0x6e4: {  	p4 =	por !p6, !p6;
	s24 =	smov.u32 @p5 s26;
	s26 =	sadd.s32 $0xFFFFFFFF, s26  }
0x6e5: {  	s24 =	smov.u32 @p4 s26  }
0x6e6: {  	s24 =	sshll.u32 s24, $0x4  }
0x6e7: {  	s21 =	sor.u32 s21, s24  }
0x6e8: {  	s24 =	sand.u32 $0x7FF0, s21  }
0x6e9: {  	v5 =	vld [tilespmem:s24+$0x10000];
	_ =	sdelay $0x4  }
0x6ea: {  	v6 =	vperm.xlane v5, v3;
	_ =	sdelay $0x1  }
0x6eb: {  	(xrf0) =	vadd.scan.msk.s32 $0xffff, v6;
	_ =	sdelay $0x2  }
0x6ec: {  	s19 =	smov.u32 @p0 s20;
	s31 =	simm.s32 $0x8040  }
0x6ed: {  	v11 =	vld [tilespmem:s31+$0xFFFFFFD0];
	s19 =	smov.u32 @p1 s23  }
0x6ee: {  	v17 =	vld [tilespmem:s31+$0xFFFFFFC0];
	s19 =	smov.u32 @p2 s0  }
0x6ef: {  	s19 =	smov.u32 @p3 s1;
	v6, _, _ =	vpop (xrf0)  }
0x6f0: {  	v14 =	vld [tilespmem:s31+$0x10];
	s19 =	smov.u32 @p5 s15;
	v6 =	vperm.xlane v6, v3  }
0x6f1: {  	v15 =	vadd.s32 $0xFFFFFFFF, v7;
	v13 =	vld [tilespmem:s31+$0x0];
	s19 =	smov.u32 @p4 s25  }
0x6f2: {  	v20 =	vimm.s32 $0x0;
	v10 =	vadd.s32 s22, v15;
	v16 =	vld [tilespmem:s31+$0xFFFFFFF0];
	v8 =	vadd.s32 s19, v6  }
0x6f3: {  	v12 =	vxor.u32 $0x7FFFFFFF, v11;
	vm3 =	vlt.s32 v17, $0x0;
	vm2 =	vgt.s32 v8, $0x6  }
0x6f4: {  	v18 =	vxor.u32 $0x7FFFFFFF, v17;
	v8 =	vmpcnt.ones.xlane vm2;
	vm2 =	vlt.s32 v11, $0x0  }
0x6f5: {  	v19 =	vxor.u32 $0x7FFFFFFF, v14;
	v18 =	vsel vm3, v18, v17;
	v12 =	vsel vm2, v12, v11  }
0x6f6: {  	v21 =	vxor.u32 $0x7FFFFFFF, v13;
	v17 =	vshra.s32 v18, $0x11;
	v11 =	vshra.s32 v12, $0x11  }
0x6f7: {  	vm2 =	vlt.s32 v16, $0x0;
	v22 =	vadd.s32 $0x4000, v11;
	v11 =	vxor.u32 $0x7FFFFFFF, v16  }
0x6f8: {  	v17 =	vadd.s32 $0x4000, v17;
	v8 =	vadd.s32 $0xFFFFFFFF, v8;
	v11 =	vsel vm2, v11, v16  }
0x6f9: {  	v23 =	vld [tilespmem:s31+$0x30];
	v7 =	vadd.s32 s21, v8;
	vm4 =	veq.s32 v22, v10;
	v16 =	vshra.s32 v11, $0x11  }
0x6fa: {  	vm2 =	veq.s32 v22, v7;
	v22 =	vld [tilespmem:s31+$0xFFFFFFE0];
	vm7 =	veq.s32 v17, v7;
	v16 =	vadd.s32 $0x4000, v16  }
0x6fb: {  	v24 =	vld [tilespmem:s31+$0x20];
	vm2 =	vmor vm4, vm2;
	vm3 =	veq.s32 v16, v10;
	vm5 =	veq.s32 v16, v7  }
0x6fc: {  	vm4 =	veq.s32 v17, v10;
	v16 =	vsel vm2, $0x1, v1;
	vm6 =	vmor vm3, vm5  }
0x6fd: {  	vm3 =	vlt.s32 v13, $0x0;
	vm5 =	vmor vm4, vm7;
	vm7 =	vlt.s32 v14, $0x0  }
0x6fe: {  	(xrf0) =	vadd.scan.msk.s32 $0xffff, v16;
	vm4 =	vlt.s32 v23, $0x0;
	v16 =	vsel vm6, $0x1, v1;
	v13 =	vsel vm3, v21, v13  }
0x6ff: {  	v17 =	vsel vm5, $0x1, v1;
	v21 =	vxor.u32 $0x7FFFFFFF, v23;
	v26 =	vxor.u32 $0x7FFFFFFF, v22  }
0x700: {  	vm3 =	vlt.s32 v24, $0x0;
	v29 =	vmpcnt.ones.xlane vm5;
	(xrf0) =	vadd.scan.msk.s32 $0xffff, v16;
	v16 =	vsel vm7, v19, v14  }
0x701: {  	v25 =	vshra.s32 v13, $0x11;
	v14 =	vxor.u32 $0x7FFFFFFF, v24;
	vm7 =	vlt.s32 v22, $0x0;
	(xrf0) =	vadd.scan.msk.s32 $0xffff, v17  }
0x702: {  	v19 =	vmpcnt.ones.xlane vm6;
	v17 =	vmpcnt.ones.xlane vm2;
	v27 =	vshra.s32 v16, $0x11  }
0x703: {  	v22 =	vsel vm7, v26, v22;
	v14 =	vsel vm3, v14, v24;
	v28 =	vadd.s32 $0x4000, v25  }
0x704: {  	v31 =	vadd.s32 v20, v29;
	v24 =	vshra.s32 v14, $0x11;
	v29 =	vshra.s32 v22, $0x11  }
0x705: {  	v27 =	vadd.s32 $0x4000, v27;
	v30 =	vadd.s32 $0x4000, v24;
	v24 =	vadd.s32 v31, v17;
	v26, _, _ =	vpop (xrf0)  }
0x706: {  	v17 =	vadd.s32 $0x4000, v29;
	vm3 =	veq.s32 v30, v7;
	vm7 =	veq.s32 v30, v10;
	v25, _, _ =	vpop (xrf0)  }
0x707: {  	vm9 =	veq.s32 v27, v7;
	vm8 =	veq.s32 v17, v10;
	vm3 =	vmor vm7, vm3;
	v29, _, _ =	vpop (xrf0)  }
0x708: {  	vm7 =	veq.s32 v17, v7;
	v17 =	vsel vm4, v21, v23;
	v20 =	vadd.s32 v29, v20  }
0x709: {  	v26 =	vadd.s32 v26, v31;
	vm10 =	vmor vm8, vm7;
	v20 =	vadd.s32 $0xFFFFFFFF, v20  }
0x70a: {  	vm7 =	veq.s32 v27, v10;
	v23 =	vmpcnt.ones.xlane vm10;
	v29 =	vnsel vm5, $0x0, v20  }
0x70b: {  	v21 =	vld.idx.msk [tilespmem:v7+s13+$0x0], $0xffff;
	v32 =	vshra.s32 v17, $0x11;
	vm4 =	vmor vm7, vm9;
	v27 =	vsel vm10, $0x1, v1  }
0x70c: {  	s20 =	simm.s32 $0x0;
	s21 =	simm.s32 $0x80C0;
	v31 =	vadd.s32 $0x4000, v32;
	v30 =	vsel vm4, $0x1, v1;
	(xrf0) =	vadd.scan.msk.s32 $0xffff, v27;
	v27 =	vadd.s32 v24, v23;
	v20 =	vld.idx.msk [tilespmem:v10+s13+$0x0], $0xffff  }
.LBB2_84:
0x70d: {  	vm9 =	veq.s32 v31, v10  }
0x70e: {  	v32 =	vld [tilespmem:s21+$0xFFFFFFD0];
	s20 =	sadd.s32 $0x8, s20;
	vm11 =	veq.s32 v31, v7;
	v23 =	vmovc v22;
	vm8 =	vmmov vm6;
	vm7 =	vmmov vm10  }
0x70f: {  	vm6 =	veq.s32 v28, v7;
	v22 =	vld [tilespmem:s21+$0x10];
	p0 =	slt.u32 s20, $0x7F8;
	[tilespmem:v29+s13+$0x0] =	vst.idx.msk vm5, v18;
	v18 =	vadd.s32 $0xFFFFFFFF, v26;
	vm5 =	veq.s32 v28, v10  }
0x710: {  	v28 =	vsel vm3, $0x1, v1;
	v26 =	vld [tilespmem:s21+$0x30];
	v18 =	vnsel vm2, $0x0, v18;
	vm10 =	vmor vm5, vm6  }
0x711: {  	vm9 =	vmor vm9, vm11;
	v29 =	vld [tilespmem:s21+$0x0];
	v31 =	vsel vm10, $0x1, v1;
	v33 =	vmpcnt.ones.xlane vm10  }
0x712: {  	v25 =	vadd.s32 v25, v27;
	v35 =	vmpcnt.ones.xlane vm3;
	v36 =	vsel vm9, $0x1, v1;
	v34 =	vld [tilespmem:s21+$0x20];
	v37, _, _ =	vpop (xrf0)  }
0x713: {  	v38 =	vxor.u32 $0x7FFFFFFF, v32;
	vm5 =	vlt.s32 v32, $0x0;
	v39 =	vld [tilespmem:s21+$0xFFFFFFE0];
	v37 =	vadd.s32 v37, v24  }
0x714: {  	v40 =	vadd.s32 $0xFFFFFFFF, v25;
	v24 =	vsel vm5, v38, v32;
	v32 =	vld [tilespmem:s21+$0xFFFFFFF0];
	v38 =	vxor.u32 $0x7FFFFFFF, v22  }
0x715: {  	v42 =	vmpcnt.ones.xlane vm9;
	vm5 =	vlt.s32 v22, $0x0;
	v25 =	vld [tilespmem:s21+$0xFFFFFFC0];
	v41 =	vshra.s32 v24, $0x11;
	(xrf0) =	vadd.scan.msk.s32 $0xffff, v31  }
0x716: {  	v43 =	vmpcnt.ones.xlane vm4;
	v31 =	vxor.u32 $0x7FFFFFFF, v29;
	vm6 =	vlt.s32 v29, $0x0;
	(xrf0) =	vadd.scan.msk.s32 $0xffff, v30  }
0x717: {  	vm11 =	vlt.s32 v26, $0x0;
	v30 =	vadd.s32 $0x4000, v41;
	v29 =	vsel vm6, v31, v29;
	[tilespmem:v18+s13+$0x0] =	vst.idx.msk vm2, v12;
	v12 =	vmovc v24  }
0x718: {  	vm2 =	veq.s32 v30, v10;
	vm6 =	veq.s32 v30, v7;
	v30 =	vxor.u32 $0x7FFFFFFF, v26  }
0x719: {  	v31 =	vsel vm5, v38, v22;
	vm2 =	vmor vm2, vm6;
	vm6 =	vlt.s32 v32, $0x0  }
0x71a: {  	v41 =	vadd.s32 v27, v19;
	v18 =	vxor.u32 $0x7FFFFFFF, v32;
	vm5 =	vlt.s32 v25, $0x0  }
0x71b: {  	v27 =	vadd.s32 v41, v33;
	v24 =	vmpcnt.ones.xlane vm2;
	v22 =	vxor.u32 $0x7FFFFFFF, v25;
	v33, _, _ =	vpop (xrf0)  }
0x71c: {  	v38 =	vshra.s32 v29, $0x11;
	v32 =	vsel vm6, v18, v32;
	v33 =	vadd.s32 v33, v41;
	v19, _, _ =	vpop (xrf0);
	(xrf0) =	vadd.scan.msk.s32 $0xffff, v36  }
0x71d: {  	v18 =	vsel vm5, v22, v25;
	v22 =	vshra.s32 v32, $0x11;
	v19 =	vadd.s32 v19, v27  }
0x71e: {  	v25 =	vshra.s32 v18, $0x11;
	v22 =	vadd.s32 $0x4000, v22;
	v36 =	vxor.u32 $0x7FFFFFFF, v34  }
0x71f: {  	v25 =	vadd.s32 $0x4000, v25;
	vm6 =	veq.s32 v22, v10;
	v41 =	vadd.s32 $0xFFFFFFFF, v19;
	(xrf0) =	vadd.scan.msk.s32 $0xffff, v28  }
0x720: {  	vm12 =	veq.s32 v22, v7;
	vm5 =	veq.s32 v25, v10;
	v28 =	vxor.u32 $0x7FFFFFFF, v39  }
0x721: {  	vm14 =	vlt.s32 v34, $0x0;
	vm13 =	veq.s32 v25, v7;
	v19 =	vsel vm2, $0x1, v1  }
0x722: {  	v44 =	vshra.s32 v31, $0x11;
	vm6 =	vmor vm6, vm12;
	vm5 =	vmor vm5, vm13;
	(xrf0) =	vadd.scan.msk.s32 $0xffff, v19;
	v25, _, _ =	vpop (xrf0)  }
0x723: {  	vm12 =	vlt.s32 v39, $0x0;
	v22 =	vsel vm6, $0x1, v1;
	v19 =	vmpcnt.ones.xlane vm6  }
0x724: {  	v41 =	vnsel vm4, $0x0, v41;
	v45 =	vsel vm5, $0x1, v1;
	v46 =	vmpcnt.ones.xlane vm5;
	(xrf0) =	vadd.scan.msk.s32 $0xffff, v22  }
0x725: {  	v34 =	vsel vm14, v36, v34;
	v27 =	vadd.s32 v27, v43;
	v22 =	vsel vm12, v28, v39;
	(xrf0) =	vadd.scan.msk.s32 $0xffff, v45;
	v36, _, _ =	vpop (xrf0)  }
0x726: {  	v33 =	vadd.s32 $0xFFFFFFFF, v33;
	v28 =	vadd.s32 $0x4000, v38;
	v36 =	vadd.s32 v36, v27  }
0x727: {  	v39 =	vshra.s32 v34, $0x11;
	v27 =	vadd.s32 v27, v35;
	v36 =	vadd.s32 $0xFFFFFFFF, v36  }
0x728: {  	v35 =	vadd.s32 $0x4000, v39;
	v39 =	vadd.s32 v27, v42;
	v38, _, _ =	vpop (xrf0);
	v36 =	vnsel vm3, $0x0, v36  }
0x729: {  	v33 =	vnsel vm10, $0x0, v33;
	v42 =	vadd.s32 v39, v46;
	[tilespmem:v41+s13+$0x0] =	vst.idx.msk vm4, v16;
	v16 =	vadd.s32 v25, v27  }
0x72a: {  	v24 =	vadd.s32 v42, v24;
	v27 =	vshra.s32 v22, $0x11;
	v25, _, _ =	vpop (xrf0);
	v45 =	vadd.s32 $0xFFFFFFFF, v16  }
0x72b: {  	vm4 =	veq.s32 v35, v7;
	v27 =	vadd.s32 $0x4000, v27;
	v41, _, _ =	vpop (xrf0);
	v43 =	vnsel vm9, $0x0, v45  }
0x72c: {  	vm13 =	veq.s32 v35, v10;
	v35 =	vnsel vm8, $0x0, v40;
	vm12 =	veq.s32 v27, v10;
	v16 =	vmovc v31  }
0x72d: {  	v37 =	vadd.s32 $0xFFFFFFFF, v37;
	v31 =	vadd.s32 v41, v39;
	[tilespmem:v36+s13+$0x0] =	vst.idx.msk vm3, v14;
	vm3 =	vmor vm13, vm4;
	v14 =	vmovc v34  }
0x72e: {  	v31 =	vadd.s32 $0xFFFFFFFF, v31;
	v34 =	vadd.s32 $0x4000, v44;
	v36 =	vnsel vm7, $0x0, v37;
	[tilespmem:v33+s13+$0x0] =	vst.idx.msk vm10, v13;
	v13 =	vmovc v29  }
.Ltmp61:
0x72f: {  	vm4 =	veq.s32 v27, v7;
	v29 =	vnsel vm5, $0x0, v31;
	vm13 =	veq.s32 v34, v7;
	(pc) =	sbr.rel @p0 .LBB2_84-.Ltmp61, $4  }
0x730: {  	vm10 =	vmor vm12, vm4;
	vm4 =	veq.s32 v34, v10;
	[tilespmem:v43+s13+$0x0] =	vst.idx.msk vm9, v17;
	v17 =	vsel vm11, v30, v26  }
0x731: {  	v27 =	vmpcnt.ones.xlane vm10;
	vm4 =	vmor vm4, vm13;
	v26 =	vsel vm10, $0x1, v1  }
0x732: {  	v30 =	vsel vm4, $0x1, v1;
	v31 =	vshra.s32 v17, $0x11;
	(xrf0) =	vadd.scan.msk.s32 $0xffff, v26;
	[tilespmem:v35+s13+$0x0] =	vst.idx.msk vm8, v11;
	v11 =	vmovc v32  }
0x733: {  	s21 =	sadd.s32 $0x80, s21;
	v27 =	vadd.s32 v24, v27;
	v26 =	vadd.s32 v38, v42;
	v31 =	vadd.s32 $0x4000, v31;
	[tilespmem:v36+s13+$0x0] =	vst.idx.msk vm7, v23  }
0x734: {  	vm7 =	veq.s32 v28, v10;
	vm8 =	veq.s32 v28, v7  }
0x735: {  	vm7 =	vmor vm7, vm8  }
0x736: {  	vm13 =	veq.s32 v31, v10;
	vm9 =	veq.s32 v31, v7;
	v23 =	vsel vm7, $0x1, v1  }
0x737: {  	vm8 =	vmor vm13, vm9;
	(xrf0) =	vadd.scan.msk.s32 $0xffff, v23  }
0x738: {  	v48 =	vsel vm8, $0x1, v1;
	(xrf0) =	vadd.scan.msk.s32 $0xffff, v30  }
0x739: {  	v49 =	vsel vm3, $0x1, v1;
	vm14 =	veq.s32 v15, v0;
	vm11 =	veq.s32 v10, v7;
	(xrf0) =	vadd.scan.msk.s32 $0xffff, v48  }
0x73a: {  	v50 =	vsel vm11, $0x0, v21;
	v9 =	vnsel vm14, $0x0, v9;
	(xrf0) =	vadd.scan.msk.s32 $0xffff, v49  }
0x73b: {  	(xrf0) =	vadd.scan.msk.s32 $0xffff, v9;
	v9 =	vnsel vm14, $0x0, v4;
	v4 =	vadd.s32 v20, v50  }
0x73c: {  	v51, _, _ =	vpop (xrf0);
	(xrf0) =	vadd.scan.msk.s32 $0xffff, v9;
	v9 =	vxor.u32 $0x80000000, v4;
	_ =	sdelay $0x1  }
0x73d: {  	v52, _, _ =	vpop (xrf0);
	(xrf0) =	vmax.scan.msk.u32 $0xffff, v9  }
0x73e: {  	v9, _, _ =	vpop (xrf0)  }
0x73f: {  	v23, _, _ =	vpop (xrf0)  }
0x740: {  	v28, _, _ =	vpop (xrf0)  }
0x741: {  	v53, _, _ =	vpop (xrf0)  }
0x742: {  	(v2sf) =	vpush v53, $0xF;
	v54, _, _ =	vpop (xrf0)  }
0x743: {  	(v2sf) =	vpush v54, $0xF;
	v55, _, _ =	vpop (xrf0)  }
0x744: {  	(v2sf) =	vpush v55, $0xF;
	_ =	sdelay $0x6  }
0x745: {  	v56 =	vmpcnt.ones.xlane vm7  }
0x746: {  	v26 =	vadd.s32 $0xFFFFFFFF, v26;
	v57 =	vmpcnt.ones.xlane vm4;
	v19 =	vadd.s32 v27, v19  }
0x747: {  	vm6 =	vmmov vm6;
	v25 =	vadd.s32 v25, v27;
	v30 =	vadd.s32 v19, v56  }
0x748: {  	v58 =	vmpcnt.ones.xlane vm3;
	v62 =	vadd.s32 $0xFFFFFFFF, v25;
	v9 =	vadd.s32 v9, v30  }
0x749: {  	v26 =	vnsel vm2, $0x0, v26;
	v63 =	vnsel vm6, $0x0, v62;
	v9 =	vadd.s32 $0xFFFFFFFF, v9  }
0x74a: {  	v19 =	vadd.s32 v52, v19;
	v30 =	vadd.s32 v30, v57;
	v9 =	vnsel vm4, $0x0, v9  }
0x74b: {  	v19 =	vadd.s32 $0xFFFFFFFF, v19;
	v60 =	vadd.s32 v30, v58;
	v59 =	vadd.s32 v28, v30;
	s0 =	spop (v2sf)  }
0x74c: {  	v19 =	vnsel vm7, $0x0, v19;
	v23 =	vadd.s32 v23, v60;
	v21 =	vadd.s32 $0xFFFFFFFF, v59;
	s1 =	spop (v2sf)  }
0x74d: {  	[tilespmem:v29+s13+$0x0] =	vst.idx.msk vm5, v18;
	v61 =	vadd.s32 v51, v24;
	v23 =	vadd.s32 $0xFFFFFFFF, v23;
	v21 =	vnsel vm3, $0x0, v21;
	s15 =	spop (v2sf)  }
0x74e: {  	vm15 =	vmmov vm10;
	[tilespmem:v26+s13+$0x0] =	vst.idx.msk vm2, v12;
	v18 =	vadd.s32 $0xFFFFFFFF, v61;
	v23 =	vnsel vm8, $0x0, v23;
	s15 =	sadd.s32 $0x8000000F, s15  }
0x74f: {  	[tilespmem:v9+s13+$0x0] =	vst.idx.msk vm4, v16;
	v9 =	vnsel vm15, $0x0, v18;
	s0 =	sadd.s32 s0, s18;
	s29 =	sand.u32 $0xF, s15;
	s30 =	sshra.s32 s15, $0x1F  }
.Ltmp62:
0x750: {  	[tilespmem:v63+s13+$0x0] =	vst.idx.msk vm6, v11;
	p1 =	slt.s32 s15, $0x1;
	p0 =	sne.s32 s29, $0x0;
	(pc) =	sbr.rel .LBB2_86-.Ltmp62, $4  }
0x751: {  	[tilespmem:v19+s13+$0x0] =	vst.idx.msk vm7, v13;
	s0 =	ssub.s32 s1, s0;
	s31 =	sshrl.u32 s30, $0x1C;
	p0 =	por !p1, !p0  }
0x752: {  	[tilespmem:v21+s13+$0x0] =	vst.idx.msk vm3, v14;
	s1 =	sadd.s32 s31, s15;
	s15 =	simm.s32 $0x1;
	p0 =	por !p0, !p0  }
0x753: {  	v10 =	vshll.u32 v10, $0x11;
	[tilespmem:v23+s13+$0x0] =	vst.idx.msk vm8, v17;
	s0 =	sadd.s32 $0x66D, s0;
	s1 =	sshra.s32 s1, $0x4;
	s15 =	simm.s32 @!p0 $0x0  }
0x754: {  	s20 =	simm.s32 $0x0;
	s21 =	simm.s32 $0x0;
	v10 =	vxor.u32 $0x80000000, v10;
	[tilespmem:v9+s13+$0x0] =	vst.idx.msk vm10, v22;
	v9 =	vimm.s32 $0x0;
	v11 =	vadd.s32 s0, v50;
	s18 =	ssub.s32 s1, s15  }
.LBB2_89:
0x755: {  	vm2 =	vmand vm3, vm2  }
0x756: {  	v13 =	vmpcnt.ones.xlane vm2;
	_ =	sdelay $0x1  }
0x757: {  	v13 =	vadd.s32 v14, v13  }
.LBB2_90:
0x758: {  	s21 =	sadd.s32 $0x1, s21  }
0x759: {  	p1 =	sne.s32 s21, $0x11  }
.Ltmp63:
0x75a: {  	_ = 	snop;
	(pc) =	sbr.rel @!p1 .LBB2_91-.Ltmp63, $3  }
0x75b: {  	_ =	sdelay $0x1  }
0x75c: {  	vm2 =	vlt.s32 v13, v11  }
0x75d: {  	v9 =	vsel vm2, v9, v12  }
.LBB2_86:
0x75e: {  	p0 =	slt.s32 s18, $0x1  }
.Ltmp64:
0x75f: {  	s0 =	ssub.s32 $0x10, s21;
	(pc) =	sbr.rel @p0 .LBB2_90-.Ltmp64, $3  }
0x760: {  	v12 =	vshll.u32 v2, s0  }
0x761: {  	v12 =	vbroadcast v12, $0x0;
	_ =	sdelay $0x1  }
0x762: {  	v13 =	vimm.s32 $0x0;
	v12 =	vor.u32 v9, v12  }
0x763: {  	s0 =	simm.s32 $0x10000  }
0x764: {  	p1 =	sne.s32 s18, $0x1;
	v14 =	vld [tilespmem:s0+$0x0]  }
.Ltmp65:
0x765: {  	_ = 	snop;
	(pc) =	sbr.rel @!p1 .LBB2_89-.Ltmp65, $3  }
0x766: {  	_ =	sdelay $0x1  }
0x767: {  	v13 =	vadd.s32 v10, v12;
	v15 =	vor.u32 s20, v0  }
0x768: {  	s22 =	sadd.s32 $0xFFFFFFFF, s18;
	s23 =	simm.s32 $0x10010;
	s24 =	simm.s32 $0x0;
	vm3 =	vlt.s32 v15, v4;
	vm2 =	vge.s32 v14, v13;
	v14 =	vimm.s32 $0x0  }
.LBB2_88:
0x769: {  	v15 =	vld [tilespmem:s23+$0x0];
	p1 =	sne.s32 s22, $0x1;
	s22 =	sadd.s32 $0xFFFFFFFF, s22;
	vm2 =	vmand vm3, vm2  }
.Ltmp66:
0x76a: {  	v16 =	vmpcnt.ones.xlane vm2;
	(pc) =	sbr.rel @p1 .LBB2_88-.Ltmp66, $4  }
0x76b: {  	_ = 	snop  }
0x76c: {  	s24 =	sadd.s32 $0x10, s24;
	v14 =	vadd.s32 v14, v16  }
0x76d: {  	v16 =	vor.u32 s24, v0  }
0x76e: {  	s23 =	sadd.s32 $0x10, s23;
	vm3 =	vlt.s32 v16, v4;
	vm2 =	vge.s32 v15, v13  }
.Ltmp67:
0x76f: {  	_ = 	snop;
	(pc) =	sbr.rel .LBB2_89-.Ltmp67, $1  }
0x770: {  	_ =	sdelay $0x3  }
.LBB2_91:
0x771: {  	vm2 =	veq.s32 v8, v0  }
0x772: {  	v6 =	vnsel vm2, $0x0, v6  }
0x773: {  	v5 =	vnsel vm2, $0x0, v5;
	(xrf0) =	vadd.scan.msk.s32 $0xffff, v6  }
0x774: {  	(xrf0) =	vadd.scan.msk.s32 $0xffff, v5;
	_ =	sdelay $0x4  }
0x775: {  	v5, _, _ =	vpop (xrf0)  }
0x776: {  	(v2sf) =	vpush v5, $0xF;
	v5, _, _ =	vpop (xrf0)  }
0x777: {  	(v2sf) =	vpush v5, $0xF;
	_ =	sdelay $0xd  }
.Ltmp68:
0x778: {  	s0 =	spop (v2sf);
	(pc) =	sbr.rel .LBB2_92-.Ltmp68, $4  }
0x779: {  	s1 =	spop (v2sf);
	s0 =	sadd.s32 s0, s19  }
0x77a: {  	s0 =	ssub.s32 s1, s0  }
0x77b: {  	v6 =	vshll.u32 v7, $0x11;
	s0 =	sadd.s32 $0x7, s0  }
0x77c: {  	s20 =	simm.s32 $0x0;
	v6 =	vxor.u32 $0x80000000, v6;
	v5 =	vimm.s32 $0x0;
	s19 =	simm.s32 $0x0;
	v7 =	vmov s0  }
.LBB2_95:
0x77d: {  	vm2 =	vmand vm3, vm2  }
0x77e: {  	v11 =	vmpcnt.ones.xlane vm2;
	_ =	sdelay $0x1  }
0x77f: {  	v11 =	vadd.s32 v12, v11  }
.LBB2_96:
0x780: {  	s20 =	sadd.s32 $0x1, s20  }
0x781: {  	p1 =	sne.s32 s20, $0x11  }
.Ltmp69:
0x782: {  	_ = 	snop;
	(pc) =	sbr.rel @!p1 .LBB2_97-.Ltmp69, $3  }
0x783: {  	_ =	sdelay $0x1  }
0x784: {  	vm2 =	vlt.s32 v11, v7  }
0x785: {  	v5 =	vsel vm2, v5, v8  }
.LBB2_92:
.Ltmp70:
0x786: {  	s0 =	ssub.s32 $0x10, s20;
	(pc) =	sbr.rel @p0 .LBB2_96-.Ltmp70, $3  }
0x787: {  	v8 =	vshll.u32 v2, s0  }
0x788: {  	v8 =	vbroadcast v8, $0x0;
	_ =	sdelay $0x1  }
0x789: {  	v11 =	vimm.s32 $0x0;
	v8 =	vor.u32 v5, v8  }
0x78a: {  	s0 =	simm.s32 $0x10000  }
0x78b: {  	p1 =	sne.s32 s18, $0x1;
	v12 =	vld [tilespmem:s0+$0x0]  }
.Ltmp71:
0x78c: {  	_ = 	snop;
	(pc) =	sbr.rel @!p1 .LBB2_95-.Ltmp71, $3  }
0x78d: {  	_ =	sdelay $0x1  }
0x78e: {  	v11 =	vadd.s32 v6, v8;
	v13 =	vor.u32 s19, v0  }
0x78f: {  	s21 =	sadd.s32 $0xFFFFFFFF, s18;
	s22 =	simm.s32 $0x10010;
	s23 =	simm.s32 $0x0;
	vm3 =	vlt.s32 v13, v4;
	vm2 =	vge.s32 v12, v11;
	v12 =	vimm.s32 $0x0  }
.LBB2_94:
0x790: {  	v13 =	vld [tilespmem:s22+$0x0];
	p1 =	sne.s32 s21, $0x1;
	s21 =	sadd.s32 $0xFFFFFFFF, s21;
	vm2 =	vmand vm3, vm2  }
.Ltmp72:
0x791: {  	v14 =	vmpcnt.ones.xlane vm2;
	(pc) =	sbr.rel @p1 .LBB2_94-.Ltmp72, $4  }
0x792: {  	_ = 	snop  }
0x793: {  	s23 =	sadd.s32 $0x10, s23;
	v12 =	vadd.s32 v12, v14  }
0x794: {  	v14 =	vor.u32 s23, v0  }
0x795: {  	s22 =	sadd.s32 $0x10, s22;
	vm3 =	vlt.s32 v14, v4;
	vm2 =	vge.s32 v13, v11  }
.Ltmp73:
0x796: {  	_ = 	snop;
	(pc) =	sbr.rel .LBB2_95-.Ltmp73, $1  }
0x797: {  	_ =	sdelay $0x3  }
.LBB2_98:
0x798: {  	_ =	sfence.sel $0x180000  }
0x799: {  	[bflag:$0x0] =	sbarrier.arrive $0xFFFF  }
0x79a: {  	_ =	strace $0x90000047  }
0x79b: {  	s0 =	stileid.u32;
	[bflag:$0x2] =	sbarrier.arrive $0xFFFF  }
0x79c: {  	p0 =	sne.s32 s0, $0x0;
	s0 =	rddreg [dreg:$0x2]  }
0x79d: {  	s0 =	sadd.s32 @!p0 $0x100000, s0  }
0x79e: {  	[sflag:s0] =	ssyncadd.tile.s32 @!p0 $0x1;
	_ =	shalt  }
.Lfunc_end2:
_tile_overlayer_lowered:
.L_overlay_start_2:
0x79f: {  	(tag) =	ssettag $0x2  }
0x7a0: {  	s0 =	rddreg [dreg:$0x0];
	s2 =	stileid.u32  }
0x7a1: {  	s1 =	rddreg [dreg:$0x1];
	p0 =	sne.s32 s2, $0x0  }
0x7a2: {  	s3 =	rddreg [dreg:$0x2];
	[bflag:$0x3] =	sbarrier.arrive $0xFFFF;
	s2 =	simm.s32 @!p0 $0x1C03  }
0x7a3: {  	[timem:s3], [sflag:s2] =	dma.local @!p0 [hbm:s0], s1  }
0x7a4: {  	s0 =	simm.s32 @!p0 $0x3  }
0x7a5: {  	_ =	swait.ge @!p0 [sflag:s0], s1  }
0x7a6: {  	s1 =	ssub.s32 @!p0 $0x0, s1;
	[sflag:s0] =	ssyncset.done @!p0 $0x0  }
0x7a7: {  	[sflag:s0] =	ssyncadd.s32 @!p0 s1  }
0x7a8: {  	[bflag:$0x3] =	sbarrier.arrive $0xFFFF  }
0x7a9: {  	_ =	shalt  }

</sc_bundles>
